<compile_context>
chip_gen: v7x
topology: tpu7x:2x2x1
jax: 0.10.2.dev20260603
libtpu: 0.0.44.dev20260713+nightly
codegen_flags: <defaults>
</compile_context>

<pallas_src>
import functools

import jax
import jax.numpy as jnp
from jax import lax
from jax.experimental import pallas as pl
from jax.experimental.pallas import tpu as pltpu
from jax.experimental.pallas import tpu_sc as plsc

N = 10000
E = 320000
D = 128
B = 16
L = 2048

NC = 2
NS = 16
NW = NC * NS
CH = 128
NCHUNK = 80
EPW = NCHUNK * CH
EPAD = NW * EPW
NPAD = 10240
PADN = NPAD - 8
RPT = NPAD // NS

TQ = B * L
QP = TQ // NW
QCH = 128
QNCH = QP // QCH

_mesh = functools.partial(
    plsc.VectorSubcoreMesh,
    core_axis_name="c", subcore_axis_name="s", num_cores=NC, num_subcores=NS)


ECORE = EPAD // NC
EPT = ECORE // NS


@functools.partial(
    pl.kernel,
    out_type=jax.ShapeDtypeStruct((NC, NPAD, D), jnp.float32),
    mesh=_mesh(),
    compiler_params=pltpu.CompilerParams(needs_layout_passes=False),
    scratch_types=[
        pltpu.VMEM((EPT,), jnp.int32),
        pltpu.VMEM((NPAD,), jnp.float32),
        pltpu.VMEM((RPT,), jnp.float32),
        pltpu.VMEM((RPT,), jnp.float32),
        pltpu.VMEM((RPT, D), jnp.float32),
        pltpu.VMEM_SHARED((NS, NPAD), jnp.float32),
    ],
)
def _deg_kernel(dstf_hbm, deg_out, dst_vm, acc, rsum, tmp, outbuf, part_sp):
    c = lax.axis_index("c")
    s = lax.axis_index("s")
    pltpu.sync_copy(dstf_hbm.at[c, pl.ds(s * EPT, EPT)], dst_vm)

    zeros16 = jnp.zeros((16,), jnp.float32)

    def zero(i, carry):
        acc[pl.ds(i * 16, 16)] = zeros16
        return carry

    lax.fori_loop(0, NPAD // 16, zero, 0)

    ones16 = jnp.ones((16,), jnp.float32)

    def hist(v, carry):
        idx = dst_vm[pl.ds(v * 16, 16)]
        plsc.addupdate_scatter(acc, [idx], ones16)
        return carry

    lax.fori_loop(0, EPT // 16, hist, 0)

    pltpu.sync_copy(acc, part_sp.at[s])
    plsc.subcore_barrier()

    base = s * RPT

    def red0(i, carry):
        rsum[pl.ds(i * 16, 16)] = zeros16
        return carry

    lax.fori_loop(0, RPT // 16, red0, 0)

    for r in range(NS):
        pltpu.sync_copy(part_sp.at[r, pl.ds(base, RPT)], tmp)

        def radd(i, carry):
            rsum[pl.ds(i * 16, 16)] = (rsum[pl.ds(i * 16, 16)]
                                       + tmp[pl.ds(i * 16, 16)])
            return carry

        lax.fori_loop(0, RPT // 16, radd, 0)

    def bcast(g, carry):
        vec = rsum[pl.ds(g * 16, 16)]
        for lane in range(16):
            splat = jnp.full((16,), vec[lane], jnp.float32)
            for k in range(D // 16):
                outbuf[g * 16 + lane, pl.ds(k * 16, 16)] = splat
        return carry

    lax.fori_loop(0, RPT // 16, bcast, 0)
    pltpu.sync_copy(outbuf, deg_out.at[c, pl.ds(base, RPT)])


ECH = 1024
ENCH = 160
PAIRS = 4


@functools.partial(
    pl.kernel,
    out_type=jax.ShapeDtypeStruct((NC, D * NPAD), jnp.float32),
    mesh=_mesh(),
    compiler_params=pltpu.CompilerParams(needs_layout_passes=False),
    scratch_types=[
        pltpu.VMEM((PAIRS * NPAD,), jnp.int32),
        pltpu.VMEM((2 * PAIRS * NPAD,), jnp.float32),
        pltpu.VMEM((ECH,), jnp.int32),
        pltpu.VMEM((ECH,), jnp.int32),
        pltpu.VMEM((ECH,), jnp.int32),
        pltpu.VMEM((ECH,), jnp.int32),
        pltpu.SemaphoreType.DMA,
        pltpu.SemaphoreType.DMA,
    ],
)
def _msg_kernel(ypack_hbm, srcf_hbm, dstf_hbm, st_out, ystrip, acc,
                src_a, dst_a, src_b, dst_b, sem_a, sem_b):
    c = lax.axis_index("c")
    s = lax.axis_index("s")
    pltpu.sync_copy(ypack_hbm.at[pl.ds(s * PAIRS * NPAD, PAIRS * NPAD)],
                    ystrip)

    zeros16 = jnp.zeros((16,), jnp.float32)

    def zero(i, carry):
        acc[pl.ds(i * 16, 16)] = zeros16
        return carry

    lax.fori_loop(0, 2 * PAIRS * NPAD // 16, zero, 0)

    srcs = (src_a, src_b)
    dsts = (dst_a, dst_b)
    sems = (sem_a, sem_b)
    hi_mask = jnp.int32(-65536)

    pltpu.async_copy(srcf_hbm.at[c, pl.ds(0, ECH)], src_a, sem_a)
    pltpu.async_copy(dstf_hbm.at[c, pl.ds(0, ECH)], dst_a, sem_a)
    pltpu.async_copy(srcf_hbm.at[c, pl.ds(ECH, ECH)], src_b, sem_b)
    pltpu.async_copy(dstf_hbm.at[c, pl.ds(ECH, ECH)], dst_b, sem_b)

    def chunk_body(g, carry):
        for k in range(2):
            ch = g * 2 + k
            src_vm, dst_vm, sem = srcs[k], dsts[k], sems[k]
            off = ch * ECH
            pltpu.make_async_copy(srcf_hbm.at[c, pl.ds(off, ECH)], src_vm,
                                  sem).wait()
            pltpu.make_async_copy(dstf_hbm.at[c, pl.ds(off, ECH)], dst_vm,
                                  sem).wait()

            def edge_body(g2, carry2):
                for u in range(4):
                    v = g2 * 4 + u
                    sv = src_vm[pl.ds(v * 16, 16)]
                    dv = dst_vm[pl.ds(v * 16, 16)]
                    for pr in range(PAIRS):
                        pairs = plsc.load_gather(ystrip, [sv + pr * NPAD])
                        ev = plsc.bitcast(jnp.left_shift(pairs, 16),
                                          jnp.float32)
                        ov = plsc.bitcast(jnp.bitwise_and(pairs, hi_mask),
                                          jnp.float32)
                        plsc.addupdate_scatter(acc, [dv + (2 * pr) * NPAD],
                                               ev)
                        plsc.addupdate_scatter(acc,
                                               [dv + (2 * pr + 1) * NPAD],
                                               ov)
                return carry2

            lax.fori_loop(0, ECH // 64, edge_body, 0)

            @pl.when(ch + 2 < ENCH)
            def _():
                noff = (ch + 2) * ECH
                pltpu.async_copy(srcf_hbm.at[c, pl.ds(noff, ECH)], src_vm,
                                 sem)
                pltpu.async_copy(dstf_hbm.at[c, pl.ds(noff, ECH)], dst_vm,
                                 sem)
        return carry

    lax.fori_loop(0, ENCH // 2, chunk_body, 0)
    pltpu.sync_copy(acc,
                    st_out.at[c, pl.ds(s * 2 * PAIRS * NPAD,
                                       2 * PAIRS * NPAD)])


@functools.partial(
    pl.kernel,
    out_type=jax.ShapeDtypeStruct((TQ, D), jnp.float32),
    mesh=_mesh(),
    scratch_types=[
        pltpu.VMEM((QNCH, QCH), jnp.int32),
        pltpu.VMEM((QCH, D), jnp.float32),
        pltpu.VMEM((QCH, D), jnp.float32),
        pltpu.SemaphoreType.DMA,
        pltpu.SemaphoreType.DMA,
        pltpu.SemaphoreType.DMA,
        pltpu.SemaphoreType.DMA,
        pltpu.VMEM_SHARED((NPAD, D), jnp.float32),
    ],
)
def _traj_kernel(road_hbm, idx_hbm, out_hbm, idx_vm, buf_a, buf_b,
                 gsem_a, gsem_b, osem_a, osem_b, road_sp):
    c = lax.axis_index("c")
    s = lax.axis_index("s")
    wid = s * NC + c
    pltpu.sync_copy(idx_hbm.at[wid], idx_vm)
    base = s * RPT
    pltpu.sync_copy(road_hbm.at[pl.ds(base, RPT)], road_sp.at[pl.ds(base, RPT)])
    plsc.subcore_barrier()
    obase = wid * QP

    bufs = (buf_a, buf_b)
    gsems = (gsem_a, gsem_b)
    osems = (osem_a, osem_b)
    pltpu.async_copy(road_sp.at[idx_vm.at[0]], buf_a, gsem_a)
    pltpu.async_copy(road_sp.at[idx_vm.at[1]], buf_b, gsem_b)

    def body(g, carry):
        for k in range(2):
            j = g * 2 + k
            buf, gsem, osem = bufs[k], gsems[k], osems[k]
            dst = out_hbm.at[pl.ds(obase + j * QCH, QCH)]
            pltpu.make_async_copy(road_sp.at[idx_vm.at[j]], buf, gsem).wait()
            pltpu.async_copy(buf, dst, osem)

            @pl.when(j + 2 < QNCH)
            def _():
                pltpu.make_async_copy(buf, dst, osem).wait()
                pltpu.async_copy(road_sp.at[idx_vm.at[j + 2]], buf, gsem)
        return carry

    lax.fori_loop(0, QNCH // 2, body, 0)
    pltpu.make_async_copy(
        buf_a, out_hbm.at[pl.ds(obase + (QNCH - 2) * QCH, QCH)], osem_a).wait()
    pltpu.make_async_copy(
        buf_b, out_hbm.at[pl.ds(obase + (QNCH - 1) * QCH, QCH)], osem_b).wait()


_TC1_BLK = 2048


def _tc1_body(nf_ref, w_ref, dg_ref, y_ref, yp_ref):
    x = jnp.dot(nf_ref[...], w_ref[...], preferred_element_type=jnp.float32)
    deg = dg_ref[0, :, 0:1] + dg_ref[1, :, 0:1] + 1.0
    y = x * lax.rsqrt(deg)
    y_ref[...] = y
    rows = lax.broadcasted_iota(jnp.int32, (D // 2, D), 0)
    cols = lax.broadcasted_iota(jnp.int32, (D // 2, D), 1)
    q_even = (cols == 2 * rows).astype(jnp.float32)
    q_odd = (cols == 2 * rows + 1).astype(jnp.float32)
    dn = (((1,), (1,)), ((), ()))
    ye = lax.dot_general(q_even, y, dn, preferred_element_type=jnp.float32)
    yo = lax.dot_general(q_odd, y, dn, preferred_element_type=jnp.float32)
    be = lax.shift_right_logical(lax.bitcast_convert_type(ye, jnp.int32), 16)
    bo = jnp.bitwise_and(lax.bitcast_convert_type(yo, jnp.int32),
                         jnp.int32(-65536))
    yp_ref[...] = jnp.bitwise_or(be, bo)


def _tc1(node_feat, w, deg2):
    return pl.pallas_call(
        _tc1_body,
        grid=(NPAD // _TC1_BLK,),
        in_specs=[
            pl.BlockSpec((_TC1_BLK, D), lambda i: (i, 0)),
            pl.BlockSpec((D, D), lambda i: (0, 0)),
            pl.BlockSpec((NC, _TC1_BLK, D), lambda i: (0, i, 0)),
        ],
        out_specs=[
            pl.BlockSpec((_TC1_BLK, D), lambda i: (i, 0)),
            pl.BlockSpec((D // 2, _TC1_BLK), lambda i: (0, i)),
        ],
        out_shape=[
            jax.ShapeDtypeStruct((NPAD, D), jnp.float32),
            jax.ShapeDtypeStruct((D // 2, NPAD), jnp.int32),
        ],
    )(node_feat, w, deg2)


_TC2_BLK = 512


def _tc2_body(s_ref, dg_ref, y_ref, b_ref, traj_ref, sl_ref, road_ref,
              idxm_ref):
    i = pl.program_id(0)
    deg = dg_ref[0, :, 0:1] + dg_ref[1, :, 0:1] + 1.0
    dinv = lax.rsqrt(deg)
    st = s_ref[0] + s_ref[1]
    rows = lax.broadcasted_iota(jnp.int32, (D, D), 0)
    cols = lax.broadcasted_iota(jnp.int32, (D, D), 1)
    eye = (rows == cols).astype(jnp.float32)
    dn = (((0,), (0,)), ((), ()))
    s_blk = lax.dot_general(st, eye, dn,
                            preferred_element_type=jnp.float32)
    acc = s_blk + y_ref[...]
    val = jnp.maximum(dinv * acc + b_ref[...], 0.0)
    row = i * _TC2_BLK + lax.broadcasted_iota(jnp.int32, (_TC2_BLK, 1), 0)
    road_ref[...] = jnp.where(row < N, val, 0.0)
    pos = lax.broadcasted_iota(jnp.int32, (B, L), 1)
    idxm_ref[...] = jnp.where(pos < sl_ref[...], traj_ref[...], N)


def _tc2(s2, deg2, y, b, traj, seq_len):
    return pl.pallas_call(
        _tc2_body,
        grid=(NPAD // _TC2_BLK,),
        in_specs=[
            pl.BlockSpec((NC, D, _TC2_BLK), lambda i: (0, 0, i)),
            pl.BlockSpec((NC, _TC2_BLK, D), lambda i: (0, i, 0)),
            pl.BlockSpec((_TC2_BLK, D), lambda i: (i, 0)),
            pl.BlockSpec((1, D), lambda i: (0, 0)),
            pl.BlockSpec((B, L), lambda i: (0, 0)),
            pl.BlockSpec((B, 1), lambda i: (0, 0)),
        ],
        out_specs=[
            pl.BlockSpec((_TC2_BLK, D), lambda i: (i, 0)),
            pl.BlockSpec((B, L), lambda i: (0, 0)),
        ],
        out_shape=[
            jax.ShapeDtypeStruct((NPAD, D), jnp.float32),
            jax.ShapeDtypeStruct((B, L), jnp.int32),
        ],
    )(s2, deg2, y, b.reshape(1, D), traj, seq_len.reshape(B, 1))


def _pad_edges(idx):
    pad = jnp.full((EPAD - E,), PADN, dtype=jnp.int32)
    return jnp.concatenate([idx.astype(jnp.int32), pad]).reshape(NC, ECORE)


def kernel(traj_seqs, seq_len, node_feat, edge_index, W, b):
    srcf = _pad_edges(edge_index[0])
    dstf = _pad_edges(edge_index[1])

    deg2 = _deg_kernel(dstf)
    y, ypack = _tc1(node_feat, W, deg2)
    st = _msg_kernel(ypack.reshape(-1), srcf, dstf)
    s2 = st.reshape(NC, D, NPAD)
    road, idxm = _tc2(s2, deg2, y, b, traj_seqs[..., 0], seq_len)
    out = _traj_kernel(road, idxm.reshape(NW, QNCH, QCH))
    return out.reshape(B, L, D)

# --- scband reference (transcript-rebuilt; emitter-appended) ---
"""Pipeline reference for scband-location-embedding-44882408243821 (READ-ONLY COPY).

The authoritative reference and input builder live on the scoring server;
editing this copy changes nothing except your own understanding.
"""

import jax, jax.numpy as jnp
import numpy as np

N_NODES = 10000
N_EDGES = 320000
D_IN = 128
D_H = 128
B = 16
L = 2048


def setup_inputs(seed: int = 0) -> dict:
    key = jax.random.key(seed)
    k1, k2, k3, k4, k5 = jax.random.split(key, 5)
    traj_seqs = jax.random.randint(k1, (B, L, 1), 0, N_NODES)
    seq_len = jax.random.randint(k2, (B,), 1, L + 1)
    node_feat = jax.random.normal(k3, (N_NODES, D_IN), dtype=jnp.float32)
    edge_index = jax.random.randint(k4, (2, N_EDGES), 0, N_NODES)
    # GCNConv learned params (lin.weight applied as x @ W, plus bias)
    W = jax.random.normal(k5, (D_IN, D_H), dtype=jnp.float32) * 0.05
    b = jnp.zeros((D_H,), dtype=jnp.float32)
    return {
        "traj_seqs": traj_seqs,
        "seq_len": seq_len,
        "node_feat": node_feat,
        "edge_index": edge_index,
        "W": W,
        "b": b,
    }


def _gcn_conv(node_feat, edge_index, W, b):
    # PyG GCNConv: x' = D^{-1/2} (A + I) D^{-1/2} (X W) + b, edge_weight=None -> 1
    x = node_feat @ W
    loop = jnp.arange(N_NODES)
    src = jnp.concatenate([edge_index[0], loop])
    dst = jnp.concatenate([edge_index[1], loop])
    ew = jnp.ones((src.shape[0],), dtype=x.dtype)
    deg = jnp.zeros((N_NODES,), dtype=x.dtype).at[dst].add(ew)
    dinv = jnp.where(deg > 0, jax.lax.rsqrt(jnp.maximum(deg, 1e-12)), 0.0)
    norm = dinv[src] * dinv[dst] * ew
    msg = x[src] * norm[:, None]
    out = jnp.zeros((N_NODES, D_H), dtype=x.dtype).at[dst].add(msg)
    return out + b


def reference(traj_seqs, seq_len, node_feat, edge_index, W, b):
    road_embed = _gcn_conv(node_feat, edge_index, W, b)
    road_embed = jax.nn.relu(road_embed)  # dropout is identity in eval mode
    idx = traj_seqs[..., 0]  # [B, L]
    emb = jnp.take(road_embed, idx, axis=0)  # gather -> [B, L, D_H]
    mask = (jnp.arange(L)[None, :] < seq_len[:, None])[..., None]
    spatial_embeds = jnp.where(mask, emb, jnp.zeros((), dtype=emb.dtype))
    return spatial_embeds

if __name__ == "__main__":
    import jax
    _d = setup_inputs()
    print(jax.jit(kernel)(*tuple(_d.values())))

</pallas_src>

<mosaic_0001>
#map = affine_map<(d0, d1) -> (0, 0)>
#map1 = affine_map<(d0, d1) -> (0, 0, 0)>
module attributes {stable_mosaic.version = 14 : i64} {
  func.func @_deg_kernel(%arg0: i32, %arg1: i32, %arg2: memref<2x163840xi32, #tpu.memory_space<hbm>>, %arg3: memref<2x10240x128xf32, #tpu.memory_space<hbm>>, %arg4: memref<10240xi32, #tpu.memory_space<vmem>>, %arg5: memref<10240xf32, #tpu.memory_space<vmem>>, %arg6: memref<640xf32, #tpu.memory_space<vmem>>, %arg7: memref<640xf32, #tpu.memory_space<vmem>>, %arg8: memref<640x128xf32, #tpu.memory_space<vmem>>, %arg9: memref<16x10240xf32, #tpu.memory_space<vmem_shared>>) attributes {dimension_semantics = [#tpu.dimension_semantics<core_parallel>, #tpu.dimension_semantics<subcore_parallel>], iteration_bounds = array<i64: 2, 16>, scalar_prefetch = 0 : i64, scratch_operands = 6 : i64, tpu.core_type = #tpu.core_type<sc_vector_subcore>, window_params = [{transform_indices = #map}, {transform_indices = #map1}]} {
    %mul3A = arith.constant 10240 : i32
    %mul3A_0 = arith.muli %arg1, %mul3A : i32
    "tpu.region"() ({
      %run_scoped3A_140 = tpu.sem_alloc : memref<!tpu.dma_semaphore, #tpu.memory_space<semaphore_mem>>
      %dma_start3A = tpu.memref_slice %arg2[%arg0, %mul3A_0] : memref<2x163840xi32, #tpu.memory_space<hbm>> -> memref<1x10240xi32, #tpu.memory_space<hbm>>
      %dma_start3A_141 = tpu.memref_squeeze %dma_start3A : memref<1x10240xi32, #tpu.memory_space<hbm>> -> memref<10240xi32, #tpu.memory_space<hbm>>
      %dma_start3A_142 = tpu.memref_slice %arg2[%arg0, %mul3A_0] : memref<2x163840xi32, #tpu.memory_space<hbm>> -> memref<1x10240xi32, #tpu.memory_space<hbm>>
      %dma_start3A_143 = tpu.memref_squeeze %dma_start3A_142 : memref<1x10240xi32, #tpu.memory_space<hbm>> -> memref<10240xi32, #tpu.memory_space<hbm>>
      tpu.enqueue_dma source(%dma_start3A_143 : memref<10240xi32, #tpu.memory_space<hbm>>) target(%arg4 : memref<10240xi32, #tpu.memory_space<vmem>>) target_semaphore(%run_scoped3A_140 : memref<!tpu.dma_semaphore, #tpu.memory_space<semaphore_mem>>)
      %dma_wait3A = tpu.memref_slice %arg2[%arg0, %mul3A_0] : memref<2x163840xi32, #tpu.memory_space<hbm>> -> memref<1x10240xi32, #tpu.memory_space<hbm>>
      %dma_wait3A_144 = tpu.memref_squeeze %dma_wait3A : memref<1x10240xi32, #tpu.memory_space<hbm>> -> memref<10240xi32, #tpu.memory_space<hbm>>
      %dma_wait3A_145 = tpu.memref_slice %arg2[%arg0, %mul3A_0] : memref<2x163840xi32, #tpu.memory_space<hbm>> -> memref<1x10240xi32, #tpu.memory_space<hbm>>
      %dma_wait3A_146 = tpu.memref_squeeze %dma_wait3A_145 : memref<1x10240xi32, #tpu.memory_space<hbm>> -> memref<10240xi32, #tpu.memory_space<hbm>>
      tpu.wait_dma2 semaphore(%run_scoped3A_140 : memref<!tpu.dma_semaphore, #tpu.memory_space<semaphore_mem>>) src(%dma_wait3A_146 : memref<10240xi32, #tpu.memory_space<hbm>>) dst(%arg4 : memref<10240xi32, #tpu.memory_space<vmem>>)
      tpu.yield
    }) : () -> ()
    %broadcast_in_dim3A = arith.constant 0.000000e+00 : f32
    %broadcast_in_dim3A_1 = vector.broadcast %broadcast_in_dim3A : f32 to vector<16xf32>
    %scan3A = arith.constant 0 : i32
    %scan3A_2 = arith.constant 0 : i32
    %scan3A_3 = arith.constant 640 : i32
    %scan3A_4 = arith.addi %scan3A_2, %scan3A_3 : i32
    %scan3A_5 = arith.constant 1 : i32
    scf.for %scan3A_140 = %scan3A_2 to %scan3A_4 step %scan3A_5  : i32 {
      %mul3A_141 = arith.constant 16 : i32
      %mul3A_142 = arith.muli %scan3A_140, %mul3A_141 : i32
      %swap3A = arith.index_cast %mul3A_142 : i32 to index
      %swap3A_143 = tpu.vector_load %arg5[%swap3A] {strides = array<i32>} : memref<10240xf32, #tpu.memory_space<vmem>>, vector<16xf32>,
      tpu.vector_store %arg5[%swap3A], %broadcast_in_dim3A_1 {strides = array<i32>} : memref<10240xf32, #tpu.memory_space<vmem>>, vector<16xf32>,
    }
    %scan3A_6 = arith.constant 640 : i32
    %broadcast_in_dim3A_7 = arith.constant 1.000000e+00 : f32
    %broadcast_in_dim3A_8 = vector.broadcast %broadcast_in_dim3A_7 : f32 to vector<16xf32>
    %scan3A_9 = arith.constant 0 : i32
    %scan3A_10 = arith.constant 0 : i32
    %scan3A_11 = arith.constant 640 : i32
    %scan3A_12 = arith.addi %scan3A_10, %scan3A_11 : i32
    %scan3A_13 = arith.constant 1 : i32
    scf.for %scan3A_140 = %scan3A_10 to %scan3A_12 step %scan3A_13  : i32 {
      %mul3A_141 = arith.constant 16 : i32
      %mul3A_142 = arith.muli %scan3A_140, %mul3A_141 : i32
      %get3A = arith.index_cast %mul3A_142 : i32 to index
      %get3A_143 = tpu.vector_load %arg4[%get3A] {strides = array<i32>} : memref<10240xi32, #tpu.memory_space<vmem>>, vector<16xi32>,
      tpu.vector_store_idx %arg5[%get3A_143], %broadcast_in_dim3A_8 {add = true} : memref<10240xf32, #tpu.memory_space<vmem>>[vector<16xi32>], vector<16xf32>,
    }
    %scan3A_14 = arith.constant 640 : i32
    "tpu.region"() ({
      %run_scoped3A_140 = tpu.sem_alloc : memref<!tpu.dma_semaphore, #tpu.memory_space<semaphore_mem>>
      %dma_start3A = arith.constant 0 : i32
      %dma_start3A_141 = tpu.memref_slice %arg9[%arg1, %dma_start3A] : memref<16x10240xf32, #tpu.memory_space<vmem_shared>> -> memref<1x10240xf32, #tpu.memory_space<vmem_shared>>
      %dma_start3A_142 = tpu.memref_squeeze %dma_start3A_141 : memref<1x10240xf32, #tpu.memory_space<vmem_shared>> -> memref<10240xf32, #tpu.memory_space<vmem_shared>>
      %dma_start3A_143 = arith.constant 0 : i32
      %dma_start3A_144 = tpu.memref_slice %arg9[%arg1, %dma_start3A_143] : memref<16x10240xf32, #tpu.memory_space<vmem_shared>> -> memref<1x10240xf32, #tpu.memory_space<vmem_shared>>
      %dma_start3A_145 = tpu.memref_squeeze %dma_start3A_144 : memref<1x10240xf32, #tpu.memory_space<vmem_shared>> -> memref<10240xf32, #tpu.memory_space<vmem_shared>>
      tpu.enqueue_dma source(%arg5 : memref<10240xf32, #tpu.memory_space<vmem>>) target(%dma_start3A_145 : memref<10240xf32, #tpu.memory_space<vmem_shared>>) target_semaphore(%run_scoped3A_140 : memref<!tpu.dma_semaphore, #tpu.memory_space<semaphore_mem>>)
      %dma_wait3A = arith.constant 0 : i32
      %dma_wait3A_146 = tpu.memref_slice %arg9[%arg1, %dma_wait3A] : memref<16x10240xf32, #tpu.memory_space<vmem_shared>> -> memref<1x10240xf32, #tpu.memory_space<vmem_shared>>
      %dma_wait3A_147 = tpu.memref_squeeze %dma_wait3A_146 : memref<1x10240xf32, #tpu.memory_space<vmem_shared>> -> memref<10240xf32, #tpu.memory_space<vmem_shared>>
      %dma_wait3A_148 = arith.constant 0 : i32
      %dma_wait3A_149 = tpu.memref_slice %arg9[%arg1, %dma_wait3A_148] : memref<16x10240xf32, #tpu.memory_space<vmem_shared>> -> memref<1x10240xf32, #tpu.memory_space<vmem_shared>>
      %dma_wait3A_150 = tpu.memref_squeeze %dma_wait3A_149 : memref<1x10240xf32, #tpu.memory_space<vmem_shared>> -> memref<10240xf32, #tpu.memory_space<vmem_shared>>
      tpu.wait_dma2 semaphore(%run_scoped3A_140 : memref<!tpu.dma_semaphore, #tpu.memory_space<semaphore_mem>>) src(%arg5 : memref<10240xf32, #tpu.memory_space<vmem>>) dst(%dma_wait3A_150 : memref<10240xf32, #tpu.memory_space<vmem_shared>>)
      tpu.yield
    }) : () -> ()
    %barrier3A = arith.constant 0 : index
    tpu.barrier barrier_id(%barrier3A)
    %mul3A_15 = arith.constant 640 : i32
    %mul3A_16 = arith.muli %arg1, %mul3A_15 : i32
    %scan3A_17 = arith.constant 0 : i32
    %scan3A_18 = arith.constant 0 : i32
    %scan3A_19 = arith.constant 40 : i32
    %scan3A_20 = arith.addi %scan3A_18, %scan3A_19 : i32
    %scan3A_21 = arith.constant 1 : i32
    scf.for %scan3A_140 = %scan3A_18 to %scan3A_20 step %scan3A_21  : i32 {
      %mul3A_141 = arith.constant 16 : i32
      %mul3A_142 = arith.muli %scan3A_140, %mul3A_141 : i32
      %swap3A = arith.index_cast %mul3A_142 : i32 to index
      %swap3A_143 = tpu.vector_load %arg6[%swap3A] {strides = array<i32>} : memref<640xf32, #tpu.memory_space<vmem>>, vector<16xf32>,
      tpu.vector_store %arg6[%swap3A], %broadcast_in_dim3A_1 {strides = array<i32>} : memref<640xf32, #tpu.memory_space<vmem>>, vector<16xf32>,
    }
    %scan3A_22 = arith.constant 40 : i32
    %run_scoped3A = arith.constant 0 : i32
    "tpu.region"() ({
      %run_scoped3A_140 = tpu.sem_alloc : memref<!tpu.dma_semaphore, #tpu.memory_space<semaphore_mem>>
      %dma_start3A = tpu.memref_slice %arg9[%run_scoped3A, %mul3A_16] : memref<16x10240xf32, #tpu.memory_space<vmem_shared>> -> memref<1x640xf32, #tpu.memory_space<vmem_shared>>
      %dma_start3A_141 = tpu.memref_squeeze %dma_start3A : memref<1x640xf32, #tpu.memory_space<vmem_shared>> -> memref<640xf32, #tpu.memory_space<vmem_shared>>
      %dma_start3A_142 = tpu.memref_slice %arg9[%run_scoped3A, %mul3A_16] : memref<16x10240xf32, #tpu.memory_space<vmem_shared>> -> memref<1x640xf32, #tpu.memory_space<vmem_shared>>
      %dma_start3A_143 = tpu.memref_squeeze %dma_start3A_142 : memref<1x640xf32, #tpu.memory_space<vmem_shared>> -> memref<640xf32, #tpu.memory_space<vmem_shared>>
      tpu.enqueue_dma source(%dma_start3A_143 : memref<640xf32, #tpu.memory_space<vmem_shared>>) target(%arg7 : memref<640xf32, #tpu.memory_space<vmem>>) target_semaphore(%run_scoped3A_140 : memref<!tpu.dma_semaphore, #tpu.memory_space<semaphore_mem>>)
      %dma_wait3A = tpu.memref_slice %arg9[%run_scoped3A, %mul3A_16] : memref<16x10240xf32, #tpu.memory_space<vmem_shared>> -> memref<1x640xf32, #tpu.memory_space<vmem_shared>>
      %dma_wait3A_144 = tpu.memref_squeeze %dma_wait3A : memref<1x640xf32, #tpu.memory_space<vmem_shared>> -> memref<640xf32, #tpu.memory_space<vmem_shared>>
      %dma_wait3A_145 = tpu.memref_slice %arg9[%run_scoped3A, %mul3A_16] : memref<16x10240xf32, #tpu.memory_space<vmem_shared>> -> memref<1x640xf32, #tpu.memory_space<vmem_shared>>
      %dma_wait3A_146 = tpu.memref_squeeze %dma_wait3A_145 : memref<1x640xf32, #tpu.memory_space<vmem_shared>> -> memref<640xf32, #tpu.memory_space<vmem_shared>>
      tpu.wait_dma2 semaphore(%run_scoped3A_140 : memref<!tpu.dma_semaphore, #tpu.memory_space<semaphore_mem>>) src(%dma_wait3A_146 : memref<640xf32, #tpu.memory_space<vmem_shared>>) dst(%arg7 : memref<640xf32, #tpu.memory_space<vmem>>)
      tpu.yield
    }) : () -> ()
    %scan3A_23 = arith.constant 0 : i32
    %scan3A_24 = arith.constant 0 : i32
    %scan3A_25 = arith.constant 40 : i32
    %scan3A_26 = arith.addi %scan3A_24, %scan3A_25 : i32
    %scan3A_27 = arith.constant 1 : i32
    scf.for %scan3A_140 = %scan3A_24 to %scan3A_26 step %scan3A_27  : i32 {
      %mul3A_141 = arith.constant 16 : i32
      %mul3A_142 = arith.muli %scan3A_140, %mul3A_141 : i32
      %get3A = arith.index_cast %mul3A_142 : i32 to index
      %get3A_143 = tpu.vector_load %arg6[%get3A] {strides = array<i32>} : memref<640xf32, #tpu.memory_space<vmem>>, vector<16xf32>,
      %mul3A_144 = arith.constant 16 : i32
      %mul3A_145 = arith.muli %scan3A_140, %mul3A_144 : i32
      %get3A_146 = arith.index_cast %mul3A_145 : i32 to index
      %get3A_147 = tpu.vector_load %arg7[%get3A_146] {strides = array<i32>} : memref<640xf32, #tpu.memory_space<vmem>>, vector<16xf32>,
      %add3A = arith.addf %get3A_143, %get3A_147 : vector<16xf32>
      %mul3A_148 = arith.constant 16 : i32
      %mul3A_149 = arith.muli %scan3A_140, %mul3A_148 : i32
      %swap3A = arith.index_cast %mul3A_149 : i32 to index
      %swap3A_150 = tpu.vector_load %arg6[%swap3A] {strides = array<i32>} : memref<640xf32, #tpu.memory_space<vmem>>, vector<16xf32>,
      tpu.vector_store %arg6[%swap3A], %add3A {strides = array<i32>} : memref<640xf32, #tpu.memory_space<vmem>>, vector<16xf32>,
    }
    %scan3A_28 = arith.constant 40 : i32
    %run_scoped3A_29 = arith.constant 1 : i32
    "tpu.region"() ({
      %run_scoped3A_140 = tpu.sem_alloc : memref<!tpu.dma_semaphore, #tpu.memory_space<semaphore_mem>>
      %dma_start3A = tpu.memref_slice %arg9[%run_scoped3A_29, %mul3A_16] : memref<16x10240xf32, #tpu.memory_space<vmem_shared>> -> memref<1x640xf32, #tpu.memory_space<vmem_shared>>
      %dma_start3A_141 = tpu.memref_squeeze %dma_start3A : memref<1x640xf32, #tpu.memory_space<vmem_shared>> -> memref<640xf32, #tpu.memory_space<vmem_shared>>
      %dma_start3A_142 = tpu.memref_slice %arg9[%run_scoped3A_29, %mul3A_16] : memref<16x10240xf32, #tpu.memory_space<vmem_shared>> -> memref<1x640xf32, #tpu.memory_space<vmem_shared>>
      %dma_start3A_143 = tpu.memref_squeeze %dma_start3A_142 : memref<1x640xf32, #tpu.memory_space<vmem_shared>> -> memref<640xf32, #tpu.memory_space<vmem_shared>>
      tpu.enqueue_dma source(%dma_start3A_143 : memref<640xf32, #tpu.memory_space<vmem_shared>>) target(%arg7 : memref<640xf32, #tpu.memory_space<vmem>>) target_semaphore(%run_scoped3A_140 : memref<!tpu.dma_semaphore, #tpu.memory_space<semaphore_mem>>)
      %dma_wait3A = tpu.memref_slice %arg9[%run_scoped3A_29, %mul3A_16] : memref<16x10240xf32, #tpu.memory_space<vmem_shared>> -> memref<1x640xf32, #tpu.memory_space<vmem_shared>>
      %dma_wait3A_144 = tpu.memref_squeeze %dma_wait3A : memref<1x640xf32, #tpu.memory_space<vmem_shared>> -> memref<640xf32, #tpu.memory_space<vmem_shared>>
      %dma_wait3A_145 = tpu.memref_slice %arg9[%run_scoped3A_29, %mul3A_16] : memref<16x10240xf32, #tpu.memory_space<vmem_shared>> -> memref<1x640xf32, #tpu.memory_space<vmem_shared>>
      %dma_wait3A_146 = tpu.memref_squeeze %dma_wait3A_145 : memref<1x640xf32, #tpu.memory_space<vmem_shared>> -> memref<640xf32, #tpu.memory_space<vmem_shared>>
      tpu.wait_dma2 semaphore(%run_scoped3A_140 : memref<!tpu.dma_semaphore, #tpu.memory_space<semaphore_mem>>) src(%dma_wait3A_146 : memref<640xf32, #tpu.memory_space<vmem_shared>>) dst(%arg7 : memref<640xf32, #tpu.memory_space<vmem>>)
      tpu.yield
    }) : () -> ()
    %scan3A_30 = arith.constant 0 : i32
    %scan3A_31 = arith.constant 0 : i32
    %scan3A_32 = arith.constant 40 : i32
    %scan3A_33 = arith.addi %scan3A_31, %scan3A_32 : i32
    %scan3A_34 = arith.constant 1 : i32
    scf.for %scan3A_140 = %scan3A_31 to %scan3A_33 step %scan3A_34  : i32 {
      %mul3A_141 = arith.constant 16 : i32
      %mul3A_142 = arith.muli %scan3A_140, %mul3A_141 : i32
      %get3A = arith.index_cast %mul3A_142 : i32 to index
      %get3A_143 = tpu.vector_load %arg6[%get3A] {strides = array<i32>} : memref<640xf32, #tpu.memory_space<vmem>>, vector<16xf32>,
      %mul3A_144 = arith.constant 16 : i32
      %mul3A_145 = arith.muli %scan3A_140, %mul3A_144 : i32
      %get3A_146 = arith.index_cast %mul3A_145 : i32 to index
      %get3A_147 = tpu.vector_load %arg7[%get3A_146] {strides = array<i32>} : memref<640xf32, #tpu.memory_space<vmem>>, vector<16xf32>,
      %add3A = arith.addf %get3A_143, %get3A_147 : vector<16xf32>
      %mul3A_148 = arith.constant 16 : i32
      %mul3A_149 = arith.muli %scan3A_140, %mul3A_148 : i32
      %swap3A = arith.index_cast %mul3A_149 : i32 to index
      %swap3A_150 = tpu.vector_load %arg6[%swap3A] {strides = array<i32>} : memref<640xf32, #tpu.memory_space<vmem>>, vector<16xf32>,
      tpu.vector_store %arg6[%swap3A], %add3A {strides = array<i32>} : memref<640xf32, #tpu.memory_space<vmem>>, vector<16xf32>,
    }
    %scan3A_35 = arith.constant 40 : i32
    %run_scoped3A_36 = arith.constant 2 : i32
    "tpu.region"() ({
      %run_scoped3A_140 = tpu.sem_alloc : memref<!tpu.dma_semaphore, #tpu.memory_space<semaphore_mem>>
      %dma_start3A = tpu.memref_slice %arg9[%run_scoped3A_36, %mul3A_16] : memref<16x10240xf32, #tpu.memory_space<vmem_shared>> -> memref<1x640xf32, #tpu.memory_space<vmem_shared>>
      %dma_start3A_141 = tpu.memref_squeeze %dma_start3A : memref<1x640xf32, #tpu.memory_space<vmem_shared>> -> memref<640xf32, #tpu.memory_space<vmem_shared>>
      %dma_start3A_142 = tpu.memref_slice %arg9[%run_scoped3A_36, %mul3A_16] : memref<16x10240xf32, #tpu.memory_space<vmem_shared>> -> memref<1x640xf32, #tpu.memory_space<vmem_shared>>
      %dma_start3A_143 = tpu.memref_squeeze %dma_start3A_142 : memref<1x640xf32, #tpu.memory_space<vmem_shared>> -> memref<640xf32, #tpu.memory_space<vmem_shared>>
      tpu.enqueue_dma source(%dma_start3A_143 : memref<640xf32, #tpu.memory_space<vmem_shared>>) target(%arg7 : memref<640xf32, #tpu.memory_space<vmem>>) target_semaphore(%run_scoped3A_140 : memref<!tpu.dma_semaphore, #tpu.memory_space<semaphore_mem>>)
      %dma_wait3A = tpu.memref_slice %arg9[%run_scoped3A_36, %mul3A_16] : memref<16x10240xf32, #tpu.memory_space<vmem_shared>> -> memref<1x640xf32, #tpu.memory_space<vmem_shared>>
      %dma_wait3A_144 = tpu.memref_squeeze %dma_wait3A : memref<1x640xf32, #tpu.memory_space<vmem_shared>> -> memref<640xf32, #tpu.memory_space<vmem_shared>>
      %dma_wait3A_145 = tpu.memref_slice %arg9[%run_scoped3A_36, %mul3A_16] : memref<16x10240xf32, #tpu.memory_space<vmem_shared>> -> memref<1x640xf32, #tpu.memory_space<vmem_shared>>
      %dma_wait3A_146 = tpu.memref_squeeze %dma_wait3A_145 : memref<1x640xf32, #tpu.memory_space<vmem_shared>> -> memref<640xf32, #tpu.memory_space<vmem_shared>>
      tpu.wait_dma2 semaphore(%run_scoped3A_140 : memref<!tpu.dma_semaphore, #tpu.memory_space<semaphore_mem>>) src(%dma_wait3A_146 : memref<640xf32, #tpu.memory_space<vmem_shared>>) dst(%arg7 : memref<640xf32, #tpu.memory_space<vmem>>)
      tpu.yield
    }) : () -> ()
    %scan3A_37 = arith.constant 0 : i32
    %scan3A_38 = arith.constant 0 : i32
    %scan3A_39 = arith.constant 40 : i32
    %scan3A_40 = arith.addi %scan3A_38, %scan3A_39 : i32
    %scan3A_41 = arith.constant 1 : i32
    scf.for %scan3A_140 = %scan3A_38 to %scan3A_40 step %scan3A_41  : i32 {
      %mul3A_141 = arith.constant 16 : i32
      %mul3A_142 = arith.muli %scan3A_140, %mul3A_141 : i32
      %get3A = arith.index_cast %mul3A_142 : i32 to index
      %get3A_143 = tpu.vector_load %arg6[%get3A] {strides = array<i32>} : memref<640xf32, #tpu.memory_space<vmem>>, vector<16xf32>,
      %mul3A_144 = arith.constant 16 : i32
      %mul3A_145 = arith.muli %scan3A_140, %mul3A_144 : i32
      %get3A_146 = arith.index_cast %mul3A_145 : i32 to index
      %get3A_147 = tpu.vector_load %arg7[%get3A_146] {strides = array<i32>} : memref<640xf32, #tpu.memory_space<vmem>>, vector<16xf32>,
      %add3A = arith.addf %get3A_143, %get3A_147 : vector<16xf32>
      %mul3A_148 = arith.constant 16 : i32
      %mul3A_149 = arith.muli %scan3A_140, %mul3A_148 : i32
      %swap3A = arith.index_cast %mul3A_149 : i32 to index
      %swap3A_150 = tpu.vector_load %arg6[%swap3A] {strides = array<i32>} : memref<640xf32, #tpu.memory_space<vmem>>, vector<16xf32>,
      tpu.vector_store %arg6[%swap3A], %add3A {strides = array<i32>} : memref<640xf32, #tpu.memory_space<vmem>>, vector<16xf32>,
    }
    %scan3A_42 = arith.constant 40 : i32
    %run_scoped3A_43 = arith.constant 3 : i32
    "tpu.region"() ({
      %run_scoped3A_140 = tpu.sem_alloc : memref<!tpu.dma_semaphore, #tpu.memory_space<semaphore_mem>>
      %dma_start3A = tpu.memref_slice %arg9[%run_scoped3A_43, %mul3A_16] : memref<16x10240xf32, #tpu.memory_space<vmem_shared>> -> memref<1x640xf32, #tpu.memory_space<vmem_shared>>
      %dma_start3A_141 = tpu.memref_squeeze %dma_start3A : memref<1x640xf32, #tpu.memory_space<vmem_shared>> -> memref<640xf32, #tpu.memory_space<vmem_shared>>
      %dma_start3A_142 = tpu.memref_slice %arg9[%run_scoped3A_43, %mul3A_16] : memref<16x10240xf32, #tpu.memory_space<vmem_shared>> -> memref<1x640xf32, #tpu.memory_space<vmem_shared>>
      %dma_start3A_143 = tpu.memref_squeeze %dma_start3A_142 : memref<1x640xf32, #tpu.memory_space<vmem_shared>> -> memref<640xf32, #tpu.memory_space<vmem_shared>>
      tpu.enqueue_dma source(%dma_start3A_143 : memref<640xf32, #tpu.memory_space<vmem_shared>>) target(%arg7 : memref<640xf32, #tpu.memory_space<vmem>>) target_semaphore(%run_scoped3A_140 : memref<!tpu.dma_semaphore, #tpu.memory_space<semaphore_mem>>)
      %dma_wait3A = tpu.memref_slice %arg9[%run_scoped3A_43, %mul3A_16] : memref<16x10240xf32, #tpu.memory_space<vmem_shared>> -> memref<1x640xf32, #tpu.memory_space<vmem_shared>>
      %dma_wait3A_144 = tpu.memref_squeeze %dma_wait3A : memref<1x640xf32, #tpu.memory_space<vmem_shared>> -> memref<640xf32, #tpu.memory_space<vmem_shared>>
      %dma_wait3A_145 = tpu.memref_slice %arg9[%run_scoped3A_43, %mul3A_16] : memref<16x10240xf32, #tpu.memory_space<vmem_shared>> -> memref<1x640xf32, #tpu.memory_space<vmem_shared>>
      %dma_wait3A_146 = tpu.memref_squeeze %dma_wait3A_145 : memref<1x640xf32, #tpu.memory_space<vmem_shared>> -> memref<640xf32, #tpu.memory_space<vmem_shared>>
      tpu.wait_dma2 semaphore(%run_scoped3A_140 : memref<!tpu.dma_semaphore, #tpu.memory_space<semaphore_mem>>) src(%dma_wait3A_146 : memref<640xf32, #tpu.memory_space<vmem_shared>>) dst(%arg7 : memref<640xf32, #tpu.memory_space<vmem>>)
      tpu.yield
    }) : () -> ()
    %scan3A_44 = arith.constant 0 : i32
    %scan3A_45 = arith.constant 0 : i32
    %scan3A_46 = arith.constant 40 : i32
    %scan3A_47 = arith.addi %scan3A_45, %scan3A_46 : i32
    %scan3A_48 = arith.constant 1 : i32
    scf.for %scan3A_140 = %scan3A_45 to %scan3A_47 step %scan3A_48  : i32 {
      %mul3A_141 = arith.constant 16 : i32
      %mul3A_142 = arith.muli %scan3A_140, %mul3A_141 : i32
      %get3A = arith.index_cast %mul3A_142 : i32 to index
      %get3A_143 = tpu.vector_load %arg6[%get3A] {strides = array<i32>} : memref<640xf32, #tpu.memory_space<vmem>>, vector<16xf32>,
      %mul3A_144 = arith.constant 16 : i32
      %mul3A_145 = arith.muli %scan3A_140, %mul3A_144 : i32
      %get3A_146 = arith.index_cast %mul3A_145 : i32 to index
      %get3A_147 = tpu.vector_load %arg7[%get3A_146] {strides = array<i32>} : memref<640xf32, #tpu.memory_space<vmem>>, vector<16xf32>,
      %add3A = arith.addf %get3A_143, %get3A_147 : vector<16xf32>
      %mul3A_148 = arith.constant 16 : i32
      %mul3A_149 = arith.muli %scan3A_140, %mul3A_148 : i32
      %swap3A = arith.index_cast %mul3A_149 : i32 to index
      %swap3A_150 = tpu.vector_load %arg6[%swap3A] {strides = array<i32>} : memref<640xf32, #tpu.memory_space<vmem>>, vector<16xf32>,
      tpu.vector_store %arg6[%swap3A], %add3A {strides = array<i32>} : memref<640xf32, #tpu.memory_space<vmem>>, vector<16xf32>,
    }
    %scan3A_49 = arith.constant 40 : i32
    %run_scoped3A_50 = arith.constant 4 : i32
    "tpu.region"() ({
      %run_scoped3A_140 = tpu.sem_alloc : memref<!tpu.dma_semaphore, #tpu.memory_space<semaphore_mem>>
      %dma_start3A = tpu.memref_slice %arg9[%run_scoped3A_50, %mul3A_16] : memref<16x10240xf32, #tpu.memory_space<vmem_shared>> -> memref<1x640xf32, #tpu.memory_space<vmem_shared>>
      %dma_start3A_141 = tpu.memref_squeeze %dma_start3A : memref<1x640xf32, #tpu.memory_space<vmem_shared>> -> memref<640xf32, #tpu.memory_space<vmem_shared>>
      %dma_start3A_142 = tpu.memref_slice %arg9[%run_scoped3A_50, %mul3A_16] : memref<16x10240xf32, #tpu.memory_space<vmem_shared>> -> memref<1x640xf32, #tpu.memory_space<vmem_shared>>
      %dma_start3A_143 = tpu.memref_squeeze %dma_start3A_142 : memref<1x640xf32, #tpu.memory_space<vmem_shared>> -> memref<640xf32, #tpu.memory_space<vmem_shared>>
      tpu.enqueue_dma source(%dma_start3A_143 : memref<640xf32, #tpu.memory_space<vmem_shared>>) target(%arg7 : memref<640xf32, #tpu.memory_space<vmem>>) target_semaphore(%run_scoped3A_140 : memref<!tpu.dma_semaphore, #tpu.memory_space<semaphore_mem>>)
      %dma_wait3A = tpu.memref_slice %arg9[%run_scoped3A_50, %mul3A_16] : memref<16x10240xf32, #tpu.memory_space<vmem_shared>> -> memref<1x640xf32, #tpu.memory_space<vmem_shared>>
      %dma_wait3A_144 = tpu.memref_squeeze %dma_wait3A : memref<1x640xf32, #tpu.memory_space<vmem_shared>> -> memref<640xf32, #tpu.memory_space<vmem_shared>>
      %dma_wait3A_145 = tpu.memref_slice %arg9[%run_scoped3A_50, %mul3A_16] : memref<16x10240xf32, #tpu.memory_space<vmem_shared>> -> memref<1x640xf32, #tpu.memory_space<vmem_shared>>
      %dma_wait3A_146 = tpu.memref_squeeze %dma_wait3A_145 : memref<1x640xf32, #tpu.memory_space<vmem_shared>> -> memref<640xf32, #tpu.memory_space<vmem_shared>>
      tpu.wait_dma2 semaphore(%run_scoped3A_140 : memref<!tpu.dma_semaphore, #tpu.memory_space<semaphore_mem>>) src(%dma_wait3A_146 : memref<640xf32, #tpu.memory_space<vmem_shared>>) dst(%arg7 : memref<640xf32, #tpu.memory_space<vmem>>)
      tpu.yield
    }) : () -> ()
    %scan3A_51 = arith.constant 0 : i32
    %scan3A_52 = arith.constant 0 : i32
    %scan3A_53 = arith.constant 40 : i32
    %scan3A_54 = arith.addi %scan3A_52, %scan3A_53 : i32
    %scan3A_55 = arith.constant 1 : i32
    scf.for %scan3A_140 = %scan3A_52 to %scan3A_54 step %scan3A_55  : i32 {
      %mul3A_141 = arith.constant 16 : i32
      %mul3A_142 = arith.muli %scan3A_140, %mul3A_141 : i32
      %get3A = arith.index_cast %mul3A_142 : i32 to index
      %get3A_143 = tpu.vector_load %arg6[%get3A] {strides = array<i32>} : memref<640xf32, #tpu.memory_space<vmem>>, vector<16xf32>,
      %mul3A_144 = arith.constant 16 : i32
      %mul3A_145 = arith.muli %scan3A_140, %mul3A_144 : i32
      %get3A_146 = arith.index_cast %mul3A_145 : i32 to index
      %get3A_147 = tpu.vector_load %arg7[%get3A_146] {strides = array<i32>} : memref<640xf32, #tpu.memory_space<vmem>>, vector<16xf32>,
      %add3A = arith.addf %get3A_143, %get3A_147 : vector<16xf32>
      %mul3A_148 = arith.constant 16 : i32
      %mul3A_149 = arith.muli %scan3A_140, %mul3A_148 : i32
      %swap3A = arith.index_cast %mul3A_149 : i32 to index
      %swap3A_150 = tpu.vector_load %arg6[%swap3A] {strides = array<i32>} : memref<640xf32, #tpu.memory_space<vmem>>, vector<16xf32>,
      tpu.vector_store %arg6[%swap3A], %add3A {strides = array<i32>} : memref<640xf32, #tpu.memory_space<vmem>>, vector<16xf32>,
    }
    %scan3A_56 = arith.constant 40 : i32
    %run_scoped3A_57 = arith.constant 5 : i32
    "tpu.region"() ({
      %run_scoped3A_140 = tpu.sem_alloc : memref<!tpu.dma_semaphore, #tpu.memory_space<semaphore_mem>>
      %dma_start3A = tpu.memref_slice %arg9[%run_scoped3A_57, %mul3A_16] : memref<16x10240xf32, #tpu.memory_space<vmem_shared>> -> memref<1x640xf32, #tpu.memory_space<vmem_shared>>
      %dma_start3A_141 = tpu.memref_squeeze %dma_start3A : memref<1x640xf32, #tpu.memory_space<vmem_shared>> -> memref<640xf32, #tpu.memory_space<vmem_shared>>
      %dma_start3A_142 = tpu.memref_slice %arg9[%run_scoped3A_57, %mul3A_16] : memref<16x10240xf32, #tpu.memory_space<vmem_shared>> -> memref<1x640xf32, #tpu.memory_space<vmem_shared>>
      %dma_start3A_143 = tpu.memref_squeeze %dma_start3A_142 : memref<1x640xf32, #tpu.memory_space<vmem_shared>> -> memref<640xf32, #tpu.memory_space<vmem_shared>>
      tpu.enqueue_dma source(%dma_start3A_143 : memref<640xf32, #tpu.memory_space<vmem_shared>>) target(%arg7 : memref<640xf32, #tpu.memory_space<vmem>>) target_semaphore(%run_scoped3A_140 : memref<!tpu.dma_semaphore, #tpu.memory_space<semaphore_mem>>)
      %dma_wait3A = tpu.memref_slice %arg9[%run_scoped3A_57, %mul3A_16] : memref<16x10240xf32, #tpu.memory_space<vmem_shared>> -> memref<1x640xf32, #tpu.memory_space<vmem_shared>>
      %dma_wait3A_144 = tpu.memref_squeeze %dma_wait3A : memref<1x640xf32, #tpu.memory_space<vmem_shared>> -> memref<640xf32, #tpu.memory_space<vmem_shared>>
      %dma_wait3A_145 = tpu.memref_slice %arg9[%run_scoped3A_57, %mul3A_16] : memref<16x10240xf32, #tpu.memory_space<vmem_shared>> -> memref<1x640xf32, #tpu.memory_space<vmem_shared>>
      %dma_wait3A_146 = tpu.memref_squeeze %dma_wait3A_145 : memref<1x640xf32, #tpu.memory_space<vmem_shared>> -> memref<640xf32, #tpu.memory_space<vmem_shared>>
      tpu.wait_dma2 semaphore(%run_scoped3A_140 : memref<!tpu.dma_semaphore, #tpu.memory_space<semaphore_mem>>) src(%dma_wait3A_146 : memref<640xf32, #tpu.memory_space<vmem_shared>>) dst(%arg7 : memref<640xf32, #tpu.memory_space<vmem>>)
      tpu.yield
    }) : () -> ()
    %scan3A_58 = arith.constant 0 : i32
    %scan3A_59 = arith.constant 0 : i32
    %scan3A_60 = arith.constant 40 : i32
    %scan3A_61 = arith.addi %scan3A_59, %scan3A_60 : i32
    %scan3A_62 = arith.constant 1 : i32
    scf.for %scan3A_140 = %scan3A_59 to %scan3A_61 step %scan3A_62  : i32 {
      %mul3A_141 = arith.constant 16 : i32
      %mul3A_142 = arith.muli %scan3A_140, %mul3A_141 : i32
      %get3A = arith.index_cast %mul3A_142 : i32 to index
      %get3A_143 = tpu.vector_load %arg6[%get3A] {strides = array<i32>} : memref<640xf32, #tpu.memory_space<vmem>>, vector<16xf32>,
      %mul3A_144 = arith.constant 16 : i32
      %mul3A_145 = arith.muli %scan3A_140, %mul3A_144 : i32
      %get3A_146 = arith.index_cast %mul3A_145 : i32 to index
      %get3A_147 = tpu.vector_load %arg7[%get3A_146] {strides = array<i32>} : memref<640xf32, #tpu.memory_space<vmem>>, vector<16xf32>,
      %add3A = arith.addf %get3A_143, %get3A_147 : vector<16xf32>
      %mul3A_148 = arith.constant 16 : i32
      %mul3A_149 = arith.muli %scan3A_140, %mul3A_148 : i32
      %swap3A = arith.index_cast %mul3A_149 : i32 to index
      %swap3A_150 = tpu.vector_load %arg6[%swap3A] {strides = array<i32>} : memref<640xf32, #tpu.memory_space<vmem>>, vector<16xf32>,
      tpu.vector_store %arg6[%swap3A], %add3A {strides = array<i32>} : memref<640xf32, #tpu.memory_space<vmem>>, vector<16xf32>,
    }
    %scan3A_63 = arith.constant 40 : i32
    %run_scoped3A_64 = arith.constant 6 : i32
    "tpu.region"() ({
      %run_scoped3A_140 = tpu.sem_alloc : memref<!tpu.dma_semaphore, #tpu.memory_space<semaphore_mem>>
      %dma_start3A = tpu.memref_slice %arg9[%run_scoped3A_64, %mul3A_16] : memref<16x10240xf32, #tpu.memory_space<vmem_shared>> -> memref<1x640xf32, #tpu.memory_space<vmem_shared>>
      %dma_start3A_141 = tpu.memref_squeeze %dma_start3A : memref<1x640xf32, #tpu.memory_space<vmem_shared>> -> memref<640xf32, #tpu.memory_space<vmem_shared>>
      %dma_start3A_142 = tpu.memref_slice %arg9[%run_scoped3A_64, %mul3A_16] : memref<16x10240xf32, #tpu.memory_space<vmem_shared>> -> memref<1x640xf32, #tpu.memory_space<vmem_shared>>
      %dma_start3A_143 = tpu.memref_squeeze %dma_start3A_142 : memref<1x640xf32, #tpu.memory_space<vmem_shared>> -> memref<640xf32, #tpu.memory_space<vmem_shared>>
      tpu.enqueue_dma source(%dma_start3A_143 : memref<640xf32, #tpu.memory_space<vmem_shared>>) target(%arg7 : memref<640xf32, #tpu.memory_space<vmem>>) target_semaphore(%run_scoped3A_140 : memref<!tpu.dma_semaphore, #tpu.memory_space<semaphore_mem>>)
      %dma_wait3A = tpu.memref_slice %arg9[%run_scoped3A_64, %mul3A_16] : memref<16x10240xf32, #tpu.memory_space<vmem_shared>> -> memref<1x640xf32, #tpu.memory_space<vmem_shared>>
      %dma_wait3A_144 = tpu.memref_squeeze %dma_wait3A : memref<1x640xf32, #tpu.memory_space<vmem_shared>> -> memref<640xf32, #tpu.memory_space<vmem_shared>>
      %dma_wait3A_145 = tpu.memref_slice %arg9[%run_scoped3A_64, %mul3A_16] : memref<16x10240xf32, #tpu.memory_space<vmem_shared>> -> memref<1x640xf32, #tpu.memory_space<vmem_shared>>
      %dma_wait3A_146 = tpu.memref_squeeze %dma_wait3A_145 : memref<1x640xf32, #tpu.memory_space<vmem_shared>> -> memref<640xf32, #tpu.memory_space<vmem_shared>>
      tpu.wait_dma2 semaphore(%run_scoped3A_140 : memref<!tpu.dma_semaphore, #tpu.memory_space<semaphore_mem>>) src(%dma_wait3A_146 : memref<640xf32, #tpu.memory_space<vmem_shared>>) dst(%arg7 : memref<640xf32, #tpu.memory_space<vmem>>)
      tpu.yield
    }) : () -> ()
    %scan3A_65 = arith.constant 0 : i32
    %scan3A_66 = arith.constant 0 : i32
    %scan3A_67 = arith.constant 40 : i32
    %scan3A_68 = arith.addi %scan3A_66, %scan3A_67 : i32
    %scan3A_69 = arith.constant 1 : i32
    scf.for %scan3A_140 = %scan3A_66 to %scan3A_68 step %scan3A_69  : i32 {
      %mul3A_141 = arith.constant 16 : i32
      %mul3A_142 = arith.muli %scan3A_140, %mul3A_141 : i32
      %get3A = arith.index_cast %mul3A_142 : i32 to index
      %get3A_143 = tpu.vector_load %arg6[%get3A] {strides = array<i32>} : memref<640xf32, #tpu.memory_space<vmem>>, vector<16xf32>,
      %mul3A_144 = arith.constant 16 : i32
      %mul3A_145 = arith.muli %scan3A_140, %mul3A_144 : i32
      %get3A_146 = arith.index_cast %mul3A_145 : i32 to index
      %get3A_147 = tpu.vector_load %arg7[%get3A_146] {strides = array<i32>} : memref<640xf32, #tpu.memory_space<vmem>>, vector<16xf32>,
      %add3A = arith.addf %get3A_143, %get3A_147 : vector<16xf32>
      %mul3A_148 = arith.constant 16 : i32
      %mul3A_149 = arith.muli %scan3A_140, %mul3A_148 : i32
      %swap3A = arith.index_cast %mul3A_149 : i32 to index
      %swap3A_150 = tpu.vector_load %arg6[%swap3A] {strides = array<i32>} : memref<640xf32, #tpu.memory_space<vmem>>, vector<16xf32>,
      tpu.vector_store %arg6[%swap3A], %add3A {strides = array<i32>} : memref<640xf32, #tpu.memory_space<vmem>>, vector<16xf32>,
    }
    %scan3A_70 = arith.constant 40 : i32
    %run_scoped3A_71 = arith.constant 7 : i32
    "tpu.region"() ({
      %run_scoped3A_140 = tpu.sem_alloc : memref<!tpu.dma_semaphore, #tpu.memory_space<semaphore_mem>>
      %dma_start3A = tpu.memref_slice %arg9[%run_scoped3A_71, %mul3A_16] : memref<16x10240xf32, #tpu.memory_space<vmem_shared>> -> memref<1x640xf32, #tpu.memory_space<vmem_shared>>
      %dma_start3A_141 = tpu.memref_squeeze %dma_start3A : memref<1x640xf32, #tpu.memory_space<vmem_shared>> -> memref<640xf32, #tpu.memory_space<vmem_shared>>
      %dma_start3A_142 = tpu.memref_slice %arg9[%run_scoped3A_71, %mul3A_16] : memref<16x10240xf32, #tpu.memory_space<vmem_shared>> -> memref<1x640xf32, #tpu.memory_space<vmem_shared>>
      %dma_start3A_143 = tpu.memref_squeeze %dma_start3A_142 : memref<1x640xf32, #tpu.memory_space<vmem_shared>> -> memref<640xf32, #tpu.memory_space<vmem_shared>>
      tpu.enqueue_dma source(%dma_start3A_143 : memref<640xf32, #tpu.memory_space<vmem_shared>>) target(%arg7 : memref<640xf32, #tpu.memory_space<vmem>>) target_semaphore(%run_scoped3A_140 : memref<!tpu.dma_semaphore, #tpu.memory_space<semaphore_mem>>)
      %dma_wait3A = tpu.memref_slice %arg9[%run_scoped3A_71, %mul3A_16] : memref<16x10240xf32, #tpu.memory_space<vmem_shared>> -> memref<1x640xf32, #tpu.memory_space<vmem_shared>>
      %dma_wait3A_144 = tpu.memref_squeeze %dma_wait3A : memref<1x640xf32, #tpu.memory_space<vmem_shared>> -> memref<640xf32, #tpu.memory_space<vmem_shared>>
      %dma_wait3A_145 = tpu.memref_slice %arg9[%run_scoped3A_71, %mul3A_16] : memref<16x10240xf32, #tpu.memory_space<vmem_shared>> -> memref<1x640xf32, #tpu.memory_space<vmem_shared>>
      %dma_wait3A_146 = tpu.memref_squeeze %dma_wait3A_145 : memref<1x640xf32, #tpu.memory_space<vmem_shared>> -> memref<640xf32, #tpu.memory_space<vmem_shared>>
      tpu.wait_dma2 semaphore(%run_scoped3A_140 : memref<!tpu.dma_semaphore, #tpu.memory_space<semaphore_mem>>) src(%dma_wait3A_146 : memref<640xf32, #tpu.memory_space<vmem_shared>>) dst(%arg7 : memref<640xf32, #tpu.memory_space<vmem>>)
      tpu.yield
    }) : () -> ()
    %scan3A_72 = arith.constant 0 : i32
    %scan3A_73 = arith.constant 0 : i32
    %scan3A_74 = arith.constant 40 : i32
    %scan3A_75 = arith.addi %scan3A_73, %scan3A_74 : i32
    %scan3A_76 = arith.constant 1 : i32
    scf.for %scan3A_140 = %scan3A_73 to %scan3A_75 step %scan3A_76  : i32 {
      %mul3A_141 = arith.constant 16 : i32
      %mul3A_142 = arith.muli %scan3A_140, %mul3A_141 : i32
      %get3A = arith.index_cast %mul3A_142 : i32 to index
      %get3A_143 = tpu.vector_load %arg6[%get3A] {strides = array<i32>} : memref<640xf32, #tpu.memory_space<vmem>>, vector<16xf32>,
      %mul3A_144 = arith.constant 16 : i32
      %mul3A_145 = arith.muli %scan3A_140, %mul3A_144 : i32
      %get3A_146 = arith.index_cast %mul3A_145 : i32 to index
      %get3A_147 = tpu.vector_load %arg7[%get3A_146] {strides = array<i32>} : memref<640xf32, #tpu.memory_space<vmem>>, vector<16xf32>,
      %add3A = arith.addf %get3A_143, %get3A_147 : vector<16xf32>
      %mul3A_148 = arith.constant 16 : i32
      %mul3A_149 = arith.muli %scan3A_140, %mul3A_148 : i32
      %swap3A = arith.index_cast %mul3A_149 : i32 to index
      %swap3A_150 = tpu.vector_load %arg6[%swap3A] {strides = array<i32>} : memref<640xf32, #tpu.memory_space<vmem>>, vector<16xf32>,
      tpu.vector_store %arg6[%swap3A], %add3A {strides = array<i32>} : memref<640xf32, #tpu.memory_space<vmem>>, vector<16xf32>,
    }
    %scan3A_77 = arith.constant 40 : i32
    %run_scoped3A_78 = arith.constant 8 : i32
    "tpu.region"() ({
      %run_scoped3A_140 = tpu.sem_alloc : memref<!tpu.dma_semaphore, #tpu.memory_space<semaphore_mem>>
      %dma_start3A = tpu.memref_slice %arg9[%run_scoped3A_78, %mul3A_16] : memref<16x10240xf32, #tpu.memory_space<vmem_shared>> -> memref<1x640xf32, #tpu.memory_space<vmem_shared>>
      %dma_start3A_141 = tpu.memref_squeeze %dma_start3A : memref<1x640xf32, #tpu.memory_space<vmem_shared>> -> memref<640xf32, #tpu.memory_space<vmem_shared>>
      %dma_start3A_142 = tpu.memref_slice %arg9[%run_scoped3A_78, %mul3A_16] : memref<16x10240xf32, #tpu.memory_space<vmem_shared>> -> memref<1x640xf32, #tpu.memory_space<vmem_shared>>
      %dma_start3A_143 = tpu.memref_squeeze %dma_start3A_142 : memref<1x640xf32, #tpu.memory_space<vmem_shared>> -> memref<640xf32, #tpu.memory_space<vmem_shared>>
      tpu.enqueue_dma source(%dma_start3A_143 : memref<640xf32, #tpu.memory_space<vmem_shared>>) target(%arg7 : memref<640xf32, #tpu.memory_space<vmem>>) target_semaphore(%run_scoped3A_140 : memref<!tpu.dma_semaphore, #tpu.memory_space<semaphore_mem>>)
      %dma_wait3A = tpu.memref_slice %arg9[%run_scoped3A_78, %mul3A_16] : memref<16x10240xf32, #tpu.memory_space<vmem_shared>> -> memref<1x640xf32, #tpu.memory_space<vmem_shared>>
      %dma_wait3A_144 = tpu.memref_squeeze %dma_wait3A : memref<1x640xf32, #tpu.memory_space<vmem_shared>> -> memref<640xf32, #tpu.memory_space<vmem_shared>>
      %dma_wait3A_145 = tpu.memref_slice %arg9[%run_scoped3A_78, %mul3A_16] : memref<16x10240xf32, #tpu.memory_space<vmem_shared>> -> memref<1x640xf32, #tpu.memory_space<vmem_shared>>
      %dma_wait3A_146 = tpu.memref_squeeze %dma_wait3A_145 : memref<1x640xf32, #tpu.memory_space<vmem_shared>> -> memref<640xf32, #tpu.memory_space<vmem_shared>>
      tpu.wait_dma2 semaphore(%run_scoped3A_140 : memref<!tpu.dma_semaphore, #tpu.memory_space<semaphore_mem>>) src(%dma_wait3A_146 : memref<640xf32, #tpu.memory_space<vmem_shared>>) dst(%arg7 : memref<640xf32, #tpu.memory_space<vmem>>)
      tpu.yield
    }) : () -> ()
    %scan3A_79 = arith.constant 0 : i32
    %scan3A_80 = arith.constant 0 : i32
    %scan3A_81 = arith.constant 40 : i32
    %scan3A_82 = arith.addi %scan3A_80, %scan3A_81 : i32
    %scan3A_83 = arith.constant 1 : i32
    scf.for %scan3A_140 = %scan3A_80 to %scan3A_82 step %scan3A_83  : i32 {
      %mul3A_141 = arith.constant 16 : i32
      %mul3A_142 = arith.muli %scan3A_140, %mul3A_141 : i32
      %get3A = arith.index_cast %mul3A_142 : i32 to index
      %get3A_143 = tpu.vector_load %arg6[%get3A] {strides = array<i32>} : memref<640xf32, #tpu.memory_space<vmem>>, vector<16xf32>,
      %mul3A_144 = arith.constant 16 : i32
      %mul3A_145 = arith.muli %scan3A_140, %mul3A_144 : i32
      %get3A_146 = arith.index_cast %mul3A_145 : i32 to index
      %get3A_147 = tpu.vector_load %arg7[%get3A_146] {strides = array<i32>} : memref<640xf32, #tpu.memory_space<vmem>>, vector<16xf32>,
      %add3A = arith.addf %get3A_143, %get3A_147 : vector<16xf32>
      %mul3A_148 = arith.constant 16 : i32
      %mul3A_149 = arith.muli %scan3A_140, %mul3A_148 : i32
      %swap3A = arith.index_cast %mul3A_149 : i32 to index
      %swap3A_150 = tpu.vector_load %arg6[%swap3A] {strides = array<i32>} : memref<640xf32, #tpu.memory_space<vmem>>, vector<16xf32>,
      tpu.vector_store %arg6[%swap3A], %add3A {strides = array<i32>} : memref<640xf32, #tpu.memory_space<vmem>>, vector<16xf32>,
    }
    %scan3A_84 = arith.constant 40 : i32
    %run_scoped3A_85 = arith.constant 9 : i32
    "tpu.region"() ({
      %run_scoped3A_140 = tpu.sem_alloc : memref<!tpu.dma_semaphore, #tpu.memory_space<semaphore_mem>>
      %dma_start3A = tpu.memref_slice %arg9[%run_scoped3A_85, %mul3A_16] : memref<16x10240xf32, #tpu.memory_space<vmem_shared>> -> memref<1x640xf32, #tpu.memory_space<vmem_shared>>
      %dma_start3A_141 = tpu.memref_squeeze %dma_start3A : memref<1x640xf32, #tpu.memory_space<vmem_shared>> -> memref<640xf32, #tpu.memory_space<vmem_shared>>
      %dma_start3A_142 = tpu.memref_slice %arg9[%run_scoped3A_85, %mul3A_16] : memref<16x10240xf32, #tpu.memory_space<vmem_shared>> -> memref<1x640xf32, #tpu.memory_space<vmem_shared>>
      %dma_start3A_143 = tpu.memref_squeeze %dma_start3A_142 : memref<1x640xf32, #tpu.memory_space<vmem_shared>> -> memref<640xf32, #tpu.memory_space<vmem_shared>>
      tpu.enqueue_dma source(%dma_start3A_143 : memref<640xf32, #tpu.memory_space<vmem_shared>>) target(%arg7 : memref<640xf32, #tpu.memory_space<vmem>>) target_semaphore(%run_scoped3A_140 : memref<!tpu.dma_semaphore, #tpu.memory_space<semaphore_mem>>)
      %dma_wait3A = tpu.memref_slice %arg9[%run_scoped3A_85, %mul3A_16] : memref<16x10240xf32, #tpu.memory_space<vmem_shared>> -> memref<1x640xf32, #tpu.memory_space<vmem_shared>>
      %dma_wait3A_144 = tpu.memref_squeeze %dma_wait3A : memref<1x640xf32, #tpu.memory_space<vmem_shared>> -> memref<640xf32, #tpu.memory_space<vmem_shared>>
      %dma_wait3A_145 = tpu.memref_slice %arg9[%run_scoped3A_85, %mul3A_16] : memref<16x10240xf32, #tpu.memory_space<vmem_shared>> -> memref<1x640xf32, #tpu.memory_space<vmem_shared>>
      %dma_wait3A_146 = tpu.memref_squeeze %dma_wait3A_145 : memref<1x640xf32, #tpu.memory_space<vmem_shared>> -> memref<640xf32, #tpu.memory_space<vmem_shared>>
      tpu.wait_dma2 semaphore(%run_scoped3A_140 : memref<!tpu.dma_semaphore, #tpu.memory_space<semaphore_mem>>) src(%dma_wait3A_146 : memref<640xf32, #tpu.memory_space<vmem_shared>>) dst(%arg7 : memref<640xf32, #tpu.memory_space<vmem>>)
      tpu.yield
    }) : () -> ()
    %scan3A_86 = arith.constant 0 : i32
    %scan3A_87 = arith.constant 0 : i32
    %scan3A_88 = arith.constant 40 : i32
    %scan3A_89 = arith.addi %scan3A_87, %scan3A_88 : i32
    %scan3A_90 = arith.constant 1 : i32
    scf.for %scan3A_140 = %scan3A_87 to %scan3A_89 step %scan3A_90  : i32 {
      %mul3A_141 = arith.constant 16 : i32
      %mul3A_142 = arith.muli %scan3A_140, %mul3A_141 : i32
      %get3A = arith.index_cast %mul3A_142 : i32 to index
      %get3A_143 = tpu.vector_load %arg6[%get3A] {strides = array<i32>} : memref<640xf32, #tpu.memory_space<vmem>>, vector<16xf32>,
      %mul3A_144 = arith.constant 16 : i32
      %mul3A_145 = arith.muli %scan3A_140, %mul3A_144 : i32
      %get3A_146 = arith.index_cast %mul3A_145 : i32 to index
      %get3A_147 = tpu.vector_load %arg7[%get3A_146] {strides = array<i32>} : memref<640xf32, #tpu.memory_space<vmem>>, vector<16xf32>,
      %add3A = arith.addf %get3A_143, %get3A_147 : vector<16xf32>
      %mul3A_148 = arith.constant 16 : i32
      %mul3A_149 = arith.muli %scan3A_140, %mul3A_148 : i32
      %swap3A = arith.index_cast %mul3A_149 : i32 to index
      %swap3A_150 = tpu.vector_load %arg6[%swap3A] {strides = array<i32>} : memref<640xf32, #tpu.memory_space<vmem>>, vector<16xf32>,
      tpu.vector_store %arg6[%swap3A], %add3A {strides = array<i32>} : memref<640xf32, #tpu.memory_space<vmem>>, vector<16xf32>,
    }
    %scan3A_91 = arith.constant 40 : i32
    %run_scoped3A_92 = arith.constant 10 : i32
    "tpu.region"() ({
      %run_scoped3A_140 = tpu.sem_alloc : memref<!tpu.dma_semaphore, #tpu.memory_space<semaphore_mem>>
      %dma_start3A = tpu.memref_slice %arg9[%run_scoped3A_92, %mul3A_16] : memref<16x10240xf32, #tpu.memory_space<vmem_shared>> -> memref<1x640xf32, #tpu.memory_space<vmem_shared>>
      %dma_start3A_141 = tpu.memref_squeeze %dma_start3A : memref<1x640xf32, #tpu.memory_space<vmem_shared>> -> memref<640xf32, #tpu.memory_space<vmem_shared>>
      %dma_start3A_142 = tpu.memref_slice %arg9[%run_scoped3A_92, %mul3A_16] : memref<16x10240xf32, #tpu.memory_space<vmem_shared>> -> memref<1x640xf32, #tpu.memory_space<vmem_shared>>
      %dma_start3A_143 = tpu.memref_squeeze %dma_start3A_142 : memref<1x640xf32, #tpu.memory_space<vmem_shared>> -> memref<640xf32, #tpu.memory_space<vmem_shared>>
      tpu.enqueue_dma source(%dma_start3A_143 : memref<640xf32, #tpu.memory_space<vmem_shared>>) target(%arg7 : memref<640xf32, #tpu.memory_space<vmem>>) target_semaphore(%run_scoped3A_140 : memref<!tpu.dma_semaphore, #tpu.memory_space<semaphore_mem>>)
      %dma_wait3A = tpu.memref_slice %arg9[%run_scoped3A_92, %mul3A_16] : memref<16x10240xf32, #tpu.memory_space<vmem_shared>> -> memref<1x640xf32, #tpu.memory_space<vmem_shared>>
      %dma_wait3A_144 = tpu.memref_squeeze %dma_wait3A : memref<1x640xf32, #tpu.memory_space<vmem_shared>> -> memref<640xf32, #tpu.memory_space<vmem_shared>>
      %dma_wait3A_145 = tpu.memref_slice %arg9[%run_scoped3A_92, %mul3A_16] : memref<16x10240xf32, #tpu.memory_space<vmem_shared>> -> memref<1x640xf32, #tpu.memory_space<vmem_shared>>
      %dma_wait3A_146 = tpu.memref_squeeze %dma_wait3A_145 : memref<1x640xf32, #tpu.memory_space<vmem_shared>> -> memref<640xf32, #tpu.memory_space<vmem_shared>>
      tpu.wait_dma2 semaphore(%run_scoped3A_140 : memref<!tpu.dma_semaphore, #tpu.memory_space<semaphore_mem>>) src(%dma_wait3A_146 : memref<640xf32, #tpu.memory_space<vmem_shared>>) dst(%arg7 : memref<640xf32, #tpu.memory_space<vmem>>)
      tpu.yield
    }) : () -> ()
    %scan3A_93 = arith.constant 0 : i32
    %scan3A_94 = arith.constant 0 : i32
    %scan3A_95 = arith.constant 40 : i32
    %scan3A_96 = arith.addi %scan3A_94, %scan3A_95 : i32
    %scan3A_97 = arith.constant 1 : i32
    scf.for %scan3A_140 = %scan3A_94 to %scan3A_96 step %scan3A_97  : i32 {
      %mul3A_141 = arith.constant 16 : i32
      %mul3A_142 = arith.muli %scan3A_140, %mul3A_141 : i32
      %get3A = arith.index_cast %mul3A_142 : i32 to index
      %get3A_143 = tpu.vector_load %arg6[%get3A] {strides = array<i32>} : memref<640xf32, #tpu.memory_space<vmem>>, vector<16xf32>,
      %mul3A_144 = arith.constant 16 : i32
      %mul3A_145 = arith.muli %scan3A_140, %mul3A_144 : i32
      %get3A_146 = arith.index_cast %mul3A_145 : i32 to index
      %get3A_147 = tpu.vector_load %arg7[%get3A_146] {strides = array<i32>} : memref<640xf32, #tpu.memory_space<vmem>>, vector<16xf32>,
      %add3A = arith.addf %get3A_143, %get3A_147 : vector<16xf32>
      %mul3A_148 = arith.constant 16 : i32
      %mul3A_149 = arith.muli %scan3A_140, %mul3A_148 : i32
      %swap3A = arith.index_cast %mul3A_149 : i32 to index
      %swap3A_150 = tpu.vector_load %arg6[%swap3A] {strides = array<i32>} : memref<640xf32, #tpu.memory_space<vmem>>, vector<16xf32>,
      tpu.vector_store %arg6[%swap3A], %add3A {strides = array<i32>} : memref<640xf32, #tpu.memory_space<vmem>>, vector<16xf32>,
    }
    %scan3A_98 = arith.constant 40 : i32
    %run_scoped3A_99 = arith.constant 11 : i32
    "tpu.region"() ({
      %run_scoped3A_140 = tpu.sem_alloc : memref<!tpu.dma_semaphore, #tpu.memory_space<semaphore_mem>>
      %dma_start3A = tpu.memref_slice %arg9[%run_scoped3A_99, %mul3A_16] : memref<16x10240xf32, #tpu.memory_space<vmem_shared>> -> memref<1x640xf32, #tpu.memory_space<vmem_shared>>
      %dma_start3A_141 = tpu.memref_squeeze %dma_start3A : memref<1x640xf32, #tpu.memory_space<vmem_shared>> -> memref<640xf32, #tpu.memory_space<vmem_shared>>
      %dma_start3A_142 = tpu.memref_slice %arg9[%run_scoped3A_99, %mul3A_16] : memref<16x10240xf32, #tpu.memory_space<vmem_shared>> -> memref<1x640xf32, #tpu.memory_space<vmem_shared>>
      %dma_start3A_143 = tpu.memref_squeeze %dma_start3A_142 : memref<1x640xf32, #tpu.memory_space<vmem_shared>> -> memref<640xf32, #tpu.memory_space<vmem_shared>>
      tpu.enqueue_dma source(%dma_start3A_143 : memref<640xf32, #tpu.memory_space<vmem_shared>>) target(%arg7 : memref<640xf32, #tpu.memory_space<vmem>>) target_semaphore(%run_scoped3A_140 : memref<!tpu.dma_semaphore, #tpu.memory_space<semaphore_mem>>)
      %dma_wait3A = tpu.memref_slice %arg9[%run_scoped3A_99, %mul3A_16] : memref<16x10240xf32, #tpu.memory_space<vmem_shared>> -> memref<1x640xf32, #tpu.memory_space<vmem_shared>>
      %dma_wait3A_144 = tpu.memref_squeeze %dma_wait3A : memref<1x640xf32, #tpu.memory_space<vmem_shared>> -> memref<640xf32, #tpu.memory_space<vmem_shared>>
      %dma_wait3A_145 = tpu.memref_slice %arg9[%run_scoped3A_99, %mul3A_16] : memref<16x10240xf32, #tpu.memory_space<vmem_shared>> -> memref<1x640xf32, #tpu.memory_space<vmem_shared>>
      %dma_wait3A_146 = tpu.memref_squeeze %dma_wait3A_145 : memref<1x640xf32, #tpu.memory_space<vmem_shared>> -> memref<640xf32, #tpu.memory_space<vmem_shared>>
      tpu.wait_dma2 semaphore(%run_scoped3A_140 : memref<!tpu.dma_semaphore, #tpu.memory_space<semaphore_mem>>) src(%dma_wait3A_146 : memref<640xf32, #tpu.memory_space<vmem_shared>>) dst(%arg7 : memref<640xf32, #tpu.memory_space<vmem>>)
      tpu.yield
    }) : () -> ()
    %scan3A_100 = arith.constant 0 : i32
    %scan3A_101 = arith.constant 0 : i32
    %scan3A_102 = arith.constant 40 : i32
    %scan3A_103 = arith.addi %scan3A_101, %scan3A_102 : i32
    %scan3A_104 = arith.constant 1 : i32
    scf.for %scan3A_140 = %scan3A_101 to %scan3A_103 step %scan3A_104  : i32 {
      %mul3A_141 = arith.constant 16 : i32
      %mul3A_142 = arith.muli %scan3A_140, %mul3A_141 : i32
      %get3A = arith.index_cast %mul3A_142 : i32 to index
      %get3A_143 = tpu.vector_load %arg6[%get3A] {strides = array<i32>} : memref<640xf32, #tpu.memory_space<vmem>>, vector<16xf32>,
      %mul3A_144 = arith.constant 16 : i32
      %mul3A_145 = arith.muli %scan3A_140, %mul3A_144 : i32
      %get3A_146 = arith.index_cast %mul3A_145 : i32 to index
      %get3A_147 = tpu.vector_load %arg7[%get3A_146] {strides = array<i32>} : memref<640xf32, #tpu.memory_space<vmem>>, vector<16xf32>,
      %add3A = arith.addf %get3A_143, %get3A_147 : vector<16xf32>
      %mul3A_148 = arith.constant 16 : i32
      %mul3A_149 = arith.muli %scan3A_140, %mul3A_148 : i32
      %swap3A = arith.index_cast %mul3A_149 : i32 to index
      %swap3A_150 = tpu.vector_load %arg6[%swap3A] {strides = array<i32>} : memref<640xf32, #tpu.memory_space<vmem>>, vector<16xf32>,
      tpu.vector_store %arg6[%swap3A], %add3A {strides = array<i32>} : memref<640xf32, #tpu.memory_space<vmem>>, vector<16xf32>,
    }
    %scan3A_105 = arith.constant 40 : i32
    %run_scoped3A_106 = arith.constant 12 : i32
    "tpu.region"() ({
      %run_scoped3A_140 = tpu.sem_alloc : memref<!tpu.dma_semaphore, #tpu.memory_space<semaphore_mem>>
      %dma_start3A = tpu.memref_slice %arg9[%run_scoped3A_106, %mul3A_16] : memref<16x10240xf32, #tpu.memory_space<vmem_shared>> -> memref<1x640xf32, #tpu.memory_space<vmem_shared>>
      %dma_start3A_141 = tpu.memref_squeeze %dma_start3A : memref<1x640xf32, #tpu.memory_space<vmem_shared>> -> memref<640xf32, #tpu.memory_space<vmem_shared>>
      %dma_start3A_142 = tpu.memref_slice %arg9[%run_scoped3A_106, %mul3A_16] : memref<16x10240xf32, #tpu.memory_space<vmem_shared>> -> memref<1x640xf32, #tpu.memory_space<vmem_shared>>
      %dma_start3A_143 = tpu.memref_squeeze %dma_start3A_142 : memref<1x640xf32, #tpu.memory_space<vmem_shared>> -> memref<640xf32, #tpu.memory_space<vmem_shared>>
      tpu.enqueue_dma source(%dma_start3A_143 : memref<640xf32, #tpu.memory_space<vmem_shared>>) target(%arg7 : memref<640xf32, #tpu.memory_space<vmem>>) target_semaphore(%run_scoped3A_140 : memref<!tpu.dma_semaphore, #tpu.memory_space<semaphore_mem>>)
      %dma_wait3A = tpu.memref_slice %arg9[%run_scoped3A_106, %mul3A_16] : memref<16x10240xf32, #tpu.memory_space<vmem_shared>> -> memref<1x640xf32, #tpu.memory_space<vmem_shared>>
      %dma_wait3A_144 = tpu.memref_squeeze %dma_wait3A : memref<1x640xf32, #tpu.memory_space<vmem_shared>> -> memref<640xf32, #tpu.memory_space<vmem_shared>>
      %dma_wait3A_145 = tpu.memref_slice %arg9[%run_scoped3A_106, %mul3A_16] : memref<16x10240xf32, #tpu.memory_space<vmem_shared>> -> memref<1x640xf32, #tpu.memory_space<vmem_shared>>
      %dma_wait3A_146 = tpu.memref_squeeze %dma_wait3A_145 : memref<1x640xf32, #tpu.memory_space<vmem_shared>> -> memref<640xf32, #tpu.memory_space<vmem_shared>>
      tpu.wait_dma2 semaphore(%run_scoped3A_140 : memref<!tpu.dma_semaphore, #tpu.memory_space<semaphore_mem>>) src(%dma_wait3A_146 : memref<640xf32, #tpu.memory_space<vmem_shared>>) dst(%arg7 : memref<640xf32, #tpu.memory_space<vmem>>)
      tpu.yield
    }) : () -> ()
    %scan3A_107 = arith.constant 0 : i32
    %scan3A_108 = arith.constant 0 : i32
    %scan3A_109 = arith.constant 40 : i32
    %scan3A_110 = arith.addi %scan3A_108, %scan3A_109 : i32
    %scan3A_111 = arith.constant 1 : i32
    scf.for %scan3A_140 = %scan3A_108 to %scan3A_110 step %scan3A_111  : i32 {
      %mul3A_141 = arith.constant 16 : i32
      %mul3A_142 = arith.muli %scan3A_140, %mul3A_141 : i32
      %get3A = arith.index_cast %mul3A_142 : i32 to index
      %get3A_143 = tpu.vector_load %arg6[%get3A] {strides = array<i32>} : memref<640xf32, #tpu.memory_space<vmem>>, vector<16xf32>,
      %mul3A_144 = arith.constant 16 : i32
      %mul3A_145 = arith.muli %scan3A_140, %mul3A_144 : i32
      %get3A_146 = arith.index_cast %mul3A_145 : i32 to index
      %get3A_147 = tpu.vector_load %arg7[%get3A_146] {strides = array<i32>} : memref<640xf32, #tpu.memory_space<vmem>>, vector<16xf32>,
      %add3A = arith.addf %get3A_143, %get3A_147 : vector<16xf32>
      %mul3A_148 = arith.constant 16 : i32
      %mul3A_149 = arith.muli %scan3A_140, %mul3A_148 : i32
      %swap3A = arith.index_cast %mul3A_149 : i32 to index
      %swap3A_150 = tpu.vector_load %arg6[%swap3A] {strides = array<i32>} : memref<640xf32, #tpu.memory_space<vmem>>, vector<16xf32>,
      tpu.vector_store %arg6[%swap3A], %add3A {strides = array<i32>} : memref<640xf32, #tpu.memory_space<vmem>>, vector<16xf32>,
    }
    %scan3A_112 = arith.constant 40 : i32
    %run_scoped3A_113 = arith.constant 13 : i32
    "tpu.region"() ({
      %run_scoped3A_140 = tpu.sem_alloc : memref<!tpu.dma_semaphore, #tpu.memory_space<semaphore_mem>>
      %dma_start3A = tpu.memref_slice %arg9[%run_scoped3A_113, %mul3A_16] : memref<16x10240xf32, #tpu.memory_space<vmem_shared>> -> memref<1x640xf32, #tpu.memory_space<vmem_shared>>
      %dma_start3A_141 = tpu.memref_squeeze %dma_start3A : memref<1x640xf32, #tpu.memory_space<vmem_shared>> -> memref<640xf32, #tpu.memory_space<vmem_shared>>
      %dma_start3A_142 = tpu.memref_slice %arg9[%run_scoped3A_113, %mul3A_16] : memref<16x10240xf32, #tpu.memory_space<vmem_shared>> -> memref<1x640xf32, #tpu.memory_space<vmem_shared>>
      %dma_start3A_143 = tpu.memref_squeeze %dma_start3A_142 : memref<1x640xf32, #tpu.memory_space<vmem_shared>> -> memref<640xf32, #tpu.memory_space<vmem_shared>>
      tpu.enqueue_dma source(%dma_start3A_143 : memref<640xf32, #tpu.memory_space<vmem_shared>>) target(%arg7 : memref<640xf32, #tpu.memory_space<vmem>>) target_semaphore(%run_scoped3A_140 : memref<!tpu.dma_semaphore, #tpu.memory_space<semaphore_mem>>)
      %dma_wait3A = tpu.memref_slice %arg9[%run_scoped3A_113, %mul3A_16] : memref<16x10240xf32, #tpu.memory_space<vmem_shared>> -> memref<1x640xf32, #tpu.memory_space<vmem_shared>>
      %dma_wait3A_144 = tpu.memref_squeeze %dma_wait3A : memref<1x640xf32, #tpu.memory_space<vmem_shared>> -> memref<640xf32, #tpu.memory_space<vmem_shared>>
      %dma_wait3A_145 = tpu.memref_slice %arg9[%run_scoped3A_113, %mul3A_16] : memref<16x10240xf32, #tpu.memory_space<vmem_shared>> -> memref<1x640xf32, #tpu.memory_space<vmem_shared>>
      %dma_wait3A_146 = tpu.memref_squeeze %dma_wait3A_145 : memref<1x640xf32, #tpu.memory_space<vmem_shared>> -> memref<640xf32, #tpu.memory_space<vmem_shared>>
      tpu.wait_dma2 semaphore(%run_scoped3A_140 : memref<!tpu.dma_semaphore, #tpu.memory_space<semaphore_mem>>) src(%dma_wait3A_146 : memref<640xf32, #tpu.memory_space<vmem_shared>>) dst(%arg7 : memref<640xf32, #tpu.memory_space<vmem>>)
      tpu.yield
    }) : () -> ()
    %scan3A_114 = arith.constant 0 : i32
    %scan3A_115 = arith.constant 0 : i32
    %scan3A_116 = arith.constant 40 : i32
    %scan3A_117 = arith.addi %scan3A_115, %scan3A_116 : i32
    %scan3A_118 = arith.constant 1 : i32
    scf.for %scan3A_140 = %scan3A_115 to %scan3A_117 step %scan3A_118  : i32 {
      %mul3A_141 = arith.constant 16 : i32
      %mul3A_142 = arith.muli %scan3A_140, %mul3A_141 : i32
      %get3A = arith.index_cast %mul3A_142 : i32 to index
      %get3A_143 = tpu.vector_load %arg6[%get3A] {strides = array<i32>} : memref<640xf32, #tpu.memory_space<vmem>>, vector<16xf32>,
      %mul3A_144 = arith.constant 16 : i32
      %mul3A_145 = arith.muli %scan3A_140, %mul3A_144 : i32
      %get3A_146 = arith.index_cast %mul3A_145 : i32 to index
      %get3A_147 = tpu.vector_load %arg7[%get3A_146] {strides = array<i32>} : memref<640xf32, #tpu.memory_space<vmem>>, vector<16xf32>,
      %add3A = arith.addf %get3A_143, %get3A_147 : vector<16xf32>
      %mul3A_148 = arith.constant 16 : i32
      %mul3A_149 = arith.muli %scan3A_140, %mul3A_148 : i32
      %swap3A = arith.index_cast %mul3A_149 : i32 to index
      %swap3A_150 = tpu.vector_load %arg6[%swap3A] {strides = array<i32>} : memref<640xf32, #tpu.memory_space<vmem>>, vector<16xf32>,
      tpu.vector_store %arg6[%swap3A], %add3A {strides = array<i32>} : memref<640xf32, #tpu.memory_space<vmem>>, vector<16xf32>,
    }
    %scan3A_119 = arith.constant 40 : i32
    %run_scoped3A_120 = arith.constant 14 : i32
    "tpu.region"() ({
      %run_scoped3A_140 = tpu.sem_alloc : memref<!tpu.dma_semaphore, #tpu.memory_space<semaphore_mem>>
      %dma_start3A = tpu.memref_slice %arg9[%run_scoped3A_120, %mul3A_16] : memref<16x10240xf32, #tpu.memory_space<vmem_shared>> -> memref<1x640xf32, #tpu.memory_space<vmem_shared>>
      %dma_start3A_141 = tpu.memref_squeeze %dma_start3A : memref<1x640xf32, #tpu.memory_space<vmem_shared>> -> memref<640xf32, #tpu.memory_space<vmem_shared>>
      %dma_start3A_142 = tpu.memref_slice %arg9[%run_scoped3A_120, %mul3A_16] : memref<16x10240xf32, #tpu.memory_space<vmem_shared>> -> memref<1x640xf32, #tpu.memory_space<vmem_shared>>
      %dma_start3A_143 = tpu.memref_squeeze %dma_start3A_142 : memref<1x640xf32, #tpu.memory_space<vmem_shared>> -> memref<640xf32, #tpu.memory_space<vmem_shared>>
      tpu.enqueue_dma source(%dma_start3A_143 : memref<640xf32, #tpu.memory_space<vmem_shared>>) target(%arg7 : memref<640xf32, #tpu.memory_space<vmem>>) target_semaphore(%run_scoped3A_140 : memref<!tpu.dma_semaphore, #tpu.memory_space<semaphore_mem>>)
      %dma_wait3A = tpu.memref_slice %arg9[%run_scoped3A_120, %mul3A_16] : memref<16x10240xf32, #tpu.memory_space<vmem_shared>> -> memref<1x640xf32, #tpu.memory_space<vmem_shared>>
      %dma_wait3A_144 = tpu.memref_squeeze %dma_wait3A : memref<1x640xf32, #tpu.memory_space<vmem_shared>> -> memref<640xf32, #tpu.memory_space<vmem_shared>>
      %dma_wait3A_145 = tpu.memref_slice %arg9[%run_scoped3A_120, %mul3A_16] : memref<16x10240xf32, #tpu.memory_space<vmem_shared>> -> memref<1x640xf32, #tpu.memory_space<vmem_shared>>
      %dma_wait3A_146 = tpu.memref_squeeze %dma_wait3A_145 : memref<1x640xf32, #tpu.memory_space<vmem_shared>> -> memref<640xf32, #tpu.memory_space<vmem_shared>>
      tpu.wait_dma2 semaphore(%run_scoped3A_140 : memref<!tpu.dma_semaphore, #tpu.memory_space<semaphore_mem>>) src(%dma_wait3A_146 : memref<640xf32, #tpu.memory_space<vmem_shared>>) dst(%arg7 : memref<640xf32, #tpu.memory_space<vmem>>)
      tpu.yield
    }) : () -> ()
    %scan3A_121 = arith.constant 0 : i32
    %scan3A_122 = arith.constant 0 : i32
    %scan3A_123 = arith.constant 40 : i32
    %scan3A_124 = arith.addi %scan3A_122, %scan3A_123 : i32
    %scan3A_125 = arith.constant 1 : i32
    scf.for %scan3A_140 = %scan3A_122 to %scan3A_124 step %scan3A_125  : i32 {
      %mul3A_141 = arith.constant 16 : i32
      %mul3A_142 = arith.muli %scan3A_140, %mul3A_141 : i32
      %get3A = arith.index_cast %mul3A_142 : i32 to index
      %get3A_143 = tpu.vector_load %arg6[%get3A] {strides = array<i32>} : memref<640xf32, #tpu.memory_space<vmem>>, vector<16xf32>,
      %mul3A_144 = arith.constant 16 : i32
      %mul3A_145 = arith.muli %scan3A_140, %mul3A_144 : i32
      %get3A_146 = arith.index_cast %mul3A_145 : i32 to index
      %get3A_147 = tpu.vector_load %arg7[%get3A_146] {strides = array<i32>} : memref<640xf32, #tpu.memory_space<vmem>>, vector<16xf32>,
      %add3A = arith.addf %get3A_143, %get3A_147 : vector<16xf32>
      %mul3A_148 = arith.constant 16 : i32
      %mul3A_149 = arith.muli %scan3A_140, %mul3A_148 : i32
      %swap3A = arith.index_cast %mul3A_149 : i32 to index
      %swap3A_150 = tpu.vector_load %arg6[%swap3A] {strides = array<i32>} : memref<640xf32, #tpu.memory_space<vmem>>, vector<16xf32>,
      tpu.vector_store %arg6[%swap3A], %add3A {strides = array<i32>} : memref<640xf32, #tpu.memory_space<vmem>>, vector<16xf32>,
    }
    %scan3A_126 = arith.constant 40 : i32
    %run_scoped3A_127 = arith.constant 15 : i32
    "tpu.region"() ({
      %run_scoped3A_140 = tpu.sem_alloc : memref<!tpu.dma_semaphore, #tpu.memory_space<semaphore_mem>>
      %dma_start3A = tpu.memref_slice %arg9[%run_scoped3A_127, %mul3A_16] : memref<16x10240xf32, #tpu.memory_space<vmem_shared>> -> memref<1x640xf32, #tpu.memory_space<vmem_shared>>
      %dma_start3A_141 = tpu.memref_squeeze %dma_start3A : memref<1x640xf32, #tpu.memory_space<vmem_shared>> -> memref<640xf32, #tpu.memory_space<vmem_shared>>
      %dma_start3A_142 = tpu.memref_slice %arg9[%run_scoped3A_127, %mul3A_16] : memref<16x10240xf32, #tpu.memory_space<vmem_shared>> -> memref<1x640xf32, #tpu.memory_space<vmem_shared>>
      %dma_start3A_143 = tpu.memref_squeeze %dma_start3A_142 : memref<1x640xf32, #tpu.memory_space<vmem_shared>> -> memref<640xf32, #tpu.memory_space<vmem_shared>>
      tpu.enqueue_dma source(%dma_start3A_143 : memref<640xf32, #tpu.memory_space<vmem_shared>>) target(%arg7 : memref<640xf32, #tpu.memory_space<vmem>>) target_semaphore(%run_scoped3A_140 : memref<!tpu.dma_semaphore, #tpu.memory_space<semaphore_mem>>)
      %dma_wait3A = tpu.memref_slice %arg9[%run_scoped3A_127, %mul3A_16] : memref<16x10240xf32, #tpu.memory_space<vmem_shared>> -> memref<1x640xf32, #tpu.memory_space<vmem_shared>>
      %dma_wait3A_144 = tpu.memref_squeeze %dma_wait3A : memref<1x640xf32, #tpu.memory_space<vmem_shared>> -> memref<640xf32, #tpu.memory_space<vmem_shared>>
      %dma_wait3A_145 = tpu.memref_slice %arg9[%run_scoped3A_127, %mul3A_16] : memref<16x10240xf32, #tpu.memory_space<vmem_shared>> -> memref<1x640xf32, #tpu.memory_space<vmem_shared>>
      %dma_wait3A_146 = tpu.memref_squeeze %dma_wait3A_145 : memref<1x640xf32, #tpu.memory_space<vmem_shared>> -> memref<640xf32, #tpu.memory_space<vmem_shared>>
      tpu.wait_dma2 semaphore(%run_scoped3A_140 : memref<!tpu.dma_semaphore, #tpu.memory_space<semaphore_mem>>) src(%dma_wait3A_146 : memref<640xf32, #tpu.memory_space<vmem_shared>>) dst(%arg7 : memref<640xf32, #tpu.memory_space<vmem>>)
      tpu.yield
    }) : () -> ()
    %scan3A_128 = arith.constant 0 : i32
    %scan3A_129 = arith.constant 0 : i32
    %scan3A_130 = arith.constant 40 : i32
    %scan3A_131 = arith.addi %scan3A_129, %scan3A_130 : i32
    %scan3A_132 = arith.constant 1 : i32
    scf.for %scan3A_140 = %scan3A_129 to %scan3A_131 step %scan3A_132  : i32 {
      %mul3A_141 = arith.constant 16 : i32
      %mul3A_142 = arith.muli %scan3A_140, %mul3A_141 : i32
      %get3A = arith.index_cast %mul3A_142 : i32 to index
      %get3A_143 = tpu.vector_load %arg6[%get3A] {strides = array<i32>} : memref<640xf32, #tpu.memory_space<vmem>>, vector<16xf32>,
      %mul3A_144 = arith.constant 16 : i32
      %mul3A_145 = arith.muli %scan3A_140, %mul3A_144 : i32
      %get3A_146 = arith.index_cast %mul3A_145 : i32 to index
      %get3A_147 = tpu.vector_load %arg7[%get3A_146] {strides = array<i32>} : memref<640xf32, #tpu.memory_space<vmem>>, vector<16xf32>,
      %add3A = arith.addf %get3A_143, %get3A_147 : vector<16xf32>
      %mul3A_148 = arith.constant 16 : i32
      %mul3A_149 = arith.muli %scan3A_140, %mul3A_148 : i32
      %swap3A = arith.index_cast %mul3A_149 : i32 to index
      %swap3A_150 = tpu.vector_load %arg6[%swap3A] {strides = array<i32>} : memref<640xf32, #tpu.memory_space<vmem>>, vector<16xf32>,
      tpu.vector_store %arg6[%swap3A], %add3A {strides = array<i32>} : memref<640xf32, #tpu.memory_space<vmem>>, vector<16xf32>,
    }
    %scan3A_133 = arith.constant 40 : i32
    %scan3A_134 = arith.constant 0 : i32
    %scan3A_135 = arith.constant 0 : i32
    %scan3A_136 = arith.constant 40 : i32
    %scan3A_137 = arith.addi %scan3A_135, %scan3A_136 : i32
    %scan3A_138 = arith.constant 1 : i32
    scf.for %scan3A_140 = %scan3A_135 to %scan3A_137 step %scan3A_138  : i32 {
      %mul3A_141 = arith.constant 16 : i32
      %mul3A_142 = arith.muli %scan3A_140, %mul3A_141 : i32
      %get3A = arith.index_cast %mul3A_142 : i32 to index
      %get3A_143 = tpu.vector_load %arg6[%get3A] {strides = array<i32>} : memref<640xf32, #tpu.memory_space<vmem>>, vector<16xf32>,
      %slice3A = vector.extract_strided_slice %get3A_143 {offsets = [0], sizes = [1], strides = [1]} : vector<16xf32> to vector<1xf32>
      %squeeze3A = vector.extract %slice3A[0] : f32 from vector<1xf32>
      %broadcast_in_dim3A_144 = vector.broadcast %squeeze3A : f32 to vector<16xf32>
      %mul3A_145 = arith.constant 16 : i32
      %mul3A_146 = arith.muli %scan3A_140, %mul3A_145 : i32
      %add3A = arith.constant 0 : i32
      %add3A_147 = arith.addi %mul3A_146, %add3A : i32
      %swap3A = arith.index_cast %add3A_147 : i32 to index
      %swap3A_148 = arith.constant 0 : index
      %swap3A_149 = tpu.vector_load %arg8[%swap3A, %swap3A_148] {strides = array<i32>} : memref<640x128xf32, #tpu.memory_space<vmem>>, vector<16xf32>,
      tpu.vector_store %arg8[%swap3A, %swap3A_148], %broadcast_in_dim3A_144 {strides = array<i32>} : memref<640x128xf32, #tpu.memory_space<vmem>>, vector<16xf32>,
      %mul3A_150 = arith.constant 16 : i32
      %mul3A_151 = arith.muli %scan3A_140, %mul3A_150 : i32
      %add3A_152 = arith.constant 0 : i32
      %add3A_153 = arith.addi %mul3A_151, %add3A_152 : i32
      %swap3A_154 = arith.index_cast %add3A_153 : i32 to index
      %swap3A_155 = arith.constant 16 : index
      %swap3A_156 = tpu.vector_load %arg8[%swap3A_154, %swap3A_155] {strides = array<i32>} : memref<640x128xf32, #tpu.memory_space<vmem>>, vector<16xf32>,
      tpu.vector_store %arg8[%swap3A_154, %swap3A_155], %broadcast_in_dim3A_144 {strides = array<i32>} : memref<640x128xf32, #tpu.memory_space<vmem>>, vector<16xf32>,
      %mul3A_157 = arith.constant 16 : i32
      %mul3A_158 = arith.muli %scan3A_140, %mul3A_157 : i32
      %add3A_159 = arith.constant 0 : i32
      %add3A_160 = arith.addi %mul3A_158, %add3A_159 : i32
      %swap3A_161 = arith.index_cast %add3A_160 : i32 to index
      %swap3A_162 = arith.constant 32 : index
      %swap3A_163 = tpu.vector_load %arg8[%swap3A_161, %swap3A_162] {strides = array<i32>} : memref<640x128xf32, #tpu.memory_space<vmem>>, vector<16xf32>,
      tpu.vector_store %arg8[%swap3A_161, %swap3A_162], %broadcast_in_dim3A_144 {strides = array<i32>} : memref<640x128xf32, #tpu.memory_space<vmem>>, vector<16xf32>,
      %mul3A_164 = arith.constant 16 : i32
      %mul3A_165 = arith.muli %scan3A_140, %mul3A_164 : i32
      %add3A_166 = arith.constant 0 : i32
      %add3A_167 = arith.addi %mul3A_165, %add3A_166 : i32
      %swap3A_168 = arith.index_cast %add3A_167 : i32 to index
      %swap3A_169 = arith.constant 48 : index
      %swap3A_170 = tpu.vector_load %arg8[%swap3A_168, %swap3A_169] {strides = array<i32>} : memref<640x128xf32, #tpu.memory_space<vmem>>, vector<16xf32>,
      tpu.vector_store %arg8[%swap3A_168, %swap3A_169], %broadcast_in_dim3A_144 {strides = array<i32>} : memref<640x128xf32, #tpu.memory_space<vmem>>, vector<16xf32>,
      %mul3A_171 = arith.constant 16 : i32
      %mul3A_172 = arith.muli %scan3A_140, %mul3A_171 : i32
      %add3A_173 = arith.constant 0 : i32
      %add3A_174 = arith.addi %mul3A_172, %add3A_173 : i32
      %swap3A_175 = arith.index_cast %add3A_174 : i32 to index
      %swap3A_176 = arith.constant 64 : index
      %swap3A_177 = tpu.vector_load %arg8[%swap3A_175, %swap3A_176] {strides = array<i32>} : memref<640x128xf32, #tpu.memory_space<vmem>>, vector<16xf32>,
      tpu.vector_store %arg8[%swap3A_175, %swap3A_176], %broadcast_in_dim3A_144 {strides = array<i32>} : memref<640x128xf32, #tpu.memory_space<vmem>>, vector<16xf32>,
      %mul3A_178 = arith.constant 16 : i32
      %mul3A_179 = arith.muli %scan3A_140, %mul3A_178 : i32
      %add3A_180 = arith.constant 0 : i32
      %add3A_181 = arith.addi %mul3A_179, %add3A_180 : i32
      %swap3A_182 = arith.index_cast %add3A_181 : i32 to index
      %swap3A_183 = arith.constant 80 : index
      %swap3A_184 = tpu.vector_load %arg8[%swap3A_182, %swap3A_183] {strides = array<i32>} : memref<640x128xf32, #tpu.memory_space<vmem>>, vector<16xf32>,
      tpu.vector_store %arg8[%swap3A_182, %swap3A_183], %broadcast_in_dim3A_144 {strides = array<i32>} : memref<640x128xf32, #tpu.memory_space<vmem>>, vector<16xf32>,
      %mul3A_185 = arith.constant 16 : i32
      %mul3A_186 = arith.muli %scan3A_140, %mul3A_185 : i32
      %add3A_187 = arith.constant 0 : i32
      %add3A_188 = arith.addi %mul3A_186, %add3A_187 : i32
      %swap3A_189 = arith.index_cast %add3A_188 : i32 to index
      %swap3A_190 = arith.constant 96 : index
      %swap3A_191 = tpu.vector_load %arg8[%swap3A_189, %swap3A_190] {strides = array<i32>} : memref<640x128xf32, #tpu.memory_space<vmem>>, vector<16xf32>,
      tpu.vector_store %arg8[%swap3A_189, %swap3A_190], %broadcast_in_dim3A_144 {strides = array<i32>} : memref<640x128xf32, #tpu.memory_space<vmem>>, vector<16xf32>,
      %mul3A_192 = arith.constant 16 : i32
      %mul3A_193 = arith.muli %scan3A_140, %mul3A_192 : i32
      %add3A_194 = arith.constant 0 : i32
      %add3A_195 = arith.addi %mul3A_193, %add3A_194 : i32
      %swap3A_196 = arith.index_cast %add3A_195 : i32 to index
      %swap3A_197 = arith.constant 112 : index
      %swap3A_198 = tpu.vector_load %arg8[%swap3A_196, %swap3A_197] {strides = array<i32>} : memref<640x128xf32, #tpu.memory_space<vmem>>, vector<16xf32>,
      tpu.vector_store %arg8[%swap3A_196, %swap3A_197], %broadcast_in_dim3A_144 {strides = array<i32>} : memref<640x128xf32, #tpu.memory_space<vmem>>, vector<16xf32>,
      %slice3A_199 = vector.extract_strided_slice %get3A_143 {offsets = [1], sizes = [1], strides = [1]} : vector<16xf32> to vector<1xf32>
      %squeeze3A_200 = vector.extract %slice3A_199[0] : f32 from vector<1xf32>
      %broadcast_in_dim3A_201 = vector.broadcast %squeeze3A_200 : f32 to vector<16xf32>
      %mul3A_202 = arith.constant 16 : i32
      %mul3A_203 = arith.muli %scan3A_140, %mul3A_202 : i32
      %add3A_204 = arith.constant 1 : i32
      %add3A_205 = arith.addi %mul3A_203, %add3A_204 : i32
      %swap3A_206 = arith.index_cast %add3A_205 : i32 to index
      %swap3A_207 = arith.constant 0 : index
      %swap3A_208 = tpu.vector_load %arg8[%swap3A_206, %swap3A_207] {strides = array<i32>} : memref<640x128xf32, #tpu.memory_space<vmem>>, vector<16xf32>,
      tpu.vector_store %arg8[%swap3A_206, %swap3A_207], %broadcast_in_dim3A_201 {strides = array<i32>} : memref<640x128xf32, #tpu.memory_space<vmem>>, vector<16xf32>,
      %mul3A_209 = arith.constant 16 : i32
      %mul3A_210 = arith.muli %scan3A_140, %mul3A_209 : i32
      %add3A_211 = arith.constant 1 : i32
      %add3A_212 = arith.addi %mul3A_210, %add3A_211 : i32
      %swap3A_213 = arith.index_cast %add3A_212 : i32 to index
      %swap3A_214 = arith.constant 16 : index
      %swap3A_215 = tpu.vector_load %arg8[%swap3A_213, %swap3A_214] {strides = array<i32>} : memref<640x128xf32, #tpu.memory_space<vmem>>, vector<16xf32>,
      tpu.vector_store %arg8[%swap3A_213, %swap3A_214], %broadcast_in_dim3A_201 {strides = array<i32>} : memref<640x128xf32, #tpu.memory_space<vmem>>, vector<16xf32>,
      %mul3A_216 = arith.constant 16 : i32
      %mul3A_217 = arith.muli %scan3A_140, %mul3A_216 : i32
      %add3A_218 = arith.constant 1 : i32
      %add3A_219 = arith.addi %mul3A_217, %add3A_218 : i32
      %swap3A_220 = arith.index_cast %add3A_219 : i32 to index
      %swap3A_221 = arith.constant 32 : index
      %swap3A_222 = tpu.vector_load %arg8[%swap3A_220, %swap3A_221] {strides = array<i32>} : memref<640x128xf32, #tpu.memory_space<vmem>>, vector<16xf32>,
      tpu.vector_store %arg8[%swap3A_220, %swap3A_221], %broadcast_in_dim3A_201 {strides = array<i32>} : memref<640x128xf32, #tpu.memory_space<vmem>>, vector<16xf32>,
      %mul3A_223 = arith.constant 16 : i32
      %mul3A_224 = arith.muli %scan3A_140, %mul3A_223 : i32
      %add3A_225 = arith.constant 1 : i32
      %add3A_226 = arith.addi %mul3A_224, %add3A_225 : i32
      %swap3A_227 = arith.index_cast %add3A_226 : i32 to index
      %swap3A_228 = arith.constant 48 : index
      %swap3A_229 = tpu.vector_load %arg8[%swap3A_227, %swap3A_228] {strides = array<i32>} : memref<640x128xf32, #tpu.memory_space<vmem>>, vector<16xf32>,
      tpu.vector_store %arg8[%swap3A_227, %swap3A_228], %broadcast_in_dim3A_201 {strides = array<i32>} : memref<640x128xf32, #tpu.memory_space<vmem>>, vector<16xf32>,
      %mul3A_230 = arith.constant 16 : i32
      %mul3A_231 = arith.muli %scan3A_140, %mul3A_230 : i32
      %add3A_232 = arith.constant 1 : i32
      %add3A_233 = arith.addi %mul3A_231, %add3A_232 : i32
      %swap3A_234 = arith.index_cast %add3A_233 : i32 to index
      %swap3A_235 = arith.constant 64 : index
      %swap3A_236 = tpu.vector_load %arg8[%swap3A_234, %swap3A_235] {strides = array<i32>} : memref<640x128xf32, #tpu.memory_space<vmem>>, vector<16xf32>,
      tpu.vector_store %arg8[%swap3A_234, %swap3A_235], %broadcast_in_dim3A_201 {strides = array<i32>} : memref<640x128xf32, #tpu.memory_space<vmem>>, vector<16xf32>,
      %mul3A_237 = arith.constant 16 : i32
      %mul3A_238 = arith.muli %scan3A_140, %mul3A_237 : i32
      %add3A_239 = arith.constant 1 : i32
      %add3A_240 = arith.addi %mul3A_238, %add3A_239 : i32
      %swap3A_241 = arith.index_cast %add3A_240 : i32 to index
      %swap3A_242 = arith.constant 80 : index
      %swap3A_243 = tpu.vector_load %arg8[%swap3A_241, %swap3A_242] {strides = array<i32>} : memref<640x128xf32, #tpu.memory_space<vmem>>, vector<16xf32>,
      tpu.vector_store %arg8[%swap3A_241, %swap3A_242], %broadcast_in_dim3A_201 {strides = array<i32>} : memref<640x128xf32, #tpu.memory_space<vmem>>, vector<16xf32>,
      %mul3A_244 = arith.constant 16 : i32
      %mul3A_245 = arith.muli %scan3A_140, %mul3A_244 : i32
      %add3A_246 = arith.constant 1 : i32
      %add3A_247 = arith.addi %mul3A_245, %add3A_246 : i32
      %swap3A_248 = arith.index_cast %add3A_247 : i32 to index
      %swap3A_249 = arith.constant 96 : index
      %swap3A_250 = tpu.vector_load %arg8[%swap3A_248, %swap3A_249] {strides = array<i32>} : memref<640x128xf32, #tpu.memory_space<vmem>>, vector<16xf32>,
      tpu.vector_store %arg8[%swap3A_248, %swap3A_249], %broadcast_in_dim3A_201 {strides = array<i32>} : memref<640x128xf32, #tpu.memory_space<vmem>>, vector<16xf32>,
      %mul3A_251 = arith.constant 16 : i32
      %mul3A_252 = arith.muli %scan3A_140, %mul3A_251 : i32
      %add3A_253 = arith.constant 1 : i32
      %add3A_254 = arith.addi %mul3A_252, %add3A_253 : i32
      %swap3A_255 = arith.index_cast %add3A_254 : i32 to index
      %swap3A_256 = arith.constant 112 : index
      %swap3A_257 = tpu.vector_load %arg8[%swap3A_255, %swap3A_256] {strides = array<i32>} : memref<640x128xf32, #tpu.memory_space<vmem>>, vector<16xf32>,
      tpu.vector_store %arg8[%swap3A_255, %swap3A_256], %broadcast_in_dim3A_201 {strides = array<i32>} : memref<640x128xf32, #tpu.memory_space<vmem>>, vector<16xf32>,
      %slice3A_258 = vector.extract_strided_slice %get3A_143 {offsets = [2], sizes = [1], strides = [1]} : vector<16xf32> to vector<1xf32>
      %squeeze3A_259 = vector.extract %slice3A_258[0] : f32 from vector<1xf32>
      %broadcast_in_dim3A_260 = vector.broadcast %squeeze3A_259 : f32 to vector<16xf32>
      %mul3A_261 = arith.constant 16 : i32
      %mul3A_262 = arith.muli %scan3A_140, %mul3A_261 : i32
      %add3A_263 = arith.constant 2 : i32
      %add3A_264 = arith.addi %mul3A_262, %add3A_263 : i32
      %swap3A_265 = arith.index_cast %add3A_264 : i32 to index
      %swap3A_266 = arith.constant 0 : index
      %swap3A_267 = tpu.vector_load %arg8[%swap3A_265, %swap3A_266] {strides = array<i32>} : memref<640x128xf32, #tpu.memory_space<vmem>>, vector<16xf32>,
      tpu.vector_store %arg8[%swap3A_265, %swap3A_266], %broadcast_in_dim3A_260 {strides = array<i32>} : memref<640x128xf32, #tpu.memory_space<vmem>>, vector<16xf32>,
      %mul3A_268 = arith.constant 16 : i32
      %mul3A_269 = arith.muli %scan3A_140, %mul3A_268 : i32
      %add3A_270 = arith.constant 2 : i32
      %add3A_271 = arith.addi %mul3A_269, %add3A_270 : i32
      %swap3A_272 = arith.index_cast %add3A_271 : i32 to index
      %swap3A_273 = arith.constant 16 : index
      %swap3A_274 = tpu.vector_load %arg8[%swap3A_272, %swap3A_273] {strides = array<i32>} : memref<640x128xf32, #tpu.memory_space<vmem>>, vector<16xf32>,
      tpu.vector_store %arg8[%swap3A_272, %swap3A_273], %broadcast_in_dim3A_260 {strides = array<i32>} : memref<640x128xf32, #tpu.memory_space<vmem>>, vector<16xf32>,
      %mul3A_275 = arith.constant 16 : i32
      %mul3A_276 = arith.muli %scan3A_140, %mul3A_275 : i32
      %add3A_277 = arith.constant 2 : i32
      %add3A_278 = arith.addi %mul3A_276, %add3A_277 : i32
      %swap3A_279 = arith.index_cast %add3A_278 : i32 to index
      %swap3A_280 = arith.constant 32 : index
      %swap3A_281 = tpu.vector_load %arg8[%swap3A_279, %swap3A_280] {strides = array<i32>} : memref<640x128xf32, #tpu.memory_space<vmem>>, vector<16xf32>,
      tpu.vector_store %arg8[%swap3A_279, %swap3A_280], %broadcast_in_dim3A_260 {strides = array<i32>} : memref<640x128xf32, #tpu.memory_space<vmem>>, vector<16xf32>,
      %mul3A_282 = arith.constant 16 : i32
      %mul3A_283 = arith.muli %scan3A_140, %mul3A_282 : i32
      %add3A_284 = arith.constant 2 : i32
      %add3A_285 = arith.addi %mul3A_283, %add3A_284 : i32
      %swap3A_286 = arith.index_cast %add3A_285 : i32 to index
      %swap3A_287 = arith.constant 48 : index
      %swap3A_288 = tpu.vector_load %arg8[%swap3A_286, %swap3A_287] {strides = array<i32>} : memref<640x128xf32, #tpu.memory_space<vmem>>, vector<16xf32>,
      tpu.vector_store %arg8[%swap3A_286, %swap3A_287], %broadcast_in_dim3A_260 {strides = array<i32>} : memref<640x128xf32, #tpu.memory_space<vmem>>, vector<16xf32>,
      %mul3A_289 = arith.constant 16 : i32
      %mul3A_290 = arith.muli %scan3A_140, %mul3A_289 : i32
      %add3A_291 = arith.constant 2 : i32
      %add3A_292 = arith.addi %mul3A_290, %add3A_291 : i32
      %swap3A_293 = arith.index_cast %add3A_292 : i32 to index
      %swap3A_294 = arith.constant 64 : index
      %swap3A_295 = tpu.vector_load %arg8[%swap3A_293, %swap3A_294] {strides = array<i32>} : memref<640x128xf32, #tpu.memory_space<vmem>>, vector<16xf32>,
      tpu.vector_store %arg8[%swap3A_293, %swap3A_294], %broadcast_in_dim3A_260 {strides = array<i32>} : memref<640x128xf32, #tpu.memory_space<vmem>>, vector<16xf32>,
      %mul3A_296 = arith.constant 16 : i32
      %mul3A_297 = arith.muli %scan3A_140, %mul3A_296 : i32
      %add3A_298 = arith.constant 2 : i32
      %add3A_299 = arith.addi %mul3A_297, %add3A_298 : i32
      %swap3A_300 = arith.index_cast %add3A_299 : i32 to index
      %swap3A_301 = arith.constant 80 : index
      %swap3A_302 = tpu.vector_load %arg8[%swap3A_300, %swap3A_301] {strides = array<i32>} : memref<640x128xf32, #tpu.memory_space<vmem>>, vector<16xf32>,
      tpu.vector_store %arg8[%swap3A_300, %swap3A_301], %broadcast_in_dim3A_260 {strides = array<i32>} : memref<640x128xf32, #tpu.memory_space<vmem>>, vector<16xf32>,
      %mul3A_303 = arith.constant 16 : i32
      %mul3A_304 = arith.muli %scan3A_140, %mul3A_303 : i32
      %add3A_305 = arith.constant 2 : i32
      %add3A_306 = arith.addi %mul3A_304, %add3A_305 : i32
      %swap3A_307 = arith.index_cast %add3A_306 : i32 to index
      %swap3A_308 = arith.constant 96 : index
      %swap3A_309 = tpu.vector_load %arg8[%swap3A_307, %swap3A_308] {strides = array<i32>} : memref<640x128xf32, #tpu.memory_space<vmem>>, vector<16xf32>,
      tpu.vector_store %arg8[%swap3A_307, %swap3A_308], %broadcast_in_dim3A_260 {strides = array<i32>} : memref<640x128xf32, #tpu.memory_space<vmem>>, vector<16xf32>,
      %mul3A_310 = arith.constant 16 : i32
      %mul3A_311 = arith.muli %scan3A_140, %mul3A_310 : i32
      %add3A_312 = arith.constant 2 : i32
      %add3A_313 = arith.addi %mul3A_311, %add3A_312 : i32
      %swap3A_314 = arith.index_cast %add3A_313 : i32 to index
      %swap3A_315 = arith.constant 112 : index
      %swap3A_316 = tpu.vector_load %arg8[%swap3A_314, %swap3A_315] {strides = array<i32>} : memref<640x128xf32, #tpu.memory_space<vmem>>, vector<16xf32>,
      tpu.vector_store %arg8[%swap3A_314, %swap3A_315], %broadcast_in_dim3A_260 {strides = array<i32>} : memref<640x128xf32, #tpu.memory_space<vmem>>, vector<16xf32>,
      %slice3A_317 = vector.extract_strided_slice %get3A_143 {offsets = [3], sizes = [1], strides = [1]} : vector<16xf32> to vector<1xf32>
      %squeeze3A_318 = vector.extract %slice3A_317[0] : f32 from vector<1xf32>
      %broadcast_in_dim3A_319 = vector.broadcast %squeeze3A_318 : f32 to vector<16xf32>
      %mul3A_320 = arith.constant 16 : i32
      %mul3A_321 = arith.muli %scan3A_140, %mul3A_320 : i32
      %add3A_322 = arith.constant 3 : i32
      %add3A_323 = arith.addi %mul3A_321, %add3A_322 : i32
      %swap3A_324 = arith.index_cast %add3A_323 : i32 to index
      %swap3A_325 = arith.constant 0 : index
      %swap3A_326 = tpu.vector_load %arg8[%swap3A_324, %swap3A_325] {strides = array<i32>} : memref<640x128xf32, #tpu.memory_space<vmem>>, vector<16xf32>,
      tpu.vector_store %arg8[%swap3A_324, %swap3A_325], %broadcast_in_dim3A_319 {strides = array<i32>} : memref<640x128xf32, #tpu.memory_space<vmem>>, vector<16xf32>,
      %mul3A_327 = arith.constant 16 : i32
      %mul3A_328 = arith.muli %scan3A_140, %mul3A_327 : i32
      %add3A_329 = arith.constant 3 : i32
      %add3A_330 = arith.addi %mul3A_328, %add3A_329 : i32
      %swap3A_331 = arith.index_cast %add3A_330 : i32 to index
      %swap3A_332 = arith.constant 16 : index
      %swap3A_333 = tpu.vector_load %arg8[%swap3A_331, %swap3A_332] {strides = array<i32>} : memref<640x128xf32, #tpu.memory_space<vmem>>, vector<16xf32>,
      tpu.vector_store %arg8[%swap3A_331, %swap3A_332], %broadcast_in_dim3A_319 {strides = array<i32>} : memref<640x128xf32, #tpu.memory_space<vmem>>, vector<16xf32>,
      %mul3A_334 = arith.constant 16 : i32
      %mul3A_335 = arith.muli %scan3A_140, %mul3A_334 : i32
      %add3A_336 = arith.constant 3 : i32
      %add3A_337 = arith.addi %mul3A_335, %add3A_336 : i32
      %swap3A_338 = arith.index_cast %add3A_337 : i32 to index
      %swap3A_339 = arith.constant 32 : index
      %swap3A_340 = tpu.vector_load %arg8[%swap3A_338, %swap3A_339] {strides = array<i32>} : memref<640x128xf32, #tpu.memory_space<vmem>>, vector<16xf32>,
      tpu.vector_store %arg8[%swap3A_338, %swap3A_339], %broadcast_in_dim3A_319 {strides = array<i32>} : memref<640x128xf32, #tpu.memory_space<vmem>>, vector<16xf32>,
      %mul3A_341 = arith.constant 16 : i32
      %mul3A_342 = arith.muli %scan3A_140, %mul3A_341 : i32
      %add3A_343 = arith.constant 3 : i32
      %add3A_344 = arith.addi %mul3A_342, %add3A_343 : i32
      %swap3A_345 = arith.index_cast %add3A_344 : i32 to index
      %swap3A_346 = arith.constant 48 : index
      %swap3A_347 = tpu.vector_load %arg8[%swap3A_345, %swap3A_346] {strides = array<i32>} : memref<640x128xf32, #tpu.memory_space<vmem>>, vector<16xf32>,
      tpu.vector_store %arg8[%swap3A_345, %swap3A_346], %broadcast_in_dim3A_319 {strides = array<i32>} : memref<640x128xf32, #tpu.memory_space<vmem>>, vector<16xf32>,
      %mul3A_348 = arith.constant 16 : i32
      %mul3A_349 = arith.muli %scan3A_140, %mul3A_348 : i32
      %add3A_350 = arith.constant 3 : i32
      %add3A_351 = arith.addi %mul3A_349, %add3A_350 : i32
      %swap3A_352 = arith.index_cast %add3A_351 : i32 to index
      %swap3A_353 = arith.constant 64 : index
      %swap3A_354 = tpu.vector_load %arg8[%swap3A_352, %swap3A_353] {strides = array<i32>} : memref<640x128xf32, #tpu.memory_space<vmem>>, vector<16xf32>,
      tpu.vector_store %arg8[%swap3A_352, %swap3A_353], %broadcast_in_dim3A_319 {strides = array<i32>} : memref<640x128xf32, #tpu.memory_space<vmem>>, vector<16xf32>,
      %mul3A_355 = arith.constant 16 : i32
      %mul3A_356 = arith.muli %scan3A_140, %mul3A_355 : i32
      %add3A_357 = arith.constant 3 : i32
      %add3A_358 = arith.addi %mul3A_356, %add3A_357 : i32
      %swap3A_359 = arith.index_cast %add3A_358 : i32 to index
      %swap3A_360 = arith.constant 80 : index
      %swap3A_361 = tpu.vector_load %arg8[%swap3A_359, %swap3A_360] {strides = array<i32>} : memref<640x128xf32, #tpu.memory_space<vmem>>, vector<16xf32>,
      tpu.vector_store %arg8[%swap3A_359, %swap3A_360], %broadcast_in_dim3A_319 {strides = array<i32>} : memref<640x128xf32, #tpu.memory_space<vmem>>, vector<16xf32>,
      %mul3A_362 = arith.constant 16 : i32
      %mul3A_363 = arith.muli %scan3A_140, %mul3A_362 : i32
      %add3A_364 = arith.constant 3 : i32
      %add3A_365 = arith.addi %mul3A_363, %add3A_364 : i32
      %swap3A_366 = arith.index_cast %add3A_365 : i32 to index
      %swap3A_367 = arith.constant 96 : index
      %swap3A_368 = tpu.vector_load %arg8[%swap3A_366, %swap3A_367] {strides = array<i32>} : memref<640x128xf32, #tpu.memory_space<vmem>>, vector<16xf32>,
      tpu.vector_store %arg8[%swap3A_366, %swap3A_367], %broadcast_in_dim3A_319 {strides = array<i32>} : memref<640x128xf32, #tpu.memory_space<vmem>>, vector<16xf32>,
      %mul3A_369 = arith.constant 16 : i32
      %mul3A_370 = arith.muli %scan3A_140, %mul3A_369 : i32
      %add3A_371 = arith.constant 3 : i32
      %add3A_372 = arith.addi %mul3A_370, %add3A_371 : i32
      %swap3A_373 = arith.index_cast %add3A_372 : i32 to index
      %swap3A_374 = arith.constant 112 : index
      %swap3A_375 = tpu.vector_load %arg8[%swap3A_373, %swap3A_374] {strides = array<i32>} : memref<640x128xf32, #tpu.memory_space<vmem>>, vector<16xf32>,
      tpu.vector_store %arg8[%swap3A_373, %swap3A_374], %broadcast_in_dim3A_319 {strides = array<i32>} : memref<640x128xf32, #tpu.memory_space<vmem>>, vector<16xf32>,
      %slice3A_376 = vector.extract_strided_slice %get3A_143 {offsets = [4], sizes = [1], strides = [1]} : vector<16xf32> to vector<1xf32>
      %squeeze3A_377 = vector.extract %slice3A_376[0] : f32 from vector<1xf32>
      %broadcast_in_dim3A_378 = vector.broadcast %squeeze3A_377 : f32 to vector<16xf32>
      %mul3A_379 = arith.constant 16 : i32
      %mul3A_380 = arith.muli %scan3A_140, %mul3A_379 : i32
      %add3A_381 = arith.constant 4 : i32
      %add3A_382 = arith.addi %mul3A_380, %add3A_381 : i32
      %swap3A_383 = arith.index_cast %add3A_382 : i32 to index
      %swap3A_384 = arith.constant 0 : index
      %swap3A_385 = tpu.vector_load %arg8[%swap3A_383, %swap3A_384] {strides = array<i32>} : memref<640x128xf32, #tpu.memory_space<vmem>>, vector<16xf32>,
      tpu.vector_store %arg8[%swap3A_383, %swap3A_384], %broadcast_in_dim3A_378 {strides = array<i32>} : memref<640x128xf32, #tpu.memory_space<vmem>>, vector<16xf32>,
      %mul3A_386 = arith.constant 16 : i32
      %mul3A_387 = arith.muli %scan3A_140, %mul3A_386 : i32
      %add3A_388 = arith.constant 4 : i32
      %add3A_389 = arith.addi %mul3A_387, %add3A_388 : i32
      %swap3A_390 = arith.index_cast %add3A_389 : i32 to index
      %swap3A_391 = arith.constant 16 : index
      %swap3A_392 = tpu.vector_load %arg8[%swap3A_390, %swap3A_391] {strides = array<i32>} : memref<640x128xf32, #tpu.memory_space<vmem>>, vector<16xf32>,
      tpu.vector_store %arg8[%swap3A_390, %swap3A_391], %broadcast_in_dim3A_378 {strides = array<i32>} : memref<640x128xf32, #tpu.memory_space<vmem>>, vector<16xf32>,
      %mul3A_393 = arith.constant 16 : i32
      %mul3A_394 = arith.muli %scan3A_140, %mul3A_393 : i32
      %add3A_395 = arith.constant 4 : i32
      %add3A_396 = arith.addi %mul3A_394, %add3A_395 : i32
      %swap3A_397 = arith.index_cast %add3A_396 : i32 to index
      %swap3A_398 = arith.constant 32 : index
      %swap3A_399 = tpu.vector_load %arg8[%swap3A_397, %swap3A_398] {strides = array<i32>} : memref<640x128xf32, #tpu.memory_space<vmem>>, vector<16xf32>,
      tpu.vector_store %arg8[%swap3A_397, %swap3A_398], %broadcast_in_dim3A_378 {strides = array<i32>} : memref<640x128xf32, #tpu.memory_space<vmem>>, vector<16xf32>,
      %mul3A_400 = arith.constant 16 : i32
      %mul3A_401 = arith.muli %scan3A_140, %mul3A_400 : i32
      %add3A_402 = arith.constant 4 : i32
      %add3A_403 = arith.addi %mul3A_401, %add3A_402 : i32
      %swap3A_404 = arith.index_cast %add3A_403 : i32 to index
      %swap3A_405 = arith.constant 48 : index
      %swap3A_406 = tpu.vector_load %arg8[%swap3A_404, %swap3A_405] {strides = array<i32>} : memref<640x128xf32, #tpu.memory_space<vmem>>, vector<16xf32>,
      tpu.vector_store %arg8[%swap3A_404, %swap3A_405], %broadcast_in_dim3A_378 {strides = array<i32>} : memref<640x128xf32, #tpu.memory_space<vmem>>, vector<16xf32>,
      %mul3A_407 = arith.constant 16 : i32
      %mul3A_408 = arith.muli %scan3A_140, %mul3A_407 : i32
      %add3A_409 = arith.constant 4 : i32
      %add3A_410 = arith.addi %mul3A_408, %add3A_409 : i32
      %swap3A_411 = arith.index_cast %add3A_410 : i32 to index
      %swap3A_412 = arith.constant 64 : index
      %swap3A_413 = tpu.vector_load %arg8[%swap3A_411, %swap3A_412] {strides = array<i32>} : memref<640x128xf32, #tpu.memory_space<vmem>>, vector<16xf32>,
      tpu.vector_store %arg8[%swap3A_411, %swap3A_412], %broadcast_in_dim3A_378 {strides = array<i32>} : memref<640x128xf32, #tpu.memory_space<vmem>>, vector<16xf32>,
      %mul3A_414 = arith.constant 16 : i32
      %mul3A_415 = arith.muli %scan3A_140, %mul3A_414 : i32
      %add3A_416 = arith.constant 4 : i32
      %add3A_417 = arith.addi %mul3A_415, %add3A_416 : i32
      %swap3A_418 = arith.index_cast %add3A_417 : i32 to index
      %swap3A_419 = arith.constant 80 : index
      %swap3A_420 = tpu.vector_load %arg8[%swap3A_418, %swap3A_419] {strides = array<i32>} : memref<640x128xf32, #tpu.memory_space<vmem>>, vector<16xf32>,
      tpu.vector_store %arg8[%swap3A_418, %swap3A_419], %broadcast_in_dim3A_378 {strides = array<i32>} : memref<640x128xf32, #tpu.memory_space<vmem>>, vector<16xf32>,
      %mul3A_421 = arith.constant 16 : i32
      %mul3A_422 = arith.muli %scan3A_140, %mul3A_421 : i32
      %add3A_423 = arith.constant 4 : i32
      %add3A_424 = arith.addi %mul3A_422, %add3A_423 : i32
      %swap3A_425 = arith.index_cast %add3A_424 : i32 to index
      %swap3A_426 = arith.constant 96 : index
      %swap3A_427 = tpu.vector_load %arg8[%swap3A_425, %swap3A_426] {strides = array<i32>} : memref<640x128xf32, #tpu.memory_space<vmem>>, vector<16xf32>,
      tpu.vector_store %arg8[%swap3A_425, %swap3A_426], %broadcast_in_dim3A_378 {strides = array<i32>} : memref<640x128xf32, #tpu.memory_space<vmem>>, vector<16xf32>,
      %mul3A_428 = arith.constant 16 : i32
      %mul3A_429 = arith.muli %scan3A_140, %mul3A_428 : i32
      %add3A_430 = arith.constant 4 : i32
      %add3A_431 = arith.addi %mul3A_429, %add3A_430 : i32
      %swap3A_432 = arith.index_cast %add3A_431 : i32 to index
      %swap3A_433 = arith.constant 112 : index
      %swap3A_434 = tpu.vector_load %arg8[%swap3A_432, %swap3A_433] {strides = array<i32>} : memref<640x128xf32, #tpu.memory_space<vmem>>, vector<16xf32>,
      tpu.vector_store %arg8[%swap3A_432, %swap3A_433], %broadcast_in_dim3A_378 {strides = array<i32>} : memref<640x128xf32, #tpu.memory_space<vmem>>, vector<16xf32>,
      %slice3A_435 = vector.extract_strided_slice %get3A_143 {offsets = [5], sizes = [1], strides = [1]} : vector<16xf32> to vector<1xf32>
      %squeeze3A_436 = vector.extract %slice3A_435[0] : f32 from vector<1xf32>
      %broadcast_in_dim3A_437 = vector.broadcast %squeeze3A_436 : f32 to vector<16xf32>
      %mul3A_438 = arith.constant 16 : i32
      %mul3A_439 = arith.muli %scan3A_140, %mul3A_438 : i32
      %add3A_440 = arith.constant 5 : i32
      %add3A_441 = arith.addi %mul3A_439, %add3A_440 : i32
      %swap3A_442 = arith.index_cast %add3A_441 : i32 to index
      %swap3A_443 = arith.constant 0 : index
      %swap3A_444 = tpu.vector_load %arg8[%swap3A_442, %swap3A_443] {strides = array<i32>} : memref<640x128xf32, #tpu.memory_space<vmem>>, vector<16xf32>,
      tpu.vector_store %arg8[%swap3A_442, %swap3A_443], %broadcast_in_dim3A_437 {strides = array<i32>} : memref<640x128xf32, #tpu.memory_space<vmem>>, vector<16xf32>,
      %mul3A_445 = arith.constant 16 : i32
      %mul3A_446 = arith.muli %scan3A_140, %mul3A_445 : i32
      %add3A_447 = arith.constant 5 : i32
      %add3A_448 = arith.addi %mul3A_446, %add3A_447 : i32
      %swap3A_449 = arith.index_cast %add3A_448 : i32 to index
      %swap3A_450 = arith.constant 16 : index
      %swap3A_451 = tpu.vector_load %arg8[%swap3A_449, %swap3A_450] {strides = array<i32>} : memref<640x128xf32, #tpu.memory_space<vmem>>, vector<16xf32>,
      tpu.vector_store %arg8[%swap3A_449, %swap3A_450], %broadcast_in_dim3A_437 {strides = array<i32>} : memref<640x128xf32, #tpu.memory_space<vmem>>, vector<16xf32>,
      %mul3A_452 = arith.constant 16 : i32
      %mul3A_453 = arith.muli %scan3A_140, %mul3A_452 : i32
      %add3A_454 = arith.constant 5 : i32
      %add3A_455 = arith.addi %mul3A_453, %add3A_454 : i32
      %swap3A_456 = arith.index_cast %add3A_455 : i32 to index
      %swap3A_457 = arith.constant 32 : index
      %swap3A_458 = tpu.vector_load %arg8[%swap3A_456, %swap3A_457] {strides = array<i32>} : memref<640x128xf32, #tpu.memory_space<vmem>>, vector<16xf32>,
      tpu.vector_store %arg8[%swap3A_456, %swap3A_457], %broadcast_in_dim3A_437 {strides = array<i32>} : memref<640x128xf32, #tpu.memory_space<vmem>>, vector<16xf32>,
      %mul3A_459 = arith.constant 16 : i32
      %mul3A_460 = arith.muli %scan3A_140, %mul3A_459 : i32
      %add3A_461 = arith.constant 5 : i32
      %add3A_462 = arith.addi %mul3A_460, %add3A_461 : i32
      %swap3A_463 = arith.index_cast %add3A_462 : i32 to index
      %swap3A_464 = arith.constant 48 : index
      %swap3A_465 = tpu.vector_load %arg8[%swap3A_463, %swap3A_464] {strides = array<i32>} : memref<640x128xf32, #tpu.memory_space<vmem>>, vector<16xf32>,
      tpu.vector_store %arg8[%swap3A_463, %swap3A_464], %broadcast_in_dim3A_437 {strides = array<i32>} : memref<640x128xf32, #tpu.memory_space<vmem>>, vector<16xf32>,
      %mul3A_466 = arith.constant 16 : i32
      %mul3A_467 = arith.muli %scan3A_140, %mul3A_466 : i32
      %add3A_468 = arith.constant 5 : i32
      %add3A_469 = arith.addi %mul3A_467, %add3A_468 : i32
      %swap3A_470 = arith.index_cast %add3A_469 : i32 to index
      %swap3A_471 = arith.constant 64 : index
      %swap3A_472 = tpu.vector_load %arg8[%swap3A_470, %swap3A_471] {strides = array<i32>} : memref<640x128xf32, #tpu.memory_space<vmem>>, vector<16xf32>,
      tpu.vector_store %arg8[%swap3A_470, %swap3A_471], %broadcast_in_dim3A_437 {strides = array<i32>} : memref<640x128xf32, #tpu.memory_space<vmem>>, vector<16xf32>,
      %mul3A_473 = arith.constant 16 : i32
      %mul3A_474 = arith.muli %scan3A_140, %mul3A_473 : i32
      %add3A_475 = arith.constant 5 : i32
      %add3A_476 = arith.addi %mul3A_474, %add3A_475 : i32
      %swap3A_477 = arith.index_cast %add3A_476 : i32 to index
      %swap3A_478 = arith.constant 80 : index
      %swap3A_479 = tpu.vector_load %arg8[%swap3A_477, %swap3A_478] {strides = array<i32>} : memref<640x128xf32, #tpu.memory_space<vmem>>, vector<16xf32>,
      tpu.vector_store %arg8[%swap3A_477, %swap3A_478], %broadcast_in_dim3A_437 {strides = array<i32>} : memref<640x128xf32, #tpu.memory_space<vmem>>, vector<16xf32>,
      %mul3A_480 = arith.constant 16 : i32
      %mul3A_481 = arith.muli %scan3A_140, %mul3A_480 : i32
      %add3A_482 = arith.constant 5 : i32
      %add3A_483 = arith.addi %mul3A_481, %add3A_482 : i32
      %swap3A_484 = arith.index_cast %add3A_483 : i32 to index
      %swap3A_485 = arith.constant 96 : index
      %swap3A_486 = tpu.vector_load %arg8[%swap3A_484, %swap3A_485] {strides = array<i32>} : memref<640x128xf32, #tpu.memory_space<vmem>>, vector<16xf32>,
      tpu.vector_store %arg8[%swap3A_484, %swap3A_485], %broadcast_in_dim3A_437 {strides = array<i32>} : memref<640x128xf32, #tpu.memory_space<vmem>>, vector<16xf32>,
      %mul3A_487 = arith.constant 16 : i32
      %mul3A_488 = arith.muli %scan3A_140, %mul3A_487 : i32
      %add3A_489 = arith.constant 5 : i32
      %add3A_490 = arith.addi %mul3A_488, %add3A_489 : i32
      %swap3A_491 = arith.index_cast %add3A_490 : i32 to index
      %swap3A_492 = arith.constant 112 : index
      %swap3A_493 = tpu.vector_load %arg8[%swap3A_491, %swap3A_492] {strides = array<i32>} : memref<640x128xf32, #tpu.memory_space<vmem>>, vector<16xf32>,
      tpu.vector_store %arg8[%swap3A_491, %swap3A_492], %broadcast_in_dim3A_437 {strides = array<i32>} : memref<640x128xf32, #tpu.memory_space<vmem>>, vector<16xf32>,
      %slice3A_494 = vector.extract_strided_slice %get3A_143 {offsets = [6], sizes = [1], strides = [1]} : vector<16xf32> to vector<1xf32>
      %squeeze3A_495 = vector.extract %slice3A_494[0] : f32 from vector<1xf32>
      %broadcast_in_dim3A_496 = vector.broadcast %squeeze3A_495 : f32 to vector<16xf32>
      %mul3A_497 = arith.constant 16 : i32
      %mul3A_498 = arith.muli %scan3A_140, %mul3A_497 : i32
      %add3A_499 = arith.constant 6 : i32
      %add3A_500 = arith.addi %mul3A_498, %add3A_499 : i32
      %swap3A_501 = arith.index_cast %add3A_500 : i32 to index
      %swap3A_502 = arith.constant 0 : index
      %swap3A_503 = tpu.vector_load %arg8[%swap3A_501, %swap3A_502] {strides = array<i32>} : memref<640x128xf32, #tpu.memory_space<vmem>>, vector<16xf32>,
      tpu.vector_store %arg8[%swap3A_501, %swap3A_502], %broadcast_in_dim3A_496 {strides = array<i32>} : memref<640x128xf32, #tpu.memory_space<vmem>>, vector<16xf32>,
      %mul3A_504 = arith.constant 16 : i32
      %mul3A_505 = arith.muli %scan3A_140, %mul3A_504 : i32
      %add3A_506 = arith.constant 6 : i32
      %add3A_507 = arith.addi %mul3A_505, %add3A_506 : i32
      %swap3A_508 = arith.index_cast %add3A_507 : i32 to index
      %swap3A_509 = arith.constant 16 : index
      %swap3A_510 = tpu.vector_load %arg8[%swap3A_508, %swap3A_509] {strides = array<i32>} : memref<640x128xf32, #tpu.memory_space<vmem>>, vector<16xf32>,
      tpu.vector_store %arg8[%swap3A_508, %swap3A_509], %broadcast_in_dim3A_496 {strides = array<i32>} : memref<640x128xf32, #tpu.memory_space<vmem>>, vector<16xf32>,
      %mul3A_511 = arith.constant 16 : i32
      %mul3A_512 = arith.muli %scan3A_140, %mul3A_511 : i32
      %add3A_513 = arith.constant 6 : i32
      %add3A_514 = arith.addi %mul3A_512, %add3A_513 : i32
      %swap3A_515 = arith.index_cast %add3A_514 : i32 to index
      %swap3A_516 = arith.constant 32 : index
      %swap3A_517 = tpu.vector_load %arg8[%swap3A_515, %swap3A_516] {strides = array<i32>} : memref<640x128xf32, #tpu.memory_space<vmem>>, vector<16xf32>,
      tpu.vector_store %arg8[%swap3A_515, %swap3A_516], %broadcast_in_dim3A_496 {strides = array<i32>} : memref<640x128xf32, #tpu.memory_space<vmem>>, vector<16xf32>,
      %mul3A_518 = arith.constant 16 : i32
      %mul3A_519 = arith.muli %scan3A_140, %mul3A_518 : i32
      %add3A_520 = arith.constant 6 : i32
      %add3A_521 = arith.addi %mul3A_519, %add3A_520 : i32
      %swap3A_522 = arith.index_cast %add3A_521 : i32 to index
      %swap3A_523 = arith.constant 48 : index
      %swap3A_524 = tpu.vector_load %arg8[%swap3A_522, %swap3A_523] {strides = array<i32>} : memref<640x128xf32, #tpu.memory_space<vmem>>, vector<16xf32>,
      tpu.vector_store %arg8[%swap3A_522, %swap3A_523], %broadcast_in_dim3A_496 {strides = array<i32>} : memref<640x128xf32, #tpu.memory_space<vmem>>, vector<16xf32>,
      %mul3A_525 = arith.constant 16 : i32
      %mul3A_526 = arith.muli %scan3A_140, %mul3A_525 : i32
      %add3A_527 = arith.constant 6 : i32
      %add3A_528 = arith.addi %mul3A_526, %add3A_527 : i32
      %swap3A_529 = arith.index_cast %add3A_528 : i32 to index
      %swap3A_530 = arith.constant 64 : index
      %swap3A_531 = tpu.vector_load %arg8[%swap3A_529, %swap3A_530] {strides = array<i32>} : memref<640x128xf32, #tpu.memory_space<vmem>>, vector<16xf32>,
      tpu.vector_store %arg8[%swap3A_529, %swap3A_530], %broadcast_in_dim3A_496 {strides = array<i32>} : memref<640x128xf32, #tpu.memory_space<vmem>>, vector<16xf32>,
      %mul3A_532 = arith.constant 16 : i32
      %mul3A_533 = arith.muli %scan3A_140, %mul3A_532 : i32
      %add3A_534 = arith.constant 6 : i32
      %add3A_535 = arith.addi %mul3A_533, %add3A_534 : i32
      %swap3A_536 = arith.index_cast %add3A_535 : i32 to index
      %swap3A_537 = arith.constant 80 : index
      %swap3A_538 = tpu.vector_load %arg8[%swap3A_536, %swap3A_537] {strides = array<i32>} : memref<640x128xf32, #tpu.memory_space<vmem>>, vector<16xf32>,
      tpu.vector_store %arg8[%swap3A_536, %swap3A_537], %broadcast_in_dim3A_496 {strides = array<i32>} : memref<640x128xf32, #tpu.memory_space<vmem>>, vector<16xf32>,
      %mul3A_539 = arith.constant 16 : i32
      %mul3A_540 = arith.muli %scan3A_140, %mul3A_539 : i32
      %add3A_541 = arith.constant 6 : i32
      %add3A_542 = arith.addi %mul3A_540, %add3A_541 : i32
      %swap3A_543 = arith.index_cast %add3A_542 : i32 to index
      %swap3A_544 = arith.constant 96 : index
      %swap3A_545 = tpu.vector_load %arg8[%swap3A_543, %swap3A_544] {strides = array<i32>} : memref<640x128xf32, #tpu.memory_space<vmem>>, vector<16xf32>,
      tpu.vector_store %arg8[%swap3A_543, %swap3A_544], %broadcast_in_dim3A_496 {strides = array<i32>} : memref<640x128xf32, #tpu.memory_space<vmem>>, vector<16xf32>,
      %mul3A_546 = arith.constant 16 : i32
      %mul3A_547 = arith.muli %scan3A_140, %mul3A_546 : i32
      %add3A_548 = arith.constant 6 : i32
      %add3A_549 = arith.addi %mul3A_547, %add3A_548 : i32
      %swap3A_550 = arith.index_cast %add3A_549 : i32 to index
      %swap3A_551 = arith.constant 112 : index
      %swap3A_552 = tpu.vector_load %arg8[%swap3A_550, %swap3A_551] {strides = array<i32>} : memref<640x128xf32, #tpu.memory_space<vmem>>, vector<16xf32>,
      tpu.vector_store %arg8[%swap3A_550, %swap3A_551], %broadcast_in_dim3A_496 {strides = array<i32>} : memref<640x128xf32, #tpu.memory_space<vmem>>, vector<16xf32>,
      %slice3A_553 = vector.extract_strided_slice %get3A_143 {offsets = [7], sizes = [1], strides = [1]} : vector<16xf32> to vector<1xf32>
      %squeeze3A_554 = vector.extract %slice3A_553[0] : f32 from vector<1xf32>
      %broadcast_in_dim3A_555 = vector.broadcast %squeeze3A_554 : f32 to vector<16xf32>
      %mul3A_556 = arith.constant 16 : i32
      %mul3A_557 = arith.muli %scan3A_140, %mul3A_556 : i32
      %add3A_558 = arith.constant 7 : i32
      %add3A_559 = arith.addi %mul3A_557, %add3A_558 : i32
      %swap3A_560 = arith.index_cast %add3A_559 : i32 to index
      %swap3A_561 = arith.constant 0 : index
      %swap3A_562 = tpu.vector_load %arg8[%swap3A_560, %swap3A_561] {strides = array<i32>} : memref<640x128xf32, #tpu.memory_space<vmem>>, vector<16xf32>,
      tpu.vector_store %arg8[%swap3A_560, %swap3A_561], %broadcast_in_dim3A_555 {strides = array<i32>} : memref<640x128xf32, #tpu.memory_space<vmem>>, vector<16xf32>,
      %mul3A_563 = arith.constant 16 : i32
      %mul3A_564 = arith.muli %scan3A_140, %mul3A_563 : i32
      %add3A_565 = arith.constant 7 : i32
      %add3A_566 = arith.addi %mul3A_564, %add3A_565 : i32
      %swap3A_567 = arith.index_cast %add3A_566 : i32 to index
      %swap3A_568 = arith.constant 16 : index
      %swap3A_569 = tpu.vector_load %arg8[%swap3A_567, %swap3A_568] {strides = array<i32>} : memref<640x128xf32, #tpu.memory_space<vmem>>, vector<16xf32>,
      tpu.vector_store %arg8[%swap3A_567, %swap3A_568], %broadcast_in_dim3A_555 {strides = array<i32>} : memref<640x128xf32, #tpu.memory_space<vmem>>, vector<16xf32>,
      %mul3A_570 = arith.constant 16 : i32
      %mul3A_571 = arith.muli %scan3A_140, %mul3A_570 : i32
      %add3A_572 = arith.constant 7 : i32
      %add3A_573 = arith.addi %mul3A_571, %add3A_572 : i32
      %swap3A_574 = arith.index_cast %add3A_573 : i32 to index
      %swap3A_575 = arith.constant 32 : index
      %swap3A_576 = tpu.vector_load %arg8[%swap3A_574, %swap3A_575] {strides = array<i32>} : memref<640x128xf32, #tpu.memory_space<vmem>>, vector<16xf32>,
      tpu.vector_store %arg8[%swap3A_574, %swap3A_575], %broadcast_in_dim3A_555 {strides = array<i32>} : memref<640x128xf32, #tpu.memory_space<vmem>>, vector<16xf32>,
      %mul3A_577 = arith.constant 16 : i32
      %mul3A_578 = arith.muli %scan3A_140, %mul3A_577 : i32
      %add3A_579 = arith.constant 7 : i32
      %add3A_580 = arith.addi %mul3A_578, %add3A_579 : i32
      %swap3A_581 = arith.index_cast %add3A_580 : i32 to index
      %swap3A_582 = arith.constant 48 : index
      %swap3A_583 = tpu.vector_load %arg8[%swap3A_581, %swap3A_582] {strides = array<i32>} : memref<640x128xf32, #tpu.memory_space<vmem>>, vector<16xf32>,
      tpu.vector_store %arg8[%swap3A_581, %swap3A_582], %broadcast_in_dim3A_555 {strides = array<i32>} : memref<640x128xf32, #tpu.memory_space<vmem>>, vector<16xf32>,
      %mul3A_584 = arith.constant 16 : i32
      %mul3A_585 = arith.muli %scan3A_140, %mul3A_584 : i32
      %add3A_586 = arith.constant 7 : i32
      %add3A_587 = arith.addi %mul3A_585, %add3A_586 : i32
      %swap3A_588 = arith.index_cast %add3A_587 : i32 to index
      %swap3A_589 = arith.constant 64 : index
      %swap3A_590 = tpu.vector_load %arg8[%swap3A_588, %swap3A_589] {strides = array<i32>} : memref<640x128xf32, #tpu.memory_space<vmem>>, vector<16xf32>,
      tpu.vector_store %arg8[%swap3A_588, %swap3A_589], %broadcast_in_dim3A_555 {strides = array<i32>} : memref<640x128xf32, #tpu.memory_space<vmem>>, vector<16xf32>,
      %mul3A_591 = arith.constant 16 : i32
      %mul3A_592 = arith.muli %scan3A_140, %mul3A_591 : i32
      %add3A_593 = arith.constant 7 : i32
      %add3A_594 = arith.addi %mul3A_592, %add3A_593 : i32
      %swap3A_595 = arith.index_cast %add3A_594 : i32 to index
      %swap3A_596 = arith.constant 80 : index
      %swap3A_597 = tpu.vector_load %arg8[%swap3A_595, %swap3A_596] {strides = array<i32>} : memref<640x128xf32, #tpu.memory_space<vmem>>, vector<16xf32>,
      tpu.vector_store %arg8[%swap3A_595, %swap3A_596], %broadcast_in_dim3A_555 {strides = array<i32>} : memref<640x128xf32, #tpu.memory_space<vmem>>, vector<16xf32>,
      %mul3A_598 = arith.constant 16 : i32
      %mul3A_599 = arith.muli %scan3A_140, %mul3A_598 : i32
      %add3A_600 = arith.constant 7 : i32
      %add3A_601 = arith.addi %mul3A_599, %add3A_600 : i32
      %swap3A_602 = arith.index_cast %add3A_601 : i32 to index
      %swap3A_603 = arith.constant 96 : index
      %swap3A_604 = tpu.vector_load %arg8[%swap3A_602, %swap3A_603] {strides = array<i32>} : memref<640x128xf32, #tpu.memory_space<vmem>>, vector<16xf32>,
      tpu.vector_store %arg8[%swap3A_602, %swap3A_603], %broadcast_in_dim3A_555 {strides = array<i32>} : memref<640x128xf32, #tpu.memory_space<vmem>>, vector<16xf32>,
      %mul3A_605 = arith.constant 16 : i32
      %mul3A_606 = arith.muli %scan3A_140, %mul3A_605 : i32
      %add3A_607 = arith.constant 7 : i32
      %add3A_608 = arith.addi %mul3A_606, %add3A_607 : i32
      %swap3A_609 = arith.index_cast %add3A_608 : i32 to index
      %swap3A_610 = arith.constant 112 : index
      %swap3A_611 = tpu.vector_load %arg8[%swap3A_609, %swap3A_610] {strides = array<i32>} : memref<640x128xf32, #tpu.memory_space<vmem>>, vector<16xf32>,
      tpu.vector_store %arg8[%swap3A_609, %swap3A_610], %broadcast_in_dim3A_555 {strides = array<i32>} : memref<640x128xf32, #tpu.memory_space<vmem>>, vector<16xf32>,
      %slice3A_612 = vector.extract_strided_slice %get3A_143 {offsets = [8], sizes = [1], strides = [1]} : vector<16xf32> to vector<1xf32>
      %squeeze3A_613 = vector.extract %slice3A_612[0] : f32 from vector<1xf32>
      %broadcast_in_dim3A_614 = vector.broadcast %squeeze3A_613 : f32 to vector<16xf32>
      %mul3A_615 = arith.constant 16 : i32
      %mul3A_616 = arith.muli %scan3A_140, %mul3A_615 : i32
      %add3A_617 = arith.constant 8 : i32
      %add3A_618 = arith.addi %mul3A_616, %add3A_617 : i32
      %swap3A_619 = arith.index_cast %add3A_618 : i32 to index
      %swap3A_620 = arith.constant 0 : index
      %swap3A_621 = tpu.vector_load %arg8[%swap3A_619, %swap3A_620] {strides = array<i32>} : memref<640x128xf32, #tpu.memory_space<vmem>>, vector<16xf32>,
      tpu.vector_store %arg8[%swap3A_619, %swap3A_620], %broadcast_in_dim3A_614 {strides = array<i32>} : memref<640x128xf32, #tpu.memory_space<vmem>>, vector<16xf32>,
      %mul3A_622 = arith.constant 16 : i32
      %mul3A_623 = arith.muli %scan3A_140, %mul3A_622 : i32
      %add3A_624 = arith.constant 8 : i32
      %add3A_625 = arith.addi %mul3A_623, %add3A_624 : i32
      %swap3A_626 = arith.index_cast %add3A_625 : i32 to index
      %swap3A_627 = arith.constant 16 : index
      %swap3A_628 = tpu.vector_load %arg8[%swap3A_626, %swap3A_627] {strides = array<i32>} : memref<640x128xf32, #tpu.memory_space<vmem>>, vector<16xf32>,
      tpu.vector_store %arg8[%swap3A_626, %swap3A_627], %broadcast_in_dim3A_614 {strides = array<i32>} : memref<640x128xf32, #tpu.memory_space<vmem>>, vector<16xf32>,
      %mul3A_629 = arith.constant 16 : i32
      %mul3A_630 = arith.muli %scan3A_140, %mul3A_629 : i32
      %add3A_631 = arith.constant 8 : i32
      %add3A_632 = arith.addi %mul3A_630, %add3A_631 : i32
      %swap3A_633 = arith.index_cast %add3A_632 : i32 to index
      %swap3A_634 = arith.constant 32 : index
      %swap3A_635 = tpu.vector_load %arg8[%swap3A_633, %swap3A_634] {strides = array<i32>} : memref<640x128xf32, #tpu.memory_space<vmem>>, vector<16xf32>,
      tpu.vector_store %arg8[%swap3A_633, %swap3A_634], %broadcast_in_dim3A_614 {strides = array<i32>} : memref<640x128xf32, #tpu.memory_space<vmem>>, vector<16xf32>,
      %mul3A_636 = arith.constant 16 : i32
      %mul3A_637 = arith.muli %scan3A_140, %mul3A_636 : i32
      %add3A_638 = arith.constant 8 : i32
      %add3A_639 = arith.addi %mul3A_637, %add3A_638 : i32
      %swap3A_640 = arith.index_cast %add3A_639 : i32 to index
      %swap3A_641 = arith.constant 48 : index
      %swap3A_642 = tpu.vector_load %arg8[%swap3A_640, %swap3A_641] {strides = array<i32>} : memref<640x128xf32, #tpu.memory_space<vmem>>, vector<16xf32>,
      tpu.vector_store %arg8[%swap3A_640, %swap3A_641], %broadcast_in_dim3A_614 {strides = array<i32>} : memref<640x128xf32, #tpu.memory_space<vmem>>, vector<16xf32>,
      %mul3A_643 = arith.constant 16 : i32
      %mul3A_644 = arith.muli %scan3A_140, %mul3A_643 : i32
      %add3A_645 = arith.constant 8 : i32
      %add3A_646 = arith.addi %mul3A_644, %add3A_645 : i32
      %swap3A_647 = arith.index_cast %add3A_646 : i32 to index
      %swap3A_648 = arith.constant 64 : index
      %swap3A_649 = tpu.vector_load %arg8[%swap3A_647, %swap3A_648] {strides = array<i32>} : memref<640x128xf32, #tpu.memory_space<vmem>>, vector<16xf32>,
      tpu.vector_store %arg8[%swap3A_647, %swap3A_648], %broadcast_in_dim3A_614 {strides = array<i32>} : memref<640x128xf32, #tpu.memory_space<vmem>>, vector<16xf32>,
      %mul3A_650 = arith.constant 16 : i32
      %mul3A_651 = arith.muli %scan3A_140, %mul3A_650 : i32
      %add3A_652 = arith.constant 8 : i32
      %add3A_653 = arith.addi %mul3A_651, %add3A_652 : i32
      %swap3A_654 = arith.index_cast %add3A_653 : i32 to index
      %swap3A_655 = arith.constant 80 : index
      %swap3A_656 = tpu.vector_load %arg8[%swap3A_654, %swap3A_655] {strides = array<i32>} : memref<640x128xf32, #tpu.memory_space<vmem>>, vector<16xf32>,
      tpu.vector_store %arg8[%swap3A_654, %swap3A_655], %broadcast_in_dim3A_614 {strides = array<i32>} : memref<640x128xf32, #tpu.memory_space<vmem>>, vector<16xf32>,
      %mul3A_657 = arith.constant 16 : i32
      %mul3A_658 = arith.muli %scan3A_140, %mul3A_657 : i32
      %add3A_659 = arith.constant 8 : i32
      %add3A_660 = arith.addi %mul3A_658, %add3A_659 : i32
      %swap3A_661 = arith.index_cast %add3A_660 : i32 to index
      %swap3A_662 = arith.constant 96 : index
      %swap3A_663 = tpu.vector_load %arg8[%swap3A_661, %swap3A_662] {strides = array<i32>} : memref<640x128xf32, #tpu.memory_space<vmem>>, vector<16xf32>,
      tpu.vector_store %arg8[%swap3A_661, %swap3A_662], %broadcast_in_dim3A_614 {strides = array<i32>} : memref<640x128xf32, #tpu.memory_space<vmem>>, vector<16xf32>,
      %mul3A_664 = arith.constant 16 : i32
      %mul3A_665 = arith.muli %scan3A_140, %mul3A_664 : i32
      %add3A_666 = arith.constant 8 : i32
      %add3A_667 = arith.addi %mul3A_665, %add3A_666 : i32
      %swap3A_668 = arith.index_cast %add3A_667 : i32 to index
      %swap3A_669 = arith.constant 112 : index
      %swap3A_670 = tpu.vector_load %arg8[%swap3A_668, %swap3A_669] {strides = array<i32>} : memref<640x128xf32, #tpu.memory_space<vmem>>, vector<16xf32>,
      tpu.vector_store %arg8[%swap3A_668, %swap3A_669], %broadcast_in_dim3A_614 {strides = array<i32>} : memref<640x128xf32, #tpu.memory_space<vmem>>, vector<16xf32>,
      %slice3A_671 = vector.extract_strided_slice %get3A_143 {offsets = [9], sizes = [1], strides = [1]} : vector<16xf32> to vector<1xf32>
      %squeeze3A_672 = vector.extract %slice3A_671[0] : f32 from vector<1xf32>
      %broadcast_in_dim3A_673 = vector.broadcast %squeeze3A_672 : f32 to vector<16xf32>
      %mul3A_674 = arith.constant 16 : i32
      %mul3A_675 = arith.muli %scan3A_140, %mul3A_674 : i32
      %add3A_676 = arith.constant 9 : i32
      %add3A_677 = arith.addi %mul3A_675, %add3A_676 : i32
      %swap3A_678 = arith.index_cast %add3A_677 : i32 to index
      %swap3A_679 = arith.constant 0 : index
      %swap3A_680 = tpu.vector_load %arg8[%swap3A_678, %swap3A_679] {strides = array<i32>} : memref<640x128xf32, #tpu.memory_space<vmem>>, vector<16xf32>,
      tpu.vector_store %arg8[%swap3A_678, %swap3A_679], %broadcast_in_dim3A_673 {strides = array<i32>} : memref<640x128xf32, #tpu.memory_space<vmem>>, vector<16xf32>,
      %mul3A_681 = arith.constant 16 : i32
      %mul3A_682 = arith.muli %scan3A_140, %mul3A_681 : i32
      %add3A_683 = arith.constant 9 : i32
      %add3A_684 = arith.addi %mul3A_682, %add3A_683 : i32
      %swap3A_685 = arith.index_cast %add3A_684 : i32 to index
      %swap3A_686 = arith.constant 16 : index
      %swap3A_687 = tpu.vector_load %arg8[%swap3A_685, %swap3A_686] {strides = array<i32>} : memref<640x128xf32, #tpu.memory_space<vmem>>, vector<16xf32>,
      tpu.vector_store %arg8[%swap3A_685, %swap3A_686], %broadcast_in_dim3A_673 {strides = array<i32>} : memref<640x128xf32, #tpu.memory_space<vmem>>, vector<16xf32>,
      %mul3A_688 = arith.constant 16 : i32
      %mul3A_689 = arith.muli %scan3A_140, %mul3A_688 : i32
      %add3A_690 = arith.constant 9 : i32
      %add3A_691 = arith.addi %mul3A_689, %add3A_690 : i32
      %swap3A_692 = arith.index_cast %add3A_691 : i32 to index
      %swap3A_693 = arith.constant 32 : index
      %swap3A_694 = tpu.vector_load %arg8[%swap3A_692, %swap3A_693] {strides = array<i32>} : memref<640x128xf32, #tpu.memory_space<vmem>>, vector<16xf32>,
      tpu.vector_store %arg8[%swap3A_692, %swap3A_693], %broadcast_in_dim3A_673 {strides = array<i32>} : memref<640x128xf32, #tpu.memory_space<vmem>>, vector<16xf32>,
      %mul3A_695 = arith.constant 16 : i32
      %mul3A_696 = arith.muli %scan3A_140, %mul3A_695 : i32
      %add3A_697 = arith.constant 9 : i32
      %add3A_698 = arith.addi %mul3A_696, %add3A_697 : i32
      %swap3A_699 = arith.index_cast %add3A_698 : i32 to index
      %swap3A_700 = arith.constant 48 : index
      %swap3A_701 = tpu.vector_load %arg8[%swap3A_699, %swap3A_700] {strides = array<i32>} : memref<640x128xf32, #tpu.memory_space<vmem>>, vector<16xf32>,
      tpu.vector_store %arg8[%swap3A_699, %swap3A_700], %broadcast_in_dim3A_673 {strides = array<i32>} : memref<640x128xf32, #tpu.memory_space<vmem>>, vector<16xf32>,
      %mul3A_702 = arith.constant 16 : i32
      %mul3A_703 = arith.muli %scan3A_140, %mul3A_702 : i32
      %add3A_704 = arith.constant 9 : i32
      %add3A_705 = arith.addi %mul3A_703, %add3A_704 : i32
      %swap3A_706 = arith.index_cast %add3A_705 : i32 to index
      %swap3A_707 = arith.constant 64 : index
      %swap3A_708 = tpu.vector_load %arg8[%swap3A_706, %swap3A_707] {strides = array<i32>} : memref<640x128xf32, #tpu.memory_space<vmem>>, vector<16xf32>,
      tpu.vector_store %arg8[%swap3A_706, %swap3A_707], %broadcast_in_dim3A_673 {strides = array<i32>} : memref<640x128xf32, #tpu.memory_space<vmem>>, vector<16xf32>,
      %mul3A_709 = arith.constant 16 : i32
      %mul3A_710 = arith.muli %scan3A_140, %mul3A_709 : i32
      %add3A_711 = arith.constant 9 : i32
      %add3A_712 = arith.addi %mul3A_710, %add3A_711 : i32
      %swap3A_713 = arith.index_cast %add3A_712 : i32 to index
      %swap3A_714 = arith.constant 80 : index
      %swap3A_715 = tpu.vector_load %arg8[%swap3A_713, %swap3A_714] {strides = array<i32>} : memref<640x128xf32, #tpu.memory_space<vmem>>, vector<16xf32>,
      tpu.vector_store %arg8[%swap3A_713, %swap3A_714], %broadcast_in_dim3A_673 {strides = array<i32>} : memref<640x128xf32, #tpu.memory_space<vmem>>, vector<16xf32>,
      %mul3A_716 = arith.constant 16 : i32
      %mul3A_717 = arith.muli %scan3A_140, %mul3A_716 : i32
      %add3A_718 = arith.constant 9 : i32
      %add3A_719 = arith.addi %mul3A_717, %add3A_718 : i32
      %swap3A_720 = arith.index_cast %add3A_719 : i32 to index
      %swap3A_721 = arith.constant 96 : index
      %swap3A_722 = tpu.vector_load %arg8[%swap3A_720, %swap3A_721] {strides = array<i32>} : memref<640x128xf32, #tpu.memory_space<vmem>>, vector<16xf32>,
      tpu.vector_store %arg8[%swap3A_720, %swap3A_721], %broadcast_in_dim3A_673 {strides = array<i32>} : memref<640x128xf32, #tpu.memory_space<vmem>>, vector<16xf32>,
      %mul3A_723 = arith.constant 16 : i32
      %mul3A_724 = arith.muli %scan3A_140, %mul3A_723 : i32
      %add3A_725 = arith.constant 9 : i32
      %add3A_726 = arith.addi %mul3A_724, %add3A_725 : i32
      %swap3A_727 = arith.index_cast %add3A_726 : i32 to index
      %swap3A_728 = arith.constant 112 : index
      %swap3A_729 = tpu.vector_load %arg8[%swap3A_727, %swap3A_728] {strides = array<i32>} : memref<640x128xf32, #tpu.memory_space<vmem>>, vector<16xf32>,
      tpu.vector_store %arg8[%swap3A_727, %swap3A_728], %broadcast_in_dim3A_673 {strides = array<i32>} : memref<640x128xf32, #tpu.memory_space<vmem>>, vector<16xf32>,
      %slice3A_730 = vector.extract_strided_slice %get3A_143 {offsets = [10], sizes = [1], strides = [1]} : vector<16xf32> to vector<1xf32>
      %squeeze3A_731 = vector.extract %slice3A_730[0] : f32 from vector<1xf32>
      %broadcast_in_dim3A_732 = vector.broadcast %squeeze3A_731 : f32 to vector<16xf32>
      %mul3A_733 = arith.constant 16 : i32
      %mul3A_734 = arith.muli %scan3A_140, %mul3A_733 : i32
      %add3A_735 = arith.constant 10 : i32
      %add3A_736 = arith.addi %mul3A_734, %add3A_735 : i32
      %swap3A_737 = arith.index_cast %add3A_736 : i32 to index
      %swap3A_738 = arith.constant 0 : index
      %swap3A_739 = tpu.vector_load %arg8[%swap3A_737, %swap3A_738] {strides = array<i32>} : memref<640x128xf32, #tpu.memory_space<vmem>>, vector<16xf32>,
      tpu.vector_store %arg8[%swap3A_737, %swap3A_738], %broadcast_in_dim3A_732 {strides = array<i32>} : memref<640x128xf32, #tpu.memory_space<vmem>>, vector<16xf32>,
      %mul3A_740 = arith.constant 16 : i32
      %mul3A_741 = arith.muli %scan3A_140, %mul3A_740 : i32
      %add3A_742 = arith.constant 10 : i32
      %add3A_743 = arith.addi %mul3A_741, %add3A_742 : i32
      %swap3A_744 = arith.index_cast %add3A_743 : i32 to index
      %swap3A_745 = arith.constant 16 : index
      %swap3A_746 = tpu.vector_load %arg8[%swap3A_744, %swap3A_745] {strides = array<i32>} : memref<640x128xf32, #tpu.memory_space<vmem>>, vector<16xf32>,
      tpu.vector_store %arg8[%swap3A_744, %swap3A_745], %broadcast_in_dim3A_732 {strides = array<i32>} : memref<640x128xf32, #tpu.memory_space<vmem>>, vector<16xf32>,
      %mul3A_747 = arith.constant 16 : i32
      %mul3A_748 = arith.muli %scan3A_140, %mul3A_747 : i32
      %add3A_749 = arith.constant 10 : i32
      %add3A_750 = arith.addi %mul3A_748, %add3A_749 : i32
      %swap3A_751 = arith.index_cast %add3A_750 : i32 to index
      %swap3A_752 = arith.constant 32 : index
      %swap3A_753 = tpu.vector_load %arg8[%swap3A_751, %swap3A_752] {strides = array<i32>} : memref<640x128xf32, #tpu.memory_space<vmem>>, vector<16xf32>,
      tpu.vector_store %arg8[%swap3A_751, %swap3A_752], %broadcast_in_dim3A_732 {strides = array<i32>} : memref<640x128xf32, #tpu.memory_space<vmem>>, vector<16xf32>,
      %mul3A_754 = arith.constant 16 : i32
      %mul3A_755 = arith.muli %scan3A_140, %mul3A_754 : i32
      %add3A_756 = arith.constant 10 : i32
      %add3A_757 = arith.addi %mul3A_755, %add3A_756 : i32
      %swap3A_758 = arith.index_cast %add3A_757 : i32 to index
      %swap3A_759 = arith.constant 48 : index
      %swap3A_760 = tpu.vector_load %arg8[%swap3A_758, %swap3A_759] {strides = array<i32>} : memref<640x128xf32, #tpu.memory_space<vmem>>, vector<16xf32>,
      tpu.vector_store %arg8[%swap3A_758, %swap3A_759], %broadcast_in_dim3A_732 {strides = array<i32>} : memref<640x128xf32, #tpu.memory_space<vmem>>, vector<16xf32>,
      %mul3A_761 = arith.constant 16 : i32
      %mul3A_762 = arith.muli %scan3A_140, %mul3A_761 : i32
      %add3A_763 = arith.constant 10 : i32
      %add3A_764 = arith.addi %mul3A_762, %add3A_763 : i32
      %swap3A_765 = arith.index_cast %add3A_764 : i32 to index
      %swap3A_766 = arith.constant 64 : index
      %swap3A_767 = tpu.vector_load %arg8[%swap3A_765, %swap3A_766] {strides = array<i32>} : memref<640x128xf32, #tpu.memory_space<vmem>>, vector<16xf32>,
      tpu.vector_store %arg8[%swap3A_765, %swap3A_766], %broadcast_in_dim3A_732 {strides = array<i32>} : memref<640x128xf32, #tpu.memory_space<vmem>>, vector<16xf32>,
      %mul3A_768 = arith.constant 16 : i32
      %mul3A_769 = arith.muli %scan3A_140, %mul3A_768 : i32
      %add3A_770 = arith.constant 10 : i32
      %add3A_771 = arith.addi %mul3A_769, %add3A_770 : i32
      %swap3A_772 = arith.index_cast %add3A_771 : i32 to index
      %swap3A_773 = arith.constant 80 : index
      %swap3A_774 = tpu.vector_load %arg8[%swap3A_772, %swap3A_773] {strides = array<i32>} : memref<640x128xf32, #tpu.memory_space<vmem>>, vector<16xf32>,
      tpu.vector_store %arg8[%swap3A_772, %swap3A_773], %broadcast_in_dim3A_732 {strides = array<i32>} : memref<640x128xf32, #tpu.memory_space<vmem>>, vector<16xf32>,
      %mul3A_775 = arith.constant 16 : i32
      %mul3A_776 = arith.muli %scan3A_140, %mul3A_775 : i32
      %add3A_777 = arith.constant 10 : i32
      %add3A_778 = arith.addi %mul3A_776, %add3A_777 : i32
      %swap3A_779 = arith.index_cast %add3A_778 : i32 to index
      %swap3A_780 = arith.constant 96 : index
      %swap3A_781 = tpu.vector_load %arg8[%swap3A_779, %swap3A_780] {strides = array<i32>} : memref<640x128xf32, #tpu.memory_space<vmem>>, vector<16xf32>,
      tpu.vector_store %arg8[%swap3A_779, %swap3A_780], %broadcast_in_dim3A_732 {strides = array<i32>} : memref<640x128xf32, #tpu.memory_space<vmem>>, vector<16xf32>,
      %mul3A_782 = arith.constant 16 : i32
      %mul3A_783 = arith.muli %scan3A_140, %mul3A_782 : i32
      %add3A_784 = arith.constant 10 : i32
      %add3A_785 = arith.addi %mul3A_783, %add3A_784 : i32
      %swap3A_786 = arith.index_cast %add3A_785 : i32 to index
      %swap3A_787 = arith.constant 112 : index
      %swap3A_788 = tpu.vector_load %arg8[%swap3A_786, %swap3A_787] {strides = array<i32>} : memref<640x128xf32, #tpu.memory_space<vmem>>, vector<16xf32>,
      tpu.vector_store %arg8[%swap3A_786, %swap3A_787], %broadcast_in_dim3A_732 {strides = array<i32>} : memref<640x128xf32, #tpu.memory_space<vmem>>, vector<16xf32>,
      %slice3A_789 = vector.extract_strided_slice %get3A_143 {offsets = [11], sizes = [1], strides = [1]} : vector<16xf32> to vector<1xf32>
      %squeeze3A_790 = vector.extract %slice3A_789[0] : f32 from vector<1xf32>
      %broadcast_in_dim3A_791 = vector.broadcast %squeeze3A_790 : f32 to vector<16xf32>
      %mul3A_792 = arith.constant 16 : i32
      %mul3A_793 = arith.muli %scan3A_140, %mul3A_792 : i32
      %add3A_794 = arith.constant 11 : i32
      %add3A_795 = arith.addi %mul3A_793, %add3A_794 : i32
      %swap3A_796 = arith.index_cast %add3A_795 : i32 to index
      %swap3A_797 = arith.constant 0 : index
      %swap3A_798 = tpu.vector_load %arg8[%swap3A_796, %swap3A_797] {strides = array<i32>} : memref<640x128xf32, #tpu.memory_space<vmem>>, vector<16xf32>,
      tpu.vector_store %arg8[%swap3A_796, %swap3A_797], %broadcast_in_dim3A_791 {strides = array<i32>} : memref<640x128xf32, #tpu.memory_space<vmem>>, vector<16xf32>,
      %mul3A_799 = arith.constant 16 : i32
      %mul3A_800 = arith.muli %scan3A_140, %mul3A_799 : i32
      %add3A_801 = arith.constant 11 : i32
      %add3A_802 = arith.addi %mul3A_800, %add3A_801 : i32
      %swap3A_803 = arith.index_cast %add3A_802 : i32 to index
      %swap3A_804 = arith.constant 16 : index
      %swap3A_805 = tpu.vector_load %arg8[%swap3A_803, %swap3A_804] {strides = array<i32>} : memref<640x128xf32, #tpu.memory_space<vmem>>, vector<16xf32>,
      tpu.vector_store %arg8[%swap3A_803, %swap3A_804], %broadcast_in_dim3A_791 {strides = array<i32>} : memref<640x128xf32, #tpu.memory_space<vmem>>, vector<16xf32>,
      %mul3A_806 = arith.constant 16 : i32
      %mul3A_807 = arith.muli %scan3A_140, %mul3A_806 : i32
      %add3A_808 = arith.constant 11 : i32
      %add3A_809 = arith.addi %mul3A_807, %add3A_808 : i32
      %swap3A_810 = arith.index_cast %add3A_809 : i32 to index
      %swap3A_811 = arith.constant 32 : index
      %swap3A_812 = tpu.vector_load %arg8[%swap3A_810, %swap3A_811] {strides = array<i32>} : memref<640x128xf32, #tpu.memory_space<vmem>>, vector<16xf32>,
      tpu.vector_store %arg8[%swap3A_810, %swap3A_811], %broadcast_in_dim3A_791 {strides = array<i32>} : memref<640x128xf32, #tpu.memory_space<vmem>>, vector<16xf32>,
      %mul3A_813 = arith.constant 16 : i32
      %mul3A_814 = arith.muli %scan3A_140, %mul3A_813 : i32
      %add3A_815 = arith.constant 11 : i32
      %add3A_816 = arith.addi %mul3A_814, %add3A_815 : i32
      %swap3A_817 = arith.index_cast %add3A_816 : i32 to index
      %swap3A_818 = arith.constant 48 : index
      %swap3A_819 = tpu.vector_load %arg8[%swap3A_817, %swap3A_818] {strides = array<i32>} : memref<640x128xf32, #tpu.memory_space<vmem>>, vector<16xf32>,
      tpu.vector_store %arg8[%swap3A_817, %swap3A_818], %broadcast_in_dim3A_791 {strides = array<i32>} : memref<640x128xf32, #tpu.memory_space<vmem>>, vector<16xf32>,
      %mul3A_820 = arith.constant 16 : i32
      %mul3A_821 = arith.muli %scan3A_140, %mul3A_820 : i32
      %add3A_822 = arith.constant 11 : i32
      %add3A_823 = arith.addi %mul3A_821, %add3A_822 : i32
      %swap3A_824 = arith.index_cast %add3A_823 : i32 to index
      %swap3A_825 = arith.constant 64 : index
      %swap3A_826 = tpu.vector_load %arg8[%swap3A_824, %swap3A_825] {strides = array<i32>} : memref<640x128xf32, #tpu.memory_space<vmem>>, vector<16xf32>,
      tpu.vector_store %arg8[%swap3A_824, %swap3A_825], %broadcast_in_dim3A_791 {strides = array<i32>} : memref<640x128xf32, #tpu.memory_space<vmem>>, vector<16xf32>,
      %mul3A_827 = arith.constant 16 : i32
      %mul3A_828 = arith.muli %scan3A_140, %mul3A_827 : i32
      %add3A_829 = arith.constant 11 : i32
      %add3A_830 = arith.addi %mul3A_828, %add3A_829 : i32
      %swap3A_831 = arith.index_cast %add3A_830 : i32 to index
      %swap3A_832 = arith.constant 80 : index
      %swap3A_833 = tpu.vector_load %arg8[%swap3A_831, %swap3A_832] {strides = array<i32>} : memref<640x128xf32, #tpu.memory_space<vmem>>, vector<16xf32>,
      tpu.vector_store %arg8[%swap3A_831, %swap3A_832], %broadcast_in_dim3A_791 {strides = array<i32>} : memref<640x128xf32, #tpu.memory_space<vmem>>, vector<16xf32>,
      %mul3A_834 = arith.constant 16 : i32
      %mul3A_835 = arith.muli %scan3A_140, %mul3A_834 : i32
      %add3A_836 = arith.constant 11 : i32
      %add3A_837 = arith.addi %mul3A_835, %add3A_836 : i32
      %swap3A_838 = arith.index_cast %add3A_837 : i32 to index
      %swap3A_839 = arith.constant 96 : index
      %swap3A_840 = tpu.vector_load %arg8[%swap3A_838, %swap3A_839] {strides = array<i32>} : memref<640x128xf32, #tpu.memory_space<vmem>>, vector<16xf32>,
      tpu.vector_store %arg8[%swap3A_838, %swap3A_839], %broadcast_in_dim3A_791 {strides = array<i32>} : memref<640x128xf32, #tpu.memory_space<vmem>>, vector<16xf32>,
      %mul3A_841 = arith.constant 16 : i32
      %mul3A_842 = arith.muli %scan3A_140, %mul3A_841 : i32
      %add3A_843 = arith.constant 11 : i32
      %add3A_844 = arith.addi %mul3A_842, %add3A_843 : i32
      %swap3A_845 = arith.index_cast %add3A_844 : i32 to index
      %swap3A_846 = arith.constant 112 : index
      %swap3A_847 = tpu.vector_load %arg8[%swap3A_845, %swap3A_846] {strides = array<i32>} : memref<640x128xf32, #tpu.memory_space<vmem>>, vector<16xf32>,
      tpu.vector_store %arg8[%swap3A_845, %swap3A_846], %broadcast_in_dim3A_791 {strides = array<i32>} : memref<640x128xf32, #tpu.memory_space<vmem>>, vector<16xf32>,
      %slice3A_848 = vector.extract_strided_slice %get3A_143 {offsets = [12], sizes = [1], strides = [1]} : vector<16xf32> to vector<1xf32>
      %squeeze3A_849 = vector.extract %slice3A_848[0] : f32 from vector<1xf32>
      %broadcast_in_dim3A_850 = vector.broadcast %squeeze3A_849 : f32 to vector<16xf32>
      %mul3A_851 = arith.constant 16 : i32
      %mul3A_852 = arith.muli %scan3A_140, %mul3A_851 : i32
      %add3A_853 = arith.constant 12 : i32
      %add3A_854 = arith.addi %mul3A_852, %add3A_853 : i32
      %swap3A_855 = arith.index_cast %add3A_854 : i32 to index
      %swap3A_856 = arith.constant 0 : index
      %swap3A_857 = tpu.vector_load %arg8[%swap3A_855, %swap3A_856] {strides = array<i32>} : memref<640x128xf32, #tpu.memory_space<vmem>>, vector<16xf32>,
      tpu.vector_store %arg8[%swap3A_855, %swap3A_856], %broadcast_in_dim3A_850 {strides = array<i32>} : memref<640x128xf32, #tpu.memory_space<vmem>>, vector<16xf32>,
      %mul3A_858 = arith.constant 16 : i32
      %mul3A_859 = arith.muli %scan3A_140, %mul3A_858 : i32
      %add3A_860 = arith.constant 12 : i32
      %add3A_861 = arith.addi %mul3A_859, %add3A_860 : i32
      %swap3A_862 = arith.index_cast %add3A_861 : i32 to index
      %swap3A_863 = arith.constant 16 : index
      %swap3A_864 = tpu.vector_load %arg8[%swap3A_862, %swap3A_863] {strides = array<i32>} : memref<640x128xf32, #tpu.memory_space<vmem>>, vector<16xf32>,
      tpu.vector_store %arg8[%swap3A_862, %swap3A_863], %broadcast_in_dim3A_850 {strides = array<i32>} : memref<640x128xf32, #tpu.memory_space<vmem>>, vector<16xf32>,
      %mul3A_865 = arith.constant 16 : i32
      %mul3A_866 = arith.muli %scan3A_140, %mul3A_865 : i32
      %add3A_867 = arith.constant 12 : i32
      %add3A_868 = arith.addi %mul3A_866, %add3A_867 : i32
      %swap3A_869 = arith.index_cast %add3A_868 : i32 to index
      %swap3A_870 = arith.constant 32 : index
      %swap3A_871 = tpu.vector_load %arg8[%swap3A_869, %swap3A_870] {strides = array<i32>} : memref<640x128xf32, #tpu.memory_space<vmem>>, vector<16xf32>,
      tpu.vector_store %arg8[%swap3A_869, %swap3A_870], %broadcast_in_dim3A_850 {strides = array<i32>} : memref<640x128xf32, #tpu.memory_space<vmem>>, vector<16xf32>,
      %mul3A_872 = arith.constant 16 : i32
      %mul3A_873 = arith.muli %scan3A_140, %mul3A_872 : i32
      %add3A_874 = arith.constant 12 : i32
      %add3A_875 = arith.addi %mul3A_873, %add3A_874 : i32
      %swap3A_876 = arith.index_cast %add3A_875 : i32 to index
      %swap3A_877 = arith.constant 48 : index
      %swap3A_878 = tpu.vector_load %arg8[%swap3A_876, %swap3A_877] {strides = array<i32>} : memref<640x128xf32, #tpu.memory_space<vmem>>, vector<16xf32>,
      tpu.vector_store %arg8[%swap3A_876, %swap3A_877], %broadcast_in_dim3A_850 {strides = array<i32>} : memref<640x128xf32, #tpu.memory_space<vmem>>, vector<16xf32>,
      %mul3A_879 = arith.constant 16 : i32
      %mul3A_880 = arith.muli %scan3A_140, %mul3A_879 : i32
      %add3A_881 = arith.constant 12 : i32
      %add3A_882 = arith.addi %mul3A_880, %add3A_881 : i32
      %swap3A_883 = arith.index_cast %add3A_882 : i32 to index
      %swap3A_884 = arith.constant 64 : index
      %swap3A_885 = tpu.vector_load %arg8[%swap3A_883, %swap3A_884] {strides = array<i32>} : memref<640x128xf32, #tpu.memory_space<vmem>>, vector<16xf32>,
      tpu.vector_store %arg8[%swap3A_883, %swap3A_884], %broadcast_in_dim3A_850 {strides = array<i32>} : memref<640x128xf32, #tpu.memory_space<vmem>>, vector<16xf32>,
      %mul3A_886 = arith.constant 16 : i32
      %mul3A_887 = arith.muli %scan3A_140, %mul3A_886 : i32
      %add3A_888 = arith.constant 12 : i32
      %add3A_889 = arith.addi %mul3A_887, %add3A_888 : i32
      %swap3A_890 = arith.index_cast %add3A_889 : i32 to index
      %swap3A_891 = arith.constant 80 : index
      %swap3A_892 = tpu.vector_load %arg8[%swap3A_890, %swap3A_891] {strides = array<i32>} : memref<640x128xf32, #tpu.memory_space<vmem>>, vector<16xf32>,
      tpu.vector_store %arg8[%swap3A_890, %swap3A_891], %broadcast_in_dim3A_850 {strides = array<i32>} : memref<640x128xf32, #tpu.memory_space<vmem>>, vector<16xf32>,
      %mul3A_893 = arith.constant 16 : i32
      %mul3A_894 = arith.muli %scan3A_140, %mul3A_893 : i32
      %add3A_895 = arith.constant 12 : i32
      %add3A_896 = arith.addi %mul3A_894, %add3A_895 : i32
      %swap3A_897 = arith.index_cast %add3A_896 : i32 to index
      %swap3A_898 = arith.constant 96 : index
      %swap3A_899 = tpu.vector_load %arg8[%swap3A_897, %swap3A_898] {strides = array<i32>} : memref<640x128xf32, #tpu.memory_space<vmem>>, vector<16xf32>,
      tpu.vector_store %arg8[%swap3A_897, %swap3A_898], %broadcast_in_dim3A_850 {strides = array<i32>} : memref<640x128xf32, #tpu.memory_space<vmem>>, vector<16xf32>,
      %mul3A_900 = arith.constant 16 : i32
      %mul3A_901 = arith.muli %scan3A_140, %mul3A_900 : i32
      %add3A_902 = arith.constant 12 : i32
      %add3A_903 = arith.addi %mul3A_901, %add3A_902 : i32
      %swap3A_904 = arith.index_cast %add3A_903 : i32 to index
      %swap3A_905 = arith.constant 112 : index
      %swap3A_906 = tpu.vector_load %arg8[%swap3A_904, %swap3A_905] {strides = array<i32>} : memref<640x128xf32, #tpu.memory_space<vmem>>, vector<16xf32>,
      tpu.vector_store %arg8[%swap3A_904, %swap3A_905], %broadcast_in_dim3A_850 {strides = array<i32>} : memref<640x128xf32, #tpu.memory_space<vmem>>, vector<16xf32>,
      %slice3A_907 = vector.extract_strided_slice %get3A_143 {offsets = [13], sizes = [1], strides = [1]} : vector<16xf32> to vector<1xf32>
      %squeeze3A_908 = vector.extract %slice3A_907[0] : f32 from vector<1xf32>
      %broadcast_in_dim3A_909 = vector.broadcast %squeeze3A_908 : f32 to vector<16xf32>
      %mul3A_910 = arith.constant 16 : i32
      %mul3A_911 = arith.muli %scan3A_140, %mul3A_910 : i32
      %add3A_912 = arith.constant 13 : i32
      %add3A_913 = arith.addi %mul3A_911, %add3A_912 : i32
      %swap3A_914 = arith.index_cast %add3A_913 : i32 to index
      %swap3A_915 = arith.constant 0 : index
      %swap3A_916 = tpu.vector_load %arg8[%swap3A_914, %swap3A_915] {strides = array<i32>} : memref<640x128xf32, #tpu.memory_space<vmem>>, vector<16xf32>,
      tpu.vector_store %arg8[%swap3A_914, %swap3A_915], %broadcast_in_dim3A_909 {strides = array<i32>} : memref<640x128xf32, #tpu.memory_space<vmem>>, vector<16xf32>,
      %mul3A_917 = arith.constant 16 : i32
      %mul3A_918 = arith.muli %scan3A_140, %mul3A_917 : i32
      %add3A_919 = arith.constant 13 : i32
      %add3A_920 = arith.addi %mul3A_918, %add3A_919 : i32
      %swap3A_921 = arith.index_cast %add3A_920 : i32 to index
      %swap3A_922 = arith.constant 16 : index
      %swap3A_923 = tpu.vector_load %arg8[%swap3A_921, %swap3A_922] {strides = array<i32>} : memref<640x128xf32, #tpu.memory_space<vmem>>, vector<16xf32>,
      tpu.vector_store %arg8[%swap3A_921, %swap3A_922], %broadcast_in_dim3A_909 {strides = array<i32>} : memref<640x128xf32, #tpu.memory_space<vmem>>, vector<16xf32>,
      %mul3A_924 = arith.constant 16 : i32
      %mul3A_925 = arith.muli %scan3A_140, %mul3A_924 : i32
      %add3A_926 = arith.constant 13 : i32
      %add3A_927 = arith.addi %mul3A_925, %add3A_926 : i32
      %swap3A_928 = arith.index_cast %add3A_927 : i32 to index
      %swap3A_929 = arith.constant 32 : index
      %swap3A_930 = tpu.vector_load %arg8[%swap3A_928, %swap3A_929] {strides = array<i32>} : memref<640x128xf32, #tpu.memory_space<vmem>>, vector<16xf32>,
      tpu.vector_store %arg8[%swap3A_928, %swap3A_929], %broadcast_in_dim3A_909 {strides = array<i32>} : memref<640x128xf32, #tpu.memory_space<vmem>>, vector<16xf32>,
      %mul3A_931 = arith.constant 16 : i32
      %mul3A_932 = arith.muli %scan3A_140, %mul3A_931 : i32
      %add3A_933 = arith.constant 13 : i32
      %add3A_934 = arith.addi %mul3A_932, %add3A_933 : i32
      %swap3A_935 = arith.index_cast %add3A_934 : i32 to index
      %swap3A_936 = arith.constant 48 : index
      %swap3A_937 = tpu.vector_load %arg8[%swap3A_935, %swap3A_936] {strides = array<i32>} : memref<640x128xf32, #tpu.memory_space<vmem>>, vector<16xf32>,
      tpu.vector_store %arg8[%swap3A_935, %swap3A_936], %broadcast_in_dim3A_909 {strides = array<i32>} : memref<640x128xf32, #tpu.memory_space<vmem>>, vector<16xf32>,
      %mul3A_938 = arith.constant 16 : i32
      %mul3A_939 = arith.muli %scan3A_140, %mul3A_938 : i32
      %add3A_940 = arith.constant 13 : i32
      %add3A_941 = arith.addi %mul3A_939, %add3A_940 : i32
      %swap3A_942 = arith.index_cast %add3A_941 : i32 to index
      %swap3A_943 = arith.constant 64 : index
      %swap3A_944 = tpu.vector_load %arg8[%swap3A_942, %swap3A_943] {strides = array<i32>} : memref<640x128xf32, #tpu.memory_space<vmem>>, vector<16xf32>,
      tpu.vector_store %arg8[%swap3A_942, %swap3A_943], %broadcast_in_dim3A_909 {strides = array<i32>} : memref<640x128xf32, #tpu.memory_space<vmem>>, vector<16xf32>,
      %mul3A_945 = arith.constant 16 : i32
      %mul3A_946 = arith.muli %scan3A_140, %mul3A_945 : i32
      %add3A_947 = arith.constant 13 : i32
      %add3A_948 = arith.addi %mul3A_946, %add3A_947 : i32
      %swap3A_949 = arith.index_cast %add3A_948 : i32 to index
      %swap3A_950 = arith.constant 80 : index
      %swap3A_951 = tpu.vector_load %arg8[%swap3A_949, %swap3A_950] {strides = array<i32>} : memref<640x128xf32, #tpu.memory_space<vmem>>, vector<16xf32>,
      tpu.vector_store %arg8[%swap3A_949, %swap3A_950], %broadcast_in_dim3A_909 {strides = array<i32>} : memref<640x128xf32, #tpu.memory_space<vmem>>, vector<16xf32>,
      %mul3A_952 = arith.constant 16 : i32
      %mul3A_953 = arith.muli %scan3A_140, %mul3A_952 : i32
      %add3A_954 = arith.constant 13 : i32
      %add3A_955 = arith.addi %mul3A_953, %add3A_954 : i32
      %swap3A_956 = arith.index_cast %add3A_955 : i32 to index
      %swap3A_957 = arith.constant 96 : index
      %swap3A_958 = tpu.vector_load %arg8[%swap3A_956, %swap3A_957] {strides = array<i32>} : memref<640x128xf32, #tpu.memory_space<vmem>>, vector<16xf32>,
      tpu.vector_store %arg8[%swap3A_956, %swap3A_957], %broadcast_in_dim3A_909 {strides = array<i32>} : memref<640x128xf32, #tpu.memory_space<vmem>>, vector<16xf32>,
      %mul3A_959 = arith.constant 16 : i32
      %mul3A_960 = arith.muli %scan3A_140, %mul3A_959 : i32
      %add3A_961 = arith.constant 13 : i32
      %add3A_962 = arith.addi %mul3A_960, %add3A_961 : i32
      %swap3A_963 = arith.index_cast %add3A_962 : i32 to index
      %swap3A_964 = arith.constant 112 : index
      %swap3A_965 = tpu.vector_load %arg8[%swap3A_963, %swap3A_964] {strides = array<i32>} : memref<640x128xf32, #tpu.memory_space<vmem>>, vector<16xf32>,
      tpu.vector_store %arg8[%swap3A_963, %swap3A_964], %broadcast_in_dim3A_909 {strides = array<i32>} : memref<640x128xf32, #tpu.memory_space<vmem>>, vector<16xf32>,
      %slice3A_966 = vector.extract_strided_slice %get3A_143 {offsets = [14], sizes = [1], strides = [1]} : vector<16xf32> to vector<1xf32>
      %squeeze3A_967 = vector.extract %slice3A_966[0] : f32 from vector<1xf32>
      %broadcast_in_dim3A_968 = vector.broadcast %squeeze3A_967 : f32 to vector<16xf32>
      %mul3A_969 = arith.constant 16 : i32
      %mul3A_970 = arith.muli %scan3A_140, %mul3A_969 : i32
      %add3A_971 = arith.constant 14 : i32
      %add3A_972 = arith.addi %mul3A_970, %add3A_971 : i32
      %swap3A_973 = arith.index_cast %add3A_972 : i32 to index
      %swap3A_974 = arith.constant 0 : index
      %swap3A_975 = tpu.vector_load %arg8[%swap3A_973, %swap3A_974] {strides = array<i32>} : memref<640x128xf32, #tpu.memory_space<vmem>>, vector<16xf32>,
      tpu.vector_store %arg8[%swap3A_973, %swap3A_974], %broadcast_in_dim3A_968 {strides = array<i32>} : memref<640x128xf32, #tpu.memory_space<vmem>>, vector<16xf32>,
      %mul3A_976 = arith.constant 16 : i32
      %mul3A_977 = arith.muli %scan3A_140, %mul3A_976 : i32
      %add3A_978 = arith.constant 14 : i32
      %add3A_979 = arith.addi %mul3A_977, %add3A_978 : i32
      %swap3A_980 = arith.index_cast %add3A_979 : i32 to index
      %swap3A_981 = arith.constant 16 : index
      %swap3A_982 = tpu.vector_load %arg8[%swap3A_980, %swap3A_981] {strides = array<i32>} : memref<640x128xf32, #tpu.memory_space<vmem>>, vector<16xf32>,
      tpu.vector_store %arg8[%swap3A_980, %swap3A_981], %broadcast_in_dim3A_968 {strides = array<i32>} : memref<640x128xf32, #tpu.memory_space<vmem>>, vector<16xf32>,
      %mul3A_983 = arith.constant 16 : i32
      %mul3A_984 = arith.muli %scan3A_140, %mul3A_983 : i32
      %add3A_985 = arith.constant 14 : i32
      %add3A_986 = arith.addi %mul3A_984, %add3A_985 : i32
      %swap3A_987 = arith.index_cast %add3A_986 : i32 to index
      %swap3A_988 = arith.constant 32 : index
      %swap3A_989 = tpu.vector_load %arg8[%swap3A_987, %swap3A_988] {strides = array<i32>} : memref<640x128xf32, #tpu.memory_space<vmem>>, vector<16xf32>,
      tpu.vector_store %arg8[%swap3A_987, %swap3A_988], %broadcast_in_dim3A_968 {strides = array<i32>} : memref<640x128xf32, #tpu.memory_space<vmem>>, vector<16xf32>,
      %mul3A_990 = arith.constant 16 : i32
      %mul3A_991 = arith.muli %scan3A_140, %mul3A_990 : i32
      %add3A_992 = arith.constant 14 : i32
      %add3A_993 = arith.addi %mul3A_991, %add3A_992 : i32
      %swap3A_994 = arith.index_cast %add3A_993 : i32 to index
      %swap3A_995 = arith.constant 48 : index
      %swap3A_996 = tpu.vector_load %arg8[%swap3A_994, %swap3A_995] {strides = array<i32>} : memref<640x128xf32, #tpu.memory_space<vmem>>, vector<16xf32>,
      tpu.vector_store %arg8[%swap3A_994, %swap3A_995], %broadcast_in_dim3A_968 {strides = array<i32>} : memref<640x128xf32, #tpu.memory_space<vmem>>, vector<16xf32>,
      %mul3A_997 = arith.constant 16 : i32
      %mul3A_998 = arith.muli %scan3A_140, %mul3A_997 : i32
      %add3A_999 = arith.constant 14 : i32
      %add3A_1000 = arith.addi %mul3A_998, %add3A_999 : i32
      %swap3A_1001 = arith.index_cast %add3A_1000 : i32 to index
      %swap3A_1002 = arith.constant 64 : index
      %swap3A_1003 = tpu.vector_load %arg8[%swap3A_1001, %swap3A_1002] {strides = array<i32>} : memref<640x128xf32, #tpu.memory_space<vmem>>, vector<16xf32>,
      tpu.vector_store %arg8[%swap3A_1001, %swap3A_1002], %broadcast_in_dim3A_968 {strides = array<i32>} : memref<640x128xf32, #tpu.memory_space<vmem>>, vector<16xf32>,
      %mul3A_1004 = arith.constant 16 : i32
      %mul3A_1005 = arith.muli %scan3A_140, %mul3A_1004 : i32
      %add3A_1006 = arith.constant 14 : i32
      %add3A_1007 = arith.addi %mul3A_1005, %add3A_1006 : i32
      %swap3A_1008 = arith.index_cast %add3A_1007 : i32 to index
      %swap3A_1009 = arith.constant 80 : index
      %swap3A_1010 = tpu.vector_load %arg8[%swap3A_1008, %swap3A_1009] {strides = array<i32>} : memref<640x128xf32, #tpu.memory_space<vmem>>, vector<16xf32>,
      tpu.vector_store %arg8[%swap3A_1008, %swap3A_1009], %broadcast_in_dim3A_968 {strides = array<i32>} : memref<640x128xf32, #tpu.memory_space<vmem>>, vector<16xf32>,
      %mul3A_1011 = arith.constant 16 : i32
      %mul3A_1012 = arith.muli %scan3A_140, %mul3A_1011 : i32
      %add3A_1013 = arith.constant 14 : i32
      %add3A_1014 = arith.addi %mul3A_1012, %add3A_1013 : i32
      %swap3A_1015 = arith.index_cast %add3A_1014 : i32 to index
      %swap3A_1016 = arith.constant 96 : index
      %swap3A_1017 = tpu.vector_load %arg8[%swap3A_1015, %swap3A_1016] {strides = array<i32>} : memref<640x128xf32, #tpu.memory_space<vmem>>, vector<16xf32>,
      tpu.vector_store %arg8[%swap3A_1015, %swap3A_1016], %broadcast_in_dim3A_968 {strides = array<i32>} : memref<640x128xf32, #tpu.memory_space<vmem>>, vector<16xf32>,
      %mul3A_1018 = arith.constant 16 : i32
      %mul3A_1019 = arith.muli %scan3A_140, %mul3A_1018 : i32
      %add3A_1020 = arith.constant 14 : i32
      %add3A_1021 = arith.addi %mul3A_1019, %add3A_1020 : i32
      %swap3A_1022 = arith.index_cast %add3A_1021 : i32 to index
      %swap3A_1023 = arith.constant 112 : index
      %swap3A_1024 = tpu.vector_load %arg8[%swap3A_1022, %swap3A_1023] {strides = array<i32>} : memref<640x128xf32, #tpu.memory_space<vmem>>, vector<16xf32>,
      tpu.vector_store %arg8[%swap3A_1022, %swap3A_1023], %broadcast_in_dim3A_968 {strides = array<i32>} : memref<640x128xf32, #tpu.memory_space<vmem>>, vector<16xf32>,
      %slice3A_1025 = vector.extract_strided_slice %get3A_143 {offsets = [15], sizes = [1], strides = [1]} : vector<16xf32> to vector<1xf32>
      %squeeze3A_1026 = vector.extract %slice3A_1025[0] : f32 from vector<1xf32>
      %broadcast_in_dim3A_1027 = vector.broadcast %squeeze3A_1026 : f32 to vector<16xf32>
      %mul3A_1028 = arith.constant 16 : i32
      %mul3A_1029 = arith.muli %scan3A_140, %mul3A_1028 : i32
      %add3A_1030 = arith.constant 15 : i32
      %add3A_1031 = arith.addi %mul3A_1029, %add3A_1030 : i32
      %swap3A_1032 = arith.index_cast %add3A_1031 : i32 to index
      %swap3A_1033 = arith.constant 0 : index
      %swap3A_1034 = tpu.vector_load %arg8[%swap3A_1032, %swap3A_1033] {strides = array<i32>} : memref<640x128xf32, #tpu.memory_space<vmem>>, vector<16xf32>,
      tpu.vector_store %arg8[%swap3A_1032, %swap3A_1033], %broadcast_in_dim3A_1027 {strides = array<i32>} : memref<640x128xf32, #tpu.memory_space<vmem>>, vector<16xf32>,
      %mul3A_1035 = arith.constant 16 : i32
      %mul3A_1036 = arith.muli %scan3A_140, %mul3A_1035 : i32
      %add3A_1037 = arith.constant 15 : i32
      %add3A_1038 = arith.addi %mul3A_1036, %add3A_1037 : i32
      %swap3A_1039 = arith.index_cast %add3A_1038 : i32 to index
      %swap3A_1040 = arith.constant 16 : index
      %swap3A_1041 = tpu.vector_load %arg8[%swap3A_1039, %swap3A_1040] {strides = array<i32>} : memref<640x128xf32, #tpu.memory_space<vmem>>, vector<16xf32>,
      tpu.vector_store %arg8[%swap3A_1039, %swap3A_1040], %broadcast_in_dim3A_1027 {strides = array<i32>} : memref<640x128xf32, #tpu.memory_space<vmem>>, vector<16xf32>,
      %mul3A_1042 = arith.constant 16 : i32
      %mul3A_1043 = arith.muli %scan3A_140, %mul3A_1042 : i32
      %add3A_1044 = arith.constant 15 : i32
      %add3A_1045 = arith.addi %mul3A_1043, %add3A_1044 : i32
      %swap3A_1046 = arith.index_cast %add3A_1045 : i32 to index
      %swap3A_1047 = arith.constant 32 : index
      %swap3A_1048 = tpu.vector_load %arg8[%swap3A_1046, %swap3A_1047] {strides = array<i32>} : memref<640x128xf32, #tpu.memory_space<vmem>>, vector<16xf32>,
      tpu.vector_store %arg8[%swap3A_1046, %swap3A_1047], %broadcast_in_dim3A_1027 {strides = array<i32>} : memref<640x128xf32, #tpu.memory_space<vmem>>, vector<16xf32>,
      %mul3A_1049 = arith.constant 16 : i32
      %mul3A_1050 = arith.muli %scan3A_140, %mul3A_1049 : i32
      %add3A_1051 = arith.constant 15 : i32
      %add3A_1052 = arith.addi %mul3A_1050, %add3A_1051 : i32
      %swap3A_1053 = arith.index_cast %add3A_1052 : i32 to index
      %swap3A_1054 = arith.constant 48 : index
      %swap3A_1055 = tpu.vector_load %arg8[%swap3A_1053, %swap3A_1054] {strides = array<i32>} : memref<640x128xf32, #tpu.memory_space<vmem>>, vector<16xf32>,
      tpu.vector_store %arg8[%swap3A_1053, %swap3A_1054], %broadcast_in_dim3A_1027 {strides = array<i32>} : memref<640x128xf32, #tpu.memory_space<vmem>>, vector<16xf32>,
      %mul3A_1056 = arith.constant 16 : i32
      %mul3A_1057 = arith.muli %scan3A_140, %mul3A_1056 : i32
      %add3A_1058 = arith.constant 15 : i32
      %add3A_1059 = arith.addi %mul3A_1057, %add3A_1058 : i32
      %swap3A_1060 = arith.index_cast %add3A_1059 : i32 to index
      %swap3A_1061 = arith.constant 64 : index
      %swap3A_1062 = tpu.vector_load %arg8[%swap3A_1060, %swap3A_1061] {strides = array<i32>} : memref<640x128xf32, #tpu.memory_space<vmem>>, vector<16xf32>,
      tpu.vector_store %arg8[%swap3A_1060, %swap3A_1061], %broadcast_in_dim3A_1027 {strides = array<i32>} : memref<640x128xf32, #tpu.memory_space<vmem>>, vector<16xf32>,
      %mul3A_1063 = arith.constant 16 : i32
      %mul3A_1064 = arith.muli %scan3A_140, %mul3A_1063 : i32
      %add3A_1065 = arith.constant 15 : i32
      %add3A_1066 = arith.addi %mul3A_1064, %add3A_1065 : i32
      %swap3A_1067 = arith.index_cast %add3A_1066 : i32 to index
      %swap3A_1068 = arith.constant 80 : index
      %swap3A_1069 = tpu.vector_load %arg8[%swap3A_1067, %swap3A_1068] {strides = array<i32>} : memref<640x128xf32, #tpu.memory_space<vmem>>, vector<16xf32>,
      tpu.vector_store %arg8[%swap3A_1067, %swap3A_1068], %broadcast_in_dim3A_1027 {strides = array<i32>} : memref<640x128xf32, #tpu.memory_space<vmem>>, vector<16xf32>,
      %mul3A_1070 = arith.constant 16 : i32
      %mul3A_1071 = arith.muli %scan3A_140, %mul3A_1070 : i32
      %add3A_1072 = arith.constant 15 : i32
      %add3A_1073 = arith.addi %mul3A_1071, %add3A_1072 : i32
      %swap3A_1074 = arith.index_cast %add3A_1073 : i32 to index
      %swap3A_1075 = arith.constant 96 : index
      %swap3A_1076 = tpu.vector_load %arg8[%swap3A_1074, %swap3A_1075] {strides = array<i32>} : memref<640x128xf32, #tpu.memory_space<vmem>>, vector<16xf32>,
      tpu.vector_store %arg8[%swap3A_1074, %swap3A_1075], %broadcast_in_dim3A_1027 {strides = array<i32>} : memref<640x128xf32, #tpu.memory_space<vmem>>, vector<16xf32>,
      %mul3A_1077 = arith.constant 16 : i32
      %mul3A_1078 = arith.muli %scan3A_140, %mul3A_1077 : i32
      %add3A_1079 = arith.constant 15 : i32
      %add3A_1080 = arith.addi %mul3A_1078, %add3A_1079 : i32
      %swap3A_1081 = arith.index_cast %add3A_1080 : i32 to index
      %swap3A_1082 = arith.constant 112 : index
      %swap3A_1083 = tpu.vector_load %arg8[%swap3A_1081, %swap3A_1082] {strides = array<i32>} : memref<640x128xf32, #tpu.memory_space<vmem>>, vector<16xf32>,
      tpu.vector_store %arg8[%swap3A_1081, %swap3A_1082], %broadcast_in_dim3A_1027 {strides = array<i32>} : memref<640x128xf32, #tpu.memory_space<vmem>>, vector<16xf32>,
    }
    %scan3A_139 = arith.constant 40 : i32
    "tpu.region"() ({
      %run_scoped3A_140 = tpu.sem_alloc : memref<!tpu.dma_semaphore, #tpu.memory_space<semaphore_mem>>
      %dma_start3A = arith.constant 0 : i32
      %dma_start3A_141 = tpu.memref_slice %arg3[%arg0, %mul3A_16, %dma_start3A] : memref<2x10240x128xf32, #tpu.memory_space<hbm>> -> memref<1x640x128xf32, #tpu.memory_space<hbm>>
      %dma_start3A_142 = tpu.memref_squeeze %dma_start3A_141 : memref<1x640x128xf32, #tpu.memory_space<hbm>> -> memref<640x128xf32, #tpu.memory_space<hbm>>
      %dma_start3A_143 = arith.constant 0 : i32
      %dma_start3A_144 = tpu.memref_slice %arg3[%arg0, %mul3A_16, %dma_start3A_143] : memref<2x10240x128xf32, #tpu.memory_space<hbm>> -> memref<1x640x128xf32, #tpu.memory_space<hbm>>
      %dma_start3A_145 = tpu.memref_squeeze %dma_start3A_144 : memref<1x640x128xf32, #tpu.memory_space<hbm>> -> memref<640x128xf32, #tpu.memory_space<hbm>>
      tpu.enqueue_dma source(%arg8 : memref<640x128xf32, #tpu.memory_space<vmem>>) target(%dma_start3A_145 : memref<640x128xf32, #tpu.memory_space<hbm>>) target_semaphore(%run_scoped3A_140 : memref<!tpu.dma_semaphore, #tpu.memory_space<semaphore_mem>>)
      %dma_wait3A = arith.constant 0 : i32
      %dma_wait3A_146 = tpu.memref_slice %arg3[%arg0, %mul3A_16, %dma_wait3A] : memref<2x10240x128xf32, #tpu.memory_space<hbm>> -> memref<1x640x128xf32, #tpu.memory_space<hbm>>
      %dma_wait3A_147 = tpu.memref_squeeze %dma_wait3A_146 : memref<1x640x128xf32, #tpu.memory_space<hbm>> -> memref<640x128xf32, #tpu.memory_space<hbm>>
      %dma_wait3A_148 = arith.constant 0 : i32
      %dma_wait3A_149 = tpu.memref_slice %arg3[%arg0, %mul3A_16, %dma_wait3A_148] : memref<2x10240x128xf32, #tpu.memory_space<hbm>> -> memref<1x640x128xf32, #tpu.memory_space<hbm>>
      %dma_wait3A_150 = tpu.memref_squeeze %dma_wait3A_149 : memref<1x640x128xf32, #tpu.memory_space<hbm>> -> memref<640x128xf32, #tpu.memory_space<hbm>>
      tpu.wait_dma2 semaphore(%run_scoped3A_140 : memref<!tpu.dma_semaphore, #tpu.memory_space<semaphore_mem>>) src(%arg8 : memref<640x128xf32, #tpu.memory_space<vmem>>) dst(%dma_wait3A_150 : memref<640x128xf32, #tpu.memory_space<hbm>>)
      tpu.yield
    }) : () -> ()
    return
  }
}

#map = affine_map<(d0, d1) -> (0, 0)>
#map1 = affine_map<(d0, d1) -> (0, 0, 0)>
module attributes {stable_mosaic.version = 14 : i64} {
  func.func @_traj_kernel(%arg0: i32, %arg1: i32, %arg2: memref<10240x128xf32, #tpu.memory_space<hbm>>, %arg3: memref<32x8x128xi32, #tpu.memory_space<hbm>>, %arg4: memref<32768x128xf32, #tpu.memory_space<hbm>>, %arg5: memref<8x128xi32, #tpu.memory_space<vmem>>, %arg6: memref<128x128xf32, #tpu.memory_space<vmem>>, %arg7: memref<128x128xf32, #tpu.memory_space<vmem>>, %arg8: memref<!tpu.dma_semaphore, #tpu.memory_space<semaphore_mem>>, %arg9: memref<!tpu.dma_semaphore, #tpu.memory_space<semaphore_mem>>, %arg10: memref<!tpu.dma_semaphore, #tpu.memory_space<semaphore_mem>>, %arg11: memref<!tpu.dma_semaphore, #tpu.memory_space<semaphore_mem>>, %arg12: memref<10240x128xf32, #tpu.memory_space<vmem_shared>>) attributes {dimension_semantics = [#tpu.dimension_semantics<core_parallel>, #tpu.dimension_semantics<subcore_parallel>], iteration_bounds = array<i64: 2, 16>, scalar_prefetch = 0 : i64, scratch_operands = 8 : i64, tpu.core_type = #tpu.core_type<sc_vector_subcore>, window_params = [{transform_indices = #map}, {transform_indices = #map1}, {transform_indices = #map}]} {
    %mul3A = arith.constant 2 : i32
    %mul3A_0 = arith.muli %arg1, %mul3A : i32
    %add3A = arith.addi %mul3A_0, %arg0 : i32
    "tpu.region"() ({
      %run_scoped3A = tpu.sem_alloc : memref<!tpu.dma_semaphore, #tpu.memory_space<semaphore_mem>>
      %dma_start3A_34 = arith.constant 0 : i32
      %dma_start3A_35 = arith.constant 0 : i32
      %dma_start3A_36 = tpu.memref_slice %arg3[%add3A, %dma_start3A_34, %dma_start3A_35] : memref<32x8x128xi32, #tpu.memory_space<hbm>> -> memref<1x8x128xi32, #tpu.memory_space<hbm>>
      %dma_start3A_37 = tpu.memref_squeeze %dma_start3A_36 : memref<1x8x128xi32, #tpu.memory_space<hbm>> -> memref<8x128xi32, #tpu.memory_space<hbm>>
      %dma_start3A_38 = arith.constant 0 : i32
      %dma_start3A_39 = arith.constant 0 : i32
      %dma_start3A_40 = tpu.memref_slice %arg3[%add3A, %dma_start3A_38, %dma_start3A_39] : memref<32x8x128xi32, #tpu.memory_space<hbm>> -> memref<1x8x128xi32, #tpu.memory_space<hbm>>
      %dma_start3A_41 = tpu.memref_squeeze %dma_start3A_40 : memref<1x8x128xi32, #tpu.memory_space<hbm>> -> memref<8x128xi32, #tpu.memory_space<hbm>>
      tpu.enqueue_dma source(%dma_start3A_41 : memref<8x128xi32, #tpu.memory_space<hbm>>) target(%arg5 : memref<8x128xi32, #tpu.memory_space<vmem>>) target_semaphore(%run_scoped3A : memref<!tpu.dma_semaphore, #tpu.memory_space<semaphore_mem>>)
      %dma_wait3A_42 = arith.constant 0 : i32
      %dma_wait3A_43 = arith.constant 0 : i32
      %dma_wait3A_44 = tpu.memref_slice %arg3[%add3A, %dma_wait3A_42, %dma_wait3A_43] : memref<32x8x128xi32, #tpu.memory_space<hbm>> -> memref<1x8x128xi32, #tpu.memory_space<hbm>>
      %dma_wait3A_45 = tpu.memref_squeeze %dma_wait3A_44 : memref<1x8x128xi32, #tpu.memory_space<hbm>> -> memref<8x128xi32, #tpu.memory_space<hbm>>
      %dma_wait3A_46 = arith.constant 0 : i32
      %dma_wait3A_47 = arith.constant 0 : i32
      %dma_wait3A_48 = tpu.memref_slice %arg3[%add3A, %dma_wait3A_46, %dma_wait3A_47] : memref<32x8x128xi32, #tpu.memory_space<hbm>> -> memref<1x8x128xi32, #tpu.memory_space<hbm>>
      %dma_wait3A_49 = tpu.memref_squeeze %dma_wait3A_48 : memref<1x8x128xi32, #tpu.memory_space<hbm>> -> memref<8x128xi32, #tpu.memory_space<hbm>>
      tpu.wait_dma2 semaphore(%run_scoped3A : memref<!tpu.dma_semaphore, #tpu.memory_space<semaphore_mem>>) src(%dma_wait3A_49 : memref<8x128xi32, #tpu.memory_space<hbm>>) dst(%arg5 : memref<8x128xi32, #tpu.memory_space<vmem>>)
      tpu.yield
    }) : () -> ()
    %mul3A_1 = arith.constant 640 : i32
    %mul3A_2 = arith.muli %arg1, %mul3A_1 : i32
    "tpu.region"() ({
      %run_scoped3A = tpu.sem_alloc : memref<!tpu.dma_semaphore, #tpu.memory_space<semaphore_mem>>
      %dma_start3A_34 = arith.constant 0 : i32
      %dma_start3A_35 = tpu.memref_slice %arg12[%mul3A_2, %dma_start3A_34] : memref<10240x128xf32, #tpu.memory_space<vmem_shared>> -> memref<640x128xf32, #tpu.memory_space<vmem_shared>>
      %dma_start3A_36 = arith.constant 0 : i32
      %dma_start3A_37 = tpu.memref_slice %arg2[%mul3A_2, %dma_start3A_36] : memref<10240x128xf32, #tpu.memory_space<hbm>> -> memref<640x128xf32, #tpu.memory_space<hbm>>
      tpu.enqueue_dma source(%dma_start3A_37 : memref<640x128xf32, #tpu.memory_space<hbm>>) target(%dma_start3A_35 : memref<640x128xf32, #tpu.memory_space<vmem_shared>>) target_semaphore(%run_scoped3A : memref<!tpu.dma_semaphore, #tpu.memory_space<semaphore_mem>>)
      %dma_wait3A_38 = arith.constant 0 : i32
      %dma_wait3A_39 = tpu.memref_slice %arg12[%mul3A_2, %dma_wait3A_38] : memref<10240x128xf32, #tpu.memory_space<vmem_shared>> -> memref<640x128xf32, #tpu.memory_space<vmem_shared>>
      %dma_wait3A_40 = arith.constant 0 : i32
      %dma_wait3A_41 = tpu.memref_slice %arg2[%mul3A_2, %dma_wait3A_40] : memref<10240x128xf32, #tpu.memory_space<hbm>> -> memref<640x128xf32, #tpu.memory_space<hbm>>
      tpu.wait_dma2 semaphore(%run_scoped3A : memref<!tpu.dma_semaphore, #tpu.memory_space<semaphore_mem>>) src(%dma_wait3A_41 : memref<640x128xf32, #tpu.memory_space<hbm>>) dst(%dma_wait3A_39 : memref<640x128xf32, #tpu.memory_space<vmem_shared>>)
      tpu.yield
    }) : () -> ()
    %barrier3A = arith.constant 0 : index
    tpu.barrier barrier_id(%barrier3A)
    %mul3A_3 = arith.constant 1024 : i32
    %mul3A_4 = arith.muli %add3A, %mul3A_3 : i32
    %dma_start3A = arith.constant 0 : i32
    %dma_start3A_5 = arith.constant 0 : i32
    %dma_start3A_6 = tpu.memref_slice %arg5[%dma_start3A, %dma_start3A_5] : memref<8x128xi32, #tpu.memory_space<vmem>> -> memref<1x128xi32, #tpu.memory_space<vmem>>
    %dma_start3A_7 = tpu.memref_squeeze %dma_start3A_6 : memref<1x128xi32, #tpu.memory_space<vmem>> -> memref<128xi32, #tpu.memory_space<vmem>>
    %dma_start3A_8 = arith.constant 0 : i32
    %dma_start3A_9 = arith.constant 0 : i32
    %dma_start3A_10 = tpu.memref_slice %arg12[%dma_start3A_8, %dma_start3A_9] : memref<10240x128xf32, #tpu.memory_space<vmem_shared>> -> memref<10240x128xf32, #tpu.memory_space<vmem_shared>>
    tpu.enqueue_indirect_dma source(%dma_start3A_10 : memref<10240x128xf32, #tpu.memory_space<vmem_shared>>) target(%arg6 : memref<128x128xf32, #tpu.memory_space<vmem>>) offsets(%dma_start3A_7 : memref<128xi32, #tpu.memory_space<vmem>>) semaphore(%arg8 : memref<!tpu.dma_semaphore, #tpu.memory_space<semaphore_mem>>)
    %dma_start3A_11 = arith.constant 1 : i32
    %dma_start3A_12 = arith.constant 0 : i32
    %dma_start3A_13 = tpu.memref_slice %arg5[%dma_start3A_11, %dma_start3A_12] : memref<8x128xi32, #tpu.memory_space<vmem>> -> memref<1x128xi32, #tpu.memory_space<vmem>>
    %dma_start3A_14 = tpu.memref_squeeze %dma_start3A_13 : memref<1x128xi32, #tpu.memory_space<vmem>> -> memref<128xi32, #tpu.memory_space<vmem>>
    %dma_start3A_15 = arith.constant 0 : i32
    %dma_start3A_16 = arith.constant 0 : i32
    %dma_start3A_17 = tpu.memref_slice %arg12[%dma_start3A_15, %dma_start3A_16] : memref<10240x128xf32, #tpu.memory_space<vmem_shared>> -> memref<10240x128xf32, #tpu.memory_space<vmem_shared>>
    tpu.enqueue_indirect_dma source(%dma_start3A_17 : memref<10240x128xf32, #tpu.memory_space<vmem_shared>>) target(%arg7 : memref<128x128xf32, #tpu.memory_space<vmem>>) offsets(%dma_start3A_14 : memref<128xi32, #tpu.memory_space<vmem>>) semaphore(%arg9 : memref<!tpu.dma_semaphore, #tpu.memory_space<semaphore_mem>>)
    %scan3A = arith.constant 0 : i32
    %scan3A_18 = arith.constant 0 : i32
    %scan3A_19 = arith.constant 4 : i32
    %scan3A_20 = arith.addi %scan3A_18, %scan3A_19 : i32
    %scan3A_21 = arith.constant 1 : i32
    scf.for %scan3A_34 = %scan3A_18 to %scan3A_20 step %scan3A_21  : i32 {
      %mul3A_35 = arith.constant 2 : i32
      %mul3A_36 = arith.muli %scan3A_34, %mul3A_35 : i32
      %add3A_37 = arith.constant 0 : i32
      %add3A_38 = arith.addi %mul3A_36, %add3A_37 : i32
      %mul3A_39 = arith.constant 128 : i32
      %mul3A_40 = arith.muli %add3A_38, %mul3A_39 : i32
      %add3A_41 = arith.addi %mul3A_4, %mul3A_40 : i32
      %dma_wait3A_42 = arith.constant 0 : i32
      %dma_wait3A_43 = tpu.memref_slice %arg5[%add3A_38, %dma_wait3A_42] : memref<8x128xi32, #tpu.memory_space<vmem>> -> memref<1x128xi32, #tpu.memory_space<vmem>>
      %dma_wait3A_44 = tpu.memref_squeeze %dma_wait3A_43 : memref<1x128xi32, #tpu.memory_space<vmem>> -> memref<128xi32, #tpu.memory_space<vmem>>
      %dma_wait3A_45 = arith.constant 0 : i32
      %dma_wait3A_46 = arith.constant 0 : i32
      %dma_wait3A_47 = tpu.memref_slice %arg12[%dma_wait3A_45, %dma_wait3A_46] : memref<10240x128xf32, #tpu.memory_space<vmem_shared>> -> memref<10240x128xf32, #tpu.memory_space<vmem_shared>>
      tpu.wait_indirect_dma semaphore(%arg8 : memref<!tpu.dma_semaphore, #tpu.memory_space<semaphore_mem>>) src(%dma_wait3A_47 : memref<10240x128xf32, #tpu.memory_space<vmem_shared>>) dst(%arg6 : memref<128x128xf32, #tpu.memory_space<vmem>>)
      %dma_start3A_48 = arith.constant 0 : i32
      %dma_start3A_49 = tpu.memref_slice %arg4[%add3A_41, %dma_start3A_48] : memref<32768x128xf32, #tpu.memory_space<hbm>> -> memref<128x128xf32, #tpu.memory_space<hbm>>
      %dma_start3A_50 = arith.constant 0 : i32
      %dma_start3A_51 = tpu.memref_slice %arg4[%add3A_41, %dma_start3A_50] : memref<32768x128xf32, #tpu.memory_space<hbm>> -> memref<128x128xf32, #tpu.memory_space<hbm>>
      tpu.enqueue_dma source(%arg6 : memref<128x128xf32, #tpu.memory_space<vmem>>) target(%dma_start3A_51 : memref<128x128xf32, #tpu.memory_space<hbm>>) target_semaphore(%arg10 : memref<!tpu.dma_semaphore, #tpu.memory_space<semaphore_mem>>)
      %add3A_52 = arith.constant 2 : i32
      %add3A_53 = arith.addi %add3A_38, %add3A_52 : i32
      %lt3A = arith.constant 8 : i32
      %lt3A_54 = arith.cmpi slt, %add3A_53, %lt3A : i32
      %convert_element_type3A = arith.extui %lt3A_54 : i1 to i32
      %cond3A = arith.constant 0 : i32
      %cond3A_55 = arith.cmpi ne, %convert_element_type3A, %cond3A : i32
      scf.if %cond3A_55 {
        %dma_wait3A_80 = arith.constant 0 : i32
        %dma_wait3A_81 = tpu.memref_slice %arg4[%add3A_41, %dma_wait3A_80] : memref<32768x128xf32, #tpu.memory_space<hbm>> -> memref<128x128xf32, #tpu.memory_space<hbm>>
        %dma_wait3A_82 = arith.constant 0 : i32
        %dma_wait3A_83 = tpu.memref_slice %arg4[%add3A_41, %dma_wait3A_82] : memref<32768x128xf32, #tpu.memory_space<hbm>> -> memref<128x128xf32, #tpu.memory_space<hbm>>
        tpu.wait_dma2 semaphore(%arg10 : memref<!tpu.dma_semaphore, #tpu.memory_space<semaphore_mem>>) src(%arg6 : memref<128x128xf32, #tpu.memory_space<vmem>>) dst(%dma_wait3A_83 : memref<128x128xf32, #tpu.memory_space<hbm>>)
        %add3A_84 = arith.constant 2 : i32
        %add3A_85 = arith.addi %add3A_38, %add3A_84 : i32
        %dma_start3A_86 = arith.constant 0 : i32
        %dma_start3A_87 = tpu.memref_slice %arg5[%add3A_85, %dma_start3A_86] : memref<8x128xi32, #tpu.memory_space<vmem>> -> memref<1x128xi32, #tpu.memory_space<vmem>>
        %dma_start3A_88 = tpu.memref_squeeze %dma_start3A_87 : memref<1x128xi32, #tpu.memory_space<vmem>> -> memref<128xi32, #tpu.memory_space<vmem>>
        %dma_start3A_89 = arith.constant 0 : i32
        %dma_start3A_90 = arith.constant 0 : i32
        %dma_start3A_91 = tpu.memref_slice %arg12[%dma_start3A_89, %dma_start3A_90] : memref<10240x128xf32, #tpu.memory_space<vmem_shared>> -> memref<10240x128xf32, #tpu.memory_space<vmem_shared>>
        tpu.enqueue_indirect_dma source(%dma_start3A_91 : memref<10240x128xf32, #tpu.memory_space<vmem_shared>>) target(%arg6 : memref<128x128xf32, #tpu.memory_space<vmem>>) offsets(%dma_start3A_88 : memref<128xi32, #tpu.memory_space<vmem>>) semaphore(%arg8 : memref<!tpu.dma_semaphore, #tpu.memory_space<semaphore_mem>>)
      } else {
      }
      %mul3A_56 = arith.constant 2 : i32
      %mul3A_57 = arith.muli %scan3A_34, %mul3A_56 : i32
      %add3A_58 = arith.constant 1 : i32
      %add3A_59 = arith.addi %mul3A_57, %add3A_58 : i32
      %mul3A_60 = arith.constant 128 : i32
      %mul3A_61 = arith.muli %add3A_59, %mul3A_60 : i32
      %add3A_62 = arith.addi %mul3A_4, %mul3A_61 : i32
      %dma_wait3A_63 = arith.constant 0 : i32
      %dma_wait3A_64 = tpu.memref_slice %arg5[%add3A_59, %dma_wait3A_63] : memref<8x128xi32, #tpu.memory_space<vmem>> -> memref<1x128xi32, #tpu.memory_space<vmem>>
      %dma_wait3A_65 = tpu.memref_squeeze %dma_wait3A_64 : memref<1x128xi32, #tpu.memory_space<vmem>> -> memref<128xi32, #tpu.memory_space<vmem>>
      %dma_wait3A_66 = arith.constant 0 : i32
      %dma_wait3A_67 = arith.constant 0 : i32
      %dma_wait3A_68 = tpu.memref_slice %arg12[%dma_wait3A_66, %dma_wait3A_67] : memref<10240x128xf32, #tpu.memory_space<vmem_shared>> -> memref<10240x128xf32, #tpu.memory_space<vmem_shared>>
      tpu.wait_indirect_dma semaphore(%arg9 : memref<!tpu.dma_semaphore, #tpu.memory_space<semaphore_mem>>) src(%dma_wait3A_68 : memref<10240x128xf32, #tpu.memory_space<vmem_shared>>) dst(%arg7 : memref<128x128xf32, #tpu.memory_space<vmem>>)
      %dma_start3A_69 = arith.constant 0 : i32
      %dma_start3A_70 = tpu.memref_slice %arg4[%add3A_62, %dma_start3A_69] : memref<32768x128xf32, #tpu.memory_space<hbm>> -> memref<128x128xf32, #tpu.memory_space<hbm>>
      %dma_start3A_71 = arith.constant 0 : i32
      %dma_start3A_72 = tpu.memref_slice %arg4[%add3A_62, %dma_start3A_71] : memref<32768x128xf32, #tpu.memory_space<hbm>> -> memref<128x128xf32, #tpu.memory_space<hbm>>
      tpu.enqueue_dma source(%arg7 : memref<128x128xf32, #tpu.memory_space<vmem>>) target(%dma_start3A_72 : memref<128x128xf32, #tpu.memory_space<hbm>>) target_semaphore(%arg11 : memref<!tpu.dma_semaphore, #tpu.memory_space<semaphore_mem>>)
      %add3A_73 = arith.constant 2 : i32
      %add3A_74 = arith.addi %add3A_59, %add3A_73 : i32
      %lt3A_75 = arith.constant 8 : i32
      %lt3A_76 = arith.cmpi slt, %add3A_74, %lt3A_75 : i32
      %convert_element_type3A_77 = arith.extui %lt3A_76 : i1 to i32
      %cond3A_78 = arith.constant 0 : i32
      %cond3A_79 = arith.cmpi ne, %convert_element_type3A_77, %cond3A_78 : i32
      scf.if %cond3A_79 {
        %dma_wait3A_80 = arith.constant 0 : i32
        %dma_wait3A_81 = tpu.memref_slice %arg4[%add3A_62, %dma_wait3A_80] : memref<32768x128xf32, #tpu.memory_space<hbm>> -> memref<128x128xf32, #tpu.memory_space<hbm>>
        %dma_wait3A_82 = arith.constant 0 : i32
        %dma_wait3A_83 = tpu.memref_slice %arg4[%add3A_62, %dma_wait3A_82] : memref<32768x128xf32, #tpu.memory_space<hbm>> -> memref<128x128xf32, #tpu.memory_space<hbm>>
        tpu.wait_dma2 semaphore(%arg11 : memref<!tpu.dma_semaphore, #tpu.memory_space<semaphore_mem>>) src(%arg7 : memref<128x128xf32, #tpu.memory_space<vmem>>) dst(%dma_wait3A_83 : memref<128x128xf32, #tpu.memory_space<hbm>>)
        %add3A_84 = arith.constant 2 : i32
        %add3A_85 = arith.addi %add3A_59, %add3A_84 : i32
        %dma_start3A_86 = arith.constant 0 : i32
        %dma_start3A_87 = tpu.memref_slice %arg5[%add3A_85, %dma_start3A_86] : memref<8x128xi32, #tpu.memory_space<vmem>> -> memref<1x128xi32, #tpu.memory_space<vmem>>
        %dma_start3A_88 = tpu.memref_squeeze %dma_start3A_87 : memref<1x128xi32, #tpu.memory_space<vmem>> -> memref<128xi32, #tpu.memory_space<vmem>>
        %dma_start3A_89 = arith.constant 0 : i32
        %dma_start3A_90 = arith.constant 0 : i32
        %dma_start3A_91 = tpu.memref_slice %arg12[%dma_start3A_89, %dma_start3A_90] : memref<10240x128xf32, #tpu.memory_space<vmem_shared>> -> memref<10240x128xf32, #tpu.memory_space<vmem_shared>>
        tpu.enqueue_indirect_dma source(%dma_start3A_91 : memref<10240x128xf32, #tpu.memory_space<vmem_shared>>) target(%arg7 : memref<128x128xf32, #tpu.memory_space<vmem>>) offsets(%dma_start3A_88 : memref<128xi32, #tpu.memory_space<vmem>>) semaphore(%arg9 : memref<!tpu.dma_semaphore, #tpu.memory_space<semaphore_mem>>)
      } else {
      }
    }
    %scan3A_22 = arith.constant 4 : i32
    %add3A_23 = arith.constant 768 : i32
    %add3A_24 = arith.addi %mul3A_4, %add3A_23 : i32
    %dma_wait3A = arith.constant 0 : i32
    %dma_wait3A_25 = tpu.memref_slice %arg4[%add3A_24, %dma_wait3A] : memref<32768x128xf32, #tpu.memory_space<hbm>> -> memref<128x128xf32, #tpu.memory_space<hbm>>
    %dma_wait3A_26 = arith.constant 0 : i32
    %dma_wait3A_27 = tpu.memref_slice %arg4[%add3A_24, %dma_wait3A_26] : memref<32768x128xf32, #tpu.memory_space<hbm>> -> memref<128x128xf32, #tpu.memory_space<hbm>>
    tpu.wait_dma2 semaphore(%arg10 : memref<!tpu.dma_semaphore, #tpu.memory_space<semaphore_mem>>) src(%arg6 : memref<128x128xf32, #tpu.memory_space<vmem>>) dst(%dma_wait3A_27 : memref<128x128xf32, #tpu.memory_space<hbm>>)
    %add3A_28 = arith.constant 896 : i32
    %add3A_29 = arith.addi %mul3A_4, %add3A_28 : i32
    %dma_wait3A_30 = arith.constant 0 : i32
    %dma_wait3A_31 = tpu.memref_slice %arg4[%add3A_29, %dma_wait3A_30] : memref<32768x128xf32, #tpu.memory_space<hbm>> -> memref<128x128xf32, #tpu.memory_space<hbm>>
    %dma_wait3A_32 = arith.constant 0 : i32
    %dma_wait3A_33 = tpu.memref_slice %arg4[%add3A_29, %dma_wait3A_32] : memref<32768x128xf32, #tpu.memory_space<hbm>> -> memref<128x128xf32, #tpu.memory_space<hbm>>
    tpu.wait_dma2 semaphore(%arg11 : memref<!tpu.dma_semaphore, #tpu.memory_space<semaphore_mem>>) src(%arg7 : memref<128x128xf32, #tpu.memory_space<vmem>>) dst(%dma_wait3A_33 : memref<128x128xf32, #tpu.memory_space<hbm>>)
    return
  }
}

#map = affine_map<(d0, d1) -> (0)>
#map1 = affine_map<(d0, d1) -> (0, 0)>
module attributes {stable_mosaic.version = 14 : i64} {
  func.func @_msg_kernel(%arg0: i32, %arg1: i32, %arg2: memref<655360xi32, #tpu.memory_space<hbm>>, %arg3: memref<2x163840xi32, #tpu.memory_space<hbm>>, %arg4: memref<2x163840xi32, #tpu.memory_space<hbm>>, %arg5: memref<2x1310720xf32, #tpu.memory_space<hbm>>, %arg6: memref<40960xi32, #tpu.memory_space<vmem>>, %arg7: memref<81920xf32, #tpu.memory_space<vmem>>, %arg8: memref<1024xi32, #tpu.memory_space<vmem>>, %arg9: memref<1024xi32, #tpu.memory_space<vmem>>, %arg10: memref<1024xi32, #tpu.memory_space<vmem>>, %arg11: memref<1024xi32, #tpu.memory_space<vmem>>, %arg12: memref<!tpu.dma_semaphore, #tpu.memory_space<semaphore_mem>>, %arg13: memref<!tpu.dma_semaphore, #tpu.memory_space<semaphore_mem>>) attributes {dimension_semantics = [#tpu.dimension_semantics<core_parallel>, #tpu.dimension_semantics<subcore_parallel>], iteration_bounds = array<i64: 2, 16>, scalar_prefetch = 0 : i64, scratch_operands = 8 : i64, tpu.core_type = #tpu.core_type<sc_vector_subcore>, window_params = [{transform_indices = #map}, {transform_indices = #map1}, {transform_indices = #map1}, {transform_indices = #map1}]} {
    %mul3A = arith.constant 4 : i32
    %mul3A_0 = arith.muli %arg1, %mul3A : i32
    %mul3A_1 = arith.constant 10240 : i32
    %mul3A_2 = arith.muli %mul3A_0, %mul3A_1 : i32
    "tpu.region"() ({
      %run_scoped3A = tpu.sem_alloc : memref<!tpu.dma_semaphore, #tpu.memory_space<semaphore_mem>>
      %dma_start3A_45 = tpu.memref_slice %arg2[%mul3A_2] : memref<655360xi32, #tpu.memory_space<hbm>> -> memref<40960xi32, #tpu.memory_space<hbm>>
      %dma_start3A_46 = tpu.memref_slice %arg2[%mul3A_2] : memref<655360xi32, #tpu.memory_space<hbm>> -> memref<40960xi32, #tpu.memory_space<hbm>>
      tpu.enqueue_dma source(%dma_start3A_46 : memref<40960xi32, #tpu.memory_space<hbm>>) target(%arg6 : memref<40960xi32, #tpu.memory_space<vmem>>) target_semaphore(%run_scoped3A : memref<!tpu.dma_semaphore, #tpu.memory_space<semaphore_mem>>)
      %dma_wait3A = tpu.memref_slice %arg2[%mul3A_2] : memref<655360xi32, #tpu.memory_space<hbm>> -> memref<40960xi32, #tpu.memory_space<hbm>>
      %dma_wait3A_47 = tpu.memref_slice %arg2[%mul3A_2] : memref<655360xi32, #tpu.memory_space<hbm>> -> memref<40960xi32, #tpu.memory_space<hbm>>
      tpu.wait_dma2 semaphore(%run_scoped3A : memref<!tpu.dma_semaphore, #tpu.memory_space<semaphore_mem>>) src(%dma_wait3A_47 : memref<40960xi32, #tpu.memory_space<hbm>>) dst(%arg6 : memref<40960xi32, #tpu.memory_space<vmem>>)
      tpu.yield
    }) : () -> ()
    %broadcast_in_dim3A = arith.constant 0.000000e+00 : f32
    %broadcast_in_dim3A_3 = vector.broadcast %broadcast_in_dim3A : f32 to vector<16xf32>
    %scan3A = arith.constant 0 : i32
    %scan3A_4 = arith.constant 0 : i32
    %scan3A_5 = arith.constant 5120 : i32
    %scan3A_6 = arith.addi %scan3A_4, %scan3A_5 : i32
    %scan3A_7 = arith.constant 1 : i32
    scf.for %scan3A_45 = %scan3A_4 to %scan3A_6 step %scan3A_7  : i32 {
      %mul3A_46 = arith.constant 16 : i32
      %mul3A_47 = arith.muli %scan3A_45, %mul3A_46 : i32
      %swap3A = arith.index_cast %mul3A_47 : i32 to index
      %swap3A_48 = tpu.vector_load %arg7[%swap3A] {strides = array<i32>} : memref<81920xf32, #tpu.memory_space<vmem>>, vector<16xf32>,
      tpu.vector_store %arg7[%swap3A], %broadcast_in_dim3A_3 {strides = array<i32>} : memref<81920xf32, #tpu.memory_space<vmem>>, vector<16xf32>,
    }
    %scan3A_8 = arith.constant 5120 : i32
    %dma_start3A = arith.constant 0 : i32
    %dma_start3A_9 = tpu.memref_slice %arg3[%arg0, %dma_start3A] : memref<2x163840xi32, #tpu.memory_space<hbm>> -> memref<1x1024xi32, #tpu.memory_space<hbm>>
    %dma_start3A_10 = tpu.memref_squeeze %dma_start3A_9 : memref<1x1024xi32, #tpu.memory_space<hbm>> -> memref<1024xi32, #tpu.memory_space<hbm>>
    %dma_start3A_11 = arith.constant 0 : i32
    %dma_start3A_12 = tpu.memref_slice %arg3[%arg0, %dma_start3A_11] : memref<2x163840xi32, #tpu.memory_space<hbm>> -> memref<1x1024xi32, #tpu.memory_space<hbm>>
    %dma_start3A_13 = tpu.memref_squeeze %dma_start3A_12 : memref<1x1024xi32, #tpu.memory_space<hbm>> -> memref<1024xi32, #tpu.memory_space<hbm>>
    tpu.enqueue_dma source(%dma_start3A_13 : memref<1024xi32, #tpu.memory_space<hbm>>) target(%arg8 : memref<1024xi32, #tpu.memory_space<vmem>>) target_semaphore(%arg12 : memref<!tpu.dma_semaphore, #tpu.memory_space<semaphore_mem>>)
    %dma_start3A_14 = arith.constant 0 : i32
    %dma_start3A_15 = tpu.memref_slice %arg4[%arg0, %dma_start3A_14] : memref<2x163840xi32, #tpu.memory_space<hbm>> -> memref<1x1024xi32, #tpu.memory_space<hbm>>
    %dma_start3A_16 = tpu.memref_squeeze %dma_start3A_15 : memref<1x1024xi32, #tpu.memory_space<hbm>> -> memref<1024xi32, #tpu.memory_space<hbm>>
    %dma_start3A_17 = arith.constant 0 : i32
    %dma_start3A_18 = tpu.memref_slice %arg4[%arg0, %dma_start3A_17] : memref<2x163840xi32, #tpu.memory_space<hbm>> -> memref<1x1024xi32, #tpu.memory_space<hbm>>
    %dma_start3A_19 = tpu.memref_squeeze %dma_start3A_18 : memref<1x1024xi32, #tpu.memory_space<hbm>> -> memref<1024xi32, #tpu.memory_space<hbm>>
    tpu.enqueue_dma source(%dma_start3A_19 : memref<1024xi32, #tpu.memory_space<hbm>>) target(%arg9 : memref<1024xi32, #tpu.memory_space<vmem>>) target_semaphore(%arg12 : memref<!tpu.dma_semaphore, #tpu.memory_space<semaphore_mem>>)
    %dma_start3A_20 = arith.constant 1024 : i32
    %dma_start3A_21 = tpu.memref_slice %arg3[%arg0, %dma_start3A_20] : memref<2x163840xi32, #tpu.memory_space<hbm>> -> memref<1x1024xi32, #tpu.memory_space<hbm>>
    %dma_start3A_22 = tpu.memref_squeeze %dma_start3A_21 : memref<1x1024xi32, #tpu.memory_space<hbm>> -> memref<1024xi32, #tpu.memory_space<hbm>>
    %dma_start3A_23 = arith.constant 1024 : i32
    %dma_start3A_24 = tpu.memref_slice %arg3[%arg0, %dma_start3A_23] : memref<2x163840xi32, #tpu.memory_space<hbm>> -> memref<1x1024xi32, #tpu.memory_space<hbm>>
    %dma_start3A_25 = tpu.memref_squeeze %dma_start3A_24 : memref<1x1024xi32, #tpu.memory_space<hbm>> -> memref<1024xi32, #tpu.memory_space<hbm>>
    tpu.enqueue_dma source(%dma_start3A_25 : memref<1024xi32, #tpu.memory_space<hbm>>) target(%arg10 : memref<1024xi32, #tpu.memory_space<vmem>>) target_semaphore(%arg13 : memref<!tpu.dma_semaphore, #tpu.memory_space<semaphore_mem>>)
    %dma_start3A_26 = arith.constant 1024 : i32
    %dma_start3A_27 = tpu.memref_slice %arg4[%arg0, %dma_start3A_26] : memref<2x163840xi32, #tpu.memory_space<hbm>> -> memref<1x1024xi32, #tpu.memory_space<hbm>>
    %dma_start3A_28 = tpu.memref_squeeze %dma_start3A_27 : memref<1x1024xi32, #tpu.memory_space<hbm>> -> memref<1024xi32, #tpu.memory_space<hbm>>
    %dma_start3A_29 = arith.constant 1024 : i32
    %dma_start3A_30 = tpu.memref_slice %arg4[%arg0, %dma_start3A_29] : memref<2x163840xi32, #tpu.memory_space<hbm>> -> memref<1x1024xi32, #tpu.memory_space<hbm>>
    %dma_start3A_31 = tpu.memref_squeeze %dma_start3A_30 : memref<1x1024xi32, #tpu.memory_space<hbm>> -> memref<1024xi32, #tpu.memory_space<hbm>>
    tpu.enqueue_dma source(%dma_start3A_31 : memref<1024xi32, #tpu.memory_space<hbm>>) target(%arg11 : memref<1024xi32, #tpu.memory_space<vmem>>) target_semaphore(%arg13 : memref<!tpu.dma_semaphore, #tpu.memory_space<semaphore_mem>>)
    %scan3A_32 = arith.constant 0 : i32
    %scan3A_33 = arith.constant -65536 : i32
    %scan3A_34 = arith.constant 0 : i32
    %scan3A_35 = arith.constant 80 : i32
    %scan3A_36 = arith.addi %scan3A_34, %scan3A_35 : i32
    %scan3A_37 = arith.constant 1 : i32
    scf.for %scan3A_45 = %scan3A_34 to %scan3A_36 step %scan3A_37  : i32 {
      %mul3A_46 = arith.constant 2 : i32
      %mul3A_47 = arith.muli %scan3A_45, %mul3A_46 : i32
      %add3A = arith.constant 0 : i32
      %add3A_48 = arith.addi %mul3A_47, %add3A : i32
      %mul3A_49 = arith.constant 1024 : i32
      %mul3A_50 = arith.muli %add3A_48, %mul3A_49 : i32
      %dma_wait3A = tpu.memref_slice %arg3[%arg0, %mul3A_50] : memref<2x163840xi32, #tpu.memory_space<hbm>> -> memref<1x1024xi32, #tpu.memory_space<hbm>>
      %dma_wait3A_51 = tpu.memref_squeeze %dma_wait3A : memref<1x1024xi32, #tpu.memory_space<hbm>> -> memref<1024xi32, #tpu.memory_space<hbm>>
      %dma_wait3A_52 = tpu.memref_slice %arg3[%arg0, %mul3A_50] : memref<2x163840xi32, #tpu.memory_space<hbm>> -> memref<1x1024xi32, #tpu.memory_space<hbm>>
      %dma_wait3A_53 = tpu.memref_squeeze %dma_wait3A_52 : memref<1x1024xi32, #tpu.memory_space<hbm>> -> memref<1024xi32, #tpu.memory_space<hbm>>
      tpu.wait_dma2 semaphore(%arg12 : memref<!tpu.dma_semaphore, #tpu.memory_space<semaphore_mem>>) src(%dma_wait3A_53 : memref<1024xi32, #tpu.memory_space<hbm>>) dst(%arg8 : memref<1024xi32, #tpu.memory_space<vmem>>)
      %dma_wait3A_54 = tpu.memref_slice %arg4[%arg0, %mul3A_50] : memref<2x163840xi32, #tpu.memory_space<hbm>> -> memref<1x1024xi32, #tpu.memory_space<hbm>>
      %dma_wait3A_55 = tpu.memref_squeeze %dma_wait3A_54 : memref<1x1024xi32, #tpu.memory_space<hbm>> -> memref<1024xi32, #tpu.memory_space<hbm>>
      %dma_wait3A_56 = tpu.memref_slice %arg4[%arg0, %mul3A_50] : memref<2x163840xi32, #tpu.memory_space<hbm>> -> memref<1x1024xi32, #tpu.memory_space<hbm>>
      %dma_wait3A_57 = tpu.memref_squeeze %dma_wait3A_56 : memref<1x1024xi32, #tpu.memory_space<hbm>> -> memref<1024xi32, #tpu.memory_space<hbm>>
      tpu.wait_dma2 semaphore(%arg12 : memref<!tpu.dma_semaphore, #tpu.memory_space<semaphore_mem>>) src(%dma_wait3A_57 : memref<1024xi32, #tpu.memory_space<hbm>>) dst(%arg9 : memref<1024xi32, #tpu.memory_space<vmem>>)
      %scan3A_58 = arith.constant 0 : i32
      %scan3A_59 = arith.constant 0 : i32
      %scan3A_60 = arith.constant 16 : i32
      %scan3A_61 = arith.addi %scan3A_59, %scan3A_60 : i32
      %scan3A_62 = arith.constant 1 : i32
      scf.for %scan3A_95 = %scan3A_59 to %scan3A_61 step %scan3A_62  : i32 {
        %mul3A_96 = arith.constant 4 : i32
        %mul3A_97 = arith.muli %scan3A_95, %mul3A_96 : i32
        %add3A_98 = arith.constant 0 : i32
        %add3A_99 = arith.addi %mul3A_97, %add3A_98 : i32
        %mul3A_100 = arith.constant 16 : i32
        %mul3A_101 = arith.muli %add3A_99, %mul3A_100 : i32
        %get3A = arith.index_cast %mul3A_101 : i32 to index
        %get3A_102 = tpu.vector_load %arg8[%get3A] {strides = array<i32>} : memref<1024xi32, #tpu.memory_space<vmem>>, vector<16xi32>,
        %mul3A_103 = arith.constant 16 : i32
        %mul3A_104 = arith.muli %add3A_99, %mul3A_103 : i32
        %get3A_105 = arith.index_cast %mul3A_104 : i32 to index
        %get3A_106 = tpu.vector_load %arg9[%get3A_105] {strides = array<i32>} : memref<1024xi32, #tpu.memory_space<vmem>>, vector<16xi32>,
        %add3A_107 = arith.constant 0 : i32
        %add3A_108 = vector.broadcast %add3A_107 : i32 to vector<16xi32>
        %add3A_109 = arith.addi %get3A_102, %add3A_108 : vector<16xi32>
        %gather3A = tpu.vector_load_idx %arg6[%add3A_109] : memref<40960xi32, #tpu.memory_space<vmem>>[vector<16xi32>], vector<16xi32>,
        %shift_left3A = arith.constant 16 : i32
        %shift_left3A_110 = vector.broadcast %shift_left3A : i32 to vector<16xi32>
        %shift_left3A_111 = arith.shli %gather3A, %shift_left3A_110 : vector<16xi32>
        %bitcast3A = vector.bitcast %shift_left3A_111 : vector<16xi32> to vector<16xf32>
        %and3A = vector.broadcast %scan3A_33 : i32 to vector<16xi32>
        %and3A_112 = arith.andi %gather3A, %and3A : vector<16xi32>
        %bitcast3A_113 = vector.bitcast %and3A_112 : vector<16xi32> to vector<16xf32>
        %add3A_114 = arith.constant 0 : i32
        %add3A_115 = vector.broadcast %add3A_114 : i32 to vector<16xi32>
        %add3A_116 = arith.addi %get3A_106, %add3A_115 : vector<16xi32>
        tpu.vector_store_idx %arg7[%add3A_116], %bitcast3A {add = true} : memref<81920xf32, #tpu.memory_space<vmem>>[vector<16xi32>], vector<16xf32>,
        %add3A_117 = arith.constant 10240 : i32
        %add3A_118 = vector.broadcast %add3A_117 : i32 to vector<16xi32>
        %add3A_119 = arith.addi %get3A_106, %add3A_118 : vector<16xi32>
        tpu.vector_store_idx %arg7[%add3A_119], %bitcast3A_113 {add = true} : memref<81920xf32, #tpu.memory_space<vmem>>[vector<16xi32>], vector<16xf32>,
        %add3A_120 = arith.constant 10240 : i32
        %add3A_121 = vector.broadcast %add3A_120 : i32 to vector<16xi32>
        %add3A_122 = arith.addi %get3A_102, %add3A_121 : vector<16xi32>
        %gather3A_123 = tpu.vector_load_idx %arg6[%add3A_122] : memref<40960xi32, #tpu.memory_space<vmem>>[vector<16xi32>], vector<16xi32>,
        %shift_left3A_124 = arith.constant 16 : i32
        %shift_left3A_125 = vector.broadcast %shift_left3A_124 : i32 to vector<16xi32>
        %shift_left3A_126 = arith.shli %gather3A_123, %shift_left3A_125 : vector<16xi32>
        %bitcast3A_127 = vector.bitcast %shift_left3A_126 : vector<16xi32> to vector<16xf32>
        %and3A_128 = vector.broadcast %scan3A_33 : i32 to vector<16xi32>
        %and3A_129 = arith.andi %gather3A_123, %and3A_128 : vector<16xi32>
        %bitcast3A_130 = vector.bitcast %and3A_129 : vector<16xi32> to vector<16xf32>
        %add3A_131 = arith.constant 20480 : i32
        %add3A_132 = vector.broadcast %add3A_131 : i32 to vector<16xi32>
        %add3A_133 = arith.addi %get3A_106, %add3A_132 : vector<16xi32>
        tpu.vector_store_idx %arg7[%add3A_133], %bitcast3A_127 {add = true} : memref<81920xf32, #tpu.memory_space<vmem>>[vector<16xi32>], vector<16xf32>,
        %add3A_134 = arith.constant 30720 : i32
        %add3A_135 = vector.broadcast %add3A_134 : i32 to vector<16xi32>
        %add3A_136 = arith.addi %get3A_106, %add3A_135 : vector<16xi32>
        tpu.vector_store_idx %arg7[%add3A_136], %bitcast3A_130 {add = true} : memref<81920xf32, #tpu.memory_space<vmem>>[vector<16xi32>], vector<16xf32>,
        %add3A_137 = arith.constant 20480 : i32
        %add3A_138 = vector.broadcast %add3A_137 : i32 to vector<16xi32>
        %add3A_139 = arith.addi %get3A_102, %add3A_138 : vector<16xi32>
        %gather3A_140 = tpu.vector_load_idx %arg6[%add3A_139] : memref<40960xi32, #tpu.memory_space<vmem>>[vector<16xi32>], vector<16xi32>,
        %shift_left3A_141 = arith.constant 16 : i32
        %shift_left3A_142 = vector.broadcast %shift_left3A_141 : i32 to vector<16xi32>
        %shift_left3A_143 = arith.shli %gather3A_140, %shift_left3A_142 : vector<16xi32>
        %bitcast3A_144 = vector.bitcast %shift_left3A_143 : vector<16xi32> to vector<16xf32>
        %and3A_145 = vector.broadcast %scan3A_33 : i32 to vector<16xi32>
        %and3A_146 = arith.andi %gather3A_140, %and3A_145 : vector<16xi32>
        %bitcast3A_147 = vector.bitcast %and3A_146 : vector<16xi32> to vector<16xf32>
        %add3A_148 = arith.constant 40960 : i32
        %add3A_149 = vector.broadcast %add3A_148 : i32 to vector<16xi32>
        %add3A_150 = arith.addi %get3A_106, %add3A_149 : vector<16xi32>
        tpu.vector_store_idx %arg7[%add3A_150], %bitcast3A_144 {add = true} : memref<81920xf32, #tpu.memory_space<vmem>>[vector<16xi32>], vector<16xf32>,
        %add3A_151 = arith.constant 51200 : i32
        %add3A_152 = vector.broadcast %add3A_151 : i32 to vector<16xi32>
        %add3A_153 = arith.addi %get3A_106, %add3A_152 : vector<16xi32>
        tpu.vector_store_idx %arg7[%add3A_153], %bitcast3A_147 {add = true} : memref<81920xf32, #tpu.memory_space<vmem>>[vector<16xi32>], vector<16xf32>,
        %add3A_154 = arith.constant 30720 : i32
        %add3A_155 = vector.broadcast %add3A_154 : i32 to vector<16xi32>
        %add3A_156 = arith.addi %get3A_102, %add3A_155 : vector<16xi32>
        %gather3A_157 = tpu.vector_load_idx %arg6[%add3A_156] : memref<40960xi32, #tpu.memory_space<vmem>>[vector<16xi32>], vector<16xi32>,
        %shift_left3A_158 = arith.constant 16 : i32
        %shift_left3A_159 = vector.broadcast %shift_left3A_158 : i32 to vector<16xi32>
        %shift_left3A_160 = arith.shli %gather3A_157, %shift_left3A_159 : vector<16xi32>
        %bitcast3A_161 = vector.bitcast %shift_left3A_160 : vector<16xi32> to vector<16xf32>
        %and3A_162 = vector.broadcast %scan3A_33 : i32 to vector<16xi32>
        %and3A_163 = arith.andi %gather3A_157, %and3A_162 : vector<16xi32>
        %bitcast3A_164 = vector.bitcast %and3A_163 : vector<16xi32> to vector<16xf32>
        %add3A_165 = arith.constant 61440 : i32
        %add3A_166 = vector.broadcast %add3A_165 : i32 to vector<16xi32>
        %add3A_167 = arith.addi %get3A_106, %add3A_166 : vector<16xi32>
        tpu.vector_store_idx %arg7[%add3A_167], %bitcast3A_161 {add = true} : memref<81920xf32, #tpu.memory_space<vmem>>[vector<16xi32>], vector<16xf32>,
        %add3A_168 = arith.constant 71680 : i32
        %add3A_169 = vector.broadcast %add3A_168 : i32 to vector<16xi32>
        %add3A_170 = arith.addi %get3A_106, %add3A_169 : vector<16xi32>
        tpu.vector_store_idx %arg7[%add3A_170], %bitcast3A_164 {add = true} : memref<81920xf32, #tpu.memory_space<vmem>>[vector<16xi32>], vector<16xf32>,
        %mul3A_171 = arith.constant 4 : i32
        %mul3A_172 = arith.muli %scan3A_95, %mul3A_171 : i32
        %add3A_173 = arith.constant 1 : i32
        %add3A_174 = arith.addi %mul3A_172, %add3A_173 : i32
        %mul3A_175 = arith.constant 16 : i32
        %mul3A_176 = arith.muli %add3A_174, %mul3A_175 : i32
        %get3A_177 = arith.index_cast %mul3A_176 : i32 to index
        %get3A_178 = tpu.vector_load %arg8[%get3A_177] {strides = array<i32>} : memref<1024xi32, #tpu.memory_space<vmem>>, vector<16xi32>,
        %mul3A_179 = arith.constant 16 : i32
        %mul3A_180 = arith.muli %add3A_174, %mul3A_179 : i32
        %get3A_181 = arith.index_cast %mul3A_180 : i32 to index
        %get3A_182 = tpu.vector_load %arg9[%get3A_181] {strides = array<i32>} : memref<1024xi32, #tpu.memory_space<vmem>>, vector<16xi32>,
        %add3A_183 = arith.constant 0 : i32
        %add3A_184 = vector.broadcast %add3A_183 : i32 to vector<16xi32>
        %add3A_185 = arith.addi %get3A_178, %add3A_184 : vector<16xi32>
        %gather3A_186 = tpu.vector_load_idx %arg6[%add3A_185] : memref<40960xi32, #tpu.memory_space<vmem>>[vector<16xi32>], vector<16xi32>,
        %shift_left3A_187 = arith.constant 16 : i32
        %shift_left3A_188 = vector.broadcast %shift_left3A_187 : i32 to vector<16xi32>
        %shift_left3A_189 = arith.shli %gather3A_186, %shift_left3A_188 : vector<16xi32>
        %bitcast3A_190 = vector.bitcast %shift_left3A_189 : vector<16xi32> to vector<16xf32>
        %and3A_191 = vector.broadcast %scan3A_33 : i32 to vector<16xi32>
        %and3A_192 = arith.andi %gather3A_186, %and3A_191 : vector<16xi32>
        %bitcast3A_193 = vector.bitcast %and3A_192 : vector<16xi32> to vector<16xf32>
        %add3A_194 = arith.constant 0 : i32
        %add3A_195 = vector.broadcast %add3A_194 : i32 to vector<16xi32>
        %add3A_196 = arith.addi %get3A_182, %add3A_195 : vector<16xi32>
        tpu.vector_store_idx %arg7[%add3A_196], %bitcast3A_190 {add = true} : memref<81920xf32, #tpu.memory_space<vmem>>[vector<16xi32>], vector<16xf32>,
        %add3A_197 = arith.constant 10240 : i32
        %add3A_198 = vector.broadcast %add3A_197 : i32 to vector<16xi32>
        %add3A_199 = arith.addi %get3A_182, %add3A_198 : vector<16xi32>
        tpu.vector_store_idx %arg7[%add3A_199], %bitcast3A_193 {add = true} : memref<81920xf32, #tpu.memory_space<vmem>>[vector<16xi32>], vector<16xf32>,
        %add3A_200 = arith.constant 10240 : i32
        %add3A_201 = vector.broadcast %add3A_200 : i32 to vector<16xi32>
        %add3A_202 = arith.addi %get3A_178, %add3A_201 : vector<16xi32>
        %gather3A_203 = tpu.vector_load_idx %arg6[%add3A_202] : memref<40960xi32, #tpu.memory_space<vmem>>[vector<16xi32>], vector<16xi32>,
        %shift_left3A_204 = arith.constant 16 : i32
        %shift_left3A_205 = vector.broadcast %shift_left3A_204 : i32 to vector<16xi32>
        %shift_left3A_206 = arith.shli %gather3A_203, %shift_left3A_205 : vector<16xi32>
        %bitcast3A_207 = vector.bitcast %shift_left3A_206 : vector<16xi32> to vector<16xf32>
        %and3A_208 = vector.broadcast %scan3A_33 : i32 to vector<16xi32>
        %and3A_209 = arith.andi %gather3A_203, %and3A_208 : vector<16xi32>
        %bitcast3A_210 = vector.bitcast %and3A_209 : vector<16xi32> to vector<16xf32>
        %add3A_211 = arith.constant 20480 : i32
        %add3A_212 = vector.broadcast %add3A_211 : i32 to vector<16xi32>
        %add3A_213 = arith.addi %get3A_182, %add3A_212 : vector<16xi32>
        tpu.vector_store_idx %arg7[%add3A_213], %bitcast3A_207 {add = true} : memref<81920xf32, #tpu.memory_space<vmem>>[vector<16xi32>], vector<16xf32>,
        %add3A_214 = arith.constant 30720 : i32
        %add3A_215 = vector.broadcast %add3A_214 : i32 to vector<16xi32>
        %add3A_216 = arith.addi %get3A_182, %add3A_215 : vector<16xi32>
        tpu.vector_store_idx %arg7[%add3A_216], %bitcast3A_210 {add = true} : memref<81920xf32, #tpu.memory_space<vmem>>[vector<16xi32>], vector<16xf32>,
        %add3A_217 = arith.constant 20480 : i32
        %add3A_218 = vector.broadcast %add3A_217 : i32 to vector<16xi32>
        %add3A_219 = arith.addi %get3A_178, %add3A_218 : vector<16xi32>
        %gather3A_220 = tpu.vector_load_idx %arg6[%add3A_219] : memref<40960xi32, #tpu.memory_space<vmem>>[vector<16xi32>], vector<16xi32>,
        %shift_left3A_221 = arith.constant 16 : i32
        %shift_left3A_222 = vector.broadcast %shift_left3A_221 : i32 to vector<16xi32>
        %shift_left3A_223 = arith.shli %gather3A_220, %shift_left3A_222 : vector<16xi32>
        %bitcast3A_224 = vector.bitcast %shift_left3A_223 : vector<16xi32> to vector<16xf32>
        %and3A_225 = vector.broadcast %scan3A_33 : i32 to vector<16xi32>
        %and3A_226 = arith.andi %gather3A_220, %and3A_225 : vector<16xi32>
        %bitcast3A_227 = vector.bitcast %and3A_226 : vector<16xi32> to vector<16xf32>
        %add3A_228 = arith.constant 40960 : i32
        %add3A_229 = vector.broadcast %add3A_228 : i32 to vector<16xi32>
        %add3A_230 = arith.addi %get3A_182, %add3A_229 : vector<16xi32>
        tpu.vector_store_idx %arg7[%add3A_230], %bitcast3A_224 {add = true} : memref<81920xf32, #tpu.memory_space<vmem>>[vector<16xi32>], vector<16xf32>,
        %add3A_231 = arith.constant 51200 : i32
        %add3A_232 = vector.broadcast %add3A_231 : i32 to vector<16xi32>
        %add3A_233 = arith.addi %get3A_182, %add3A_232 : vector<16xi32>
        tpu.vector_store_idx %arg7[%add3A_233], %bitcast3A_227 {add = true} : memref<81920xf32, #tpu.memory_space<vmem>>[vector<16xi32>], vector<16xf32>,
        %add3A_234 = arith.constant 30720 : i32
        %add3A_235 = vector.broadcast %add3A_234 : i32 to vector<16xi32>
        %add3A_236 = arith.addi %get3A_178, %add3A_235 : vector<16xi32>
        %gather3A_237 = tpu.vector_load_idx %arg6[%add3A_236] : memref<40960xi32, #tpu.memory_space<vmem>>[vector<16xi32>], vector<16xi32>,
        %shift_left3A_238 = arith.constant 16 : i32
        %shift_left3A_239 = vector.broadcast %shift_left3A_238 : i32 to vector<16xi32>
        %shift_left3A_240 = arith.shli %gather3A_237, %shift_left3A_239 : vector<16xi32>
        %bitcast3A_241 = vector.bitcast %shift_left3A_240 : vector<16xi32> to vector<16xf32>
        %and3A_242 = vector.broadcast %scan3A_33 : i32 to vector<16xi32>
        %and3A_243 = arith.andi %gather3A_237, %and3A_242 : vector<16xi32>
        %bitcast3A_244 = vector.bitcast %and3A_243 : vector<16xi32> to vector<16xf32>
        %add3A_245 = arith.constant 61440 : i32
        %add3A_246 = vector.broadcast %add3A_245 : i32 to vector<16xi32>
        %add3A_247 = arith.addi %get3A_182, %add3A_246 : vector<16xi32>
        tpu.vector_store_idx %arg7[%add3A_247], %bitcast3A_241 {add = true} : memref<81920xf32, #tpu.memory_space<vmem>>[vector<16xi32>], vector<16xf32>,
        %add3A_248 = arith.constant 71680 : i32
        %add3A_249 = vector.broadcast %add3A_248 : i32 to vector<16xi32>
        %add3A_250 = arith.addi %get3A_182, %add3A_249 : vector<16xi32>
        tpu.vector_store_idx %arg7[%add3A_250], %bitcast3A_244 {add = true} : memref<81920xf32, #tpu.memory_space<vmem>>[vector<16xi32>], vector<16xf32>,
        %mul3A_251 = arith.constant 4 : i32
        %mul3A_252 = arith.muli %scan3A_95, %mul3A_251 : i32
        %add3A_253 = arith.constant 2 : i32
        %add3A_254 = arith.addi %mul3A_252, %add3A_253 : i32
        %mul3A_255 = arith.constant 16 : i32
        %mul3A_256 = arith.muli %add3A_254, %mul3A_255 : i32
        %get3A_257 = arith.index_cast %mul3A_256 : i32 to index
        %get3A_258 = tpu.vector_load %arg8[%get3A_257] {strides = array<i32>} : memref<1024xi32, #tpu.memory_space<vmem>>, vector<16xi32>,
        %mul3A_259 = arith.constant 16 : i32
        %mul3A_260 = arith.muli %add3A_254, %mul3A_259 : i32
        %get3A_261 = arith.index_cast %mul3A_260 : i32 to index
        %get3A_262 = tpu.vector_load %arg9[%get3A_261] {strides = array<i32>} : memref<1024xi32, #tpu.memory_space<vmem>>, vector<16xi32>,
        %add3A_263 = arith.constant 0 : i32
        %add3A_264 = vector.broadcast %add3A_263 : i32 to vector<16xi32>
        %add3A_265 = arith.addi %get3A_258, %add3A_264 : vector<16xi32>
        %gather3A_266 = tpu.vector_load_idx %arg6[%add3A_265] : memref<40960xi32, #tpu.memory_space<vmem>>[vector<16xi32>], vector<16xi32>,
        %shift_left3A_267 = arith.constant 16 : i32
        %shift_left3A_268 = vector.broadcast %shift_left3A_267 : i32 to vector<16xi32>
        %shift_left3A_269 = arith.shli %gather3A_266, %shift_left3A_268 : vector<16xi32>
        %bitcast3A_270 = vector.bitcast %shift_left3A_269 : vector<16xi32> to vector<16xf32>
        %and3A_271 = vector.broadcast %scan3A_33 : i32 to vector<16xi32>
        %and3A_272 = arith.andi %gather3A_266, %and3A_271 : vector<16xi32>
        %bitcast3A_273 = vector.bitcast %and3A_272 : vector<16xi32> to vector<16xf32>
        %add3A_274 = arith.constant 0 : i32
        %add3A_275 = vector.broadcast %add3A_274 : i32 to vector<16xi32>
        %add3A_276 = arith.addi %get3A_262, %add3A_275 : vector<16xi32>
        tpu.vector_store_idx %arg7[%add3A_276], %bitcast3A_270 {add = true} : memref<81920xf32, #tpu.memory_space<vmem>>[vector<16xi32>], vector<16xf32>,
        %add3A_277 = arith.constant 10240 : i32
        %add3A_278 = vector.broadcast %add3A_277 : i32 to vector<16xi32>
        %add3A_279 = arith.addi %get3A_262, %add3A_278 : vector<16xi32>
        tpu.vector_store_idx %arg7[%add3A_279], %bitcast3A_273 {add = true} : memref<81920xf32, #tpu.memory_space<vmem>>[vector<16xi32>], vector<16xf32>,
        %add3A_280 = arith.constant 10240 : i32
        %add3A_281 = vector.broadcast %add3A_280 : i32 to vector<16xi32>
        %add3A_282 = arith.addi %get3A_258, %add3A_281 : vector<16xi32>
        %gather3A_283 = tpu.vector_load_idx %arg6[%add3A_282] : memref<40960xi32, #tpu.memory_space<vmem>>[vector<16xi32>], vector<16xi32>,
        %shift_left3A_284 = arith.constant 16 : i32
        %shift_left3A_285 = vector.broadcast %shift_left3A_284 : i32 to vector<16xi32>
        %shift_left3A_286 = arith.shli %gather3A_283, %shift_left3A_285 : vector<16xi32>
        %bitcast3A_287 = vector.bitcast %shift_left3A_286 : vector<16xi32> to vector<16xf32>
        %and3A_288 = vector.broadcast %scan3A_33 : i32 to vector<16xi32>
        %and3A_289 = arith.andi %gather3A_283, %and3A_288 : vector<16xi32>
        %bitcast3A_290 = vector.bitcast %and3A_289 : vector<16xi32> to vector<16xf32>
        %add3A_291 = arith.constant 20480 : i32
        %add3A_292 = vector.broadcast %add3A_291 : i32 to vector<16xi32>
        %add3A_293 = arith.addi %get3A_262, %add3A_292 : vector<16xi32>
        tpu.vector_store_idx %arg7[%add3A_293], %bitcast3A_287 {add = true} : memref<81920xf32, #tpu.memory_space<vmem>>[vector<16xi32>], vector<16xf32>,
        %add3A_294 = arith.constant 30720 : i32
        %add3A_295 = vector.broadcast %add3A_294 : i32 to vector<16xi32>
        %add3A_296 = arith.addi %get3A_262, %add3A_295 : vector<16xi32>
        tpu.vector_store_idx %arg7[%add3A_296], %bitcast3A_290 {add = true} : memref<81920xf32, #tpu.memory_space<vmem>>[vector<16xi32>], vector<16xf32>,
        %add3A_297 = arith.constant 20480 : i32
        %add3A_298 = vector.broadcast %add3A_297 : i32 to vector<16xi32>
        %add3A_299 = arith.addi %get3A_258, %add3A_298 : vector<16xi32>
        %gather3A_300 = tpu.vector_load_idx %arg6[%add3A_299] : memref<40960xi32, #tpu.memory_space<vmem>>[vector<16xi32>], vector<16xi32>,
        %shift_left3A_301 = arith.constant 16 : i32
        %shift_left3A_302 = vector.broadcast %shift_left3A_301 : i32 to vector<16xi32>
        %shift_left3A_303 = arith.shli %gather3A_300, %shift_left3A_302 : vector<16xi32>
        %bitcast3A_304 = vector.bitcast %shift_left3A_303 : vector<16xi32> to vector<16xf32>
        %and3A_305 = vector.broadcast %scan3A_33 : i32 to vector<16xi32>
        %and3A_306 = arith.andi %gather3A_300, %and3A_305 : vector<16xi32>
        %bitcast3A_307 = vector.bitcast %and3A_306 : vector<16xi32> to vector<16xf32>
        %add3A_308 = arith.constant 40960 : i32
        %add3A_309 = vector.broadcast %add3A_308 : i32 to vector<16xi32>
        %add3A_310 = arith.addi %get3A_262, %add3A_309 : vector<16xi32>
        tpu.vector_store_idx %arg7[%add3A_310], %bitcast3A_304 {add = true} : memref<81920xf32, #tpu.memory_space<vmem>>[vector<16xi32>], vector<16xf32>,
        %add3A_311 = arith.constant 51200 : i32
        %add3A_312 = vector.broadcast %add3A_311 : i32 to vector<16xi32>
        %add3A_313 = arith.addi %get3A_262, %add3A_312 : vector<16xi32>
        tpu.vector_store_idx %arg7[%add3A_313], %bitcast3A_307 {add = true} : memref<81920xf32, #tpu.memory_space<vmem>>[vector<16xi32>], vector<16xf32>,
        %add3A_314 = arith.constant 30720 : i32
        %add3A_315 = vector.broadcast %add3A_314 : i32 to vector<16xi32>
        %add3A_316 = arith.addi %get3A_258, %add3A_315 : vector<16xi32>
        %gather3A_317 = tpu.vector_load_idx %arg6[%add3A_316] : memref<40960xi32, #tpu.memory_space<vmem>>[vector<16xi32>], vector<16xi32>,
        %shift_left3A_318 = arith.constant 16 : i32
        %shift_left3A_319 = vector.broadcast %shift_left3A_318 : i32 to vector<16xi32>
        %shift_left3A_320 = arith.shli %gather3A_317, %shift_left3A_319 : vector<16xi32>
        %bitcast3A_321 = vector.bitcast %shift_left3A_320 : vector<16xi32> to vector<16xf32>
        %and3A_322 = vector.broadcast %scan3A_33 : i32 to vector<16xi32>
        %and3A_323 = arith.andi %gather3A_317, %and3A_322 : vector<16xi32>
        %bitcast3A_324 = vector.bitcast %and3A_323 : vector<16xi32> to vector<16xf32>
        %add3A_325 = arith.constant 61440 : i32
        %add3A_326 = vector.broadcast %add3A_325 : i32 to vector<16xi32>
        %add3A_327 = arith.addi %get3A_262, %add3A_326 : vector<16xi32>
        tpu.vector_store_idx %arg7[%add3A_327], %bitcast3A_321 {add = true} : memref<81920xf32, #tpu.memory_space<vmem>>[vector<16xi32>], vector<16xf32>,
        %add3A_328 = arith.constant 71680 : i32
        %add3A_329 = vector.broadcast %add3A_328 : i32 to vector<16xi32>
        %add3A_330 = arith.addi %get3A_262, %add3A_329 : vector<16xi32>
        tpu.vector_store_idx %arg7[%add3A_330], %bitcast3A_324 {add = true} : memref<81920xf32, #tpu.memory_space<vmem>>[vector<16xi32>], vector<16xf32>,
        %mul3A_331 = arith.constant 4 : i32
        %mul3A_332 = arith.muli %scan3A_95, %mul3A_331 : i32
        %add3A_333 = arith.constant 3 : i32
        %add3A_334 = arith.addi %mul3A_332, %add3A_333 : i32
        %mul3A_335 = arith.constant 16 : i32
        %mul3A_336 = arith.muli %add3A_334, %mul3A_335 : i32
        %get3A_337 = arith.index_cast %mul3A_336 : i32 to index
        %get3A_338 = tpu.vector_load %arg8[%get3A_337] {strides = array<i32>} : memref<1024xi32, #tpu.memory_space<vmem>>, vector<16xi32>,
        %mul3A_339 = arith.constant 16 : i32
        %mul3A_340 = arith.muli %add3A_334, %mul3A_339 : i32
        %get3A_341 = arith.index_cast %mul3A_340 : i32 to index
        %get3A_342 = tpu.vector_load %arg9[%get3A_341] {strides = array<i32>} : memref<1024xi32, #tpu.memory_space<vmem>>, vector<16xi32>,
        %add3A_343 = arith.constant 0 : i32
        %add3A_344 = vector.broadcast %add3A_343 : i32 to vector<16xi32>
        %add3A_345 = arith.addi %get3A_338, %add3A_344 : vector<16xi32>
        %gather3A_346 = tpu.vector_load_idx %arg6[%add3A_345] : memref<40960xi32, #tpu.memory_space<vmem>>[vector<16xi32>], vector<16xi32>,
        %shift_left3A_347 = arith.constant 16 : i32
        %shift_left3A_348 = vector.broadcast %shift_left3A_347 : i32 to vector<16xi32>
        %shift_left3A_349 = arith.shli %gather3A_346, %shift_left3A_348 : vector<16xi32>
        %bitcast3A_350 = vector.bitcast %shift_left3A_349 : vector<16xi32> to vector<16xf32>
        %and3A_351 = vector.broadcast %scan3A_33 : i32 to vector<16xi32>
        %and3A_352 = arith.andi %gather3A_346, %and3A_351 : vector<16xi32>
        %bitcast3A_353 = vector.bitcast %and3A_352 : vector<16xi32> to vector<16xf32>
        %add3A_354 = arith.constant 0 : i32
        %add3A_355 = vector.broadcast %add3A_354 : i32 to vector<16xi32>
        %add3A_356 = arith.addi %get3A_342, %add3A_355 : vector<16xi32>
        tpu.vector_store_idx %arg7[%add3A_356], %bitcast3A_350 {add = true} : memref<81920xf32, #tpu.memory_space<vmem>>[vector<16xi32>], vector<16xf32>,
        %add3A_357 = arith.constant 10240 : i32
        %add3A_358 = vector.broadcast %add3A_357 : i32 to vector<16xi32>
        %add3A_359 = arith.addi %get3A_342, %add3A_358 : vector<16xi32>
        tpu.vector_store_idx %arg7[%add3A_359], %bitcast3A_353 {add = true} : memref<81920xf32, #tpu.memory_space<vmem>>[vector<16xi32>], vector<16xf32>,
        %add3A_360 = arith.constant 10240 : i32
        %add3A_361 = vector.broadcast %add3A_360 : i32 to vector<16xi32>
        %add3A_362 = arith.addi %get3A_338, %add3A_361 : vector<16xi32>
        %gather3A_363 = tpu.vector_load_idx %arg6[%add3A_362] : memref<40960xi32, #tpu.memory_space<vmem>>[vector<16xi32>], vector<16xi32>,
        %shift_left3A_364 = arith.constant 16 : i32
        %shift_left3A_365 = vector.broadcast %shift_left3A_364 : i32 to vector<16xi32>
        %shift_left3A_366 = arith.shli %gather3A_363, %shift_left3A_365 : vector<16xi32>
        %bitcast3A_367 = vector.bitcast %shift_left3A_366 : vector<16xi32> to vector<16xf32>
        %and3A_368 = vector.broadcast %scan3A_33 : i32 to vector<16xi32>
        %and3A_369 = arith.andi %gather3A_363, %and3A_368 : vector<16xi32>
        %bitcast3A_370 = vector.bitcast %and3A_369 : vector<16xi32> to vector<16xf32>
        %add3A_371 = arith.constant 20480 : i32
        %add3A_372 = vector.broadcast %add3A_371 : i32 to vector<16xi32>
        %add3A_373 = arith.addi %get3A_342, %add3A_372 : vector<16xi32>
        tpu.vector_store_idx %arg7[%add3A_373], %bitcast3A_367 {add = true} : memref<81920xf32, #tpu.memory_space<vmem>>[vector<16xi32>], vector<16xf32>,
        %add3A_374 = arith.constant 30720 : i32
        %add3A_375 = vector.broadcast %add3A_374 : i32 to vector<16xi32>
        %add3A_376 = arith.addi %get3A_342, %add3A_375 : vector<16xi32>
        tpu.vector_store_idx %arg7[%add3A_376], %bitcast3A_370 {add = true} : memref<81920xf32, #tpu.memory_space<vmem>>[vector<16xi32>], vector<16xf32>,
        %add3A_377 = arith.constant 20480 : i32
        %add3A_378 = vector.broadcast %add3A_377 : i32 to vector<16xi32>
        %add3A_379 = arith.addi %get3A_338, %add3A_378 : vector<16xi32>
        %gather3A_380 = tpu.vector_load_idx %arg6[%add3A_379] : memref<40960xi32, #tpu.memory_space<vmem>>[vector<16xi32>], vector<16xi32>,
        %shift_left3A_381 = arith.constant 16 : i32
        %shift_left3A_382 = vector.broadcast %shift_left3A_381 : i32 to vector<16xi32>
        %shift_left3A_383 = arith.shli %gather3A_380, %shift_left3A_382 : vector<16xi32>
        %bitcast3A_384 = vector.bitcast %shift_left3A_383 : vector<16xi32> to vector<16xf32>
        %and3A_385 = vector.broadcast %scan3A_33 : i32 to vector<16xi32>
        %and3A_386 = arith.andi %gather3A_380, %and3A_385 : vector<16xi32>
        %bitcast3A_387 = vector.bitcast %and3A_386 : vector<16xi32> to vector<16xf32>
        %add3A_388 = arith.constant 40960 : i32
        %add3A_389 = vector.broadcast %add3A_388 : i32 to vector<16xi32>
        %add3A_390 = arith.addi %get3A_342, %add3A_389 : vector<16xi32>
        tpu.vector_store_idx %arg7[%add3A_390], %bitcast3A_384 {add = true} : memref<81920xf32, #tpu.memory_space<vmem>>[vector<16xi32>], vector<16xf32>,
        %add3A_391 = arith.constant 51200 : i32
        %add3A_392 = vector.broadcast %add3A_391 : i32 to vector<16xi32>
        %add3A_393 = arith.addi %get3A_342, %add3A_392 : vector<16xi32>
        tpu.vector_store_idx %arg7[%add3A_393], %bitcast3A_387 {add = true} : memref<81920xf32, #tpu.memory_space<vmem>>[vector<16xi32>], vector<16xf32>,
        %add3A_394 = arith.constant 30720 : i32
        %add3A_395 = vector.broadcast %add3A_394 : i32 to vector<16xi32>
        %add3A_396 = arith.addi %get3A_338, %add3A_395 : vector<16xi32>
        %gather3A_397 = tpu.vector_load_idx %arg6[%add3A_396] : memref<40960xi32, #tpu.memory_space<vmem>>[vector<16xi32>], vector<16xi32>,
        %shift_left3A_398 = arith.constant 16 : i32
        %shift_left3A_399 = vector.broadcast %shift_left3A_398 : i32 to vector<16xi32>
        %shift_left3A_400 = arith.shli %gather3A_397, %shift_left3A_399 : vector<16xi32>
        %bitcast3A_401 = vector.bitcast %shift_left3A_400 : vector<16xi32> to vector<16xf32>
        %and3A_402 = vector.broadcast %scan3A_33 : i32 to vector<16xi32>
        %and3A_403 = arith.andi %gather3A_397, %and3A_402 : vector<16xi32>
        %bitcast3A_404 = vector.bitcast %and3A_403 : vector<16xi32> to vector<16xf32>
        %add3A_405 = arith.constant 61440 : i32
        %add3A_406 = vector.broadcast %add3A_405 : i32 to vector<16xi32>
        %add3A_407 = arith.addi %get3A_342, %add3A_406 : vector<16xi32>
        tpu.vector_store_idx %arg7[%add3A_407], %bitcast3A_401 {add = true} : memref<81920xf32, #tpu.memory_space<vmem>>[vector<16xi32>], vector<16xf32>,
        %add3A_408 = arith.constant 71680 : i32
        %add3A_409 = vector.broadcast %add3A_408 : i32 to vector<16xi32>
        %add3A_410 = arith.addi %get3A_342, %add3A_409 : vector<16xi32>
        tpu.vector_store_idx %arg7[%add3A_410], %bitcast3A_404 {add = true} : memref<81920xf32, #tpu.memory_space<vmem>>[vector<16xi32>], vector<16xf32>,
      }
      %scan3A_63 = arith.constant 16 : i32
      %add3A_64 = arith.constant 2 : i32
      %add3A_65 = arith.addi %add3A_48, %add3A_64 : i32
      %lt3A = arith.constant 160 : i32
      %lt3A_66 = arith.cmpi slt, %add3A_65, %lt3A : i32
      %convert_element_type3A = arith.extui %lt3A_66 : i1 to i32
      %cond3A = arith.constant 0 : i32
      %cond3A_67 = arith.cmpi ne, %convert_element_type3A, %cond3A : i32
      scf.if %cond3A_67 {
        %add3A_95 = arith.constant 2 : i32
        %add3A_96 = arith.addi %add3A_48, %add3A_95 : i32
        %mul3A_97 = arith.constant 1024 : i32
        %mul3A_98 = arith.muli %add3A_96, %mul3A_97 : i32
        %dma_start3A_99 = tpu.memref_slice %arg3[%arg0, %mul3A_98] : memref<2x163840xi32, #tpu.memory_space<hbm>> -> memref<1x1024xi32, #tpu.memory_space<hbm>>
        %dma_start3A_100 = tpu.memref_squeeze %dma_start3A_99 : memref<1x1024xi32, #tpu.memory_space<hbm>> -> memref<1024xi32, #tpu.memory_space<hbm>>
        %dma_start3A_101 = tpu.memref_slice %arg3[%arg0, %mul3A_98] : memref<2x163840xi32, #tpu.memory_space<hbm>> -> memref<1x1024xi32, #tpu.memory_space<hbm>>
        %dma_start3A_102 = tpu.memref_squeeze %dma_start3A_101 : memref<1x1024xi32, #tpu.memory_space<hbm>> -> memref<1024xi32, #tpu.memory_space<hbm>>
        tpu.enqueue_dma source(%dma_start3A_102 : memref<1024xi32, #tpu.memory_space<hbm>>) target(%arg8 : memref<1024xi32, #tpu.memory_space<vmem>>) target_semaphore(%arg12 : memref<!tpu.dma_semaphore, #tpu.memory_space<semaphore_mem>>)
        %dma_start3A_103 = tpu.memref_slice %arg4[%arg0, %mul3A_98] : memref<2x163840xi32, #tpu.memory_space<hbm>> -> memref<1x1024xi32, #tpu.memory_space<hbm>>
        %dma_start3A_104 = tpu.memref_squeeze %dma_start3A_103 : memref<1x1024xi32, #tpu.memory_space<hbm>> -> memref<1024xi32, #tpu.memory_space<hbm>>
        %dma_start3A_105 = tpu.memref_slice %arg4[%arg0, %mul3A_98] : memref<2x163840xi32, #tpu.memory_space<hbm>> -> memref<1x1024xi32, #tpu.memory_space<hbm>>
        %dma_start3A_106 = tpu.memref_squeeze %dma_start3A_105 : memref<1x1024xi32, #tpu.memory_space<hbm>> -> memref<1024xi32, #tpu.memory_space<hbm>>
        tpu.enqueue_dma source(%dma_start3A_106 : memref<1024xi32, #tpu.memory_space<hbm>>) target(%arg9 : memref<1024xi32, #tpu.memory_space<vmem>>) target_semaphore(%arg12 : memref<!tpu.dma_semaphore, #tpu.memory_space<semaphore_mem>>)
      } else {
      }
      %mul3A_68 = arith.constant 2 : i32
      %mul3A_69 = arith.muli %scan3A_45, %mul3A_68 : i32
      %add3A_70 = arith.constant 1 : i32
      %add3A_71 = arith.addi %mul3A_69, %add3A_70 : i32
      %mul3A_72 = arith.constant 1024 : i32
      %mul3A_73 = arith.muli %add3A_71, %mul3A_72 : i32
      %dma_wait3A_74 = tpu.memref_slice %arg3[%arg0, %mul3A_73] : memref<2x163840xi32, #tpu.memory_space<hbm>> -> memref<1x1024xi32, #tpu.memory_space<hbm>>
      %dma_wait3A_75 = tpu.memref_squeeze %dma_wait3A_74 : memref<1x1024xi32, #tpu.memory_space<hbm>> -> memref<1024xi32, #tpu.memory_space<hbm>>
      %dma_wait3A_76 = tpu.memref_slice %arg3[%arg0, %mul3A_73] : memref<2x163840xi32, #tpu.memory_space<hbm>> -> memref<1x1024xi32, #tpu.memory_space<hbm>>
      %dma_wait3A_77 = tpu.memref_squeeze %dma_wait3A_76 : memref<1x1024xi32, #tpu.memory_space<hbm>> -> memref<1024xi32, #tpu.memory_space<hbm>>
      tpu.wait_dma2 semaphore(%arg13 : memref<!tpu.dma_semaphore, #tpu.memory_space<semaphore_mem>>) src(%dma_wait3A_77 : memref<1024xi32, #tpu.memory_space<hbm>>) dst(%arg10 : memref<1024xi32, #tpu.memory_space<vmem>>)
      %dma_wait3A_78 = tpu.memref_slice %arg4[%arg0, %mul3A_73] : memref<2x163840xi32, #tpu.memory_space<hbm>> -> memref<1x1024xi32, #tpu.memory_space<hbm>>
      %dma_wait3A_79 = tpu.memref_squeeze %dma_wait3A_78 : memref<1x1024xi32, #tpu.memory_space<hbm>> -> memref<1024xi32, #tpu.memory_space<hbm>>
      %dma_wait3A_80 = tpu.memref_slice %arg4[%arg0, %mul3A_73] : memref<2x163840xi32, #tpu.memory_space<hbm>> -> memref<1x1024xi32, #tpu.memory_space<hbm>>
      %dma_wait3A_81 = tpu.memref_squeeze %dma_wait3A_80 : memref<1x1024xi32, #tpu.memory_space<hbm>> -> memref<1024xi32, #tpu.memory_space<hbm>>
      tpu.wait_dma2 semaphore(%arg13 : memref<!tpu.dma_semaphore, #tpu.memory_space<semaphore_mem>>) src(%dma_wait3A_81 : memref<1024xi32, #tpu.memory_space<hbm>>) dst(%arg11 : memref<1024xi32, #tpu.memory_space<vmem>>)
      %scan3A_82 = arith.constant 0 : i32
      %scan3A_83 = arith.constant 0 : i32
      %scan3A_84 = arith.constant 16 : i32
      %scan3A_85 = arith.addi %scan3A_83, %scan3A_84 : i32
      %scan3A_86 = arith.constant 1 : i32
      scf.for %scan3A_95 = %scan3A_83 to %scan3A_85 step %scan3A_86  : i32 {
        %mul3A_96 = arith.constant 4 : i32
        %mul3A_97 = arith.muli %scan3A_95, %mul3A_96 : i32
        %add3A_98 = arith.constant 0 : i32
        %add3A_99 = arith.addi %mul3A_97, %add3A_98 : i32
        %mul3A_100 = arith.constant 16 : i32
        %mul3A_101 = arith.muli %add3A_99, %mul3A_100 : i32
        %get3A = arith.index_cast %mul3A_101 : i32 to index
        %get3A_102 = tpu.vector_load %arg10[%get3A] {strides = array<i32>} : memref<1024xi32, #tpu.memory_space<vmem>>, vector<16xi32>,
        %mul3A_103 = arith.constant 16 : i32
        %mul3A_104 = arith.muli %add3A_99, %mul3A_103 : i32
        %get3A_105 = arith.index_cast %mul3A_104 : i32 to index
        %get3A_106 = tpu.vector_load %arg11[%get3A_105] {strides = array<i32>} : memref<1024xi32, #tpu.memory_space<vmem>>, vector<16xi32>,
        %add3A_107 = arith.constant 0 : i32
        %add3A_108 = vector.broadcast %add3A_107 : i32 to vector<16xi32>
        %add3A_109 = arith.addi %get3A_102, %add3A_108 : vector<16xi32>
        %gather3A = tpu.vector_load_idx %arg6[%add3A_109] : memref<40960xi32, #tpu.memory_space<vmem>>[vector<16xi32>], vector<16xi32>,
        %shift_left3A = arith.constant 16 : i32
        %shift_left3A_110 = vector.broadcast %shift_left3A : i32 to vector<16xi32>
        %shift_left3A_111 = arith.shli %gather3A, %shift_left3A_110 : vector<16xi32>
        %bitcast3A = vector.bitcast %shift_left3A_111 : vector<16xi32> to vector<16xf32>
        %and3A = vector.broadcast %scan3A_33 : i32 to vector<16xi32>
        %and3A_112 = arith.andi %gather3A, %and3A : vector<16xi32>
        %bitcast3A_113 = vector.bitcast %and3A_112 : vector<16xi32> to vector<16xf32>
        %add3A_114 = arith.constant 0 : i32
        %add3A_115 = vector.broadcast %add3A_114 : i32 to vector<16xi32>
        %add3A_116 = arith.addi %get3A_106, %add3A_115 : vector<16xi32>
        tpu.vector_store_idx %arg7[%add3A_116], %bitcast3A {add = true} : memref<81920xf32, #tpu.memory_space<vmem>>[vector<16xi32>], vector<16xf32>,
        %add3A_117 = arith.constant 10240 : i32
        %add3A_118 = vector.broadcast %add3A_117 : i32 to vector<16xi32>
        %add3A_119 = arith.addi %get3A_106, %add3A_118 : vector<16xi32>
        tpu.vector_store_idx %arg7[%add3A_119], %bitcast3A_113 {add = true} : memref<81920xf32, #tpu.memory_space<vmem>>[vector<16xi32>], vector<16xf32>,
        %add3A_120 = arith.constant 10240 : i32
        %add3A_121 = vector.broadcast %add3A_120 : i32 to vector<16xi32>
        %add3A_122 = arith.addi %get3A_102, %add3A_121 : vector<16xi32>
        %gather3A_123 = tpu.vector_load_idx %arg6[%add3A_122] : memref<40960xi32, #tpu.memory_space<vmem>>[vector<16xi32>], vector<16xi32>,
        %shift_left3A_124 = arith.constant 16 : i32
        %shift_left3A_125 = vector.broadcast %shift_left3A_124 : i32 to vector<16xi32>
        %shift_left3A_126 = arith.shli %gather3A_123, %shift_left3A_125 : vector<16xi32>
        %bitcast3A_127 = vector.bitcast %shift_left3A_126 : vector<16xi32> to vector<16xf32>
        %and3A_128 = vector.broadcast %scan3A_33 : i32 to vector<16xi32>
        %and3A_129 = arith.andi %gather3A_123, %and3A_128 : vector<16xi32>
        %bitcast3A_130 = vector.bitcast %and3A_129 : vector<16xi32> to vector<16xf32>
        %add3A_131 = arith.constant 20480 : i32
        %add3A_132 = vector.broadcast %add3A_131 : i32 to vector<16xi32>
        %add3A_133 = arith.addi %get3A_106, %add3A_132 : vector<16xi32>
        tpu.vector_store_idx %arg7[%add3A_133], %bitcast3A_127 {add = true} : memref<81920xf32, #tpu.memory_space<vmem>>[vector<16xi32>], vector<16xf32>,
        %add3A_134 = arith.constant 30720 : i32
        %add3A_135 = vector.broadcast %add3A_134 : i32 to vector<16xi32>
        %add3A_136 = arith.addi %get3A_106, %add3A_135 : vector<16xi32>
        tpu.vector_store_idx %arg7[%add3A_136], %bitcast3A_130 {add = true} : memref<81920xf32, #tpu.memory_space<vmem>>[vector<16xi32>], vector<16xf32>,
        %add3A_137 = arith.constant 20480 : i32
        %add3A_138 = vector.broadcast %add3A_137 : i32 to vector<16xi32>
        %add3A_139 = arith.addi %get3A_102, %add3A_138 : vector<16xi32>
        %gather3A_140 = tpu.vector_load_idx %arg6[%add3A_139] : memref<40960xi32, #tpu.memory_space<vmem>>[vector<16xi32>], vector<16xi32>,
        %shift_left3A_141 = arith.constant 16 : i32
        %shift_left3A_142 = vector.broadcast %shift_left3A_141 : i32 to vector<16xi32>
        %shift_left3A_143 = arith.shli %gather3A_140, %shift_left3A_142 : vector<16xi32>
        %bitcast3A_144 = vector.bitcast %shift_left3A_143 : vector<16xi32> to vector<16xf32>
        %and3A_145 = vector.broadcast %scan3A_33 : i32 to vector<16xi32>
        %and3A_146 = arith.andi %gather3A_140, %and3A_145 : vector<16xi32>
        %bitcast3A_147 = vector.bitcast %and3A_146 : vector<16xi32> to vector<16xf32>
        %add3A_148 = arith.constant 40960 : i32
        %add3A_149 = vector.broadcast %add3A_148 : i32 to vector<16xi32>
        %add3A_150 = arith.addi %get3A_106, %add3A_149 : vector<16xi32>
        tpu.vector_store_idx %arg7[%add3A_150], %bitcast3A_144 {add = true} : memref<81920xf32, #tpu.memory_space<vmem>>[vector<16xi32>], vector<16xf32>,
        %add3A_151 = arith.constant 51200 : i32
        %add3A_152 = vector.broadcast %add3A_151 : i32 to vector<16xi32>
        %add3A_153 = arith.addi %get3A_106, %add3A_152 : vector<16xi32>
        tpu.vector_store_idx %arg7[%add3A_153], %bitcast3A_147 {add = true} : memref<81920xf32, #tpu.memory_space<vmem>>[vector<16xi32>], vector<16xf32>,
        %add3A_154 = arith.constant 30720 : i32
        %add3A_155 = vector.broadcast %add3A_154 : i32 to vector<16xi32>
        %add3A_156 = arith.addi %get3A_102, %add3A_155 : vector<16xi32>
        %gather3A_157 = tpu.vector_load_idx %arg6[%add3A_156] : memref<40960xi32, #tpu.memory_space<vmem>>[vector<16xi32>], vector<16xi32>,
        %shift_left3A_158 = arith.constant 16 : i32
        %shift_left3A_159 = vector.broadcast %shift_left3A_158 : i32 to vector<16xi32>
        %shift_left3A_160 = arith.shli %gather3A_157, %shift_left3A_159 : vector<16xi32>
        %bitcast3A_161 = vector.bitcast %shift_left3A_160 : vector<16xi32> to vector<16xf32>
        %and3A_162 = vector.broadcast %scan3A_33 : i32 to vector<16xi32>
        %and3A_163 = arith.andi %gather3A_157, %and3A_162 : vector<16xi32>
        %bitcast3A_164 = vector.bitcast %and3A_163 : vector<16xi32> to vector<16xf32>
        %add3A_165 = arith.constant 61440 : i32
        %add3A_166 = vector.broadcast %add3A_165 : i32 to vector<16xi32>
        %add3A_167 = arith.addi %get3A_106, %add3A_166 : vector<16xi32>
        tpu.vector_store_idx %arg7[%add3A_167], %bitcast3A_161 {add = true} : memref<81920xf32, #tpu.memory_space<vmem>>[vector<16xi32>], vector<16xf32>,
        %add3A_168 = arith.constant 71680 : i32
        %add3A_169 = vector.broadcast %add3A_168 : i32 to vector<16xi32>
        %add3A_170 = arith.addi %get3A_106, %add3A_169 : vector<16xi32>
        tpu.vector_store_idx %arg7[%add3A_170], %bitcast3A_164 {add = true} : memref<81920xf32, #tpu.memory_space<vmem>>[vector<16xi32>], vector<16xf32>,
        %mul3A_171 = arith.constant 4 : i32
        %mul3A_172 = arith.muli %scan3A_95, %mul3A_171 : i32
        %add3A_173 = arith.constant 1 : i32
        %add3A_174 = arith.addi %mul3A_172, %add3A_173 : i32
        %mul3A_175 = arith.constant 16 : i32
        %mul3A_176 = arith.muli %add3A_174, %mul3A_175 : i32
        %get3A_177 = arith.index_cast %mul3A_176 : i32 to index
        %get3A_178 = tpu.vector_load %arg10[%get3A_177] {strides = array<i32>} : memref<1024xi32, #tpu.memory_space<vmem>>, vector<16xi32>,
        %mul3A_179 = arith.constant 16 : i32
        %mul3A_180 = arith.muli %add3A_174, %mul3A_179 : i32
        %get3A_181 = arith.index_cast %mul3A_180 : i32 to index
        %get3A_182 = tpu.vector_load %arg11[%get3A_181] {strides = array<i32>} : memref<1024xi32, #tpu.memory_space<vmem>>, vector<16xi32>,
        %add3A_183 = arith.constant 0 : i32
        %add3A_184 = vector.broadcast %add3A_183 : i32 to vector<16xi32>
        %add3A_185 = arith.addi %get3A_178, %add3A_184 : vector<16xi32>
        %gather3A_186 = tpu.vector_load_idx %arg6[%add3A_185] : memref<40960xi32, #tpu.memory_space<vmem>>[vector<16xi32>], vector<16xi32>,
        %shift_left3A_187 = arith.constant 16 : i32
        %shift_left3A_188 = vector.broadcast %shift_left3A_187 : i32 to vector<16xi32>
        %shift_left3A_189 = arith.shli %gather3A_186, %shift_left3A_188 : vector<16xi32>
        %bitcast3A_190 = vector.bitcast %shift_left3A_189 : vector<16xi32> to vector<16xf32>
        %and3A_191 = vector.broadcast %scan3A_33 : i32 to vector<16xi32>
        %and3A_192 = arith.andi %gather3A_186, %and3A_191 : vector<16xi32>
        %bitcast3A_193 = vector.bitcast %and3A_192 : vector<16xi32> to vector<16xf32>
        %add3A_194 = arith.constant 0 : i32
        %add3A_195 = vector.broadcast %add3A_194 : i32 to vector<16xi32>
        %add3A_196 = arith.addi %get3A_182, %add3A_195 : vector<16xi32>
        tpu.vector_store_idx %arg7[%add3A_196], %bitcast3A_190 {add = true} : memref<81920xf32, #tpu.memory_space<vmem>>[vector<16xi32>], vector<16xf32>,
        %add3A_197 = arith.constant 10240 : i32
        %add3A_198 = vector.broadcast %add3A_197 : i32 to vector<16xi32>
        %add3A_199 = arith.addi %get3A_182, %add3A_198 : vector<16xi32>
        tpu.vector_store_idx %arg7[%add3A_199], %bitcast3A_193 {add = true} : memref<81920xf32, #tpu.memory_space<vmem>>[vector<16xi32>], vector<16xf32>,
        %add3A_200 = arith.constant 10240 : i32
        %add3A_201 = vector.broadcast %add3A_200 : i32 to vector<16xi32>
        %add3A_202 = arith.addi %get3A_178, %add3A_201 : vector<16xi32>
        %gather3A_203 = tpu.vector_load_idx %arg6[%add3A_202] : memref<40960xi32, #tpu.memory_space<vmem>>[vector<16xi32>], vector<16xi32>,
        %shift_left3A_204 = arith.constant 16 : i32
        %shift_left3A_205 = vector.broadcast %shift_left3A_204 : i32 to vector<16xi32>
        %shift_left3A_206 = arith.shli %gather3A_203, %shift_left3A_205 : vector<16xi32>
        %bitcast3A_207 = vector.bitcast %shift_left3A_206 : vector<16xi32> to vector<16xf32>
        %and3A_208 = vector.broadcast %scan3A_33 : i32 to vector<16xi32>
        %and3A_209 = arith.andi %gather3A_203, %and3A_208 : vector<16xi32>
        %bitcast3A_210 = vector.bitcast %and3A_209 : vector<16xi32> to vector<16xf32>
        %add3A_211 = arith.constant 20480 : i32
        %add3A_212 = vector.broadcast %add3A_211 : i32 to vector<16xi32>
        %add3A_213 = arith.addi %get3A_182, %add3A_212 : vector<16xi32>
        tpu.vector_store_idx %arg7[%add3A_213], %bitcast3A_207 {add = true} : memref<81920xf32, #tpu.memory_space<vmem>>[vector<16xi32>], vector<16xf32>,
        %add3A_214 = arith.constant 30720 : i32
        %add3A_215 = vector.broadcast %add3A_214 : i32 to vector<16xi32>
        %add3A_216 = arith.addi %get3A_182, %add3A_215 : vector<16xi32>
        tpu.vector_store_idx %arg7[%add3A_216], %bitcast3A_210 {add = true} : memref<81920xf32, #tpu.memory_space<vmem>>[vector<16xi32>], vector<16xf32>,
        %add3A_217 = arith.constant 20480 : i32
        %add3A_218 = vector.broadcast %add3A_217 : i32 to vector<16xi32>
        %add3A_219 = arith.addi %get3A_178, %add3A_218 : vector<16xi32>
        %gather3A_220 = tpu.vector_load_idx %arg6[%add3A_219] : memref<40960xi32, #tpu.memory_space<vmem>>[vector<16xi32>], vector<16xi32>,
        %shift_left3A_221 = arith.constant 16 : i32
        %shift_left3A_222 = vector.broadcast %shift_left3A_221 : i32 to vector<16xi32>
        %shift_left3A_223 = arith.shli %gather3A_220, %shift_left3A_222 : vector<16xi32>
        %bitcast3A_224 = vector.bitcast %shift_left3A_223 : vector<16xi32> to vector<16xf32>
        %and3A_225 = vector.broadcast %scan3A_33 : i32 to vector<16xi32>
        %and3A_226 = arith.andi %gather3A_220, %and3A_225 : vector<16xi32>
        %bitcast3A_227 = vector.bitcast %and3A_226 : vector<16xi32> to vector<16xf32>
        %add3A_228 = arith.constant 40960 : i32
        %add3A_229 = vector.broadcast %add3A_228 : i32 to vector<16xi32>
        %add3A_230 = arith.addi %get3A_182, %add3A_229 : vector<16xi32>
        tpu.vector_store_idx %arg7[%add3A_230], %bitcast3A_224 {add = true} : memref<81920xf32, #tpu.memory_space<vmem>>[vector<16xi32>], vector<16xf32>,
        %add3A_231 = arith.constant 51200 : i32
        %add3A_232 = vector.broadcast %add3A_231 : i32 to vector<16xi32>
        %add3A_233 = arith.addi %get3A_182, %add3A_232 : vector<16xi32>
        tpu.vector_store_idx %arg7[%add3A_233], %bitcast3A_227 {add = true} : memref<81920xf32, #tpu.memory_space<vmem>>[vector<16xi32>], vector<16xf32>,
        %add3A_234 = arith.constant 30720 : i32
        %add3A_235 = vector.broadcast %add3A_234 : i32 to vector<16xi32>
        %add3A_236 = arith.addi %get3A_178, %add3A_235 : vector<16xi32>
        %gather3A_237 = tpu.vector_load_idx %arg6[%add3A_236] : memref<40960xi32, #tpu.memory_space<vmem>>[vector<16xi32>], vector<16xi32>,
        %shift_left3A_238 = arith.constant 16 : i32
        %shift_left3A_239 = vector.broadcast %shift_left3A_238 : i32 to vector<16xi32>
        %shift_left3A_240 = arith.shli %gather3A_237, %shift_left3A_239 : vector<16xi32>
        %bitcast3A_241 = vector.bitcast %shift_left3A_240 : vector<16xi32> to vector<16xf32>
        %and3A_242 = vector.broadcast %scan3A_33 : i32 to vector<16xi32>
        %and3A_243 = arith.andi %gather3A_237, %and3A_242 : vector<16xi32>
        %bitcast3A_244 = vector.bitcast %and3A_243 : vector<16xi32> to vector<16xf32>
        %add3A_245 = arith.constant 61440 : i32
        %add3A_246 = vector.broadcast %add3A_245 : i32 to vector<16xi32>
        %add3A_247 = arith.addi %get3A_182, %add3A_246 : vector<16xi32>
        tpu.vector_store_idx %arg7[%add3A_247], %bitcast3A_241 {add = true} : memref<81920xf32, #tpu.memory_space<vmem>>[vector<16xi32>], vector<16xf32>,
        %add3A_248 = arith.constant 71680 : i32
        %add3A_249 = vector.broadcast %add3A_248 : i32 to vector<16xi32>
        %add3A_250 = arith.addi %get3A_182, %add3A_249 : vector<16xi32>
        tpu.vector_store_idx %arg7[%add3A_250], %bitcast3A_244 {add = true} : memref<81920xf32, #tpu.memory_space<vmem>>[vector<16xi32>], vector<16xf32>,
        %mul3A_251 = arith.constant 4 : i32
        %mul3A_252 = arith.muli %scan3A_95, %mul3A_251 : i32
        %add3A_253 = arith.constant 2 : i32
        %add3A_254 = arith.addi %mul3A_252, %add3A_253 : i32
        %mul3A_255 = arith.constant 16 : i32
        %mul3A_256 = arith.muli %add3A_254, %mul3A_255 : i32
        %get3A_257 = arith.index_cast %mul3A_256 : i32 to index
        %get3A_258 = tpu.vector_load %arg10[%get3A_257] {strides = array<i32>} : memref<1024xi32, #tpu.memory_space<vmem>>, vector<16xi32>,
        %mul3A_259 = arith.constant 16 : i32
        %mul3A_260 = arith.muli %add3A_254, %mul3A_259 : i32
        %get3A_261 = arith.index_cast %mul3A_260 : i32 to index
        %get3A_262 = tpu.vector_load %arg11[%get3A_261] {strides = array<i32>} : memref<1024xi32, #tpu.memory_space<vmem>>, vector<16xi32>,
        %add3A_263 = arith.constant 0 : i32
        %add3A_264 = vector.broadcast %add3A_263 : i32 to vector<16xi32>
        %add3A_265 = arith.addi %get3A_258, %add3A_264 : vector<16xi32>
        %gather3A_266 = tpu.vector_load_idx %arg6[%add3A_265] : memref<40960xi32, #tpu.memory_space<vmem>>[vector<16xi32>], vector<16xi32>,
        %shift_left3A_267 = arith.constant 16 : i32
        %shift_left3A_268 = vector.broadcast %shift_left3A_267 : i32 to vector<16xi32>
        %shift_left3A_269 = arith.shli %gather3A_266, %shift_left3A_268 : vector<16xi32>
        %bitcast3A_270 = vector.bitcast %shift_left3A_269 : vector<16xi32> to vector<16xf32>
        %and3A_271 = vector.broadcast %scan3A_33 : i32 to vector<16xi32>
        %and3A_272 = arith.andi %gather3A_266, %and3A_271 : vector<16xi32>
        %bitcast3A_273 = vector.bitcast %and3A_272 : vector<16xi32> to vector<16xf32>
        %add3A_274 = arith.constant 0 : i32
        %add3A_275 = vector.broadcast %add3A_274 : i32 to vector<16xi32>
        %add3A_276 = arith.addi %get3A_262, %add3A_275 : vector<16xi32>
        tpu.vector_store_idx %arg7[%add3A_276], %bitcast3A_270 {add = true} : memref<81920xf32, #tpu.memory_space<vmem>>[vector<16xi32>], vector<16xf32>,
        %add3A_277 = arith.constant 10240 : i32
        %add3A_278 = vector.broadcast %add3A_277 : i32 to vector<16xi32>
        %add3A_279 = arith.addi %get3A_262, %add3A_278 : vector<16xi32>
        tpu.vector_store_idx %arg7[%add3A_279], %bitcast3A_273 {add = true} : memref<81920xf32, #tpu.memory_space<vmem>>[vector<16xi32>], vector<16xf32>,
        %add3A_280 = arith.constant 10240 : i32
        %add3A_281 = vector.broadcast %add3A_280 : i32 to vector<16xi32>
        %add3A_282 = arith.addi %get3A_258, %add3A_281 : vector<16xi32>
        %gather3A_283 = tpu.vector_load_idx %arg6[%add3A_282] : memref<40960xi32, #tpu.memory_space<vmem>>[vector<16xi32>], vector<16xi32>,
        %shift_left3A_284 = arith.constant 16 : i32
        %shift_left3A_285 = vector.broadcast %shift_left3A_284 : i32 to vector<16xi32>
        %shift_left3A_286 = arith.shli %gather3A_283, %shift_left3A_285 : vector<16xi32>
        %bitcast3A_287 = vector.bitcast %shift_left3A_286 : vector<16xi32> to vector<16xf32>
        %and3A_288 = vector.broadcast %scan3A_33 : i32 to vector<16xi32>
        %and3A_289 = arith.andi %gather3A_283, %and3A_288 : vector<16xi32>
        %bitcast3A_290 = vector.bitcast %and3A_289 : vector<16xi32> to vector<16xf32>
        %add3A_291 = arith.constant 20480 : i32
        %add3A_292 = vector.broadcast %add3A_291 : i32 to vector<16xi32>
        %add3A_293 = arith.addi %get3A_262, %add3A_292 : vector<16xi32>
        tpu.vector_store_idx %arg7[%add3A_293], %bitcast3A_287 {add = true} : memref<81920xf32, #tpu.memory_space<vmem>>[vector<16xi32>], vector<16xf32>,
        %add3A_294 = arith.constant 30720 : i32
        %add3A_295 = vector.broadcast %add3A_294 : i32 to vector<16xi32>
        %add3A_296 = arith.addi %get3A_262, %add3A_295 : vector<16xi32>
        tpu.vector_store_idx %arg7[%add3A_296], %bitcast3A_290 {add = true} : memref<81920xf32, #tpu.memory_space<vmem>>[vector<16xi32>], vector<16xf32>,
        %add3A_297 = arith.constant 20480 : i32
        %add3A_298 = vector.broadcast %add3A_297 : i32 to vector<16xi32>
        %add3A_299 = arith.addi %get3A_258, %add3A_298 : vector<16xi32>
        %gather3A_300 = tpu.vector_load_idx %arg6[%add3A_299] : memref<40960xi32, #tpu.memory_space<vmem>>[vector<16xi32>], vector<16xi32>,
        %shift_left3A_301 = arith.constant 16 : i32
        %shift_left3A_302 = vector.broadcast %shift_left3A_301 : i32 to vector<16xi32>
        %shift_left3A_303 = arith.shli %gather3A_300, %shift_left3A_302 : vector<16xi32>
        %bitcast3A_304 = vector.bitcast %shift_left3A_303 : vector<16xi32> to vector<16xf32>
        %and3A_305 = vector.broadcast %scan3A_33 : i32 to vector<16xi32>
        %and3A_306 = arith.andi %gather3A_300, %and3A_305 : vector<16xi32>
        %bitcast3A_307 = vector.bitcast %and3A_306 : vector<16xi32> to vector<16xf32>
        %add3A_308 = arith.constant 40960 : i32
        %add3A_309 = vector.broadcast %add3A_308 : i32 to vector<16xi32>
        %add3A_310 = arith.addi %get3A_262, %add3A_309 : vector<16xi32>
        tpu.vector_store_idx %arg7[%add3A_310], %bitcast3A_304 {add = true} : memref<81920xf32, #tpu.memory_space<vmem>>[vector<16xi32>], vector<16xf32>,
        %add3A_311 = arith.constant 51200 : i32
        %add3A_312 = vector.broadcast %add3A_311 : i32 to vector<16xi32>
        %add3A_313 = arith.addi %get3A_262, %add3A_312 : vector<16xi32>
        tpu.vector_store_idx %arg7[%add3A_313], %bitcast3A_307 {add = true} : memref<81920xf32, #tpu.memory_space<vmem>>[vector<16xi32>], vector<16xf32>,
        %add3A_314 = arith.constant 30720 : i32
        %add3A_315 = vector.broadcast %add3A_314 : i32 to vector<16xi32>
        %add3A_316 = arith.addi %get3A_258, %add3A_315 : vector<16xi32>
        %gather3A_317 = tpu.vector_load_idx %arg6[%add3A_316] : memref<40960xi32, #tpu.memory_space<vmem>>[vector<16xi32>], vector<16xi32>,
        %shift_left3A_318 = arith.constant 16 : i32
        %shift_left3A_319 = vector.broadcast %shift_left3A_318 : i32 to vector<16xi32>
        %shift_left3A_320 = arith.shli %gather3A_317, %shift_left3A_319 : vector<16xi32>
        %bitcast3A_321 = vector.bitcast %shift_left3A_320 : vector<16xi32> to vector<16xf32>
        %and3A_322 = vector.broadcast %scan3A_33 : i32 to vector<16xi32>
        %and3A_323 = arith.andi %gather3A_317, %and3A_322 : vector<16xi32>
        %bitcast3A_324 = vector.bitcast %and3A_323 : vector<16xi32> to vector<16xf32>
        %add3A_325 = arith.constant 61440 : i32
        %add3A_326 = vector.broadcast %add3A_325 : i32 to vector<16xi32>
        %add3A_327 = arith.addi %get3A_262, %add3A_326 : vector<16xi32>
        tpu.vector_store_idx %arg7[%add3A_327], %bitcast3A_321 {add = true} : memref<81920xf32, #tpu.memory_space<vmem>>[vector<16xi32>], vector<16xf32>,
        %add3A_328 = arith.constant 71680 : i32
        %add3A_329 = vector.broadcast %add3A_328 : i32 to vector<16xi32>
        %add3A_330 = arith.addi %get3A_262, %add3A_329 : vector<16xi32>
        tpu.vector_store_idx %arg7[%add3A_330], %bitcast3A_324 {add = true} : memref<81920xf32, #tpu.memory_space<vmem>>[vector<16xi32>], vector<16xf32>,
        %mul3A_331 = arith.constant 4 : i32
        %mul3A_332 = arith.muli %scan3A_95, %mul3A_331 : i32
        %add3A_333 = arith.constant 3 : i32
        %add3A_334 = arith.addi %mul3A_332, %add3A_333 : i32
        %mul3A_335 = arith.constant 16 : i32
        %mul3A_336 = arith.muli %add3A_334, %mul3A_335 : i32
        %get3A_337 = arith.index_cast %mul3A_336 : i32 to index
        %get3A_338 = tpu.vector_load %arg10[%get3A_337] {strides = array<i32>} : memref<1024xi32, #tpu.memory_space<vmem>>, vector<16xi32>,
        %mul3A_339 = arith.constant 16 : i32
        %mul3A_340 = arith.muli %add3A_334, %mul3A_339 : i32
        %get3A_341 = arith.index_cast %mul3A_340 : i32 to index
        %get3A_342 = tpu.vector_load %arg11[%get3A_341] {strides = array<i32>} : memref<1024xi32, #tpu.memory_space<vmem>>, vector<16xi32>,
        %add3A_343 = arith.constant 0 : i32
        %add3A_344 = vector.broadcast %add3A_343 : i32 to vector<16xi32>
        %add3A_345 = arith.addi %get3A_338, %add3A_344 : vector<16xi32>
        %gather3A_346 = tpu.vector_load_idx %arg6[%add3A_345] : memref<40960xi32, #tpu.memory_space<vmem>>[vector<16xi32>], vector<16xi32>,
        %shift_left3A_347 = arith.constant 16 : i32
        %shift_left3A_348 = vector.broadcast %shift_left3A_347 : i32 to vector<16xi32>
        %shift_left3A_349 = arith.shli %gather3A_346, %shift_left3A_348 : vector<16xi32>
        %bitcast3A_350 = vector.bitcast %shift_left3A_349 : vector<16xi32> to vector<16xf32>
        %and3A_351 = vector.broadcast %scan3A_33 : i32 to vector<16xi32>
        %and3A_352 = arith.andi %gather3A_346, %and3A_351 : vector<16xi32>
        %bitcast3A_353 = vector.bitcast %and3A_352 : vector<16xi32> to vector<16xf32>
        %add3A_354 = arith.constant 0 : i32
        %add3A_355 = vector.broadcast %add3A_354 : i32 to vector<16xi32>
        %add3A_356 = arith.addi %get3A_342, %add3A_355 : vector<16xi32>
        tpu.vector_store_idx %arg7[%add3A_356], %bitcast3A_350 {add = true} : memref<81920xf32, #tpu.memory_space<vmem>>[vector<16xi32>], vector<16xf32>,
        %add3A_357 = arith.constant 10240 : i32
        %add3A_358 = vector.broadcast %add3A_357 : i32 to vector<16xi32>
        %add3A_359 = arith.addi %get3A_342, %add3A_358 : vector<16xi32>
        tpu.vector_store_idx %arg7[%add3A_359], %bitcast3A_353 {add = true} : memref<81920xf32, #tpu.memory_space<vmem>>[vector<16xi32>], vector<16xf32>,
        %add3A_360 = arith.constant 10240 : i32
        %add3A_361 = vector.broadcast %add3A_360 : i32 to vector<16xi32>
        %add3A_362 = arith.addi %get3A_338, %add3A_361 : vector<16xi32>
        %gather3A_363 = tpu.vector_load_idx %arg6[%add3A_362] : memref<40960xi32, #tpu.memory_space<vmem>>[vector<16xi32>], vector<16xi32>,
        %shift_left3A_364 = arith.constant 16 : i32
        %shift_left3A_365 = vector.broadcast %shift_left3A_364 : i32 to vector<16xi32>
        %shift_left3A_366 = arith.shli %gather3A_363, %shift_left3A_365 : vector<16xi32>
        %bitcast3A_367 = vector.bitcast %shift_left3A_366 : vector<16xi32> to vector<16xf32>
        %and3A_368 = vector.broadcast %scan3A_33 : i32 to vector<16xi32>
        %and3A_369 = arith.andi %gather3A_363, %and3A_368 : vector<16xi32>
        %bitcast3A_370 = vector.bitcast %and3A_369 : vector<16xi32> to vector<16xf32>
        %add3A_371 = arith.constant 20480 : i32
        %add3A_372 = vector.broadcast %add3A_371 : i32 to vector<16xi32>
        %add3A_373 = arith.addi %get3A_342, %add3A_372 : vector<16xi32>
        tpu.vector_store_idx %arg7[%add3A_373], %bitcast3A_367 {add = true} : memref<81920xf32, #tpu.memory_space<vmem>>[vector<16xi32>], vector<16xf32>,
        %add3A_374 = arith.constant 30720 : i32
        %add3A_375 = vector.broadcast %add3A_374 : i32 to vector<16xi32>
        %add3A_376 = arith.addi %get3A_342, %add3A_375 : vector<16xi32>
        tpu.vector_store_idx %arg7[%add3A_376], %bitcast3A_370 {add = true} : memref<81920xf32, #tpu.memory_space<vmem>>[vector<16xi32>], vector<16xf32>,
        %add3A_377 = arith.constant 20480 : i32
        %add3A_378 = vector.broadcast %add3A_377 : i32 to vector<16xi32>
        %add3A_379 = arith.addi %get3A_338, %add3A_378 : vector<16xi32>
        %gather3A_380 = tpu.vector_load_idx %arg6[%add3A_379] : memref<40960xi32, #tpu.memory_space<vmem>>[vector<16xi32>], vector<16xi32>,
        %shift_left3A_381 = arith.constant 16 : i32
        %shift_left3A_382 = vector.broadcast %shift_left3A_381 : i32 to vector<16xi32>
        %shift_left3A_383 = arith.shli %gather3A_380, %shift_left3A_382 : vector<16xi32>
        %bitcast3A_384 = vector.bitcast %shift_left3A_383 : vector<16xi32> to vector<16xf32>
        %and3A_385 = vector.broadcast %scan3A_33 : i32 to vector<16xi32>
        %and3A_386 = arith.andi %gather3A_380, %and3A_385 : vector<16xi32>
        %bitcast3A_387 = vector.bitcast %and3A_386 : vector<16xi32> to vector<16xf32>
        %add3A_388 = arith.constant 40960 : i32
        %add3A_389 = vector.broadcast %add3A_388 : i32 to vector<16xi32>
        %add3A_390 = arith.addi %get3A_342, %add3A_389 : vector<16xi32>
        tpu.vector_store_idx %arg7[%add3A_390], %bitcast3A_384 {add = true} : memref<81920xf32, #tpu.memory_space<vmem>>[vector<16xi32>], vector<16xf32>,
        %add3A_391 = arith.constant 51200 : i32
        %add3A_392 = vector.broadcast %add3A_391 : i32 to vector<16xi32>
        %add3A_393 = arith.addi %get3A_342, %add3A_392 : vector<16xi32>
        tpu.vector_store_idx %arg7[%add3A_393], %bitcast3A_387 {add = true} : memref<81920xf32, #tpu.memory_space<vmem>>[vector<16xi32>], vector<16xf32>,
        %add3A_394 = arith.constant 30720 : i32
        %add3A_395 = vector.broadcast %add3A_394 : i32 to vector<16xi32>
        %add3A_396 = arith.addi %get3A_338, %add3A_395 : vector<16xi32>
        %gather3A_397 = tpu.vector_load_idx %arg6[%add3A_396] : memref<40960xi32, #tpu.memory_space<vmem>>[vector<16xi32>], vector<16xi32>,
        %shift_left3A_398 = arith.constant 16 : i32
        %shift_left3A_399 = vector.broadcast %shift_left3A_398 : i32 to vector<16xi32>
        %shift_left3A_400 = arith.shli %gather3A_397, %shift_left3A_399 : vector<16xi32>
        %bitcast3A_401 = vector.bitcast %shift_left3A_400 : vector<16xi32> to vector<16xf32>
        %and3A_402 = vector.broadcast %scan3A_33 : i32 to vector<16xi32>
        %and3A_403 = arith.andi %gather3A_397, %and3A_402 : vector<16xi32>
        %bitcast3A_404 = vector.bitcast %and3A_403 : vector<16xi32> to vector<16xf32>
        %add3A_405 = arith.constant 61440 : i32
        %add3A_406 = vector.broadcast %add3A_405 : i32 to vector<16xi32>
        %add3A_407 = arith.addi %get3A_342, %add3A_406 : vector<16xi32>
        tpu.vector_store_idx %arg7[%add3A_407], %bitcast3A_401 {add = true} : memref<81920xf32, #tpu.memory_space<vmem>>[vector<16xi32>], vector<16xf32>,
        %add3A_408 = arith.constant 71680 : i32
        %add3A_409 = vector.broadcast %add3A_408 : i32 to vector<16xi32>
        %add3A_410 = arith.addi %get3A_342, %add3A_409 : vector<16xi32>
        tpu.vector_store_idx %arg7[%add3A_410], %bitcast3A_404 {add = true} : memref<81920xf32, #tpu.memory_space<vmem>>[vector<16xi32>], vector<16xf32>,
      }
      %scan3A_87 = arith.constant 16 : i32
      %add3A_88 = arith.constant 2 : i32
      %add3A_89 = arith.addi %add3A_71, %add3A_88 : i32
      %lt3A_90 = arith.constant 160 : i32
      %lt3A_91 = arith.cmpi slt, %add3A_89, %lt3A_90 : i32
      %convert_element_type3A_92 = arith.extui %lt3A_91 : i1 to i32
      %cond3A_93 = arith.constant 0 : i32
      %cond3A_94 = arith.cmpi ne, %convert_element_type3A_92, %cond3A_93 : i32
      scf.if %cond3A_94 {
        %add3A_95 = arith.constant 2 : i32
        %add3A_96 = arith.addi %add3A_71, %add3A_95 : i32
        %mul3A_97 = arith.constant 1024 : i32
        %mul3A_98 = arith.muli %add3A_96, %mul3A_97 : i32
        %dma_start3A_99 = tpu.memref_slice %arg3[%arg0, %mul3A_98] : memref<2x163840xi32, #tpu.memory_space<hbm>> -> memref<1x1024xi32, #tpu.memory_space<hbm>>
        %dma_start3A_100 = tpu.memref_squeeze %dma_start3A_99 : memref<1x1024xi32, #tpu.memory_space<hbm>> -> memref<1024xi32, #tpu.memory_space<hbm>>
        %dma_start3A_101 = tpu.memref_slice %arg3[%arg0, %mul3A_98] : memref<2x163840xi32, #tpu.memory_space<hbm>> -> memref<1x1024xi32, #tpu.memory_space<hbm>>
        %dma_start3A_102 = tpu.memref_squeeze %dma_start3A_101 : memref<1x1024xi32, #tpu.memory_space<hbm>> -> memref<1024xi32, #tpu.memory_space<hbm>>
        tpu.enqueue_dma source(%dma_start3A_102 : memref<1024xi32, #tpu.memory_space<hbm>>) target(%arg10 : memref<1024xi32, #tpu.memory_space<vmem>>) target_semaphore(%arg13 : memref<!tpu.dma_semaphore, #tpu.memory_space<semaphore_mem>>)
        %dma_start3A_103 = tpu.memref_slice %arg4[%arg0, %mul3A_98] : memref<2x163840xi32, #tpu.memory_space<hbm>> -> memref<1x1024xi32, #tpu.memory_space<hbm>>
        %dma_start3A_104 = tpu.memref_squeeze %dma_start3A_103 : memref<1x1024xi32, #tpu.memory_space<hbm>> -> memref<1024xi32, #tpu.memory_space<hbm>>
        %dma_start3A_105 = tpu.memref_slice %arg4[%arg0, %mul3A_98] : memref<2x163840xi32, #tpu.memory_space<hbm>> -> memref<1x1024xi32, #tpu.memory_space<hbm>>
        %dma_start3A_106 = tpu.memref_squeeze %dma_start3A_105 : memref<1x1024xi32, #tpu.memory_space<hbm>> -> memref<1024xi32, #tpu.memory_space<hbm>>
        tpu.enqueue_dma source(%dma_start3A_106 : memref<1024xi32, #tpu.memory_space<hbm>>) target(%arg11 : memref<1024xi32, #tpu.memory_space<vmem>>) target_semaphore(%arg13 : memref<!tpu.dma_semaphore, #tpu.memory_space<semaphore_mem>>)
      } else {
      }
    }
    %scan3A_38 = arith.constant 80 : i32
    %mul3A_39 = arith.constant 2 : i32
    %mul3A_40 = arith.muli %arg1, %mul3A_39 : i32
    %mul3A_41 = arith.constant 4 : i32
    %mul3A_42 = arith.muli %mul3A_40, %mul3A_41 : i32
    %mul3A_43 = arith.constant 10240 : i32
    %mul3A_44 = arith.muli %mul3A_42, %mul3A_43 : i32
    "tpu.region"() ({
      %run_scoped3A = tpu.sem_alloc : memref<!tpu.dma_semaphore, #tpu.memory_space<semaphore_mem>>
      %dma_start3A_45 = tpu.memref_slice %arg5[%arg0, %mul3A_44] : memref<2x1310720xf32, #tpu.memory_space<hbm>> -> memref<1x81920xf32, #tpu.memory_space<hbm>>
      %dma_start3A_46 = tpu.memref_squeeze %dma_start3A_45 : memref<1x81920xf32, #tpu.memory_space<hbm>> -> memref<81920xf32, #tpu.memory_space<hbm>>
      %dma_start3A_47 = tpu.memref_slice %arg5[%arg0, %mul3A_44] : memref<2x1310720xf32, #tpu.memory_space<hbm>> -> memref<1x81920xf32, #tpu.memory_space<hbm>>
      %dma_start3A_48 = tpu.memref_squeeze %dma_start3A_47 : memref<1x81920xf32, #tpu.memory_space<hbm>> -> memref<81920xf32, #tpu.memory_space<hbm>>
      tpu.enqueue_dma source(%arg7 : memref<81920xf32, #tpu.memory_space<vmem>>) target(%dma_start3A_48 : memref<81920xf32, #tpu.memory_space<hbm>>) target_semaphore(%run_scoped3A : memref<!tpu.dma_semaphore, #tpu.memory_space<semaphore_mem>>)
      %dma_wait3A = tpu.memref_slice %arg5[%arg0, %mul3A_44] : memref<2x1310720xf32, #tpu.memory_space<hbm>> -> memref<1x81920xf32, #tpu.memory_space<hbm>>
      %dma_wait3A_49 = tpu.memref_squeeze %dma_wait3A : memref<1x81920xf32, #tpu.memory_space<hbm>> -> memref<81920xf32, #tpu.memory_space<hbm>>
      %dma_wait3A_50 = tpu.memref_slice %arg5[%arg0, %mul3A_44] : memref<2x1310720xf32, #tpu.memory_space<hbm>> -> memref<1x81920xf32, #tpu.memory_space<hbm>>
      %dma_wait3A_51 = tpu.memref_squeeze %dma_wait3A_50 : memref<1x81920xf32, #tpu.memory_space<hbm>> -> memref<81920xf32, #tpu.memory_space<hbm>>
      tpu.wait_dma2 semaphore(%run_scoped3A : memref<!tpu.dma_semaphore, #tpu.memory_space<semaphore_mem>>) src(%arg7 : memref<81920xf32, #tpu.memory_space<vmem>>) dst(%dma_wait3A_51 : memref<81920xf32, #tpu.memory_space<hbm>>)
      tpu.yield
    }) : () -> ()
    return
  }
}

module attributes {stable_mosaic.version = 14 : i64} {
  func.func @_tc1_body(%arg0: i32, %arg1: memref<2048x128xf32, #tpu.memory_space<vmem>>, %arg2: memref<128x128xf32, #tpu.memory_space<vmem>>, %arg3: memref<2x2048x128xf32, #tpu.memory_space<vmem>>, %arg4: memref<2048x128xf32, #tpu.memory_space<vmem>>, %arg5: memref<64x2048xi32, #tpu.memory_space<vmem>>) attributes {dimension_semantics = [#tpu.dimension_semantics<arbitrary>], iteration_bounds = array<i64: 5>, scalar_prefetch = 0 : i64, scratch_operands = 0 : i64, tpu.core_type = #tpu.core_type<tc>, window_params = [{transform_indices = @transform_0, window_bounds = array<i64: 2048, 128>}, {pipeline_mode = #tpu.pipeline_mode<synchronous>, transform_indices = @transform_1, window_bounds = array<i64: 128, 128>}, {transform_indices = @transform_2, window_bounds = array<i64: 2, 2048, 128>}, {transform_indices = @transform_3, window_bounds = array<i64: 2048, 128>}, {transform_indices = @transform_4, window_bounds = array<i64: 64, 2048>}]} {
    %get3A = arith.constant 0 : index
    %get3A_0 = arith.constant 0 : index
    %get3A_1 = vector.load %arg1[%get3A, %get3A_0] : memref<2048x128xf32, #tpu.memory_space<vmem>>, vector<2048x128xf32>
    %get3A_2 = arith.constant 0 : index
    %get3A_3 = arith.constant 0 : index
    %get3A_4 = vector.load %arg2[%get3A_2, %get3A_3] : memref<128x128xf32, #tpu.memory_space<vmem>>, vector<128x128xf32>
    %dot_general3A = arith.constant dense<0.000000e+00> : vector<2048x128xf32>
    %dot_general3A_5 = tpu.matmul %get3A_1, %get3A_4, %dot_general3A {dimension_numbers = #tpu.dot_dimension_numbers<[1], [0], [0], [1], [0, 0, 1, 1], [], []>, transpose_lhs_hint = false} : vector<2048x128xf32>, vector<128x128xf32>, vector<2048x128xf32> -> vector<2048x128xf32>
    %get3A_6 = arith.constant 0 : index
    %get3A_7 = arith.constant 0 : index
    %get3A_8 = arith.constant 0 : index
    %get3A_9 = vector.load %arg3[%get3A_6, %get3A_7, %get3A_8] : memref<2x2048x128xf32, #tpu.memory_space<vmem>>, vector<1x2048x1xf32>
    %get3A_10 = vector.shape_cast %get3A_9 : vector<1x2048x1xf32> to vector<2048x1xf32>
    %get3A_11 = arith.constant 1 : index
    %get3A_12 = arith.constant 0 : index
    %get3A_13 = arith.constant 0 : index
    %get3A_14 = vector.load %arg3[%get3A_11, %get3A_12, %get3A_13] : memref<2x2048x128xf32, #tpu.memory_space<vmem>>, vector<1x2048x1xf32>
    %get3A_15 = vector.shape_cast %get3A_14 : vector<1x2048x1xf32> to vector<2048x1xf32>
    %add3A = arith.addf %get3A_10, %get3A_15 : vector<2048x1xf32>
    %add3A_16 = arith.constant 1.000000e+00 : f32
    %add3A_17 = vector.broadcast %add3A_16 : f32 to vector<2048x1xf32>
    %add3A_18 = arith.addf %add3A, %add3A_17 : vector<2048x1xf32>
    %rsqrt3A = math.rsqrt %add3A_18 : vector<2048x1xf32>
    %mul3A = vector.broadcast %rsqrt3A : vector<2048x1xf32> to vector<2048x128xf32>
    %mul3A_19 = arith.mulf %dot_general3A_5, %mul3A : vector<2048x128xf32>
    %swap3A = arith.constant 0 : index
    %swap3A_20 = arith.constant 0 : index
    %swap3A_21 = vector.load %arg4[%swap3A, %swap3A_20] : memref<2048x128xf32, #tpu.memory_space<vmem>>, vector<2048x128xf32>
    tpu.vector_store %arg4[%swap3A, %swap3A_20], %mul3A_19 {strides = array<i32>} : memref<2048x128xf32, #tpu.memory_space<vmem>>, vector<2048x128xf32>,
    %iota3A = tpu.iota {dimensions = array<i32: 0>} : vector<64x128xi32>
    %iota3A_22 = tpu.iota {dimensions = array<i32: 1>} : vector<64x128xi32>
    %mul3A_23 = arith.constant 2 : i32
    %mul3A_24 = vector.broadcast %mul3A_23 : i32 to vector<64x128xi32>
    %mul3A_25 = arith.muli %mul3A_24, %iota3A : vector<64x128xi32>
    %eq3A = arith.cmpi eq, %iota3A_22, %mul3A_25 : vector<64x128xi32>
    %convert_element_type3A = arith.extui %eq3A : vector<64x128xi1> to vector<64x128xi32>
    %convert_element_type3A_26 = arith.sitofp %convert_element_type3A : vector<64x128xi32> to vector<64x128xf32>
    %mul3A_27 = arith.constant 2 : i32
    %mul3A_28 = vector.broadcast %mul3A_27 : i32 to vector<64x128xi32>
    %mul3A_29 = arith.muli %mul3A_28, %iota3A : vector<64x128xi32>
    %add3A_30 = arith.constant 1 : i32
    %add3A_31 = vector.broadcast %add3A_30 : i32 to vector<64x128xi32>
    %add3A_32 = arith.addi %mul3A_29, %add3A_31 : vector<64x128xi32>
    %eq3A_33 = arith.cmpi eq, %iota3A_22, %add3A_32 : vector<64x128xi32>
    %convert_element_type3A_34 = arith.extui %eq3A_33 : vector<64x128xi1> to vector<64x128xi32>
    %convert_element_type3A_35 = arith.sitofp %convert_element_type3A_34 : vector<64x128xi32> to vector<64x128xf32>
    %dot_general3A_36 = arith.constant dense<0.000000e+00> : vector<64x2048xf32>
    %dot_general3A_37 = tpu.matmul %convert_element_type3A_26, %mul3A_19, %dot_general3A_36 {dimension_numbers = #tpu.dot_dimension_numbers<[1], [1], [0], [0], [0, 0, 1, 0], [], []>, transpose_lhs_hint = false} : vector<64x128xf32>, vector<2048x128xf32>, vector<64x2048xf32> -> vector<64x2048xf32>
    %dot_general3A_38 = arith.constant dense<0.000000e+00> : vector<64x2048xf32>
    %dot_general3A_39 = tpu.matmul %convert_element_type3A_35, %mul3A_19, %dot_general3A_38 {dimension_numbers = #tpu.dot_dimension_numbers<[1], [1], [0], [0], [0, 0, 1, 0], [], []>, transpose_lhs_hint = false} : vector<64x128xf32>, vector<2048x128xf32>, vector<64x2048xf32> -> vector<64x2048xf32>
    %bitcast_convert_type3A = tpu.bitcast %dot_general3A_37 : vector<64x2048xf32> -> vector<64x2048xi32>
    %shift_right_logical3A = arith.constant 16 : i32
    %shift_right_logical3A_40 = vector.broadcast %shift_right_logical3A : i32 to vector<64x2048xi32>
    %shift_right_logical3A_41 = arith.shrui %bitcast_convert_type3A, %shift_right_logical3A_40 : vector<64x2048xi32>
    %bitcast_convert_type3A_42 = tpu.bitcast %dot_general3A_39 : vector<64x2048xf32> -> vector<64x2048xi32>
    %and3A = arith.constant -65536 : i32
    %and3A_43 = vector.broadcast %and3A : i32 to vector<64x2048xi32>
    %and3A_44 = arith.andi %bitcast_convert_type3A_42, %and3A_43 : vector<64x2048xi32>
    %or3A = arith.ori %shift_right_logical3A_41, %and3A_44 : vector<64x2048xi32>
    %swap3A_45 = arith.constant 0 : index
    %swap3A_46 = arith.constant 0 : index
    %swap3A_47 = vector.load %arg5[%swap3A_45, %swap3A_46] : memref<64x2048xi32, #tpu.memory_space<vmem>>, vector<64x2048xi32>
    tpu.vector_store %arg5[%swap3A_45, %swap3A_46], %or3A {strides = array<i32>} : memref<64x2048xi32, #tpu.memory_space<vmem>>, vector<64x2048xi32>,
    return
  }
  func.func @transform_0(%arg0: i32) -> (i32, i32) {
    %c0_i32 = arith.constant 0 : i32
    %c0_i32_0 = arith.constant 0 : i32
    return %arg0, %c0_i32 : i32, i32
  }
  func.func @transform_1(%arg0: i32) -> (i32, i32) {
    %c0_i32 = arith.constant 0 : i32
    %c0_i32_0 = arith.constant 0 : i32
    %c0_i32_1 = arith.constant 0 : i32
    return %c0_i32, %c0_i32_0 : i32, i32
  }
  func.func @transform_2(%arg0: i32) -> (i32, i32, i32) {
    %c0_i32 = arith.constant 0 : i32
    %c0_i32_0 = arith.constant 0 : i32
    %c0_i32_1 = arith.constant 0 : i32
    return %c0_i32, %arg0, %c0_i32_0 : i32, i32, i32
  }
  func.func @transform_3(%arg0: i32) -> (i32, i32) {
    %c0_i32 = arith.constant 0 : i32
    %c0_i32_0 = arith.constant 0 : i32
    return %arg0, %c0_i32 : i32, i32
  }
  func.func @transform_4(%arg0: i32) -> (i32, i32) {
    %c0_i32 = arith.constant 0 : i32
    %c0_i32_0 = arith.constant 0 : i32
    return %c0_i32, %arg0 : i32, i32
  }
}

module attributes {stable_mosaic.version = 14 : i64} {
  func.func @_tc2_body(%arg0: i32, %arg1: memref<2x128x512xf32, #tpu.memory_space<vmem>>, %arg2: memref<2x512x128xf32, #tpu.memory_space<vmem>>, %arg3: memref<512x128xf32, #tpu.memory_space<vmem>>, %arg4: memref<1x128xf32, #tpu.memory_space<vmem>>, %arg5: memref<16x2048xi32, #tpu.memory_space<vmem>>, %arg6: memref<16x1xi32, #tpu.memory_space<vmem>>, %arg7: memref<512x128xf32, #tpu.memory_space<vmem>>, %arg8: memref<16x2048xi32, #tpu.memory_space<vmem>>) attributes {dimension_semantics = [#tpu.dimension_semantics<arbitrary>], iteration_bounds = array<i64: 20>, scalar_prefetch = 0 : i64, scratch_operands = 0 : i64, tpu.core_type = #tpu.core_type<tc>, window_params = [{transform_indices = @transform_0, window_bounds = array<i64: 2, 128, 512>}, {transform_indices = @transform_1, window_bounds = array<i64: 2, 512, 128>}, {transform_indices = @transform_2, window_bounds = array<i64: 512, 128>}, {pipeline_mode = #tpu.pipeline_mode<synchronous>, transform_indices = @transform_3, window_bounds = array<i64: 1, 128>}, {pipeline_mode = #tpu.pipeline_mode<synchronous>, transform_indices = @transform_4, window_bounds = array<i64: 16, 2048>}, {pipeline_mode = #tpu.pipeline_mode<synchronous>, transform_indices = @transform_5, window_bounds = array<i64: 16, 1>}, {transform_indices = @transform_6, window_bounds = array<i64: 512, 128>}, {pipeline_mode = #tpu.pipeline_mode<synchronous>, transform_indices = @transform_7, window_bounds = array<i64: 16, 2048>}]} {
    %get3A = arith.constant 0 : index
    %get3A_0 = arith.constant 0 : index
    %get3A_1 = arith.constant 0 : index
    %get3A_2 = vector.load %arg2[%get3A, %get3A_0, %get3A_1] : memref<2x512x128xf32, #tpu.memory_space<vmem>>, vector<1x512x1xf32>
    %get3A_3 = vector.shape_cast %get3A_2 : vector<1x512x1xf32> to vector<512x1xf32>
    %get3A_4 = arith.constant 1 : index
    %get3A_5 = arith.constant 0 : index
    %get3A_6 = arith.constant 0 : index
    %get3A_7 = vector.load %arg2[%get3A_4, %get3A_5, %get3A_6] : memref<2x512x128xf32, #tpu.memory_space<vmem>>, vector<1x512x1xf32>
    %get3A_8 = vector.shape_cast %get3A_7 : vector<1x512x1xf32> to vector<512x1xf32>
    %add3A = arith.addf %get3A_3, %get3A_8 : vector<512x1xf32>
    %add3A_9 = arith.constant 1.000000e+00 : f32
    %add3A_10 = vector.broadcast %add3A_9 : f32 to vector<512x1xf32>
    %add3A_11 = arith.addf %add3A, %add3A_10 : vector<512x1xf32>
    %rsqrt3A = math.rsqrt %add3A_11 : vector<512x1xf32>
    %get3A_12 = arith.constant 0 : index
    %get3A_13 = arith.constant 0 : index
    %get3A_14 = arith.constant 0 : index
    %get3A_15 = vector.load %arg1[%get3A_12, %get3A_13, %get3A_14] : memref<2x128x512xf32, #tpu.memory_space<vmem>>, vector<1x128x512xf32>
    %get3A_16 = vector.shape_cast %get3A_15 : vector<1x128x512xf32> to vector<128x512xf32>
    %get3A_17 = arith.constant 1 : index
    %get3A_18 = arith.constant 0 : index
    %get3A_19 = arith.constant 0 : index
    %get3A_20 = vector.load %arg1[%get3A_17, %get3A_18, %get3A_19] : memref<2x128x512xf32, #tpu.memory_space<vmem>>, vector<1x128x512xf32>
    %get3A_21 = vector.shape_cast %get3A_20 : vector<1x128x512xf32> to vector<128x512xf32>
    %add3A_22 = arith.addf %get3A_16, %get3A_21 : vector<128x512xf32>
    %iota3A = tpu.iota {dimensions = array<i32: 0>} : vector<128x128xi32>
    %iota3A_23 = tpu.iota {dimensions = array<i32: 1>} : vector<128x128xi32>
    %eq3A = arith.cmpi eq, %iota3A, %iota3A_23 : vector<128x128xi32>
    %convert_element_type3A = arith.extui %eq3A : vector<128x128xi1> to vector<128x128xi32>
    %convert_element_type3A_24 = arith.sitofp %convert_element_type3A : vector<128x128xi32> to vector<128x128xf32>
    %dot_general3A = arith.constant dense<0.000000e+00> : vector<512x128xf32>
    %dot_general3A_25 = tpu.matmul %add3A_22, %convert_element_type3A_24, %dot_general3A {dimension_numbers = #tpu.dot_dimension_numbers<[0], [0], [1], [1], [0, 1, 1, 1], [], []>, transpose_lhs_hint = false} : vector<128x512xf32>, vector<128x128xf32>, vector<512x128xf32> -> vector<512x128xf32>
    %get3A_26 = arith.constant 0 : index
    %get3A_27 = arith.constant 0 : index
    %get3A_28 = vector.load %arg3[%get3A_26, %get3A_27] : memref<512x128xf32, #tpu.memory_space<vmem>>, vector<512x128xf32>
    %add3A_29 = arith.addf %dot_general3A_25, %get3A_28 : vector<512x128xf32>
    %mul3A = vector.broadcast %rsqrt3A : vector<512x1xf32> to vector<512x128xf32>
    %mul3A_30 = arith.mulf %mul3A, %add3A_29 : vector<512x128xf32>
    %get3A_31 = arith.constant 0 : index
    %get3A_32 = arith.constant 0 : index
    %get3A_33 = vector.load %arg4[%get3A_31, %get3A_32] : memref<1x128xf32, #tpu.memory_space<vmem>>, vector<1x128xf32>
    %add3A_34 = vector.broadcast %get3A_33 : vector<1x128xf32> to vector<512x128xf32>
    %add3A_35 = arith.addf %mul3A_30, %add3A_34 : vector<512x128xf32>
    %max3A = arith.constant 0.000000e+00 : f32
    %max3A_36 = vector.broadcast %max3A : f32 to vector<512x128xf32>
    %max3A_37 = arith.maximumf %add3A_35, %max3A_36 : vector<512x128xf32>
    %mul3A_38 = arith.constant 512 : i32
    %mul3A_39 = arith.muli %arg0, %mul3A_38 : i32
    %iota3A_40 = tpu.iota {dimensions = array<i32: 0>} : vector<512x1xi32>
    %add3A_41 = vector.broadcast %mul3A_39 : i32 to vector<512x1xi32>
    %add3A_42 = arith.addi %add3A_41, %iota3A_40 : vector<512x1xi32>
    %lt3A = arith.constant 10000 : i32
    %lt3A_43 = vector.broadcast %lt3A : i32 to vector<512x1xi32>
    %lt3A_44 = arith.cmpi slt, %add3A_42, %lt3A_43 : vector<512x1xi32>
    %jit3A = arith.constant 0.000000e+00 : f32
    %broadcast_in_dim3A = vector.shape_cast %lt3A_44 : vector<512x1xi1> to vector<512x1xi1>
    %broadcast_in_dim3A_45 = vector.broadcast %broadcast_in_dim3A : vector<512x1xi1> to vector<512x128xi1>
    %broadcast_in_dim3A_46 = vector.broadcast %jit3A : f32 to vector<512x128xf32>
    %select_n3A = arith.select %broadcast_in_dim3A_45, %max3A_37, %broadcast_in_dim3A_46 : vector<512x128xi1>, vector<512x128xf32>
    %swap3A = arith.constant 0 : index
    %swap3A_47 = arith.constant 0 : index
    %swap3A_48 = vector.load %arg7[%swap3A, %swap3A_47] : memref<512x128xf32, #tpu.memory_space<vmem>>, vector<512x128xf32>
    tpu.vector_store %arg7[%swap3A, %swap3A_47], %select_n3A {strides = array<i32>} : memref<512x128xf32, #tpu.memory_space<vmem>>, vector<512x128xf32>,
    %iota3A_49 = tpu.iota {dimensions = array<i32: 1>} : vector<16x2048xi32>
    %get3A_50 = arith.constant 0 : index
    %get3A_51 = arith.constant 0 : index
    %get3A_52 = vector.load %arg6[%get3A_50, %get3A_51] : memref<16x1xi32, #tpu.memory_space<vmem>>, vector<16x1xi32>
    %lt3A_53 = vector.broadcast %get3A_52 : vector<16x1xi32> to vector<16x2048xi32>
    %lt3A_54 = arith.cmpi slt, %iota3A_49, %lt3A_53 : vector<16x2048xi32>
    %get3A_55 = arith.constant 0 : index
    %get3A_56 = arith.constant 0 : index
    %get3A_57 = vector.load %arg5[%get3A_55, %get3A_56] : memref<16x2048xi32, #tpu.memory_space<vmem>>, vector<16x2048xi32>
    %jit3A_58 = arith.constant 10000 : i32
    %broadcast_in_dim3A_59 = vector.broadcast %jit3A_58 : i32 to vector<16x2048xi32>
    %select_n3A_60 = arith.select %lt3A_54, %get3A_57, %broadcast_in_dim3A_59 : vector<16x2048xi1>, vector<16x2048xi32>
    %swap3A_61 = arith.constant 0 : index
    %swap3A_62 = arith.constant 0 : index
    %swap3A_63 = vector.load %arg8[%swap3A_61, %swap3A_62] : memref<16x2048xi32, #tpu.memory_space<vmem>>, vector<16x2048xi32>
    tpu.vector_store %arg8[%swap3A_61, %swap3A_62], %select_n3A_60 {strides = array<i32>} : memref<16x2048xi32, #tpu.memory_space<vmem>>, vector<16x2048xi32>,
    return
  }
  func.func @transform_0(%arg0: i32) -> (i32, i32, i32) {
    %c0_i32 = arith.constant 0 : i32
    %c0_i32_0 = arith.constant 0 : i32
    %c0_i32_1 = arith.constant 0 : i32
    return %c0_i32, %c0_i32_0, %arg0 : i32, i32, i32
  }
  func.func @transform_1(%arg0: i32) -> (i32, i32, i32) {
    %c0_i32 = arith.constant 0 : i32
    %c0_i32_0 = arith.constant 0 : i32
    %c0_i32_1 = arith.constant 0 : i32
    return %c0_i32, %arg0, %c0_i32_0 : i32, i32, i32
  }
  func.func @transform_2(%arg0: i32) -> (i32, i32) {
    %c0_i32 = arith.constant 0 : i32
    %c0_i32_0 = arith.constant 0 : i32
    return %arg0, %c0_i32 : i32, i32
  }
  func.func @transform_3(%arg0: i32) -> (i32, i32) {
    %c0_i32 = arith.constant 0 : i32
    %c0_i32_0 = arith.constant 0 : i32
    %c0_i32_1 = arith.constant 0 : i32
    return %c0_i32, %c0_i32_0 : i32, i32
  }
  func.func @transform_4(%arg0: i32) -> (i32, i32) {
    %c0_i32 = arith.constant 0 : i32
    %c0_i32_0 = arith.constant 0 : i32
    %c0_i32_1 = arith.constant 0 : i32
    return %c0_i32, %c0_i32_0 : i32, i32
  }
  func.func @transform_5(%arg0: i32) -> (i32, i32) {
    %c0_i32 = arith.constant 0 : i32
    %c0_i32_0 = arith.constant 0 : i32
    %c0_i32_1 = arith.constant 0 : i32
    return %c0_i32, %c0_i32_0 : i32, i32
  }
  func.func @transform_6(%arg0: i32) -> (i32, i32) {
    %c0_i32 = arith.constant 0 : i32
    %c0_i32_0 = arith.constant 0 : i32
    return %arg0, %c0_i32 : i32, i32
  }
  func.func @transform_7(%arg0: i32) -> (i32, i32) {
    %c0_i32 = arith.constant 0 : i32
    %c0_i32_0 = arith.constant 0 : i32
    %c0_i32_1 = arith.constant 0 : i32
    return %c0_i32, %c0_i32_0 : i32, i32
  }
}

</mosaic_0001>

<sc_bundles>
// kernel: kernel.10.cloned.1.call-start
scs
__scs_entry_jumppad:
0x0: {  	(pc) =	sbr.rel $0x88, $3  }
0x1: {  	(tag) =	ssettag $0x0;
	lr =	simm.s32 $0x1  }
0x2: {  	[smem:$0x3F9B] =	sst lr;
	_ =	strace $0xD0000000  }
0x3: {  	_ = 	snop  }
0x4: {  	_ = 	snop  }
0x5: {  	_ = 	snop  }
0x6: {  	_ = 	snop  }
0x7: {  	_ = 	snop  }
__scs_overlays_trampoline_lowered:
0x8: {  	[smem:$0x3FAA] =	sst s0  }
0x9: {  	[smem:$0x3FAB] =	sst s1  }
0xa: {  	[smem:$0x3FAC] =	sst s2  }
0xb: {  	[smem:$0x3FAD] =	sst s3  }
0xc: {  	[smem:$0x3FAE] =	sst s4  }
0xd: {  	[smem:$0x3FAF] =	sst s5  }
0xe: {  	[smem:$0x3FB0] =	sst s6  }
0xf: {  	[smem:$0x3FB1] =	sst s7  }
0x10: {  	[smem:$0x3FB2] =	sst s8  }
0x11: {  	[smem:$0x3FB3] =	sst s9;
	s0 =	simm.s32 @!p0 $0x0  }
0x12: {  	s1 =	sld [smem:$0x3F99];
	s0 =	simm.s32 @p0 $0x1  }
0x13: {  	[smem:$0x3FB4] =	sst s0;
	s0 =	simm.s32 @!p1 $0x0  }
0x14: {  	s2 =	sld [smem:$0x3F98];
	s0 =	simm.s32 @p1 $0x1  }
0x15: {  	[smem:$0x3FB5] =	sst s0;
	s0 =	simm.s32 @!p2 $0x0  }
0x16: {  	s3 =	sld [smem:$0x3FDB];
	s0 =	simm.s32 @p2 $0x1  }
0x17: {  	s4 =	simm.s32 $0x1BF5;
	[smem:$0x3FB7] =	sst s0  }
0x18: {  	s0 =	sld [smem:$0x3F9A];
	_ =	swait.ge [sflag:s4], $0x0  }
0x19: {  	s7 =	sld [smem:$0x3F9B]  }
0x1a: {  	s8 =	sadd.s32 $0xFFFFE003, lr  }
0x1b: {  	s9 =	sadd.s32 $0xFFFFFEF7, lr;
	s5 =	simm.s32 $0xFFFFFFFF;
	p2 =	slt.u32 s8, $0xFFFFF086  }
0x1c: {  	p1 =	slt.u32 s9, $0xF7A;
	s5 =	simm.s32 @!p2 $0x0  }
0x1d: {  	s5 =	simm.s32 @p1 $0x1;
	p0 =	seq.s32 s7, s2  }
0x1e: {  	s7 =	smul.u32 @!p0 $0xF7A, s2;
	p2 =	seq.s32 @!p0 s5, $0x0  }
0x1f: {  	s9 =	smul.u32 $0xF7A, s1;
	s8 =	simm.s32 @!p0 $0x1BF5;
	p2 =	por !p2, p0  }
0x20: {  	[sflag:s8] =	ssyncset.s32 @!p0 $0xFFFFF086;
	s6 =	sadd.s32 @!p0 s3, s7;
	s7 =	simm.s32 @!p0 $0x108  }
0x21: {  	s3 =	sadd.s32 s3, s9;
	s6 =	sadd.s32 @!p0 $0x88, s6;
	s7 =	simm.s32 @p2 $0x1082  }
0x22: {  	[simem:s7], [sflag:s8] =	dma.local @!p0 [hbm:s6], $0xF7A  }
0x23: {  	s9 =	sor.u32 $0xD0000000, s2;
	s6 =	simm.s32 $0x108;
	_ =	swait.ge @!p0 [sflag:s8], $0x0  }
0x24: {  	s3 =	sadd.s32 $0x88, s3;
	s6 =	simm.s32 @!p1 $0x1082;
	[sflag:s4] =	ssyncset.s32 $0xFFFFF086  }
0x25: {  	[simem:s6], [sflag:s4] =	dma.local [hbm:s3], $0xF7A  }
0x26: {  	[smem:$0x3F9B] =	sst s1;
	(tag) =	ssettag s2;
	_ =	strace s9  }
0x27: {  	s1 =	sld [smem:$0x3FAB]  }
0x28: {  	s2 =	sld [smem:$0x3FAC]  }
0x29: {  	s4 =	sld [smem:$0x3FAE]  }
0x2a: {  	p0 =	seq.s32 s5, $0x0;
	s5 =	sld [smem:$0x3FAF]  }
0x2b: {  	s6 =	sld [smem:$0x3FB0]  }
0x2c: {  	s7 =	sld [smem:$0x3FB1]  }
0x2d: {  	s3 =	simm.s32 $0x108;
	s8 =	sld [smem:$0x3FB2]  }
0x2e: {  	s3 =	simm.s32 @!p0 $0x1082;
	s9 =	sld [smem:$0x3FB3]  }
0x2f: {  	lr =	sadd.s32 s0, s3;
	s0 =	sld [smem:$0x3FAA]  }
0x30: {  	s3 =	sld [smem:$0x3FAD]  }
0x31: {  	[smem:$0x3FB6] =	sst s10  }
0x32: {  	s10 =	sld [smem:$0x3FB4];
	_ =	sdelay $0x3  }
0x33: {  	p0 =	seq.s32 s10, $0x1;
	s10 =	sld [smem:$0x3FB6];
	_ =	sdelay $0x3  }
0x34: {  	[smem:$0x3FB6] =	sst s10  }
0x35: {  	s10 =	sld [smem:$0x3FB5];
	_ =	sdelay $0x3  }
0x36: {  	p1 =	seq.s32 s10, $0x1;
	s10 =	sld [smem:$0x3FB6];
	_ =	sdelay $0x3  }
0x37: {  	[smem:$0x3FB6] =	sst s10  }
0x38: {  	s10 =	sld [smem:$0x3FB7]  }
0x39: {  	_ = 	snop;
	(pc) =	sbr.ind lr, $3  }
0x3a: {  	_ = 	snop  }
0x3b: {  	_ = 	snop  }
0x3c: {  	p2 =	seq.s32 s10, $0x1;
	s10 =	sld [smem:$0x3FB6]  }
0x3d: {  	_ =	shalt  }
0x3e: {  	_ =	shalt  }
0x3f: {  	_ =	shalt  }
0x40: {  	_ =	shalt  }
0x41: {  	_ =	shalt  }
0x42: {  	_ =	shalt  }
0x43: {  	_ =	shalt  }
0x44: {  	_ =	shalt  }
0x45: {  	_ =	shalt  }
0x46: {  	_ =	shalt  }
0x47: {  	_ =	shalt  }
0x48: {  	_ =	shalt  }
0x49: {  	_ =	shalt  }
0x4a: {  	_ =	shalt  }
0x4b: {  	_ =	shalt  }
0x4c: {  	_ =	shalt  }
0x4d: {  	_ =	shalt  }
0x4e: {  	_ =	shalt  }
0x4f: {  	_ =	shalt  }
0x50: {  	_ =	shalt  }
0x51: {  	_ =	shalt  }
0x52: {  	_ =	shalt  }
0x53: {  	_ =	shalt  }
0x54: {  	_ =	shalt  }
0x55: {  	_ =	shalt  }
0x56: {  	_ =	shalt  }
0x57: {  	_ =	shalt  }
0x58: {  	_ =	shalt  }
0x59: {  	_ =	shalt  }
0x5a: {  	_ =	shalt  }
0x5b: {  	_ =	shalt  }
0x5c: {  	_ =	shalt  }
0x5d: {  	_ =	shalt  }
0x5e: {  	_ =	shalt  }
0x5f: {  	_ =	shalt  }
0x60: {  	_ =	shalt  }
0x61: {  	_ =	shalt  }
0x62: {  	_ =	shalt  }
0x63: {  	_ =	shalt  }
0x64: {  	_ =	shalt  }
0x65: {  	_ =	shalt  }
0x66: {  	_ =	shalt  }
0x67: {  	_ =	shalt  }
0x68: {  	_ =	shalt  }
0x69: {  	_ =	shalt  }
0x6a: {  	_ =	shalt  }
0x6b: {  	_ =	shalt  }
0x6c: {  	_ =	shalt  }
0x6d: {  	_ =	shalt  }
0x6e: {  	_ =	shalt  }
0x6f: {  	_ =	shalt  }
0x70: {  	_ =	shalt  }
0x71: {  	_ =	shalt  }
0x72: {  	_ =	shalt  }
0x73: {  	_ =	shalt  }
0x74: {  	_ =	shalt  }
0x75: {  	_ =	shalt  }
0x76: {  	_ =	shalt  }
0x77: {  	_ =	shalt  }
0x78: {  	_ =	shalt  }
0x79: {  	_ =	shalt  }
0x7a: {  	_ =	shalt  }
0x7b: {  	_ =	shalt  }
0x7c: {  	_ =	shalt  }
0x7d: {  	_ =	shalt  }
0x7e: {  	_ =	shalt  }
0x7f: {  	_ =	shalt  }
0x80: {  	_ =	shalt  }
0x81: {  	_ =	shalt  }
0x82: {  	_ =	shalt  }
0x83: {  	_ =	shalt  }
0x84: {  	_ =	shalt  }
0x85: {  	_ =	shalt  }
0x86: {  	_ =	shalt  }
0x87: {  	_ =	shalt  }
.Lfunc_end0:
.L_simem_size_0:
called_computation.1_lowered:
.L_overlay_start_0:
0x88: {  	s2 =	sld [smem:$0x3FD9]  }
0x89: {  	s3 =	sld [smem:$0x3FFE];
	_ =	sdelay $0x1  }
0x8a: {  	s1 =	srdreg.scid  }
0x8b: {  	s0 =	sand.u32 $0x1, s1  }
0x8c: {  	s17 =	sshll.u32 s0, $0xA;
	s2 =	sadd.s32 s3, s2  }
0x8d: {  	s2 =	sadd.s32 s2, s17  }
0x8e: {  	[smem:$0x3FC2] =	sst s2  }
0x8f: {  	_ = 	snop  }
0x90: {  	s2 =	sld [smem:$0x3FD0];
	(tm) =	ssettm $0x1  }
0x91: {  	s18 =	sld [smem:$0x3FFB];
	_ =	sdelay $0x3  }
0x92: {  	_ =	strace s18  }
0x93: {  	s3 =	sld [smem:$0x3FFC];
	_ =	sdelay $0x3  }
0x94: {  	_ =	strace s3  }
0x95: {  	s3 =	sld [smem:$0x3FFD];
	_ =	sdelay $0x3  }
0x96: {  	_ =	strace s3  }
0x97: {  	_ =	strace $0x8FFFFFFF  }
0x98: {  	s19 =	sld [smem:$0x3FDB];
	_ =	sdelay $0x1  }
0x99: {  	s4 =	simm.s32 $_scs_section_size  }
0x9a: {  	s5 =	simm.s32 $_size__tile_overlayer_lowered;
	s6 =	simm.s32 $_tile_overlayer_lowered  }
0x9b: {  	s22 =	simm.s32 $0x1BFF;
	s21 =	sshll.u32 s6, $0x1;
	s3 =	sadd.s32 s4, s19  }
0x9c: {  	s7 =	simm.s32 $0x0;
	s20 =	sshll.u32 s5, $0x1;
	s5 =	sadd.s32 s21, s3  }
0x9d: {  	[timem:s7], [sflag:s22] =	dma.local [hbm:s5], s20  }
0x9e: {  	_ =	swait.ge [sflag:s22], s20  }
0x9f: {  	s4 =	ssub.s32 $0x0, s20;
	[sflag:s22] =	ssyncset.done $0x0  }
0xa0: {  	[sflag:s22] =	ssyncadd.s32 s4;
	_ =	sdelay $0x1  }
0xa1: {  	s23 =	simm.s32 $0x1B8B  }
0xa2: {  	_ =	swait.ge [sflag:s23], $0x1  }
0xa3: {  	[sflag:s23] =	ssyncset.done $0x0  }
0xa4: {  	s25 =	simm.s32 $0x1B8E;
	s24 =	sld [smem:$0x3FFE];
	[sflag:s23] =	ssyncadd.s32 $0xFFFFFFFF  }
0xa5: {  	s26 =	simm.s32 $execute0_lowered;
	[smem:$0x3FD2] =	sst s25  }
0xa6: {  	s5 =	sshll.u32 s26, $0x1;
	_ =	strace $0x80000049;
	[dreg:$0x1] =	wrdreg $0xFFFFFFFF  }
0xa7: {  	s28 =	simm.s32 $_size_execute0_lowered;
	s3 =	sadd.s32 s3, s5;
	[dreg:$0x0] =	wrdreg $0x0  }
0xa8: {  	s5 =	sshll.u32 s28, $0x1;
	[dreg:$0x2] =	wrdreg s3  }
0xa9: {  	[dreg:$0x3] =	wrdreg s5  }
0xaa: {  	[dreg:$0x4] =	wrdreg $0xC0  }
0xab: {  	_ =	task [dreg:s7], $0x5FFFF  }
0xac: {  	[dreg:$0x1] =	wrdreg $0xFFFFFFFF  }
0xad: {  	[dreg:$0x0] =	wrdreg $0x60  }
0xae: {  	[dreg:$0x2] =	wrdreg s24  }
0xaf: {  	[dreg:$0x3] =	wrdreg s2  }
0xb0: {  	[dreg:$0x4] =	wrdreg $0x9  }
0xb1: {  	_ =	task.clear_ibuf [dreg:s7], $0x5FFFF;
	_ =	strace $0x90000049  }
0xb2: {  	s29 =	simm.s32 $0x9;
	_ =	strace $0x8000004B  }
0xb3: {  	_ =	swait.ge [sflag:s29], $0x1  }
0xb4: {  	[sflag:s29] =	ssyncadd.s32 $0xFFFFFFFF  }
0xb5: {  	_ =	strace $0x9000004B  }
0xb6: {  	_ =	sfence  }
0xb7: {  	s30 =	sld [smem:$0x0];
	_ =	sdelay $0x2  }
0xb8: {  	s31 =	sshll.u32 s1, $0xD;
	s1 =	sshrl.u32 s1, $0x2  }
0xb9: {  	s3 =	sand.u32 $0x4000, s31;
	s1 =	sadd.s32 s1, s30  }
0xba: {  	s0 =	sor.u32 s3, s0;
	s1 =	sshll.u32 s1, $0x11  }
0xbb: {  	s0 =	sor.u32 s1, s0  }
0xbc: {  	s0 =	sadd.s32 $0x8F2B, s0  }
0xbd: {  	[sflag:s0] =	ssyncadd.remote.s32 $0x1  }
0xbe: {  	_ =	sfence.sel $0xFFFF  }
0xbf: {  	[dreg:$0x0] =	wrdreg $0xFFFFFFFF;
	(pc) =	sbr.abs _section_cstart, $3  }
0xc0: {  	[dreg:$0x1] =	wrdreg $0xFFFFFFFF  }
0xc1: {  	_ =	task.clear_ibuf [dreg:s7], $0x2FFFF;
	_ =	strace $0x9FFFFFFF  }
0xc2: {  	(tm) =	ssettm $0x7FFFFFFF  }
0xc3: {  	_ =	shalt  }
tec
execute0_lowered:
.L_overlay_start_1:
0x0: {  	(tag) =	ssettag $0x1  }
0x1: {  	s4 =	rddreg [dreg:$0x0]  }
0x2: {  	s12 =	rddreg [dreg:$0x1];
	s1 =	stileid.u32  }
0x3: {  	s2 =	simm.s32 $0x0;
	s5 =	srdreg.scid;
	s15 =	simm.s32 $0x80  }
0x4: {  	s16 =	simm.s32 $0x100;
	s17 =	simm.s32 $0x1E000;
	s18 =	simm.s32 $0x1E400  }
0x5: {  	s19 =	simm.s32 $0x1E800;
	s20 =	simm.s32 $0x1EC00;
	s21 =	simm.s32 $0x1  }
0x6: {  	s22 =	simm.s32 $0xA000;
	s23 =	simm.s32 $0x2;
	s24 =	simm.s32 $0x0  }
0x7: {  	s3 =	smul.u32 $0x1400, s1;
	[smem:$0x7FF] =	sst s2;
	s6 =	sand.u32 $0x1, s5  }
0x8: {  	s9 =	smul.u32 $0x28000, s1;
	_ =	strace $0x8000004A;
	s7 =	ssub.s32 $0x2, s6  }
0x9: {  	s31 =	sshll.u32 s6, $0x4;
	s11 =	sshll.u32 s6, $0x7;
	s30 =	sadd.s32 s3, s4  }
0xa: {  	s3 =	sadd.s32 $0x5BA00, s4;
	s4 =	sadd.s32 $0x1A00, s4;
	s8 =	sshrl.u32 s7, $0x1  }
.Ltmp0:
0xb: {  	s10 =	sor.u32 $0x100, s31;
	s14 =	sor.u32 s11, s9;
	(pc) =	sbr.rel .LBB2_1-.Ltmp0, $4  }
0xc: {  	s13 =	ssub.s32 s7, s8;
	s5 =	sadd.s32 $0x65A00, s30;
	s6 =	sadd.s32 s3, s31  }
0xd: {  	s7 =	sadd.s32 s4, s31;
	s8 =	sadd.s32 s3, s10;
	s9 =	sadd.s32 s4, s10  }
0xe: {  	s14 =	sshrl.u32 s14, $0x3;
	s10 =	sor.u32 $0x1000, s11;
	s11 =	sor.u32 $0x1800, s11  }
0xf: {  	v0 =	vimm.f32 $0.0e+00;
	s12 =	sadd.s32 s12, s14;
	s13 =	smax.u32 s13, $0x1;
	s14 =	simm.s32 $0x3  }
.LBB2_10:
0x10: {  	s24 =	sadd.s32 $0x1, s24  }
0x11: {  	p0 =	sne.s32 s24, s13  }
.Ltmp1:
0x12: {  	_ = 	snop;
	(pc) =	sbr.rel @!p0 .LBB2_11-.Ltmp1, $4  }
0x13: {  	[hbm4b:s12+s15] =	stream.strided.scatter [tilespmem:s22], [sflag:$0x3], $0x14000, s16, s15, $0x38;
	[tilespmem:$0x1F000] =	vst v63  }
0x14: {  	_ =	swait.ge [sflag:s14], $0x14000  }
0x15: {  	[sflag:s14] =	ssyncset.done $0x0  }
0x16: {  	[sflag:s14] =	ssyncadd.s32 $0xFFFEC000  }
.LBB2_1:
0x17: {  	[tilespmem:s2], [sflag:$0x3] =	stream.linear.gather [hbm4b:s5+s2], $0xA000, $0x38;
	[tilespmem:$0x1F000] =	vst v63  }
0x18: {  	_ =	swait.ge [sflag:s14], $0xA000  }
0x19: {  	[sflag:s14] =	ssyncset.done $0x0  }
0x1a: {  	s25 =	simm.s32 $0x40;
	s26 =	simm.s32 $0x0;
	[sflag:s14] =	ssyncadd.s32 $0xFFFF6000  }
.LBB2_2:
0x1b: {  	p0 =	sne.s32 s25, $0x4FFC0;
	[tilespmem:s26+$0xA000] =	vst v0;
	s26 =	smov.u32 s25;
	s25 =	sadd.s32 $0x40, s25  }
.Ltmp2:
0x1c: {  	(pc) =	sbr.rel @p0 .LBB2_2-.Ltmp2, $2  }
0x1d: {  	_ =	sdelay $0x2  }
0x1e: {  	s26 =	sshra.s32 s26, $0x2  }
0x1f: {  	[tilespmem:s26+$0xA000] =	vst v0  }
0x20: {  	[tilespmem:s17], [sflag:$0x1] =	stream.strided.gather [hbm4b:s6+s15], $0x400, s16, s15, $0x38;
	[tilespmem:$0x1F000] =	vst v63  }
0x21: {  	_ = 	snop  }
0x22: {  	[tilespmem:s18], [sflag:$0x1] =	stream.strided.gather [hbm4b:s7+s15], $0x400, s16, s15, $0x38;
	[tilespmem:$0x1F000] =	vst v63  }
0x23: {  	_ = 	snop  }
0x24: {  	[tilespmem:s19], [sflag:$0x2] =	stream.strided.gather [hbm4b:s8+s15], $0x400, s16, s15, $0x38;
	[tilespmem:$0x1F000] =	vst v63  }
0x25: {  	s25 =	simm.s32 $0x0  }
0x26: {  	[tilespmem:s20], [sflag:$0x2] =	stream.strided.gather [hbm4b:s9+s15], $0x400, s16, s15, $0x38;
	[tilespmem:$0x1F000] =	vst v63  }
.LBB2_4:
0x27: {  	_ =	swait.ge [sflag:s21], $0x400  }
0x28: {  	[sflag:s21] =	ssyncset.done $0x0  }
0x29: {  	[sflag:s21] =	ssyncadd.s32 $0xFFFFFC00  }
0x2a: {  	_ =	swait.ge [sflag:s21], $0x400  }
0x2b: {  	[sflag:s21] =	ssyncset.done $0x0  }
0x2c: {  	s26 =	simm.s32 $0x0;
	[sflag:s21] =	ssyncadd.s32 $0xFFFFFC00  }
.LBB2_5:
0x2d: {  	s28 =	sshra.s32 s26, $0x2  }
0x2e: {  	v1 =	vld [tilespmem:s28+$0x1E000];
	_ =	sdelay $0x4  }
0x2f: {  	v2 =	vld [tilespmem:s28+$0x1E400];
	_ =	sdelay $0x2  }
0x30: {  	v3 =	vld.idx.msk [tilespmem:v1+s2+$0x0], $0xffff;
	_ =	sdelay $0x1  }
0x31: {  	v4 =	vadd.s32 $0x2800, v2  }
0x32: {  	v5 =	vadd.s32 $0x2800, v1;
	_ =	sdelay $0x1  }
0x33: {  	v6 =	vshll.u32 v3, $0x10  }
0x34: {  	v3 =	vand.u32 $0xFFFF0000, v3;
	[tilespmem:v2+s22+$0x0] =	vst.idx.add.f32.msk $0xffff, v6  }
0x35: {  	[tilespmem:v4+s22+$0x0] =	vst.idx.add.f32.msk $0xffff, v3  }
0x36: {  	v3 =	vld.idx.msk [tilespmem:v5+s2+$0x0], $0xffff  }
0x37: {  	v28 =	vadd.s32 $0x5000, v2  }
0x38: {  	v29 =	vadd.s32 $0x7800, v2  }
0x39: {  	v30 =	vadd.s32 $0x5000, v1;
	_ =	sdelay $0x1  }
0x3a: {  	v7 =	vshll.u32 v3, $0x10  }
0x3b: {  	v3 =	vand.u32 $0xFFFF0000, v3;
	[tilespmem:v28+s22+$0x0] =	vst.idx.add.f32.msk $0xffff, v7  }
0x3c: {  	[tilespmem:v29+s22+$0x0] =	vst.idx.add.f32.msk $0xffff, v3  }
0x3d: {  	v3 =	vld.idx.msk [tilespmem:v30+s2+$0x0], $0xffff  }
0x3e: {  	v31 =	vadd.s32 $0xA000, v2  }
0x3f: {  	v32 =	vadd.s32 $0xC800, v2  }
0x40: {  	v1 =	vadd.s32 $0x7800, v1;
	_ =	sdelay $0x1  }
0x41: {  	v6 =	vshll.u32 v3, $0x10  }
0x42: {  	v3 =	vand.u32 $0xFFFF0000, v3;
	[tilespmem:v31+s22+$0x0] =	vst.idx.add.f32.msk $0xffff, v6  }
0x43: {  	[tilespmem:v32+s22+$0x0] =	vst.idx.add.f32.msk $0xffff, v3  }
0x44: {  	v1 =	vld.idx.msk [tilespmem:v1+s2+$0x0], $0xffff  }
0x45: {  	v3 =	vadd.s32 $0xF000, v2  }
0x46: {  	v2 =	vadd.s32 $0x11800, v2;
	_ =	sdelay $0x2  }
0x47: {  	v33 =	vshll.u32 v1, $0x10  }
0x48: {  	v1 =	vand.u32 $0xFFFF0000, v1;
	[tilespmem:v3+s22+$0x0] =	vst.idx.add.f32.msk $0xffff, v33  }
0x49: {  	[tilespmem:v2+s22+$0x0] =	vst.idx.add.f32.msk $0xffff, v1  }
0x4a: {  	v1 =	vld [tilespmem:s28+$0x1E010];
	_ =	sdelay $0x4  }
0x4b: {  	v2 =	vld [tilespmem:s28+$0x1E410];
	_ =	sdelay $0x2  }
0x4c: {  	v3 =	vld.idx.msk [tilespmem:v1+s2+$0x0], $0xffff;
	_ =	sdelay $0x1  }
0x4d: {  	v34 =	vadd.s32 $0x2800, v2  }
0x4e: {  	v35 =	vadd.s32 $0x2800, v1;
	_ =	sdelay $0x1  }
0x4f: {  	v36 =	vshll.u32 v3, $0x10  }
0x50: {  	v3 =	vand.u32 $0xFFFF0000, v3;
	[tilespmem:v2+s22+$0x0] =	vst.idx.add.f32.msk $0xffff, v36  }
0x51: {  	[tilespmem:v34+s22+$0x0] =	vst.idx.add.f32.msk $0xffff, v3  }
0x52: {  	v3 =	vld.idx.msk [tilespmem:v35+s2+$0x0], $0xffff  }
0x53: {  	v37 =	vadd.s32 $0x5000, v2  }
0x54: {  	v38 =	vadd.s32 $0x7800, v2  }
0x55: {  	v39 =	vadd.s32 $0x5000, v1;
	_ =	sdelay $0x1  }
0x56: {  	v40 =	vshll.u32 v3, $0x10  }
0x57: {  	v3 =	vand.u32 $0xFFFF0000, v3;
	[tilespmem:v37+s22+$0x0] =	vst.idx.add.f32.msk $0xffff, v40  }
0x58: {  	[tilespmem:v38+s22+$0x0] =	vst.idx.add.f32.msk $0xffff, v3  }
0x59: {  	v3 =	vld.idx.msk [tilespmem:v39+s2+$0x0], $0xffff  }
0x5a: {  	v41 =	vadd.s32 $0xA000, v2  }
0x5b: {  	v42 =	vadd.s32 $0xC800, v2  }
0x5c: {  	v1 =	vadd.s32 $0x7800, v1;
	_ =	sdelay $0x1  }
0x5d: {  	v6 =	vshll.u32 v3, $0x10  }
0x5e: {  	v3 =	vand.u32 $0xFFFF0000, v3;
	[tilespmem:v41+s22+$0x0] =	vst.idx.add.f32.msk $0xffff, v6  }
0x5f: {  	[tilespmem:v42+s22+$0x0] =	vst.idx.add.f32.msk $0xffff, v3  }
0x60: {  	v1 =	vld.idx.msk [tilespmem:v1+s2+$0x0], $0xffff  }
0x61: {  	v3 =	vadd.s32 $0xF000, v2  }
0x62: {  	v2 =	vadd.s32 $0x11800, v2;
	_ =	sdelay $0x2  }
0x63: {  	v43 =	vshll.u32 v1, $0x10  }
0x64: {  	v1 =	vand.u32 $0xFFFF0000, v1;
	[tilespmem:v3+s22+$0x0] =	vst.idx.add.f32.msk $0xffff, v43  }
0x65: {  	[tilespmem:v2+s22+$0x0] =	vst.idx.add.f32.msk $0xffff, v1  }
0x66: {  	v1 =	vld [tilespmem:s28+$0x1E020];
	_ =	sdelay $0x4  }
0x67: {  	v2 =	vld [tilespmem:s28+$0x1E420];
	_ =	sdelay $0x2  }
0x68: {  	v3 =	vld.idx.msk [tilespmem:v1+s2+$0x0], $0xffff;
	_ =	sdelay $0x1  }
0x69: {  	v44 =	vadd.s32 $0x2800, v2  }
0x6a: {  	v45 =	vadd.s32 $0x2800, v1;
	_ =	sdelay $0x1  }
0x6b: {  	v46 =	vshll.u32 v3, $0x10  }
0x6c: {  	v3 =	vand.u32 $0xFFFF0000, v3;
	[tilespmem:v2+s22+$0x0] =	vst.idx.add.f32.msk $0xffff, v46  }
0x6d: {  	[tilespmem:v44+s22+$0x0] =	vst.idx.add.f32.msk $0xffff, v3  }
0x6e: {  	v3 =	vld.idx.msk [tilespmem:v45+s2+$0x0], $0xffff  }
0x6f: {  	v47 =	vadd.s32 $0x5000, v2  }
0x70: {  	v48 =	vadd.s32 $0x7800, v2  }
0x71: {  	v49 =	vadd.s32 $0x5000, v1;
	_ =	sdelay $0x1  }
0x72: {  	v50 =	vshll.u32 v3, $0x10  }
0x73: {  	v3 =	vand.u32 $0xFFFF0000, v3;
	[tilespmem:v47+s22+$0x0] =	vst.idx.add.f32.msk $0xffff, v50  }
0x74: {  	[tilespmem:v48+s22+$0x0] =	vst.idx.add.f32.msk $0xffff, v3  }
0x75: {  	v3 =	vld.idx.msk [tilespmem:v49+s2+$0x0], $0xffff  }
0x76: {  	v51 =	vadd.s32 $0xA000, v2  }
0x77: {  	v52 =	vadd.s32 $0xC800, v2  }
0x78: {  	v1 =	vadd.s32 $0x7800, v1;
	_ =	sdelay $0x1  }
0x79: {  	v6 =	vshll.u32 v3, $0x10  }
0x7a: {  	v3 =	vand.u32 $0xFFFF0000, v3;
	[tilespmem:v51+s22+$0x0] =	vst.idx.add.f32.msk $0xffff, v6  }
0x7b: {  	[tilespmem:v52+s22+$0x0] =	vst.idx.add.f32.msk $0xffff, v3  }
0x7c: {  	v1 =	vld.idx.msk [tilespmem:v1+s2+$0x0], $0xffff  }
0x7d: {  	v3 =	vadd.s32 $0xF000, v2  }
0x7e: {  	v2 =	vadd.s32 $0x11800, v2;
	_ =	sdelay $0x2  }
0x7f: {  	v53 =	vshll.u32 v1, $0x10  }
0x80: {  	v1 =	vand.u32 $0xFFFF0000, v1;
	[tilespmem:v3+s22+$0x0] =	vst.idx.add.f32.msk $0xffff, v53  }
0x81: {  	[tilespmem:v2+s22+$0x0] =	vst.idx.add.f32.msk $0xffff, v1  }
0x82: {  	v1 =	vld [tilespmem:s28+$0x1E030];
	_ =	sdelay $0x4  }
0x83: {  	v2 =	vld [tilespmem:s28+$0x1E430];
	_ =	sdelay $0x2  }
0x84: {  	v3 =	vld.idx.msk [tilespmem:v1+s2+$0x0], $0xffff;
	_ =	sdelay $0x1  }
0x85: {  	v54 =	vadd.s32 $0x2800, v2  }
0x86: {  	v55 =	vadd.s32 $0x2800, v1;
	_ =	sdelay $0x1  }
0x87: {  	v56 =	vshll.u32 v3, $0x10  }
0x88: {  	v3 =	vand.u32 $0xFFFF0000, v3;
	[tilespmem:v2+s22+$0x0] =	vst.idx.add.f32.msk $0xffff, v56  }
0x89: {  	[tilespmem:v54+s22+$0x0] =	vst.idx.add.f32.msk $0xffff, v3  }
0x8a: {  	v3 =	vld.idx.msk [tilespmem:v55+s2+$0x0], $0xffff  }
0x8b: {  	v57 =	vadd.s32 $0x5000, v2  }
0x8c: {  	v58 =	vadd.s32 $0x7800, v2  }
0x8d: {  	v59 =	vadd.s32 $0x5000, v1;
	_ =	sdelay $0x1  }
0x8e: {  	v60 =	vshll.u32 v3, $0x10  }
0x8f: {  	v3 =	vand.u32 $0xFFFF0000, v3;
	[tilespmem:v57+s22+$0x0] =	vst.idx.add.f32.msk $0xffff, v60  }
0x90: {  	[tilespmem:v58+s22+$0x0] =	vst.idx.add.f32.msk $0xffff, v3  }
0x91: {  	v3 =	vld.idx.msk [tilespmem:v59+s2+$0x0], $0xffff  }
0x92: {  	v61 =	vadd.s32 $0xA000, v2  }
0x93: {  	v62 =	vadd.s32 $0xC800, v2  }
0x94: {  	v1 =	vadd.s32 $0x7800, v1;
	_ =	sdelay $0x1  }
0x95: {  	v6 =	vshll.u32 v3, $0x10  }
0x96: {  	v3 =	vand.u32 $0xFFFF0000, v3;
	[tilespmem:v61+s22+$0x0] =	vst.idx.add.f32.msk $0xffff, v6  }
0x97: {  	[tilespmem:v62+s22+$0x0] =	vst.idx.add.f32.msk $0xffff, v3  }
0x98: {  	v1 =	vld.idx.msk [tilespmem:v1+s2+$0x0], $0xffff  }
0x99: {  	v3 =	vadd.s32 $0xF000, v2  }
0x9a: {  	p0 =	sne.s32 s26, $0xF00;
	v2 =	vadd.s32 $0x11800, v2  }
.Ltmp3:
0x9b: {  	_ = 	snop;
	(pc) =	sbr.rel @p0 .LBB2_5-.Ltmp3, $4  }
0x9c: {  	_ = 	snop  }
0x9d: {  	v63 =	vshll.u32 v1, $0x10  }
0x9e: {  	v1 =	vand.u32 $0xFFFF0000, v1;
	[tilespmem:v3+s22+$0x0] =	vst.idx.add.f32.msk $0xffff, v63  }
0x9f: {  	s26 =	sadd.s32 $0x100, s26;
	[tilespmem:v2+s22+$0x0] =	vst.idx.add.f32.msk $0xffff, v1  }
0xa0: {  	s26 =	sshll.u32 s25, $0xC;
	p0 =	seq.s32 s25, $0x4F  }
0xa1: {  	s28 =	sadd.s32 @!p0 s10, s26  }
0xa2: {  	s30 =	simm.s32 @!p0 $0x80;
	s28 =	sshrl.u32 @!p0 s28, $0x3  }
0xa3: {  	s31 =	simm.s32 @!p0 $0x100;
	s0 =	simm.s32 @!p0 $0x1E000;
	s29 =	sadd.s32 @!p0 s3, s28  }
0xa4: {  	[tilespmem:s0], [sflag:$0x1] =	stream.strided.gather @!p0 [hbm4b:s29+s30], $0x400, s31, s30, $0x38;
	[tilespmem:$0x1F000] =	vst v63  }
0xa5: {  	s0 =	sadd.s32 @!p0 s4, s28;
	s28 =	simm.s32 @!p0 $0x1E400  }
0xa6: {  	[tilespmem:s28], [sflag:$0x1] =	stream.strided.gather @!p0 [hbm4b:s0+s30], $0x400, s31, s30, $0x38;
	[tilespmem:$0x1F000] =	vst v63  }
0xa7: {  	_ =	swait.ge [sflag:s23], $0x400  }
0xa8: {  	[sflag:s23] =	ssyncset.done $0x0  }
0xa9: {  	[sflag:s23] =	ssyncadd.s32 $0xFFFFFC00  }
0xaa: {  	_ =	swait.ge [sflag:s23], $0x400  }
0xab: {  	[sflag:s23] =	ssyncset.done $0x0  }
0xac: {  	s28 =	simm.s32 $0x0;
	[sflag:s23] =	ssyncadd.s32 $0xFFFFFC00  }
.LBB2_7:
0xad: {  	s29 =	sshra.s32 s28, $0x2  }
0xae: {  	v1 =	vld [tilespmem:s29+$0x1E800];
	_ =	sdelay $0x4  }
0xaf: {  	v2 =	vld [tilespmem:s29+$0x1EC00];
	_ =	sdelay $0x2  }
0xb0: {  	v3 =	vld.idx.msk [tilespmem:v1+s2+$0x0], $0xffff;
	_ =	sdelay $0x1  }
0xb1: {  	v4 =	vadd.s32 $0x2800, v2  }
0xb2: {  	v5 =	vadd.s32 $0x2800, v1;
	_ =	sdelay $0x1  }
0xb3: {  	v6 =	vshll.u32 v3, $0x10  }
0xb4: {  	v3 =	vand.u32 $0xFFFF0000, v3;
	[tilespmem:v2+s22+$0x0] =	vst.idx.add.f32.msk $0xffff, v6  }
0xb5: {  	[tilespmem:v4+s22+$0x0] =	vst.idx.add.f32.msk $0xffff, v3  }
0xb6: {  	v3 =	vld.idx.msk [tilespmem:v5+s2+$0x0], $0xffff  }
0xb7: {  	v28 =	vadd.s32 $0x5000, v2  }
0xb8: {  	v29 =	vadd.s32 $0x7800, v2  }
0xb9: {  	v30 =	vadd.s32 $0x5000, v1;
	_ =	sdelay $0x1  }
0xba: {  	v7 =	vshll.u32 v3, $0x10  }
0xbb: {  	v3 =	vand.u32 $0xFFFF0000, v3;
	[tilespmem:v28+s22+$0x0] =	vst.idx.add.f32.msk $0xffff, v7  }
0xbc: {  	[tilespmem:v29+s22+$0x0] =	vst.idx.add.f32.msk $0xffff, v3  }
0xbd: {  	v3 =	vld.idx.msk [tilespmem:v30+s2+$0x0], $0xffff  }
0xbe: {  	v31 =	vadd.s32 $0xA000, v2  }
0xbf: {  	v32 =	vadd.s32 $0xC800, v2  }
0xc0: {  	v1 =	vadd.s32 $0x7800, v1;
	_ =	sdelay $0x1  }
0xc1: {  	v6 =	vshll.u32 v3, $0x10  }
0xc2: {  	v3 =	vand.u32 $0xFFFF0000, v3;
	[tilespmem:v31+s22+$0x0] =	vst.idx.add.f32.msk $0xffff, v6  }
0xc3: {  	[tilespmem:v32+s22+$0x0] =	vst.idx.add.f32.msk $0xffff, v3  }
0xc4: {  	v1 =	vld.idx.msk [tilespmem:v1+s2+$0x0], $0xffff  }
0xc5: {  	v3 =	vadd.s32 $0xF000, v2  }
0xc6: {  	v2 =	vadd.s32 $0x11800, v2;
	_ =	sdelay $0x2  }
0xc7: {  	v33 =	vshll.u32 v1, $0x10  }
0xc8: {  	v1 =	vand.u32 $0xFFFF0000, v1;
	[tilespmem:v3+s22+$0x0] =	vst.idx.add.f32.msk $0xffff, v33  }
0xc9: {  	[tilespmem:v2+s22+$0x0] =	vst.idx.add.f32.msk $0xffff, v1  }
0xca: {  	v1 =	vld [tilespmem:s29+$0x1E810];
	_ =	sdelay $0x4  }
0xcb: {  	v2 =	vld [tilespmem:s29+$0x1EC10];
	_ =	sdelay $0x2  }
0xcc: {  	v3 =	vld.idx.msk [tilespmem:v1+s2+$0x0], $0xffff;
	_ =	sdelay $0x1  }
0xcd: {  	v34 =	vadd.s32 $0x2800, v2  }
0xce: {  	v35 =	vadd.s32 $0x2800, v1;
	_ =	sdelay $0x1  }
0xcf: {  	v36 =	vshll.u32 v3, $0x10  }
0xd0: {  	v3 =	vand.u32 $0xFFFF0000, v3;
	[tilespmem:v2+s22+$0x0] =	vst.idx.add.f32.msk $0xffff, v36  }
0xd1: {  	[tilespmem:v34+s22+$0x0] =	vst.idx.add.f32.msk $0xffff, v3  }
0xd2: {  	v3 =	vld.idx.msk [tilespmem:v35+s2+$0x0], $0xffff  }
0xd3: {  	v37 =	vadd.s32 $0x5000, v2  }
0xd4: {  	v38 =	vadd.s32 $0x7800, v2  }
0xd5: {  	v39 =	vadd.s32 $0x5000, v1;
	_ =	sdelay $0x1  }
0xd6: {  	v40 =	vshll.u32 v3, $0x10  }
0xd7: {  	v3 =	vand.u32 $0xFFFF0000, v3;
	[tilespmem:v37+s22+$0x0] =	vst.idx.add.f32.msk $0xffff, v40  }
0xd8: {  	[tilespmem:v38+s22+$0x0] =	vst.idx.add.f32.msk $0xffff, v3  }
0xd9: {  	v3 =	vld.idx.msk [tilespmem:v39+s2+$0x0], $0xffff  }
0xda: {  	v41 =	vadd.s32 $0xA000, v2  }
0xdb: {  	v42 =	vadd.s32 $0xC800, v2  }
0xdc: {  	v1 =	vadd.s32 $0x7800, v1;
	_ =	sdelay $0x1  }
0xdd: {  	v6 =	vshll.u32 v3, $0x10  }
0xde: {  	v3 =	vand.u32 $0xFFFF0000, v3;
	[tilespmem:v41+s22+$0x0] =	vst.idx.add.f32.msk $0xffff, v6  }
0xdf: {  	[tilespmem:v42+s22+$0x0] =	vst.idx.add.f32.msk $0xffff, v3  }
0xe0: {  	v1 =	vld.idx.msk [tilespmem:v1+s2+$0x0], $0xffff  }
0xe1: {  	v3 =	vadd.s32 $0xF000, v2  }
0xe2: {  	v2 =	vadd.s32 $0x11800, v2;
	_ =	sdelay $0x2  }
0xe3: {  	v43 =	vshll.u32 v1, $0x10  }
0xe4: {  	v1 =	vand.u32 $0xFFFF0000, v1;
	[tilespmem:v3+s22+$0x0] =	vst.idx.add.f32.msk $0xffff, v43  }
0xe5: {  	[tilespmem:v2+s22+$0x0] =	vst.idx.add.f32.msk $0xffff, v1  }
0xe6: {  	v1 =	vld [tilespmem:s29+$0x1E820];
	_ =	sdelay $0x4  }
0xe7: {  	v2 =	vld [tilespmem:s29+$0x1EC20];
	_ =	sdelay $0x2  }
0xe8: {  	v3 =	vld.idx.msk [tilespmem:v1+s2+$0x0], $0xffff;
	_ =	sdelay $0x1  }
0xe9: {  	v44 =	vadd.s32 $0x2800, v2  }
0xea: {  	v45 =	vadd.s32 $0x2800, v1;
	_ =	sdelay $0x1  }
0xeb: {  	v46 =	vshll.u32 v3, $0x10  }
0xec: {  	v3 =	vand.u32 $0xFFFF0000, v3;
	[tilespmem:v2+s22+$0x0] =	vst.idx.add.f32.msk $0xffff, v46  }
0xed: {  	[tilespmem:v44+s22+$0x0] =	vst.idx.add.f32.msk $0xffff, v3  }
0xee: {  	v3 =	vld.idx.msk [tilespmem:v45+s2+$0x0], $0xffff  }
0xef: {  	v47 =	vadd.s32 $0x5000, v2  }
0xf0: {  	v48 =	vadd.s32 $0x7800, v2  }
0xf1: {  	v49 =	vadd.s32 $0x5000, v1;
	_ =	sdelay $0x1  }
0xf2: {  	v50 =	vshll.u32 v3, $0x10  }
0xf3: {  	v3 =	vand.u32 $0xFFFF0000, v3;
	[tilespmem:v47+s22+$0x0] =	vst.idx.add.f32.msk $0xffff, v50  }
0xf4: {  	[tilespmem:v48+s22+$0x0] =	vst.idx.add.f32.msk $0xffff, v3  }
0xf5: {  	v3 =	vld.idx.msk [tilespmem:v49+s2+$0x0], $0xffff  }
0xf6: {  	v51 =	vadd.s32 $0xA000, v2  }
0xf7: {  	v52 =	vadd.s32 $0xC800, v2  }
0xf8: {  	v1 =	vadd.s32 $0x7800, v1;
	_ =	sdelay $0x1  }
0xf9: {  	v6 =	vshll.u32 v3, $0x10  }
0xfa: {  	v3 =	vand.u32 $0xFFFF0000, v3;
	[tilespmem:v51+s22+$0x0] =	vst.idx.add.f32.msk $0xffff, v6  }
0xfb: {  	[tilespmem:v52+s22+$0x0] =	vst.idx.add.f32.msk $0xffff, v3  }
0xfc: {  	v1 =	vld.idx.msk [tilespmem:v1+s2+$0x0], $0xffff  }
0xfd: {  	v3 =	vadd.s32 $0xF000, v2  }
0xfe: {  	v2 =	vadd.s32 $0x11800, v2;
	_ =	sdelay $0x2  }
0xff: {  	v53 =	vshll.u32 v1, $0x10  }
0x100: {  	v1 =	vand.u32 $0xFFFF0000, v1;
	[tilespmem:v3+s22+$0x0] =	vst.idx.add.f32.msk $0xffff, v53  }
0x101: {  	[tilespmem:v2+s22+$0x0] =	vst.idx.add.f32.msk $0xffff, v1  }
0x102: {  	v1 =	vld [tilespmem:s29+$0x1E830];
	_ =	sdelay $0x4  }
0x103: {  	v2 =	vld [tilespmem:s29+$0x1EC30];
	_ =	sdelay $0x2  }
0x104: {  	v3 =	vld.idx.msk [tilespmem:v1+s2+$0x0], $0xffff;
	_ =	sdelay $0x1  }
0x105: {  	v54 =	vadd.s32 $0x2800, v2  }
0x106: {  	v55 =	vadd.s32 $0x2800, v1;
	_ =	sdelay $0x1  }
0x107: {  	v56 =	vshll.u32 v3, $0x10  }
0x108: {  	v3 =	vand.u32 $0xFFFF0000, v3;
	[tilespmem:v2+s22+$0x0] =	vst.idx.add.f32.msk $0xffff, v56  }
0x109: {  	[tilespmem:v54+s22+$0x0] =	vst.idx.add.f32.msk $0xffff, v3  }
0x10a: {  	v3 =	vld.idx.msk [tilespmem:v55+s2+$0x0], $0xffff  }
0x10b: {  	v57 =	vadd.s32 $0x5000, v2  }
0x10c: {  	v58 =	vadd.s32 $0x7800, v2  }
0x10d: {  	v59 =	vadd.s32 $0x5000, v1;
	_ =	sdelay $0x1  }
0x10e: {  	v60 =	vshll.u32 v3, $0x10  }
0x10f: {  	v3 =	vand.u32 $0xFFFF0000, v3;
	[tilespmem:v57+s22+$0x0] =	vst.idx.add.f32.msk $0xffff, v60  }
0x110: {  	[tilespmem:v58+s22+$0x0] =	vst.idx.add.f32.msk $0xffff, v3  }
0x111: {  	v3 =	vld.idx.msk [tilespmem:v59+s2+$0x0], $0xffff  }
0x112: {  	v61 =	vadd.s32 $0xA000, v2  }
0x113: {  	v62 =	vadd.s32 $0xC800, v2  }
0x114: {  	v1 =	vadd.s32 $0x7800, v1;
	_ =	sdelay $0x1  }
0x115: {  	v6 =	vshll.u32 v3, $0x10  }
0x116: {  	v3 =	vand.u32 $0xFFFF0000, v3;
	[tilespmem:v61+s22+$0x0] =	vst.idx.add.f32.msk $0xffff, v6  }
0x117: {  	[tilespmem:v62+s22+$0x0] =	vst.idx.add.f32.msk $0xffff, v3  }
0x118: {  	v1 =	vld.idx.msk [tilespmem:v1+s2+$0x0], $0xffff  }
0x119: {  	v3 =	vadd.s32 $0xF000, v2  }
0x11a: {  	p1 =	sne.s32 s28, $0xF00;
	v2 =	vadd.s32 $0x11800, v2  }
.Ltmp4:
0x11b: {  	_ = 	snop;
	(pc) =	sbr.rel @p1 .LBB2_7-.Ltmp4, $4  }
0x11c: {  	_ = 	snop  }
0x11d: {  	v63 =	vshll.u32 v1, $0x10  }
0x11e: {  	v1 =	vand.u32 $0xFFFF0000, v1;
	[tilespmem:v3+s22+$0x0] =	vst.idx.add.f32.msk $0xffff, v63  }
0x11f: {  	s28 =	sadd.s32 $0x100, s28;
	[tilespmem:v2+s22+$0x0] =	vst.idx.add.f32.msk $0xffff, v1  }
.Ltmp5:
0x120: {  	(pc) =	sbr.rel @p0 .LBB2_10-.Ltmp5, $1  }
0x121: {  	_ =	sdelay $0x3  }
0x122: {  	s0 =	sadd.s32 s11, s26  }
.Ltmp6:
0x123: {  	s0 =	sshrl.u32 s0, $0x3;
	(pc) =	sbr.rel .LBB2_4-.Ltmp6, $4  }
0x124: {  	s31 =	sadd.s32 s3, s0  }
0x125: {  	[tilespmem:s19], [sflag:$0x2] =	stream.strided.gather [hbm4b:s31+s15], $0x400, s16, s15, $0x38;
	[tilespmem:$0x1F000] =	vst v63  }
0x126: {  	s25 =	sadd.s32 $0x1, s25;
	s0 =	sadd.s32 s4, s0  }
0x127: {  	[tilespmem:s20], [sflag:$0x2] =	stream.strided.gather [hbm4b:s0+s15], $0x400, s16, s15, $0x38;
	[tilespmem:$0x1F000] =	vst v63  }
.LBB2_11:
0x128: {  	_ =	sfence.sel $0x180000  }
0x129: {  	[bflag:$0x0] =	sbarrier.arrive $0xFFFF  }
0x12a: {  	_ =	strace $0x9000004A  }
0x12b: {  	[bflag:$0x2] =	sbarrier.arrive $0xFFFF  }
0x12c: {  	p0 =	sne.s32 s1, $0x0;
	s0 =	rddreg [dreg:$0x2]  }
0x12d: {  	s0 =	sadd.s32 @!p0 $0x100000, s0  }
0x12e: {  	[sflag:s0] =	ssyncadd.tile.s32 @!p0 $0x1;
	_ =	shalt  }
.Lfunc_end2:
_tile_overlayer_lowered:
.L_overlay_start_2:
0x12f: {  	(tag) =	ssettag $0x2  }
0x130: {  	s0 =	rddreg [dreg:$0x0];
	s2 =	stileid.u32  }
0x131: {  	s1 =	rddreg [dreg:$0x1];
	p0 =	sne.s32 s2, $0x0  }
0x132: {  	s3 =	rddreg [dreg:$0x2];
	[bflag:$0x3] =	sbarrier.arrive $0xFFFF;
	s2 =	simm.s32 @!p0 $0x1C03  }
0x133: {  	[timem:s3], [sflag:s2] =	dma.local @!p0 [hbm:s0], s1  }
0x134: {  	s0 =	simm.s32 @!p0 $0x3  }
0x135: {  	_ =	swait.ge @!p0 [sflag:s0], s1  }
0x136: {  	s1 =	ssub.s32 @!p0 $0x0, s1;
	[sflag:s0] =	ssyncset.done @!p0 $0x0  }
0x137: {  	[sflag:s0] =	ssyncadd.s32 @!p0 s1  }
0x138: {  	[bflag:$0x3] =	sbarrier.arrive $0xFFFF  }
0x139: {  	_ =	shalt  }

// kernel: kernel.13.cloned.1.call-start
scs
__scs_entry_jumppad:
0x0: {  	(pc) =	sbr.rel $0x88, $3  }
0x1: {  	(tag) =	ssettag $0x0;
	lr =	simm.s32 $0x1  }
0x2: {  	[smem:$0x3F9B] =	sst lr;
	_ =	strace $0xD0000000  }
0x3: {  	_ = 	snop  }
0x4: {  	_ = 	snop  }
0x5: {  	_ = 	snop  }
0x6: {  	_ = 	snop  }
0x7: {  	_ = 	snop  }
__scs_overlays_trampoline_lowered:
0x8: {  	[smem:$0x3FAA] =	sst s0  }
0x9: {  	[smem:$0x3FAB] =	sst s1  }
0xa: {  	[smem:$0x3FAC] =	sst s2  }
0xb: {  	[smem:$0x3FAD] =	sst s3  }
0xc: {  	[smem:$0x3FAE] =	sst s4  }
0xd: {  	[smem:$0x3FAF] =	sst s5  }
0xe: {  	[smem:$0x3FB0] =	sst s6  }
0xf: {  	[smem:$0x3FB1] =	sst s7  }
0x10: {  	[smem:$0x3FB2] =	sst s8  }
0x11: {  	[smem:$0x3FB3] =	sst s9;
	s0 =	simm.s32 @!p0 $0x0  }
0x12: {  	s1 =	sld [smem:$0x3F99];
	s0 =	simm.s32 @p0 $0x1  }
0x13: {  	[smem:$0x3FB4] =	sst s0;
	s0 =	simm.s32 @!p1 $0x0  }
0x14: {  	s2 =	sld [smem:$0x3F98];
	s0 =	simm.s32 @p1 $0x1  }
0x15: {  	[smem:$0x3FB5] =	sst s0;
	s0 =	simm.s32 @!p2 $0x0  }
0x16: {  	s3 =	sld [smem:$0x3FDB];
	s0 =	simm.s32 @p2 $0x1  }
0x17: {  	s4 =	simm.s32 $0x1BF5;
	[smem:$0x3FB7] =	sst s0  }
0x18: {  	s0 =	sld [smem:$0x3F9A];
	_ =	swait.ge [sflag:s4], $0x0  }
0x19: {  	s7 =	sld [smem:$0x3F9B]  }
0x1a: {  	s8 =	sadd.s32 $0xFFFFE003, lr  }
0x1b: {  	s9 =	sadd.s32 $0xFFFFFEF7, lr;
	s5 =	simm.s32 $0xFFFFFFFF;
	p2 =	slt.u32 s8, $0xFFFFF086  }
0x1c: {  	p1 =	slt.u32 s9, $0xF7A;
	s5 =	simm.s32 @!p2 $0x0  }
0x1d: {  	s5 =	simm.s32 @p1 $0x1;
	p0 =	seq.s32 s7, s2  }
0x1e: {  	s7 =	smul.u32 @!p0 $0xF7A, s2;
	p2 =	seq.s32 @!p0 s5, $0x0  }
0x1f: {  	s9 =	smul.u32 $0xF7A, s1;
	s8 =	simm.s32 @!p0 $0x1BF5;
	p2 =	por !p2, p0  }
0x20: {  	[sflag:s8] =	ssyncset.s32 @!p0 $0xFFFFF086;
	s6 =	sadd.s32 @!p0 s3, s7;
	s7 =	simm.s32 @!p0 $0x108  }
0x21: {  	s3 =	sadd.s32 s3, s9;
	s6 =	sadd.s32 @!p0 $0x88, s6;
	s7 =	simm.s32 @p2 $0x1082  }
0x22: {  	[simem:s7], [sflag:s8] =	dma.local @!p0 [hbm:s6], $0xF7A  }
0x23: {  	s9 =	sor.u32 $0xD0000000, s2;
	s6 =	simm.s32 $0x108;
	_ =	swait.ge @!p0 [sflag:s8], $0x0  }
0x24: {  	s3 =	sadd.s32 $0x88, s3;
	s6 =	simm.s32 @!p1 $0x1082;
	[sflag:s4] =	ssyncset.s32 $0xFFFFF086  }
0x25: {  	[simem:s6], [sflag:s4] =	dma.local [hbm:s3], $0xF7A  }
0x26: {  	[smem:$0x3F9B] =	sst s1;
	(tag) =	ssettag s2;
	_ =	strace s9  }
0x27: {  	s1 =	sld [smem:$0x3FAB]  }
0x28: {  	s2 =	sld [smem:$0x3FAC]  }
0x29: {  	s4 =	sld [smem:$0x3FAE]  }
0x2a: {  	p0 =	seq.s32 s5, $0x0;
	s5 =	sld [smem:$0x3FAF]  }
0x2b: {  	s6 =	sld [smem:$0x3FB0]  }
0x2c: {  	s7 =	sld [smem:$0x3FB1]  }
0x2d: {  	s3 =	simm.s32 $0x108;
	s8 =	sld [smem:$0x3FB2]  }
0x2e: {  	s3 =	simm.s32 @!p0 $0x1082;
	s9 =	sld [smem:$0x3FB3]  }
0x2f: {  	lr =	sadd.s32 s0, s3;
	s0 =	sld [smem:$0x3FAA]  }
0x30: {  	s3 =	sld [smem:$0x3FAD]  }
0x31: {  	[smem:$0x3FB6] =	sst s10  }
0x32: {  	s10 =	sld [smem:$0x3FB4];
	_ =	sdelay $0x3  }
0x33: {  	p0 =	seq.s32 s10, $0x1;
	s10 =	sld [smem:$0x3FB6];
	_ =	sdelay $0x3  }
0x34: {  	[smem:$0x3FB6] =	sst s10  }
0x35: {  	s10 =	sld [smem:$0x3FB5];
	_ =	sdelay $0x3  }
0x36: {  	p1 =	seq.s32 s10, $0x1;
	s10 =	sld [smem:$0x3FB6];
	_ =	sdelay $0x3  }
0x37: {  	[smem:$0x3FB6] =	sst s10  }
0x38: {  	s10 =	sld [smem:$0x3FB7]  }
0x39: {  	_ = 	snop;
	(pc) =	sbr.ind lr, $3  }
0x3a: {  	_ = 	snop  }
0x3b: {  	_ = 	snop  }
0x3c: {  	p2 =	seq.s32 s10, $0x1;
	s10 =	sld [smem:$0x3FB6]  }
0x3d: {  	_ =	shalt  }
0x3e: {  	_ =	shalt  }
0x3f: {  	_ =	shalt  }
0x40: {  	_ =	shalt  }
0x41: {  	_ =	shalt  }
0x42: {  	_ =	shalt  }
0x43: {  	_ =	shalt  }
0x44: {  	_ =	shalt  }
0x45: {  	_ =	shalt  }
0x46: {  	_ =	shalt  }
0x47: {  	_ =	shalt  }
0x48: {  	_ =	shalt  }
0x49: {  	_ =	shalt  }
0x4a: {  	_ =	shalt  }
0x4b: {  	_ =	shalt  }
0x4c: {  	_ =	shalt  }
0x4d: {  	_ =	shalt  }
0x4e: {  	_ =	shalt  }
0x4f: {  	_ =	shalt  }
0x50: {  	_ =	shalt  }
0x51: {  	_ =	shalt  }
0x52: {  	_ =	shalt  }
0x53: {  	_ =	shalt  }
0x54: {  	_ =	shalt  }
0x55: {  	_ =	shalt  }
0x56: {  	_ =	shalt  }
0x57: {  	_ =	shalt  }
0x58: {  	_ =	shalt  }
0x59: {  	_ =	shalt  }
0x5a: {  	_ =	shalt  }
0x5b: {  	_ =	shalt  }
0x5c: {  	_ =	shalt  }
0x5d: {  	_ =	shalt  }
0x5e: {  	_ =	shalt  }
0x5f: {  	_ =	shalt  }
0x60: {  	_ =	shalt  }
0x61: {  	_ =	shalt  }
0x62: {  	_ =	shalt  }
0x63: {  	_ =	shalt  }
0x64: {  	_ =	shalt  }
0x65: {  	_ =	shalt  }
0x66: {  	_ =	shalt  }
0x67: {  	_ =	shalt  }
0x68: {  	_ =	shalt  }
0x69: {  	_ =	shalt  }
0x6a: {  	_ =	shalt  }
0x6b: {  	_ =	shalt  }
0x6c: {  	_ =	shalt  }
0x6d: {  	_ =	shalt  }
0x6e: {  	_ =	shalt  }
0x6f: {  	_ =	shalt  }
0x70: {  	_ =	shalt  }
0x71: {  	_ =	shalt  }
0x72: {  	_ =	shalt  }
0x73: {  	_ =	shalt  }
0x74: {  	_ =	shalt  }
0x75: {  	_ =	shalt  }
0x76: {  	_ =	shalt  }
0x77: {  	_ =	shalt  }
0x78: {  	_ =	shalt  }
0x79: {  	_ =	shalt  }
0x7a: {  	_ =	shalt  }
0x7b: {  	_ =	shalt  }
0x7c: {  	_ =	shalt  }
0x7d: {  	_ =	shalt  }
0x7e: {  	_ =	shalt  }
0x7f: {  	_ =	shalt  }
0x80: {  	_ =	shalt  }
0x81: {  	_ =	shalt  }
0x82: {  	_ =	shalt  }
0x83: {  	_ =	shalt  }
0x84: {  	_ =	shalt  }
0x85: {  	_ =	shalt  }
0x86: {  	_ =	shalt  }
0x87: {  	_ =	shalt  }
.Lfunc_end0:
.L_simem_size_0:
called_computation.2_lowered:
.L_overlay_start_0:
0x88: {  	s2 =	sld [smem:$0x3FD9]  }
0x89: {  	s3 =	sld [smem:$0x3FFE];
	_ =	sdelay $0x1  }
0x8a: {  	s1 =	srdreg.scid  }
0x8b: {  	s0 =	sand.u32 $0x1, s1  }
0x8c: {  	s17 =	sshll.u32 s0, $0xA;
	s2 =	sadd.s32 s3, s2  }
0x8d: {  	s2 =	sadd.s32 s2, s17  }
0x8e: {  	[smem:$0x3FC2] =	sst s2  }
0x8f: {  	_ = 	snop  }
0x90: {  	s2 =	sld [smem:$0x3FD0];
	(tm) =	ssettm $0x1  }
0x91: {  	s18 =	sld [smem:$0x3FFB];
	_ =	sdelay $0x3  }
0x92: {  	_ =	strace s18  }
0x93: {  	s3 =	sld [smem:$0x3FFC];
	_ =	sdelay $0x3  }
0x94: {  	_ =	strace s3  }
0x95: {  	s3 =	sld [smem:$0x3FFD];
	_ =	sdelay $0x3  }
0x96: {  	_ =	strace s3  }
0x97: {  	_ =	strace $0x8FFFFFFF  }
0x98: {  	s19 =	sld [smem:$0x3FDB];
	_ =	sdelay $0x1  }
0x99: {  	s4 =	simm.s32 $_scs_section_size  }
0x9a: {  	s5 =	simm.s32 $_size__tile_overlayer_lowered;
	s6 =	simm.s32 $_tile_overlayer_lowered  }
0x9b: {  	s22 =	simm.s32 $0x1BFF;
	s21 =	sshll.u32 s6, $0x1;
	s3 =	sadd.s32 s4, s19  }
0x9c: {  	s7 =	simm.s32 $0x0;
	s20 =	sshll.u32 s5, $0x1;
	s5 =	sadd.s32 s21, s3  }
0x9d: {  	[timem:s7], [sflag:s22] =	dma.local [hbm:s5], s20  }
0x9e: {  	_ =	swait.ge [sflag:s22], s20  }
0x9f: {  	s4 =	ssub.s32 $0x0, s20;
	[sflag:s22] =	ssyncset.done $0x0  }
0xa0: {  	[sflag:s22] =	ssyncadd.s32 s4;
	_ =	sdelay $0x1  }
0xa1: {  	s23 =	simm.s32 $0x1B8B  }
0xa2: {  	_ =	swait.ge [sflag:s23], $0x1  }
0xa3: {  	[sflag:s23] =	ssyncset.done $0x0  }
0xa4: {  	s25 =	simm.s32 $0x1B8E;
	s24 =	sld [smem:$0x3FFE];
	[sflag:s23] =	ssyncadd.s32 $0xFFFFFFFF  }
0xa5: {  	s26 =	simm.s32 $execute0_lowered;
	[smem:$0x3FD2] =	sst s25  }
0xa6: {  	s5 =	sshll.u32 s26, $0x1;
	_ =	strace $0x8000004C;
	[dreg:$0x1] =	wrdreg $0xFFFFFFFF  }
0xa7: {  	s28 =	simm.s32 $_size_execute0_lowered;
	s3 =	sadd.s32 s3, s5;
	[dreg:$0x0] =	wrdreg $0x0  }
0xa8: {  	s5 =	sshll.u32 s28, $0x1;
	[dreg:$0x2] =	wrdreg s3  }
0xa9: {  	[dreg:$0x3] =	wrdreg s5  }
0xaa: {  	[dreg:$0x4] =	wrdreg $0xC0  }
0xab: {  	_ =	task [dreg:s7], $0x5FFFF  }
0xac: {  	[dreg:$0x1] =	wrdreg $0xFFFFFFFF  }
0xad: {  	[dreg:$0x0] =	wrdreg $0x60  }
0xae: {  	[dreg:$0x2] =	wrdreg s24  }
0xaf: {  	[dreg:$0x3] =	wrdreg s2  }
0xb0: {  	[dreg:$0x4] =	wrdreg $0x84000  }
0xb1: {  	[dreg:$0x5] =	wrdreg $0x9  }
0xb2: {  	_ =	task.clear_ibuf [dreg:s7], $0x6FFFF;
	_ =	strace $0x9000004C  }
0xb3: {  	s29 =	simm.s32 $0x9;
	_ =	strace $0x8000004E  }
0xb4: {  	_ =	swait.ge [sflag:s29], $0x1  }
0xb5: {  	[sflag:s29] =	ssyncadd.s32 $0xFFFFFFFF  }
0xb6: {  	_ =	strace $0x9000004E  }
0xb7: {  	_ =	sfence  }
0xb8: {  	s30 =	sld [smem:$0x0];
	_ =	sdelay $0x2  }
0xb9: {  	s31 =	sshll.u32 s1, $0xD;
	s1 =	sshrl.u32 s1, $0x2  }
0xba: {  	s3 =	sand.u32 $0x4000, s31;
	s1 =	sadd.s32 s1, s30  }
0xbb: {  	s0 =	sor.u32 s3, s0;
	s1 =	sshll.u32 s1, $0x11  }
0xbc: {  	s0 =	sor.u32 s1, s0  }
0xbd: {  	s0 =	sadd.s32 $0x8F2B, s0  }
0xbe: {  	[sflag:s0] =	ssyncadd.remote.s32 $0x1  }
0xbf: {  	_ =	sfence.sel $0xFFFF  }
0xc0: {  	[dreg:$0x0] =	wrdreg $0xFFFFFFFF;
	(pc) =	sbr.abs _section_cstart, $3  }
0xc1: {  	[dreg:$0x1] =	wrdreg $0xFFFFFFFF  }
0xc2: {  	_ =	task.clear_ibuf [dreg:s7], $0x2FFFF;
	_ =	strace $0x9FFFFFFF  }
0xc3: {  	(tm) =	ssettm $0x7FFFFFFF  }
tec
execute0_lowered:
.L_overlay_start_1:
0x0: {  	(tag) =	ssettag $0x1  }
0x1: {  	s1 =	srdreg.scid  }
0x2: {  	s6 =	rddreg [dreg:$0x0];
	s0 =	stileid.u32;
	s30 =	sand.u32 $0x1, s1  }
0x3: {  	s13 =	rddreg [dreg:$0x1];
	s4 =	sshll.u32 s0, $0xB;
	s5 =	sshll.u32 s30, $0xA  }
0x4: {  	s2 =	rddreg [dreg:$0x2];
	s3 =	simm.s32 $0x0;
	s14 =	sor.u32 s5, s4  }
0x5: {  	[smem:$0x7FF] =	sst s3;
	s25 =	smul.u32 $0x50000, s0;
	s4 =	sshrl.u32 s14, $0x3  }
0x6: {  	s7 =	smul.u32 $0x2800, s0;
	_ =	strace $0x8000004D;
	s4 =	sadd.s32 s4, s6  }
0x7: {  	s8 =	sshrl.u32 s25, $0x2;
	s5 =	simm.s32 $0x5;
	s4 =	sadd.s32 $0x29A00, s4  }
0x8: {  	[tilespmem:s3], [sflag:$0x5] =	stream.linear.gather [hbm4b:s4+s3], $0x400, $0x38;
	[tilespmem:$0x1C400] =	vst v63  }
0x9: {  	s26 =	sshll.u32 s0, $0x6;
	s8 =	sadd.s32 s8, s2;
	_ =	swait.ge [sflag:s5], $0x400  }
0xa: {  	s6 =	sadd.s32 s7, s6;
	s7 =	sor.u32 $0x1C05, s26;
	[sflag:s5] =	ssyncset.done $0x0  }
0xb: {  	s8 =	sshrl.u32 s8, $0x3;
	s6 =	sadd.s32 $0x1A00, s6;
	[sflag:s5] =	ssyncadd.s32 $0xFFFFFC00  }
0xc: {  	[spmem:s8], [sflag:s7] =	dma.local [hbm:s6], $0x2800  }
0xd: {  	_ =	swait.ge [sflag:s5], $0x2800  }
0xe: {  	[sflag:s5] =	ssyncset.done $0x0  }
0xf: {  	[sflag:s5] =	ssyncadd.s32 $0xFFFFD800  }
0x10: {  	s9 =	simm.s32 $0x80;
	s10 =	simm.s32 $0x400;
	[bflag:$0x0] =	sbarrier.arrive $0xFFFF  }
0x11: {  	[tilespmem:s10], [sflag:$0x1] =	stream.indirect.gather [spmem:s2], $0x80, s3, s9, $0xb8;
	[tilespmem:$0x1C400] =	vst v63  }
0x12: {  	s11 =	simm.s32 $0x4400;
	s12 =	simm.s32 $0x1  }
0x13: {  	[tilespmem:s11], [sflag:$0x2] =	stream.indirect.gather [spmem:s2], $0x80, s9, s9, $0xb8;
	[tilespmem:$0x1C400] =	vst v63  }
0x14: {  	_ =	swait.ge [sflag:s12], $0x4000  }
0x15: {  	s14 =	sshll.u32 s14, $0x4;
	[sflag:s12] =	ssyncset.done $0x0  }
0x16: {  	s13 =	sadd.s32 s13, s14;
	s14 =	simm.s32 $0x3;
	[sflag:s12] =	ssyncadd.s32 $0xFFFFC000  }
0x17: {  	[hbm4b:s13+s3] =	stream.linear.scatter [tilespmem:s10], [sflag:$0x3], $0x4000, $0x38;
	[tilespmem:$0x1C400] =	vst v63  }
0x18: {  	_ =	swait.ge [sflag:s14], $0x4000  }
0x19: {  	[sflag:s14] =	ssyncset.done $0x0  }
0x1a: {  	s15 =	simm.s32 $0x100;
	s16 =	simm.s32 $0x2;
	[sflag:s14] =	ssyncadd.s32 $0xFFFFC000  }
0x1b: {  	[tilespmem:s10], [sflag:$0x1] =	stream.indirect.gather [spmem:s2], $0x80, s15, s9, $0xb8;
	[tilespmem:$0x1C400] =	vst v63  }
0x1c: {  	_ =	swait.ge [sflag:s16], $0x4000  }
0x1d: {  	[sflag:s16] =	ssyncset.done $0x0  }
0x1e: {  	s17 =	simm.s32 $0x4;
	s18 =	sadd.s32 $0x800, s13;
	[sflag:s16] =	ssyncadd.s32 $0xFFFFC000  }
0x1f: {  	[hbm4b:s18+s3] =	stream.linear.scatter [tilespmem:s11], [sflag:$0x4], $0x4000, $0x38;
	[tilespmem:$0x1C400] =	vst v63  }
0x20: {  	_ =	swait.ge [sflag:s17], $0x4000  }
0x21: {  	[sflag:s17] =	ssyncset.done $0x0  }
0x22: {  	s19 =	simm.s32 $0x180;
	[sflag:s17] =	ssyncadd.s32 $0xFFFFC000  }
0x23: {  	[tilespmem:s11], [sflag:$0x2] =	stream.indirect.gather [spmem:s2], $0x80, s19, s9, $0xb8;
	[tilespmem:$0x1C400] =	vst v63  }
0x24: {  	_ =	swait.ge [sflag:s12], $0x4000  }
0x25: {  	[sflag:s12] =	ssyncset.done $0x0  }
0x26: {  	s20 =	sadd.s32 $0x1000, s13;
	[sflag:s12] =	ssyncadd.s32 $0xFFFFC000  }
0x27: {  	[hbm4b:s20+s3] =	stream.linear.scatter [tilespmem:s10], [sflag:$0x3], $0x4000, $0x38;
	[tilespmem:$0x1C400] =	vst v63  }
0x28: {  	_ =	swait.ge [sflag:s14], $0x4000  }
0x29: {  	[sflag:s14] =	ssyncset.done $0x0  }
0x2a: {  	s21 =	simm.s32 $0x200;
	[sflag:s14] =	ssyncadd.s32 $0xFFFFC000  }
0x2b: {  	[tilespmem:s10], [sflag:$0x1] =	stream.indirect.gather [spmem:s2], $0x80, s21, s9, $0xb8;
	[tilespmem:$0x1C400] =	vst v63  }
0x2c: {  	_ =	swait.ge [sflag:s16], $0x4000  }
0x2d: {  	[sflag:s16] =	ssyncset.done $0x0  }
0x2e: {  	s22 =	sadd.s32 $0x1800, s13;
	[sflag:s16] =	ssyncadd.s32 $0xFFFFC000  }
0x2f: {  	[hbm4b:s22+s3] =	stream.linear.scatter [tilespmem:s11], [sflag:$0x4], $0x4000, $0x38;
	[tilespmem:$0x1C400] =	vst v63  }
0x30: {  	_ =	swait.ge [sflag:s17], $0x4000  }
0x31: {  	[sflag:s17] =	ssyncset.done $0x0  }
0x32: {  	s23 =	simm.s32 $0x280;
	[sflag:s17] =	ssyncadd.s32 $0xFFFFC000  }
0x33: {  	[tilespmem:s11], [sflag:$0x2] =	stream.indirect.gather [spmem:s2], $0x80, s23, s9, $0xb8;
	[tilespmem:$0x1C400] =	vst v63  }
0x34: {  	_ =	swait.ge [sflag:s12], $0x4000  }
0x35: {  	[sflag:s12] =	ssyncset.done $0x0  }
0x36: {  	s24 =	sadd.s32 $0x2000, s13;
	[sflag:s12] =	ssyncadd.s32 $0xFFFFC000  }
0x37: {  	[hbm4b:s24+s3] =	stream.linear.scatter [tilespmem:s10], [sflag:$0x3], $0x4000, $0x38;
	[tilespmem:$0x1C400] =	vst v63  }
0x38: {  	_ =	swait.ge [sflag:s14], $0x4000  }
0x39: {  	[sflag:s14] =	ssyncset.done $0x0  }
0x3a: {  	s25 =	simm.s32 $0x300;
	[sflag:s14] =	ssyncadd.s32 $0xFFFFC000  }
0x3b: {  	[tilespmem:s10], [sflag:$0x1] =	stream.indirect.gather [spmem:s2], $0x80, s25, s9, $0xb8;
	[tilespmem:$0x1C400] =	vst v63  }
0x3c: {  	_ =	swait.ge [sflag:s16], $0x4000  }
0x3d: {  	[sflag:s16] =	ssyncset.done $0x0  }
0x3e: {  	s26 =	sadd.s32 $0x2800, s13;
	[sflag:s16] =	ssyncadd.s32 $0xFFFFC000  }
0x3f: {  	[hbm4b:s26+s3] =	stream.linear.scatter [tilespmem:s11], [sflag:$0x4], $0x4000, $0x38;
	[tilespmem:$0x1C400] =	vst v63  }
0x40: {  	_ =	swait.ge [sflag:s17], $0x4000  }
0x41: {  	[sflag:s17] =	ssyncset.done $0x0  }
0x42: {  	s28 =	simm.s32 $0x380;
	[sflag:s17] =	ssyncadd.s32 $0xFFFFC000  }
0x43: {  	[tilespmem:s11], [sflag:$0x2] =	stream.indirect.gather [spmem:s2], $0x80, s28, s9, $0xb8;
	[tilespmem:$0x1C400] =	vst v63  }
0x44: {  	_ =	swait.ge [sflag:s12], $0x4000  }
0x45: {  	s31 =	ssub.s32 $0x2, s30;
	[sflag:s12] =	ssyncset.done $0x0  }
0x46: {  	s1 =	sshrl.u32 s31, $0x1;
	s29 =	sadd.s32 $0x3000, s13;
	[sflag:s12] =	ssyncadd.s32 $0xFFFFC000  }
0x47: {  	[hbm4b:s29+s3] =	stream.linear.scatter [tilespmem:s10], [sflag:$0x3], $0x4000, $0x38;
	[tilespmem:$0x1C400] =	vst v63  }
0x48: {  	s1 =	ssub.s32 s31, s1;
	_ =	swait.ge [sflag:s16], $0x4000  }
0x49: {  	s1 =	smax.u32 s1, $0x1;
	[sflag:s16] =	ssyncset.done $0x0  }
0x4a: {  	s30 =	sadd.s32 $0x3800, s13;
	p0 =	sne.s32 s1, $0x1;
	[sflag:s16] =	ssyncadd.s32 $0xFFFFC000  }
0x4b: {  	[hbm4b:s30+s3] =	stream.linear.scatter [tilespmem:s11], [sflag:$0x4], $0x4000, $0x38;
	[tilespmem:$0x1C400] =	vst v63  }
.Ltmp0:
0x4c: {  	_ =	swait.ge [sflag:s14], $0x4000;
	(pc) =	sbr.rel @!p0 .LBB2_2-.Ltmp0, $4  }
0x4d: {  	[sflag:s14] =	ssyncset.done $0x0  }
0x4e: {  	[sflag:s14] =	ssyncadd.s32 $0xFFFFC000  }
0x4f: {  	_ =	swait.ge [sflag:s17], $0x4000  }
0x50: {  	s31 =	sadd.s32 $0xFFFFFFFF, s1;
	[sflag:s17] =	ssyncset.done $0x0  }
.LBB2_1:
0x51: {  	p0 =	sne.s32 s31, $0x1;
	s31 =	sadd.s32 $0xFFFFFFFF, s31;
	[sflag:s17] =	ssyncadd.s32 $0xFFFFC000  }
0x52: {  	[tilespmem:s3], [sflag:$0x5] =	stream.linear.gather [hbm4b:s4+s3], $0x400, $0x38;
	[tilespmem:$0x1C400] =	vst v63  }
0x53: {  	_ =	swait.ge [sflag:s5], $0x400  }
0x54: {  	[sflag:s5] =	ssyncset.done $0x0  }
0x55: {  	[sflag:s5] =	ssyncadd.s32 $0xFFFFFC00  }
0x56: {  	[spmem:s8], [sflag:s7] =	dma.local [hbm:s6], $0x2800  }
0x57: {  	_ =	swait.ge [sflag:s5], $0x2800  }
0x58: {  	[sflag:s5] =	ssyncset.done $0x0  }
0x59: {  	[sflag:s5] =	ssyncadd.s32 $0xFFFFD800  }
0x5a: {  	[bflag:$0x0] =	sbarrier.arrive $0xFFFF  }
0x5b: {  	[tilespmem:s10], [sflag:$0x1] =	stream.indirect.gather [spmem:s2], $0x80, s3, s9, $0xb8;
	[tilespmem:$0x1C400] =	vst v63  }
0x5c: {  	_ = 	snop  }
0x5d: {  	[tilespmem:s11], [sflag:$0x2] =	stream.indirect.gather [spmem:s2], $0x80, s9, s9, $0xb8;
	[tilespmem:$0x1C400] =	vst v63  }
0x5e: {  	_ =	swait.ge [sflag:s12], $0x4000  }
0x5f: {  	[sflag:s12] =	ssyncset.done $0x0  }
0x60: {  	[sflag:s12] =	ssyncadd.s32 $0xFFFFC000  }
0x61: {  	[hbm4b:s13+s3] =	stream.linear.scatter [tilespmem:s10], [sflag:$0x3], $0x4000, $0x38;
	[tilespmem:$0x1C400] =	vst v63  }
0x62: {  	_ =	swait.ge [sflag:s14], $0x4000  }
0x63: {  	[sflag:s14] =	ssyncset.done $0x0  }
0x64: {  	[sflag:s14] =	ssyncadd.s32 $0xFFFFC000  }
0x65: {  	[tilespmem:s10], [sflag:$0x1] =	stream.indirect.gather [spmem:s2], $0x80, s15, s9, $0xb8;
	[tilespmem:$0x1C400] =	vst v63  }
0x66: {  	_ =	swait.ge [sflag:s16], $0x4000  }
0x67: {  	[sflag:s16] =	ssyncset.done $0x0  }
0x68: {  	[sflag:s16] =	ssyncadd.s32 $0xFFFFC000  }
0x69: {  	[hbm4b:s18+s3] =	stream.linear.scatter [tilespmem:s11], [sflag:$0x4], $0x4000, $0x38;
	[tilespmem:$0x1C400] =	vst v63  }
0x6a: {  	_ =	swait.ge [sflag:s17], $0x4000  }
0x6b: {  	[sflag:s17] =	ssyncset.done $0x0  }
0x6c: {  	[sflag:s17] =	ssyncadd.s32 $0xFFFFC000  }
0x6d: {  	[tilespmem:s11], [sflag:$0x2] =	stream.indirect.gather [spmem:s2], $0x80, s19, s9, $0xb8;
	[tilespmem:$0x1C400] =	vst v63  }
0x6e: {  	_ =	swait.ge [sflag:s12], $0x4000  }
0x6f: {  	[sflag:s12] =	ssyncset.done $0x0  }
0x70: {  	[sflag:s12] =	ssyncadd.s32 $0xFFFFC000  }
0x71: {  	[hbm4b:s20+s3] =	stream.linear.scatter [tilespmem:s10], [sflag:$0x3], $0x4000, $0x38;
	[tilespmem:$0x1C400] =	vst v63  }
0x72: {  	_ =	swait.ge [sflag:s14], $0x4000  }
0x73: {  	[sflag:s14] =	ssyncset.done $0x0  }
0x74: {  	[sflag:s14] =	ssyncadd.s32 $0xFFFFC000  }
0x75: {  	[tilespmem:s10], [sflag:$0x1] =	stream.indirect.gather [spmem:s2], $0x80, s21, s9, $0xb8;
	[tilespmem:$0x1C400] =	vst v63  }
0x76: {  	_ =	swait.ge [sflag:s16], $0x4000  }
0x77: {  	[sflag:s16] =	ssyncset.done $0x0  }
0x78: {  	[sflag:s16] =	ssyncadd.s32 $0xFFFFC000  }
0x79: {  	[hbm4b:s22+s3] =	stream.linear.scatter [tilespmem:s11], [sflag:$0x4], $0x4000, $0x38;
	[tilespmem:$0x1C400] =	vst v63  }
0x7a: {  	_ =	swait.ge [sflag:s17], $0x4000  }
0x7b: {  	[sflag:s17] =	ssyncset.done $0x0  }
0x7c: {  	[sflag:s17] =	ssyncadd.s32 $0xFFFFC000  }
0x7d: {  	[tilespmem:s11], [sflag:$0x2] =	stream.indirect.gather [spmem:s2], $0x80, s23, s9, $0xb8;
	[tilespmem:$0x1C400] =	vst v63  }
0x7e: {  	_ =	swait.ge [sflag:s12], $0x4000  }
0x7f: {  	[sflag:s12] =	ssyncset.done $0x0  }
0x80: {  	[sflag:s12] =	ssyncadd.s32 $0xFFFFC000  }
0x81: {  	[hbm4b:s24+s3] =	stream.linear.scatter [tilespmem:s10], [sflag:$0x3], $0x4000, $0x38;
	[tilespmem:$0x1C400] =	vst v63  }
0x82: {  	_ =	swait.ge [sflag:s14], $0x4000  }
0x83: {  	[sflag:s14] =	ssyncset.done $0x0  }
0x84: {  	[sflag:s14] =	ssyncadd.s32 $0xFFFFC000  }
0x85: {  	[tilespmem:s10], [sflag:$0x1] =	stream.indirect.gather [spmem:s2], $0x80, s25, s9, $0xb8;
	[tilespmem:$0x1C400] =	vst v63  }
0x86: {  	_ =	swait.ge [sflag:s16], $0x4000  }
0x87: {  	[sflag:s16] =	ssyncset.done $0x0  }
0x88: {  	[sflag:s16] =	ssyncadd.s32 $0xFFFFC000  }
0x89: {  	[hbm4b:s26+s3] =	stream.linear.scatter [tilespmem:s11], [sflag:$0x4], $0x4000, $0x38;
	[tilespmem:$0x1C400] =	vst v63  }
0x8a: {  	_ =	swait.ge [sflag:s17], $0x4000  }
0x8b: {  	[sflag:s17] =	ssyncset.done $0x0  }
0x8c: {  	[sflag:s17] =	ssyncadd.s32 $0xFFFFC000  }
0x8d: {  	[tilespmem:s11], [sflag:$0x2] =	stream.indirect.gather [spmem:s2], $0x80, s28, s9, $0xb8;
	[tilespmem:$0x1C400] =	vst v63  }
0x8e: {  	_ =	swait.ge [sflag:s12], $0x4000  }
0x8f: {  	[sflag:s12] =	ssyncset.done $0x0  }
0x90: {  	[sflag:s12] =	ssyncadd.s32 $0xFFFFC000  }
0x91: {  	[hbm4b:s29+s3] =	stream.linear.scatter [tilespmem:s10], [sflag:$0x3], $0x4000, $0x38;
	[tilespmem:$0x1C400] =	vst v63  }
0x92: {  	_ =	swait.ge [sflag:s16], $0x4000  }
0x93: {  	[sflag:s16] =	ssyncset.done $0x0  }
0x94: {  	[sflag:s16] =	ssyncadd.s32 $0xFFFFC000  }
0x95: {  	[hbm4b:s30+s3] =	stream.linear.scatter [tilespmem:s11], [sflag:$0x4], $0x4000, $0x38;
	[tilespmem:$0x1C400] =	vst v63  }
.Ltmp1:
0x96: {  	_ =	swait.ge [sflag:s14], $0x4000;
	(pc) =	sbr.rel @p0 .LBB2_1-.Ltmp1, $4  }
0x97: {  	[sflag:s14] =	ssyncset.done $0x0  }
0x98: {  	[sflag:s14] =	ssyncadd.s32 $0xFFFFC000  }
0x99: {  	_ =	swait.ge [sflag:s17], $0x4000  }
0x9a: {  	[sflag:s17] =	ssyncset.done $0x0  }
.LBB2_2:
0x9b: {  	[sflag:s17] =	ssyncadd.s32 $0xFFFFC000  }
0x9c: {  	_ =	sfence.sel $0x180000  }
0x9d: {  	[bflag:$0x0] =	sbarrier.arrive $0xFFFF  }
0x9e: {  	_ =	strace $0x9000004D  }
0x9f: {  	[bflag:$0x2] =	sbarrier.arrive $0xFFFF  }
0xa0: {  	p0 =	sne.s32 s0, $0x0;
	s0 =	rddreg [dreg:$0x3]  }
0xa1: {  	s0 =	sadd.s32 @!p0 $0x100000, s0  }
0xa2: {  	[sflag:s0] =	ssyncadd.tile.s32 @!p0 $0x1;
	_ =	shalt  }
.Lfunc_end2:
_tile_overlayer_lowered:
.L_overlay_start_2:
0xa3: {  	(tag) =	ssettag $0x2  }
0xa4: {  	s0 =	rddreg [dreg:$0x0];
	s2 =	stileid.u32  }
0xa5: {  	s1 =	rddreg [dreg:$0x1];
	p0 =	sne.s32 s2, $0x0  }
0xa6: {  	s3 =	rddreg [dreg:$0x2];
	[bflag:$0x3] =	sbarrier.arrive $0xFFFF;
	s2 =	simm.s32 @!p0 $0x1C05  }
0xa7: {  	[timem:s3], [sflag:s2] =	dma.local @!p0 [hbm:s0], s1  }
0xa8: {  	s0 =	simm.s32 @!p0 $0x5  }
0xa9: {  	_ =	swait.ge @!p0 [sflag:s0], s1  }
0xaa: {  	s1 =	ssub.s32 @!p0 $0x0, s1;
	[sflag:s0] =	ssyncset.done @!p0 $0x0  }
0xab: {  	[sflag:s0] =	ssyncadd.s32 @!p0 s1  }
0xac: {  	[bflag:$0x3] =	sbarrier.arrive $0xFFFF  }
0xad: {  	_ =	shalt  }

// kernel: kernel.7.cloned.1.call-start
scs
__scs_entry_jumppad:
0x0: {  	(pc) =	sbr.rel $0x88, $3  }
0x1: {  	(tag) =	ssettag $0x0;
	lr =	simm.s32 $0x1  }
0x2: {  	[smem:$0x3F9B] =	sst lr;
	_ =	strace $0xD0000000  }
0x3: {  	_ = 	snop  }
0x4: {  	_ = 	snop  }
0x5: {  	_ = 	snop  }
0x6: {  	_ = 	snop  }
0x7: {  	_ = 	snop  }
__scs_overlays_trampoline_lowered:
0x8: {  	[smem:$0x3FAA] =	sst s0  }
0x9: {  	[smem:$0x3FAB] =	sst s1  }
0xa: {  	[smem:$0x3FAC] =	sst s2  }
0xb: {  	[smem:$0x3FAD] =	sst s3  }
0xc: {  	[smem:$0x3FAE] =	sst s4  }
0xd: {  	[smem:$0x3FAF] =	sst s5  }
0xe: {  	[smem:$0x3FB0] =	sst s6  }
0xf: {  	[smem:$0x3FB1] =	sst s7  }
0x10: {  	[smem:$0x3FB2] =	sst s8  }
0x11: {  	[smem:$0x3FB3] =	sst s9;
	s0 =	simm.s32 @!p0 $0x0  }
0x12: {  	s1 =	sld [smem:$0x3F99];
	s0 =	simm.s32 @p0 $0x1  }
0x13: {  	[smem:$0x3FB4] =	sst s0;
	s0 =	simm.s32 @!p1 $0x0  }
0x14: {  	s2 =	sld [smem:$0x3F98];
	s0 =	simm.s32 @p1 $0x1  }
0x15: {  	[smem:$0x3FB5] =	sst s0;
	s0 =	simm.s32 @!p2 $0x0  }
0x16: {  	s3 =	sld [smem:$0x3FDB];
	s0 =	simm.s32 @p2 $0x1  }
0x17: {  	s4 =	simm.s32 $0x1BF5;
	[smem:$0x3FB7] =	sst s0  }
0x18: {  	s0 =	sld [smem:$0x3F9A];
	_ =	swait.ge [sflag:s4], $0x0  }
0x19: {  	s7 =	sld [smem:$0x3F9B]  }
0x1a: {  	s8 =	sadd.s32 $0xFFFFE003, lr  }
0x1b: {  	s9 =	sadd.s32 $0xFFFFFEF7, lr;
	s5 =	simm.s32 $0xFFFFFFFF;
	p2 =	slt.u32 s8, $0xFFFFF086  }
0x1c: {  	p1 =	slt.u32 s9, $0xF7A;
	s5 =	simm.s32 @!p2 $0x0  }
0x1d: {  	s5 =	simm.s32 @p1 $0x1;
	p0 =	seq.s32 s7, s2  }
0x1e: {  	s7 =	smul.u32 @!p0 $0xF7A, s2;
	p2 =	seq.s32 @!p0 s5, $0x0  }
0x1f: {  	s9 =	smul.u32 $0xF7A, s1;
	s8 =	simm.s32 @!p0 $0x1BF5;
	p2 =	por !p2, p0  }
0x20: {  	[sflag:s8] =	ssyncset.s32 @!p0 $0xFFFFF086;
	s6 =	sadd.s32 @!p0 s3, s7;
	s7 =	simm.s32 @!p0 $0x108  }
0x21: {  	s3 =	sadd.s32 s3, s9;
	s6 =	sadd.s32 @!p0 $0x88, s6;
	s7 =	simm.s32 @p2 $0x1082  }
0x22: {  	[simem:s7], [sflag:s8] =	dma.local @!p0 [hbm:s6], $0xF7A  }
0x23: {  	s9 =	sor.u32 $0xD0000000, s2;
	s6 =	simm.s32 $0x108;
	_ =	swait.ge @!p0 [sflag:s8], $0x0  }
0x24: {  	s3 =	sadd.s32 $0x88, s3;
	s6 =	simm.s32 @!p1 $0x1082;
	[sflag:s4] =	ssyncset.s32 $0xFFFFF086  }
0x25: {  	[simem:s6], [sflag:s4] =	dma.local [hbm:s3], $0xF7A  }
0x26: {  	[smem:$0x3F9B] =	sst s1;
	(tag) =	ssettag s2;
	_ =	strace s9  }
0x27: {  	s1 =	sld [smem:$0x3FAB]  }
0x28: {  	s2 =	sld [smem:$0x3FAC]  }
0x29: {  	s4 =	sld [smem:$0x3FAE]  }
0x2a: {  	p0 =	seq.s32 s5, $0x0;
	s5 =	sld [smem:$0x3FAF]  }
0x2b: {  	s6 =	sld [smem:$0x3FB0]  }
0x2c: {  	s7 =	sld [smem:$0x3FB1]  }
0x2d: {  	s3 =	simm.s32 $0x108;
	s8 =	sld [smem:$0x3FB2]  }
0x2e: {  	s3 =	simm.s32 @!p0 $0x1082;
	s9 =	sld [smem:$0x3FB3]  }
0x2f: {  	lr =	sadd.s32 s0, s3;
	s0 =	sld [smem:$0x3FAA]  }
0x30: {  	s3 =	sld [smem:$0x3FAD]  }
0x31: {  	[smem:$0x3FB6] =	sst s10  }
0x32: {  	s10 =	sld [smem:$0x3FB4];
	_ =	sdelay $0x3  }
0x33: {  	p0 =	seq.s32 s10, $0x1;
	s10 =	sld [smem:$0x3FB6];
	_ =	sdelay $0x3  }
0x34: {  	[smem:$0x3FB6] =	sst s10  }
0x35: {  	s10 =	sld [smem:$0x3FB5];
	_ =	sdelay $0x3  }
0x36: {  	p1 =	seq.s32 s10, $0x1;
	s10 =	sld [smem:$0x3FB6];
	_ =	sdelay $0x3  }
0x37: {  	[smem:$0x3FB6] =	sst s10  }
0x38: {  	s10 =	sld [smem:$0x3FB7]  }
0x39: {  	_ = 	snop;
	(pc) =	sbr.ind lr, $3  }
0x3a: {  	_ = 	snop  }
0x3b: {  	_ = 	snop  }
0x3c: {  	p2 =	seq.s32 s10, $0x1;
	s10 =	sld [smem:$0x3FB6]  }
0x3d: {  	_ =	shalt  }
0x3e: {  	_ =	shalt  }
0x3f: {  	_ =	shalt  }
0x40: {  	_ =	shalt  }
0x41: {  	_ =	shalt  }
0x42: {  	_ =	shalt  }
0x43: {  	_ =	shalt  }
0x44: {  	_ =	shalt  }
0x45: {  	_ =	shalt  }
0x46: {  	_ =	shalt  }
0x47: {  	_ =	shalt  }
0x48: {  	_ =	shalt  }
0x49: {  	_ =	shalt  }
0x4a: {  	_ =	shalt  }
0x4b: {  	_ =	shalt  }
0x4c: {  	_ =	shalt  }
0x4d: {  	_ =	shalt  }
0x4e: {  	_ =	shalt  }
0x4f: {  	_ =	shalt  }
0x50: {  	_ =	shalt  }
0x51: {  	_ =	shalt  }
0x52: {  	_ =	shalt  }
0x53: {  	_ =	shalt  }
0x54: {  	_ =	shalt  }
0x55: {  	_ =	shalt  }
0x56: {  	_ =	shalt  }
0x57: {  	_ =	shalt  }
0x58: {  	_ =	shalt  }
0x59: {  	_ =	shalt  }
0x5a: {  	_ =	shalt  }
0x5b: {  	_ =	shalt  }
0x5c: {  	_ =	shalt  }
0x5d: {  	_ =	shalt  }
0x5e: {  	_ =	shalt  }
0x5f: {  	_ =	shalt  }
0x60: {  	_ =	shalt  }
0x61: {  	_ =	shalt  }
0x62: {  	_ =	shalt  }
0x63: {  	_ =	shalt  }
0x64: {  	_ =	shalt  }
0x65: {  	_ =	shalt  }
0x66: {  	_ =	shalt  }
0x67: {  	_ =	shalt  }
0x68: {  	_ =	shalt  }
0x69: {  	_ =	shalt  }
0x6a: {  	_ =	shalt  }
0x6b: {  	_ =	shalt  }
0x6c: {  	_ =	shalt  }
0x6d: {  	_ =	shalt  }
0x6e: {  	_ =	shalt  }
0x6f: {  	_ =	shalt  }
0x70: {  	_ =	shalt  }
0x71: {  	_ =	shalt  }
0x72: {  	_ =	shalt  }
0x73: {  	_ =	shalt  }
0x74: {  	_ =	shalt  }
0x75: {  	_ =	shalt  }
0x76: {  	_ =	shalt  }
0x77: {  	_ =	shalt  }
0x78: {  	_ =	shalt  }
0x79: {  	_ =	shalt  }
0x7a: {  	_ =	shalt  }
0x7b: {  	_ =	shalt  }
0x7c: {  	_ =	shalt  }
0x7d: {  	_ =	shalt  }
0x7e: {  	_ =	shalt  }
0x7f: {  	_ =	shalt  }
0x80: {  	_ =	shalt  }
0x81: {  	_ =	shalt  }
0x82: {  	_ =	shalt  }
0x83: {  	_ =	shalt  }
0x84: {  	_ =	shalt  }
0x85: {  	_ =	shalt  }
0x86: {  	_ =	shalt  }
0x87: {  	_ =	shalt  }
.Lfunc_end0:
.L_simem_size_0:
called_computation_lowered:
.L_overlay_start_0:
0x88: {  	s2 =	sld [smem:$0x3FD9]  }
0x89: {  	s3 =	sld [smem:$0x3FFE];
	_ =	sdelay $0x1  }
0x8a: {  	s1 =	srdreg.scid  }
0x8b: {  	s0 =	sand.u32 $0x1, s1  }
0x8c: {  	s16 =	sshll.u32 s0, $0xA;
	s2 =	sadd.s32 s3, s2  }
0x8d: {  	s2 =	sadd.s32 s2, s16  }
0x8e: {  	[smem:$0x3FC2] =	sst s2  }
0x8f: {  	_ = 	snop  }
0x90: {  	(tm) =	ssettm $0x1  }
0x91: {  	s17 =	sld [smem:$0x3FFB];
	_ =	sdelay $0x3  }
0x92: {  	_ =	strace s17  }
0x93: {  	s2 =	sld [smem:$0x3FFC];
	_ =	sdelay $0x3  }
0x94: {  	_ =	strace s2  }
0x95: {  	s2 =	sld [smem:$0x3FFD];
	_ =	sdelay $0x3  }
0x96: {  	_ =	strace s2  }
0x97: {  	_ =	strace $0x8FFFFFFF  }
0x98: {  	s18 =	sld [smem:$0x3FDB];
	_ =	sdelay $0x1  }
0x99: {  	s19 =	simm.s32 $_scs_section_size  }
0x9a: {  	s4 =	simm.s32 $_size__tile_overlayer_lowered;
	s5 =	simm.s32 $_tile_overlayer_lowered  }
0x9b: {  	s22 =	simm.s32 $0x1BFF;
	s21 =	sshll.u32 s5, $0x1;
	s2 =	sadd.s32 s19, s18  }
0x9c: {  	s6 =	simm.s32 $0x0;
	s20 =	sshll.u32 s4, $0x1;
	s4 =	sadd.s32 s21, s2  }
0x9d: {  	[timem:s6], [sflag:s22] =	dma.local [hbm:s4], s20  }
0x9e: {  	_ =	swait.ge [sflag:s22], s20  }
0x9f: {  	s3 =	ssub.s32 $0x0, s20;
	[sflag:s22] =	ssyncset.done $0x0  }
0xa0: {  	[sflag:s22] =	ssyncadd.s32 s3;
	_ =	sdelay $0x1  }
0xa1: {  	s23 =	simm.s32 $0x1B8B  }
0xa2: {  	_ =	swait.ge [sflag:s23], $0x1  }
0xa3: {  	[sflag:s23] =	ssyncset.done $0x0  }
0xa4: {  	s25 =	simm.s32 $0x1B8E;
	s24 =	sld [smem:$0x3FFE];
	[sflag:s23] =	ssyncadd.s32 $0xFFFFFFFF  }
0xa5: {  	s26 =	simm.s32 $execute0_lowered;
	[smem:$0x3FD2] =	sst s25  }
0xa6: {  	s4 =	sshll.u32 s26, $0x1;
	_ =	strace $0x80000046;
	[dreg:$0x1] =	wrdreg $0xFFFFFFFF  }
0xa7: {  	s28 =	simm.s32 $_size_execute0_lowered;
	s2 =	sadd.s32 s2, s4;
	[dreg:$0x0] =	wrdreg $0x0  }
0xa8: {  	s4 =	sshll.u32 s28, $0x1;
	[dreg:$0x2] =	wrdreg s2  }
0xa9: {  	[dreg:$0x3] =	wrdreg s4  }
0xaa: {  	[dreg:$0x4] =	wrdreg $0xC0  }
0xab: {  	_ =	task [dreg:s6], $0x5FFFF  }
0xac: {  	[dreg:$0x1] =	wrdreg $0xFFFFFFFF  }
0xad: {  	[dreg:$0x0] =	wrdreg $0x60  }
0xae: {  	[dreg:$0x2] =	wrdreg s24  }
0xaf: {  	[dreg:$0x3] =	wrdreg $0x195000  }
0xb0: {  	[dreg:$0x4] =	wrdreg $0x9  }
0xb1: {  	_ =	task.clear_ibuf [dreg:s6], $0x5FFFF;
	_ =	strace $0x90000046  }
0xb2: {  	s29 =	simm.s32 $0x9;
	_ =	strace $0x80000048  }
0xb3: {  	_ =	swait.ge [sflag:s29], $0x1  }
0xb4: {  	[sflag:s29] =	ssyncadd.s32 $0xFFFFFFFF  }
0xb5: {  	_ =	strace $0x90000048  }
0xb6: {  	_ =	sfence  }
0xb7: {  	s30 =	sld [smem:$0x0];
	_ =	sdelay $0x2  }
0xb8: {  	s31 =	sshll.u32 s1, $0xD;
	s1 =	sshrl.u32 s1, $0x2  }
0xb9: {  	s3 =	sand.u32 $0x4000, s31;
	s1 =	sadd.s32 s1, s30  }
0xba: {  	s0 =	sor.u32 s3, s0;
	s1 =	sshll.u32 s1, $0x11  }
0xbb: {  	s0 =	sor.u32 s1, s0  }
0xbc: {  	s0 =	sadd.s32 $0x8F2B, s0  }
0xbd: {  	[sflag:s0] =	ssyncadd.remote.s32 $0x1  }
0xbe: {  	_ =	sfence.sel $0xFFFF  }
0xbf: {  	[dreg:$0x0] =	wrdreg $0xFFFFFFFF;
	(pc) =	sbr.abs _section_cstart, $3  }
0xc0: {  	[dreg:$0x1] =	wrdreg $0xFFFFFFFF  }
0xc1: {  	_ =	task.clear_ibuf [dreg:s6], $0x2FFFF;
	_ =	strace $0x9FFFFFFF  }
0xc2: {  	(tm) =	ssettm $0x7FFFFFFF  }
0xc3: {  	_ =	shalt  }
tec
execute0_lowered:
.L_overlay_start_1:
0x0: {  	(tag) =	ssettag $0x1  }
0x1: {  	s0 =	rddreg [dreg:$0x0]  }
0x2: {  	s1 =	rddreg [dreg:$0x1];
	s2 =	srdreg.scid  }
0x3: {  	s9 =	stileid.u32;
	s23 =	simm.s32 $0x80;
	s28 =	simm.s32 $0x400  }
0x4: {  	s29 =	simm.s32 $0x5280;
	s31 =	simm.s32 $0x0;
	s4 =	smul.u32 $0x5000, s9  }
0x5: {  	s3 =	sand.u32 $0x1, s2;
	s2 =	simm.s32 $0x0;
	s7 =	smul.u32 $0x14000, s9  }
0x6: {  	s24 =	sshrl.u32 s9, $0x3;
	s25 =	sshll.u32 s9, $0x7;
	s5 =	sshll.u32 s3, $0x7  }
0x7: {  	s6 =	smul.u32 $0x140000, s3;
	[smem:$0x7FF] =	sst s2;
	s3 =	ssub.s32 $0x2, s3  }
0x8: {  	s30 =	sand.u32 $0x380, s25;
	s25 =	simm.s32 $0x1;
	s5 =	sor.u32 s5, s4  }
0x9: {  	_ =	strace $0x80000047;
	s8 =	sshrl.u32 s3, $0x1;
	s4 =	sshrl.u32 s4, $0x2  }
0xa: {  	s5 =	sshrl.u32 s5, $0x3;
	s6 =	sadd.s32 s7, s6;
	s7 =	smul.u32 $0x50000, s24  }
0xb: {  	s22 =	ssub.s32 s3, s8;
	s3 =	sadd.s32 s4, s1;
	s6 =	sshrl.u32 s6, $0x3  }
0xc: {  	s5 =	sadd.s32 s5, s0;
	s8 =	sadd.s32 $0x180, s3;
	s9 =	sadd.s32 $0x200, s3  }
0xd: {  	s10 =	sadd.s32 $0x280, s3;
	s11 =	sadd.s32 $0x300, s3;
	s12 =	sadd.s32 $0x380, s3  }
0xe: {  	s13 =	sadd.s32 $0x14000, s3;
	s14 =	sadd.s32 $0x14080, s3;
	s15 =	sadd.s32 $0x14100, s3  }
0xf: {  	s16 =	sadd.s32 $0x14180, s3;
	s17 =	sadd.s32 $0x14200, s3;
	s18 =	sadd.s32 $0x14280, s3  }
0x10: {  	s19 =	sadd.s32 $0x14300, s3;
	s20 =	sadd.s32 $0x14380, s3;
	s22 =	smax.u32 s22, $0x1  }
0x11: {  	s0 =	sadd.s32 s6, s0;
	s26 =	sshrl.u32 s7, $0x2;
	s4 =	sadd.s32 $0x1A00, s5  }
0x12: {  	s7 =	sadd.s32 $0x100, s3;
	s6 =	sadd.s32 s26, s1;
	s21 =	sadd.s32 $0xBA00, s0  }
0x13: {  	v0 =	vimm.f32 $0.0e+00;
	v1 =	vimm.f32 $1.000000000e+00;
	s26 =	simm.s32 $0x2800;
	s5 =	sadd.s32 s30, s6;
	s6 =	sadd.s32 $0x80, s3  }
.LBB2_1:
0x14: {  	s0 =	simm.s32 $0x100  }
0x15: {  	[tilespmem:s2], [sflag:$0x1] =	stream.strided.gather [hbm4b:s4+s23], $0x2800, s0, s23, $0x38;
	[tilespmem:$0x1BD00] =	vst v63  }
0x16: {  	_ =	swait.ge [sflag:s25], $0x2800  }
0x17: {  	[sflag:s25] =	ssyncset.done $0x0  }
0x18: {  	s0 =	simm.s32 $0x0;
	[sflag:s25] =	ssyncadd.s32 $0xFFFFD800  }
.LBB2_2:
0x19: {  	p0 =	sne.s32 s0, $0x9FC0  }
.Ltmp0:
0x1a: {  	_ = 	snop;
	(pc) =	sbr.rel @p0 .LBB2_2-.Ltmp0, $3  }
0x1b: {  	_ =	sdelay $0x1  }
0x1c: {  	s1 =	sshra.s32 s0, $0x2  }
0x1d: {  	s0 =	sadd.s32 $0x40, s0;
	[tilespmem:s1+$0x2800] =	vst v0  }
0x1e: {  	s1 =	simm.s32 $0x0;
	s0 =	simm.s32 $0x40  }
.LBB2_4:
0x1f: {  	p0 =	sne.s32 s0, $0x9FC0;
	v2 =	vld [tilespmem:s1+$0x0];
	_ =	sdelay $0x3  }
.Ltmp1:
0x20: {  	(pc) =	sbr.rel @p0 .LBB2_4-.Ltmp1, $2  }
0x21: {  	_ =	sdelay $0x2  }
0x22: {  	s1 =	sshra.s32 s0, $0x2;
	s0 =	sadd.s32 $0x40, s0;
	[tilespmem:v2+s26+$0x0] =	vst.idx.add.f32.msk $0xffff, v1  }
0x23: {  	v2 =	vld [tilespmem:s1+$0x0];
	_ =	sdelay $0x7  }
0x24: {  	[tilespmem:v2+s26+$0x0] =	vst.idx.add.f32.msk $0xffff, v1  }
0x25: {  	[spmem:s5] =	stream.strided.scatter [tilespmem:s26], [sflag:$0x1], $0x2800, s28, s23, $0x38;
	[tilespmem:$0x1BD00] =	vst v63  }
0x26: {  	_ =	swait.ge [sflag:s25], $0x2800  }
0x27: {  	[sflag:s25] =	ssyncset.done $0x0  }
0x28: {  	[sflag:s25] =	ssyncadd.s32 $0xFFFFD800  }
0x29: {  	[bflag:$0x0] =	sbarrier.arrive $0xFFFF  }
0x2a: {  	[tilespmem:$0x5000] =	vst v0  }
0x2b: {  	[tilespmem:$0x5010] =	vst v0  }
0x2c: {  	[tilespmem:$0x5020] =	vst v0  }
0x2d: {  	[tilespmem:$0x5030] =	vst v0  }
0x2e: {  	[tilespmem:$0x5040] =	vst v0  }
0x2f: {  	[tilespmem:$0x5050] =	vst v0  }
0x30: {  	[tilespmem:$0x5060] =	vst v0  }
0x31: {  	[tilespmem:$0x5070] =	vst v0  }
0x32: {  	[tilespmem:$0x5080] =	vst v0  }
0x33: {  	[tilespmem:$0x5090] =	vst v0  }
0x34: {  	[tilespmem:$0x50A0] =	vst v0  }
0x35: {  	[tilespmem:$0x50B0] =	vst v0  }
0x36: {  	[tilespmem:$0x50C0] =	vst v0  }
0x37: {  	[tilespmem:$0x50D0] =	vst v0  }
0x38: {  	[tilespmem:$0x50E0] =	vst v0  }
0x39: {  	[tilespmem:$0x50F0] =	vst v0  }
0x3a: {  	[tilespmem:$0x5100] =	vst v0  }
0x3b: {  	[tilespmem:$0x5110] =	vst v0  }
0x3c: {  	[tilespmem:$0x5120] =	vst v0  }
0x3d: {  	[tilespmem:$0x5130] =	vst v0  }
0x3e: {  	[tilespmem:$0x5140] =	vst v0  }
0x3f: {  	[tilespmem:$0x5150] =	vst v0  }
0x40: {  	[tilespmem:$0x5160] =	vst v0  }
0x41: {  	[tilespmem:$0x5170] =	vst v0  }
0x42: {  	[tilespmem:$0x5180] =	vst v0  }
0x43: {  	[tilespmem:$0x5190] =	vst v0  }
0x44: {  	[tilespmem:$0x51A0] =	vst v0  }
0x45: {  	[tilespmem:$0x51B0] =	vst v0  }
0x46: {  	[tilespmem:$0x51C0] =	vst v0  }
0x47: {  	[tilespmem:$0x51D0] =	vst v0  }
0x48: {  	[tilespmem:$0x51E0] =	vst v0  }
0x49: {  	[tilespmem:$0x51F0] =	vst v0  }
0x4a: {  	[tilespmem:$0x5200] =	vst v0  }
0x4b: {  	[tilespmem:$0x5210] =	vst v0  }
0x4c: {  	[tilespmem:$0x5220] =	vst v0  }
0x4d: {  	[tilespmem:$0x5230] =	vst v0  }
0x4e: {  	[tilespmem:$0x5240] =	vst v0  }
0x4f: {  	[tilespmem:$0x5250] =	vst v0  }
0x50: {  	[tilespmem:$0x5260] =	vst v0  }
0x51: {  	[tilespmem:$0x5270] =	vst v0  }
0x52: {  	[tilespmem:s29], [sflag:$0x1] =	stream.strided.gather [spmem:s3], $0x280, s28, s23, $0x38;
	[tilespmem:$0x1BD00] =	vst v63  }
0x53: {  	_ =	swait.ge [sflag:s25], $0x280  }
0x54: {  	[sflag:s25] =	ssyncset.done $0x0  }
0x55: {  	s0 =	simm.s32 $0x0;
	[sflag:s25] =	ssyncadd.s32 $0xFFFFFD80  }
0x56: {  	s1 =	simm.s32 $0x40;
	v2 =	vld [tilespmem:s0+$0x5280]  }
.LBB2_6:
0x57: {  	p0 =	sne.s32 s1, $0x9C0;
	v3 =	vld [tilespmem:s0+$0x5000];
	_ =	sdelay $0x2  }
.Ltmp2:
0x58: {  	(pc) =	sbr.rel @p0 .LBB2_6-.Ltmp2, $4  }
0x59: {  	_ = 	snop  }
0x5a: {  	v3 =	vadd.f32 v2, v3  }
0x5b: {  	s24 =	sshra.s32 s1, $0x2  }
0x5c: {  	s1 =	sadd.s32 $0x40, s1;
	v2 =	vld [tilespmem:s24+$0x5280];
	[tilespmem:s0+$0x5000] =	vst v3;
	s0 =	smov.u32 s24  }
0x5d: {  	v3 =	vld [tilespmem:s0+$0x5000];
	_ =	sdelay $0x4  }
0x5e: {  	v2 =	vadd.f32 v2, v3;
	_ =	sdelay $0x1  }
0x5f: {  	[tilespmem:s0+$0x5000] =	vst v2  }
0x60: {  	[tilespmem:s29], [sflag:$0x1] =	stream.strided.gather [spmem:s6], $0x280, s28, s23, $0x38;
	[tilespmem:$0x1BD00] =	vst v63  }
0x61: {  	_ =	swait.ge [sflag:s25], $0x280  }
0x62: {  	[sflag:s25] =	ssyncset.done $0x0  }
0x63: {  	s0 =	simm.s32 $0x0;
	[sflag:s25] =	ssyncadd.s32 $0xFFFFFD80  }
0x64: {  	s1 =	simm.s32 $0x40;
	v2 =	vld [tilespmem:s0+$0x5280]  }
.LBB2_8:
0x65: {  	p0 =	sne.s32 s1, $0x9C0;
	v3 =	vld [tilespmem:s0+$0x5000];
	_ =	sdelay $0x2  }
.Ltmp3:
0x66: {  	(pc) =	sbr.rel @p0 .LBB2_8-.Ltmp3, $4  }
0x67: {  	_ = 	snop  }
0x68: {  	v3 =	vadd.f32 v2, v3  }
0x69: {  	s24 =	sshra.s32 s1, $0x2  }
0x6a: {  	s1 =	sadd.s32 $0x40, s1;
	v2 =	vld [tilespmem:s24+$0x5280];
	[tilespmem:s0+$0x5000] =	vst v3;
	s0 =	smov.u32 s24  }
0x6b: {  	v3 =	vld [tilespmem:s0+$0x5000];
	_ =	sdelay $0x4  }
0x6c: {  	v2 =	vadd.f32 v2, v3;
	_ =	sdelay $0x1  }
0x6d: {  	[tilespmem:s0+$0x5000] =	vst v2  }
0x6e: {  	[tilespmem:s29], [sflag:$0x1] =	stream.strided.gather [spmem:s7], $0x280, s28, s23, $0x38;
	[tilespmem:$0x1BD00] =	vst v63  }
0x6f: {  	_ =	swait.ge [sflag:s25], $0x280  }
0x70: {  	[sflag:s25] =	ssyncset.done $0x0  }
0x71: {  	s0 =	simm.s32 $0x0;
	[sflag:s25] =	ssyncadd.s32 $0xFFFFFD80  }
0x72: {  	s1 =	simm.s32 $0x40;
	v2 =	vld [tilespmem:s0+$0x5280]  }
.LBB2_10:
0x73: {  	p0 =	sne.s32 s1, $0x9C0;
	v3 =	vld [tilespmem:s0+$0x5000];
	_ =	sdelay $0x2  }
.Ltmp4:
0x74: {  	(pc) =	sbr.rel @p0 .LBB2_10-.Ltmp4, $4  }
0x75: {  	_ = 	snop  }
0x76: {  	v3 =	vadd.f32 v2, v3  }
0x77: {  	s24 =	sshra.s32 s1, $0x2  }
0x78: {  	s1 =	sadd.s32 $0x40, s1;
	v2 =	vld [tilespmem:s24+$0x5280];
	[tilespmem:s0+$0x5000] =	vst v3;
	s0 =	smov.u32 s24  }
0x79: {  	v3 =	vld [tilespmem:s0+$0x5000];
	_ =	sdelay $0x4  }
0x7a: {  	v2 =	vadd.f32 v2, v3;
	_ =	sdelay $0x1  }
0x7b: {  	[tilespmem:s0+$0x5000] =	vst v2  }
0x7c: {  	[tilespmem:s29], [sflag:$0x1] =	stream.strided.gather [spmem:s8], $0x280, s28, s23, $0x38;
	[tilespmem:$0x1BD00] =	vst v63  }
0x7d: {  	_ =	swait.ge [sflag:s25], $0x280  }
0x7e: {  	[sflag:s25] =	ssyncset.done $0x0  }
0x7f: {  	s0 =	simm.s32 $0x0;
	[sflag:s25] =	ssyncadd.s32 $0xFFFFFD80  }
0x80: {  	s1 =	simm.s32 $0x40;
	v2 =	vld [tilespmem:s0+$0x5280]  }
.LBB2_12:
0x81: {  	p0 =	sne.s32 s1, $0x9C0;
	v3 =	vld [tilespmem:s0+$0x5000];
	_ =	sdelay $0x2  }
.Ltmp5:
0x82: {  	(pc) =	sbr.rel @p0 .LBB2_12-.Ltmp5, $4  }
0x83: {  	_ = 	snop  }
0x84: {  	v3 =	vadd.f32 v2, v3  }
0x85: {  	s24 =	sshra.s32 s1, $0x2  }
0x86: {  	s1 =	sadd.s32 $0x40, s1;
	v2 =	vld [tilespmem:s24+$0x5280];
	[tilespmem:s0+$0x5000] =	vst v3;
	s0 =	smov.u32 s24  }
0x87: {  	v3 =	vld [tilespmem:s0+$0x5000];
	_ =	sdelay $0x4  }
0x88: {  	v2 =	vadd.f32 v2, v3;
	_ =	sdelay $0x1  }
0x89: {  	[tilespmem:s0+$0x5000] =	vst v2  }
0x8a: {  	[tilespmem:s29], [sflag:$0x1] =	stream.strided.gather [spmem:s9], $0x280, s28, s23, $0x38;
	[tilespmem:$0x1BD00] =	vst v63  }
0x8b: {  	_ =	swait.ge [sflag:s25], $0x280  }
0x8c: {  	[sflag:s25] =	ssyncset.done $0x0  }
0x8d: {  	s0 =	simm.s32 $0x0;
	[sflag:s25] =	ssyncadd.s32 $0xFFFFFD80  }
0x8e: {  	s1 =	simm.s32 $0x40;
	v2 =	vld [tilespmem:s0+$0x5280]  }
.LBB2_14:
0x8f: {  	p0 =	sne.s32 s1, $0x9C0;
	v3 =	vld [tilespmem:s0+$0x5000];
	_ =	sdelay $0x2  }
.Ltmp6:
0x90: {  	(pc) =	sbr.rel @p0 .LBB2_14-.Ltmp6, $4  }
0x91: {  	_ = 	snop  }
0x92: {  	v3 =	vadd.f32 v2, v3  }
0x93: {  	s24 =	sshra.s32 s1, $0x2  }
0x94: {  	s1 =	sadd.s32 $0x40, s1;
	v2 =	vld [tilespmem:s24+$0x5280];
	[tilespmem:s0+$0x5000] =	vst v3;
	s0 =	smov.u32 s24  }
0x95: {  	v3 =	vld [tilespmem:s0+$0x5000];
	_ =	sdelay $0x4  }
0x96: {  	v2 =	vadd.f32 v2, v3;
	_ =	sdelay $0x1  }
0x97: {  	[tilespmem:s0+$0x5000] =	vst v2  }
0x98: {  	[tilespmem:s29], [sflag:$0x1] =	stream.strided.gather [spmem:s10], $0x280, s28, s23, $0x38;
	[tilespmem:$0x1BD00] =	vst v63  }
0x99: {  	_ =	swait.ge [sflag:s25], $0x280  }
0x9a: {  	[sflag:s25] =	ssyncset.done $0x0  }
0x9b: {  	s0 =	simm.s32 $0x0;
	[sflag:s25] =	ssyncadd.s32 $0xFFFFFD80  }
0x9c: {  	s1 =	simm.s32 $0x40;
	v2 =	vld [tilespmem:s0+$0x5280]  }
.LBB2_16:
0x9d: {  	p0 =	sne.s32 s1, $0x9C0;
	v3 =	vld [tilespmem:s0+$0x5000];
	_ =	sdelay $0x2  }
.Ltmp7:
0x9e: {  	(pc) =	sbr.rel @p0 .LBB2_16-.Ltmp7, $4  }
0x9f: {  	_ = 	snop  }
0xa0: {  	v3 =	vadd.f32 v2, v3  }
0xa1: {  	s24 =	sshra.s32 s1, $0x2  }
0xa2: {  	s1 =	sadd.s32 $0x40, s1;
	v2 =	vld [tilespmem:s24+$0x5280];
	[tilespmem:s0+$0x5000] =	vst v3;
	s0 =	smov.u32 s24  }
0xa3: {  	v3 =	vld [tilespmem:s0+$0x5000];
	_ =	sdelay $0x4  }
0xa4: {  	v2 =	vadd.f32 v2, v3;
	_ =	sdelay $0x1  }
0xa5: {  	[tilespmem:s0+$0x5000] =	vst v2  }
0xa6: {  	[tilespmem:s29], [sflag:$0x1] =	stream.strided.gather [spmem:s11], $0x280, s28, s23, $0x38;
	[tilespmem:$0x1BD00] =	vst v63  }
0xa7: {  	_ =	swait.ge [sflag:s25], $0x280  }
0xa8: {  	[sflag:s25] =	ssyncset.done $0x0  }
0xa9: {  	s0 =	simm.s32 $0x0;
	[sflag:s25] =	ssyncadd.s32 $0xFFFFFD80  }
0xaa: {  	s1 =	simm.s32 $0x40;
	v2 =	vld [tilespmem:s0+$0x5280]  }
.LBB2_18:
0xab: {  	p0 =	sne.s32 s1, $0x9C0;
	v3 =	vld [tilespmem:s0+$0x5000];
	_ =	sdelay $0x2  }
.Ltmp8:
0xac: {  	(pc) =	sbr.rel @p0 .LBB2_18-.Ltmp8, $4  }
0xad: {  	_ = 	snop  }
0xae: {  	v3 =	vadd.f32 v2, v3  }
0xaf: {  	s24 =	sshra.s32 s1, $0x2  }
0xb0: {  	s1 =	sadd.s32 $0x40, s1;
	v2 =	vld [tilespmem:s24+$0x5280];
	[tilespmem:s0+$0x5000] =	vst v3;
	s0 =	smov.u32 s24  }
0xb1: {  	v3 =	vld [tilespmem:s0+$0x5000];
	_ =	sdelay $0x4  }
0xb2: {  	v2 =	vadd.f32 v2, v3;
	_ =	sdelay $0x1  }
0xb3: {  	[tilespmem:s0+$0x5000] =	vst v2  }
0xb4: {  	[tilespmem:s29], [sflag:$0x1] =	stream.strided.gather [spmem:s12], $0x280, s28, s23, $0x38;
	[tilespmem:$0x1BD00] =	vst v63  }
0xb5: {  	_ =	swait.ge [sflag:s25], $0x280  }
0xb6: {  	[sflag:s25] =	ssyncset.done $0x0  }
0xb7: {  	s0 =	simm.s32 $0x0;
	[sflag:s25] =	ssyncadd.s32 $0xFFFFFD80  }
0xb8: {  	s1 =	simm.s32 $0x40;
	v2 =	vld [tilespmem:s0+$0x5280]  }
.LBB2_20:
0xb9: {  	p0 =	sne.s32 s1, $0x9C0;
	v3 =	vld [tilespmem:s0+$0x5000];
	_ =	sdelay $0x2  }
.Ltmp9:
0xba: {  	(pc) =	sbr.rel @p0 .LBB2_20-.Ltmp9, $4  }
0xbb: {  	_ = 	snop  }
0xbc: {  	v3 =	vadd.f32 v2, v3  }
0xbd: {  	s24 =	sshra.s32 s1, $0x2  }
0xbe: {  	s1 =	sadd.s32 $0x40, s1;
	v2 =	vld [tilespmem:s24+$0x5280];
	[tilespmem:s0+$0x5000] =	vst v3;
	s0 =	smov.u32 s24  }
0xbf: {  	v3 =	vld [tilespmem:s0+$0x5000];
	_ =	sdelay $0x4  }
0xc0: {  	v2 =	vadd.f32 v2, v3;
	_ =	sdelay $0x1  }
0xc1: {  	[tilespmem:s0+$0x5000] =	vst v2  }
0xc2: {  	[tilespmem:s29], [sflag:$0x1] =	stream.strided.gather [spmem:s13], $0x280, s28, s23, $0x38;
	[tilespmem:$0x1BD00] =	vst v63  }
0xc3: {  	_ =	swait.ge [sflag:s25], $0x280  }
0xc4: {  	[sflag:s25] =	ssyncset.done $0x0  }
0xc5: {  	s0 =	simm.s32 $0x0;
	[sflag:s25] =	ssyncadd.s32 $0xFFFFFD80  }
0xc6: {  	s1 =	simm.s32 $0x40;
	v2 =	vld [tilespmem:s0+$0x5280]  }
.LBB2_22:
0xc7: {  	p0 =	sne.s32 s1, $0x9C0;
	v3 =	vld [tilespmem:s0+$0x5000];
	_ =	sdelay $0x2  }
.Ltmp10:
0xc8: {  	(pc) =	sbr.rel @p0 .LBB2_22-.Ltmp10, $4  }
0xc9: {  	_ = 	snop  }
0xca: {  	v3 =	vadd.f32 v2, v3  }
0xcb: {  	s24 =	sshra.s32 s1, $0x2  }
0xcc: {  	s1 =	sadd.s32 $0x40, s1;
	v2 =	vld [tilespmem:s24+$0x5280];
	[tilespmem:s0+$0x5000] =	vst v3;
	s0 =	smov.u32 s24  }
0xcd: {  	v3 =	vld [tilespmem:s0+$0x5000];
	_ =	sdelay $0x4  }
0xce: {  	v2 =	vadd.f32 v2, v3;
	_ =	sdelay $0x1  }
0xcf: {  	[tilespmem:s0+$0x5000] =	vst v2  }
0xd0: {  	[tilespmem:s29], [sflag:$0x1] =	stream.strided.gather [spmem:s14], $0x280, s28, s23, $0x38;
	[tilespmem:$0x1BD00] =	vst v63  }
0xd1: {  	_ =	swait.ge [sflag:s25], $0x280  }
0xd2: {  	[sflag:s25] =	ssyncset.done $0x0  }
0xd3: {  	s0 =	simm.s32 $0x0;
	[sflag:s25] =	ssyncadd.s32 $0xFFFFFD80  }
0xd4: {  	s1 =	simm.s32 $0x40;
	v2 =	vld [tilespmem:s0+$0x5280]  }
.LBB2_24:
0xd5: {  	p0 =	sne.s32 s1, $0x9C0;
	v3 =	vld [tilespmem:s0+$0x5000];
	_ =	sdelay $0x2  }
.Ltmp11:
0xd6: {  	(pc) =	sbr.rel @p0 .LBB2_24-.Ltmp11, $4  }
0xd7: {  	_ = 	snop  }
0xd8: {  	v3 =	vadd.f32 v2, v3  }
0xd9: {  	s24 =	sshra.s32 s1, $0x2  }
0xda: {  	s1 =	sadd.s32 $0x40, s1;
	v2 =	vld [tilespmem:s24+$0x5280];
	[tilespmem:s0+$0x5000] =	vst v3;
	s0 =	smov.u32 s24  }
0xdb: {  	v3 =	vld [tilespmem:s0+$0x5000];
	_ =	sdelay $0x4  }
0xdc: {  	v2 =	vadd.f32 v2, v3;
	_ =	sdelay $0x1  }
0xdd: {  	[tilespmem:s0+$0x5000] =	vst v2  }
0xde: {  	[tilespmem:s29], [sflag:$0x1] =	stream.strided.gather [spmem:s15], $0x280, s28, s23, $0x38;
	[tilespmem:$0x1BD00] =	vst v63  }
0xdf: {  	_ =	swait.ge [sflag:s25], $0x280  }
0xe0: {  	[sflag:s25] =	ssyncset.done $0x0  }
0xe1: {  	s0 =	simm.s32 $0x0;
	[sflag:s25] =	ssyncadd.s32 $0xFFFFFD80  }
0xe2: {  	s1 =	simm.s32 $0x40;
	v2 =	vld [tilespmem:s0+$0x5280]  }
.LBB2_26:
0xe3: {  	p0 =	sne.s32 s1, $0x9C0;
	v3 =	vld [tilespmem:s0+$0x5000];
	_ =	sdelay $0x2  }
.Ltmp12:
0xe4: {  	(pc) =	sbr.rel @p0 .LBB2_26-.Ltmp12, $4  }
0xe5: {  	_ = 	snop  }
0xe6: {  	v3 =	vadd.f32 v2, v3  }
0xe7: {  	s24 =	sshra.s32 s1, $0x2  }
0xe8: {  	s1 =	sadd.s32 $0x40, s1;
	v2 =	vld [tilespmem:s24+$0x5280];
	[tilespmem:s0+$0x5000] =	vst v3;
	s0 =	smov.u32 s24  }
0xe9: {  	v3 =	vld [tilespmem:s0+$0x5000];
	_ =	sdelay $0x4  }
0xea: {  	v2 =	vadd.f32 v2, v3;
	_ =	sdelay $0x1  }
0xeb: {  	[tilespmem:s0+$0x5000] =	vst v2  }
0xec: {  	[tilespmem:s29], [sflag:$0x1] =	stream.strided.gather [spmem:s16], $0x280, s28, s23, $0x38;
	[tilespmem:$0x1BD00] =	vst v63  }
0xed: {  	_ =	swait.ge [sflag:s25], $0x280  }
0xee: {  	[sflag:s25] =	ssyncset.done $0x0  }
0xef: {  	s0 =	simm.s32 $0x0;
	[sflag:s25] =	ssyncadd.s32 $0xFFFFFD80  }
0xf0: {  	s1 =	simm.s32 $0x40;
	v2 =	vld [tilespmem:s0+$0x5280]  }
.LBB2_28:
0xf1: {  	p0 =	sne.s32 s1, $0x9C0;
	v3 =	vld [tilespmem:s0+$0x5000];
	_ =	sdelay $0x2  }
.Ltmp13:
0xf2: {  	(pc) =	sbr.rel @p0 .LBB2_28-.Ltmp13, $4  }
0xf3: {  	_ = 	snop  }
0xf4: {  	v3 =	vadd.f32 v2, v3  }
0xf5: {  	s24 =	sshra.s32 s1, $0x2  }
0xf6: {  	s1 =	sadd.s32 $0x40, s1;
	v2 =	vld [tilespmem:s24+$0x5280];
	[tilespmem:s0+$0x5000] =	vst v3;
	s0 =	smov.u32 s24  }
0xf7: {  	v3 =	vld [tilespmem:s0+$0x5000];
	_ =	sdelay $0x4  }
0xf8: {  	v2 =	vadd.f32 v2, v3;
	_ =	sdelay $0x1  }
0xf9: {  	[tilespmem:s0+$0x5000] =	vst v2  }
0xfa: {  	[tilespmem:s29], [sflag:$0x1] =	stream.strided.gather [spmem:s17], $0x280, s28, s23, $0x38;
	[tilespmem:$0x1BD00] =	vst v63  }
0xfb: {  	_ =	swait.ge [sflag:s25], $0x280  }
0xfc: {  	[sflag:s25] =	ssyncset.done $0x0  }
0xfd: {  	s0 =	simm.s32 $0x0;
	[sflag:s25] =	ssyncadd.s32 $0xFFFFFD80  }
0xfe: {  	s1 =	simm.s32 $0x40;
	v2 =	vld [tilespmem:s0+$0x5280]  }
.LBB2_30:
0xff: {  	p0 =	sne.s32 s1, $0x9C0;
	v3 =	vld [tilespmem:s0+$0x5000];
	_ =	sdelay $0x2  }
.Ltmp14:
0x100: {  	(pc) =	sbr.rel @p0 .LBB2_30-.Ltmp14, $4  }
0x101: {  	_ = 	snop  }
0x102: {  	v3 =	vadd.f32 v2, v3  }
0x103: {  	s24 =	sshra.s32 s1, $0x2  }
0x104: {  	s1 =	sadd.s32 $0x40, s1;
	v2 =	vld [tilespmem:s24+$0x5280];
	[tilespmem:s0+$0x5000] =	vst v3;
	s0 =	smov.u32 s24  }
0x105: {  	v3 =	vld [tilespmem:s0+$0x5000];
	_ =	sdelay $0x4  }
0x106: {  	v2 =	vadd.f32 v2, v3;
	_ =	sdelay $0x1  }
0x107: {  	[tilespmem:s0+$0x5000] =	vst v2  }
0x108: {  	[tilespmem:s29], [sflag:$0x1] =	stream.strided.gather [spmem:s18], $0x280, s28, s23, $0x38;
	[tilespmem:$0x1BD00] =	vst v63  }
0x109: {  	_ =	swait.ge [sflag:s25], $0x280  }
0x10a: {  	[sflag:s25] =	ssyncset.done $0x0  }
0x10b: {  	s0 =	simm.s32 $0x0;
	[sflag:s25] =	ssyncadd.s32 $0xFFFFFD80  }
0x10c: {  	s1 =	simm.s32 $0x40;
	v2 =	vld [tilespmem:s0+$0x5280]  }
.LBB2_32:
0x10d: {  	p0 =	sne.s32 s1, $0x9C0;
	v3 =	vld [tilespmem:s0+$0x5000];
	_ =	sdelay $0x2  }
.Ltmp15:
0x10e: {  	(pc) =	sbr.rel @p0 .LBB2_32-.Ltmp15, $4  }
0x10f: {  	_ = 	snop  }
0x110: {  	v3 =	vadd.f32 v2, v3  }
0x111: {  	s24 =	sshra.s32 s1, $0x2  }
0x112: {  	s1 =	sadd.s32 $0x40, s1;
	v2 =	vld [tilespmem:s24+$0x5280];
	[tilespmem:s0+$0x5000] =	vst v3;
	s0 =	smov.u32 s24  }
0x113: {  	v3 =	vld [tilespmem:s0+$0x5000];
	_ =	sdelay $0x4  }
0x114: {  	v2 =	vadd.f32 v2, v3;
	_ =	sdelay $0x1  }
0x115: {  	[tilespmem:s0+$0x5000] =	vst v2  }
0x116: {  	[tilespmem:s29], [sflag:$0x1] =	stream.strided.gather [spmem:s19], $0x280, s28, s23, $0x38;
	[tilespmem:$0x1BD00] =	vst v63  }
0x117: {  	_ =	swait.ge [sflag:s25], $0x280  }
0x118: {  	[sflag:s25] =	ssyncset.done $0x0  }
0x119: {  	s0 =	simm.s32 $0x0;
	[sflag:s25] =	ssyncadd.s32 $0xFFFFFD80  }
0x11a: {  	s1 =	simm.s32 $0x40;
	v2 =	vld [tilespmem:s0+$0x5280]  }
.LBB2_34:
0x11b: {  	p0 =	sne.s32 s1, $0x9C0;
	v3 =	vld [tilespmem:s0+$0x5000];
	_ =	sdelay $0x2  }
.Ltmp16:
0x11c: {  	(pc) =	sbr.rel @p0 .LBB2_34-.Ltmp16, $4  }
0x11d: {  	_ = 	snop  }
0x11e: {  	v3 =	vadd.f32 v2, v3  }
0x11f: {  	s24 =	sshra.s32 s1, $0x2  }
0x120: {  	s1 =	sadd.s32 $0x40, s1;
	v2 =	vld [tilespmem:s24+$0x5280];
	[tilespmem:s0+$0x5000] =	vst v3;
	s0 =	smov.u32 s24  }
0x121: {  	v3 =	vld [tilespmem:s0+$0x5000];
	_ =	sdelay $0x4  }
0x122: {  	v2 =	vadd.f32 v2, v3;
	_ =	sdelay $0x1  }
0x123: {  	[tilespmem:s0+$0x5000] =	vst v2  }
0x124: {  	[tilespmem:s29], [sflag:$0x1] =	stream.strided.gather [spmem:s20], $0x280, s28, s23, $0x38;
	[tilespmem:$0x1BD00] =	vst v63  }
0x125: {  	_ =	swait.ge [sflag:s25], $0x280  }
0x126: {  	[sflag:s25] =	ssyncset.done $0x0  }
0x127: {  	s0 =	simm.s32 $0x0;
	[sflag:s25] =	ssyncadd.s32 $0xFFFFFD80  }
0x128: {  	s24 =	simm.s32 $0x40;
	s1 =	simm.s32 $0x0;
	v2 =	vld [tilespmem:s0+$0x5280]  }
.LBB2_36:
0x129: {  	p0 =	sne.s32 s24, $0x9C0;
	v3 =	vld [tilespmem:s1+$0x5000];
	_ =	sdelay $0x2  }
.Ltmp17:
0x12a: {  	(pc) =	sbr.rel @p0 .LBB2_36-.Ltmp17, $4  }
0x12b: {  	_ = 	snop  }
0x12c: {  	v3 =	vadd.f32 v2, v3  }
0x12d: {  	s30 =	sshra.s32 s24, $0x2  }
0x12e: {  	s24 =	sadd.s32 $0x40, s24;
	v2 =	vld [tilespmem:s30+$0x5280];
	[tilespmem:s1+$0x5000] =	vst v3;
	s1 =	smov.u32 s30  }
0x12f: {  	v3 =	vld [tilespmem:s1+$0x5000];
	_ =	sdelay $0x4  }
0x130: {  	v2 =	vadd.f32 v2, v3;
	_ =	sdelay $0x1  }
0x131: {  	[tilespmem:s1+$0x5000] =	vst v2  }
0x132: {  	v2 =	vld [tilespmem:s0+$0x5000];
	_ =	sdelay $0x4  }
0x133: {  	v3 =	vbroadcast v2, $0x0  }
0x134: {  	s0 =	simm.s32 $0x5900  }
0x135: {  	[tilespmem:s0+$0xFFFFFC00] =	vst v3  }
0x136: {  	[tilespmem:s0+$0xFFFFFC10] =	vst v3  }
0x137: {  	[tilespmem:s0+$0xFFFFFC20] =	vst v3  }
0x138: {  	[tilespmem:s0+$0xFFFFFC30] =	vst v3  }
0x139: {  	[tilespmem:s0+$0xFFFFFC40] =	vst v3  }
0x13a: {  	[tilespmem:s0+$0xFFFFFC50] =	vst v3  }
0x13b: {  	v4 =	vbroadcast v2, $0x1;
	[tilespmem:s0+$0xFFFFFC60] =	vst v3  }
0x13c: {  	[tilespmem:s0+$0xFFFFFC70] =	vst v3  }
0x13d: {  	[tilespmem:s0+$0xFFFFFC80] =	vst v4  }
0x13e: {  	[tilespmem:s0+$0xFFFFFC90] =	vst v4  }
0x13f: {  	[tilespmem:s0+$0xFFFFFCA0] =	vst v4  }
0x140: {  	[tilespmem:s0+$0xFFFFFCB0] =	vst v4  }
0x141: {  	[tilespmem:s0+$0xFFFFFCC0] =	vst v4  }
0x142: {  	[tilespmem:s0+$0xFFFFFCD0] =	vst v4  }
0x143: {  	v58 =	vbroadcast v2, $0x3;
	[tilespmem:s0+$0xFFFFFCE0] =	vst v4  }
0x144: {  	[tilespmem:s0+$0xFFFFFCF0] =	vst v4  }
0x145: {  	[tilespmem:s0+$0xFFFFFD80] =	vst v58  }
0x146: {  	[tilespmem:s0+$0xFFFFFD90] =	vst v58  }
0x147: {  	[tilespmem:s0+$0xFFFFFDA0] =	vst v58  }
0x148: {  	[tilespmem:s0+$0xFFFFFDB0] =	vst v58  }
0x149: {  	[tilespmem:s0+$0xFFFFFDC0] =	vst v58  }
0x14a: {  	[tilespmem:s0+$0xFFFFFDD0] =	vst v58  }
0x14b: {  	v59 =	vbroadcast v2, $0x5;
	[tilespmem:s0+$0xFFFFFDE0] =	vst v58  }
0x14c: {  	[tilespmem:s0+$0xFFFFFDF0] =	vst v58  }
0x14d: {  	[tilespmem:s0+$0xFFFFFE80] =	vst v59  }
0x14e: {  	[tilespmem:s0+$0xFFFFFE90] =	vst v59  }
0x14f: {  	[tilespmem:s0+$0xFFFFFEA0] =	vst v59  }
0x150: {  	[tilespmem:s0+$0xFFFFFEB0] =	vst v59  }
0x151: {  	[tilespmem:s0+$0xFFFFFEC0] =	vst v59  }
0x152: {  	[tilespmem:s0+$0xFFFFFED0] =	vst v59  }
0x153: {  	v60 =	vbroadcast v2, $0x7;
	[tilespmem:s0+$0xFFFFFEE0] =	vst v59  }
0x154: {  	[tilespmem:s0+$0xFFFFFEF0] =	vst v59  }
0x155: {  	[tilespmem:s0+$0xFFFFFF80] =	vst v60  }
0x156: {  	[tilespmem:s0+$0xFFFFFF90] =	vst v60  }
0x157: {  	[tilespmem:s0+$0xFFFFFFA0] =	vst v60  }
0x158: {  	[tilespmem:s0+$0xFFFFFFB0] =	vst v60  }
0x159: {  	[tilespmem:s0+$0xFFFFFFC0] =	vst v60  }
0x15a: {  	[tilespmem:s0+$0xFFFFFFD0] =	vst v60  }
0x15b: {  	v61 =	vbroadcast v2, $0x9;
	[tilespmem:s0+$0xFFFFFFE0] =	vst v60  }
0x15c: {  	[tilespmem:s0+$0xFFFFFFF0] =	vst v60  }
0x15d: {  	[tilespmem:s0+$0x80] =	vst v61  }
0x15e: {  	[tilespmem:s0+$0x90] =	vst v61  }
0x15f: {  	[tilespmem:s0+$0xA0] =	vst v61  }
0x160: {  	[tilespmem:s0+$0xB0] =	vst v61  }
0x161: {  	[tilespmem:s0+$0xC0] =	vst v61  }
0x162: {  	[tilespmem:s0+$0xD0] =	vst v61  }
0x163: {  	v62 =	vbroadcast v2, $0xB;
	[tilespmem:s0+$0xE0] =	vst v61  }
0x164: {  	[tilespmem:s0+$0xF0] =	vst v61  }
0x165: {  	[tilespmem:s0+$0x180] =	vst v62  }
0x166: {  	[tilespmem:s0+$0x190] =	vst v62  }
0x167: {  	[tilespmem:s0+$0x1A0] =	vst v62  }
0x168: {  	[tilespmem:s0+$0x1B0] =	vst v62  }
0x169: {  	[tilespmem:s0+$0x1C0] =	vst v62  }
0x16a: {  	[tilespmem:s0+$0x1D0] =	vst v62  }
0x16b: {  	v63 =	vbroadcast v2, $0xD;
	[tilespmem:s0+$0x1E0] =	vst v62  }
0x16c: {  	[tilespmem:s0+$0x1F0] =	vst v62  }
0x16d: {  	v3 =	vbroadcast v2, $0x2;
	[tilespmem:s0+$0x280] =	vst v63  }
0x16e: {  	[tilespmem:s0+$0x290] =	vst v63  }
0x16f: {  	[tilespmem:s0+$0xFFFFFD00] =	vst v3  }
0x170: {  	[tilespmem:s0+$0xFFFFFD10] =	vst v3  }
0x171: {  	[tilespmem:s0+$0xFFFFFD20] =	vst v3  }
0x172: {  	[tilespmem:s0+$0xFFFFFD30] =	vst v3  }
0x173: {  	[tilespmem:s0+$0xFFFFFD40] =	vst v3  }
0x174: {  	[tilespmem:s0+$0xFFFFFD50] =	vst v3  }
0x175: {  	[tilespmem:s0+$0xFFFFFD60] =	vst v3  }
0x176: {  	[tilespmem:s0+$0xFFFFFD70] =	vst v3;
	v3 =	vbroadcast v2, $0x4  }
0x177: {  	[tilespmem:s0+$0x2A0] =	vst v63  }
0x178: {  	[tilespmem:s0+$0xFFFFFE00] =	vst v3  }
0x179: {  	[tilespmem:s0+$0xFFFFFE10] =	vst v3  }
0x17a: {  	[tilespmem:s0+$0xFFFFFE20] =	vst v3  }
0x17b: {  	[tilespmem:s0+$0xFFFFFE30] =	vst v3  }
0x17c: {  	[tilespmem:s0+$0xFFFFFE40] =	vst v3  }
0x17d: {  	[tilespmem:s0+$0xFFFFFE50] =	vst v3  }
0x17e: {  	[tilespmem:s0+$0xFFFFFE60] =	vst v3  }
0x17f: {  	[tilespmem:s0+$0xFFFFFE70] =	vst v3;
	v3 =	vbroadcast v2, $0x6  }
0x180: {  	[tilespmem:s0+$0x2B0] =	vst v63  }
0x181: {  	[tilespmem:s0+$0xFFFFFF00] =	vst v3  }
0x182: {  	[tilespmem:s0+$0xFFFFFF10] =	vst v3  }
0x183: {  	[tilespmem:s0+$0xFFFFFF20] =	vst v3  }
0x184: {  	[tilespmem:s0+$0xFFFFFF30] =	vst v3  }
0x185: {  	[tilespmem:s0+$0xFFFFFF40] =	vst v3  }
0x186: {  	[tilespmem:s0+$0xFFFFFF50] =	vst v3  }
0x187: {  	[tilespmem:s0+$0xFFFFFF60] =	vst v3  }
0x188: {  	[tilespmem:s0+$0xFFFFFF70] =	vst v3;
	v3 =	vbroadcast v2, $0x8  }
0x189: {  	[tilespmem:s0+$0x2C0] =	vst v63  }
0x18a: {  	[tilespmem:s0+$0x0] =	vst v3  }
0x18b: {  	[tilespmem:s0+$0x10] =	vst v3  }
0x18c: {  	[tilespmem:s0+$0x20] =	vst v3  }
0x18d: {  	[tilespmem:s0+$0x30] =	vst v3  }
0x18e: {  	[tilespmem:s0+$0x40] =	vst v3  }
0x18f: {  	[tilespmem:s0+$0x50] =	vst v3  }
0x190: {  	[tilespmem:s0+$0x60] =	vst v3  }
0x191: {  	[tilespmem:s0+$0x70] =	vst v3;
	v3 =	vbroadcast v2, $0xA  }
0x192: {  	[tilespmem:s0+$0x2D0] =	vst v63  }
0x193: {  	[tilespmem:s0+$0x100] =	vst v3  }
0x194: {  	[tilespmem:s0+$0x110] =	vst v3  }
0x195: {  	[tilespmem:s0+$0x120] =	vst v3  }
0x196: {  	[tilespmem:s0+$0x130] =	vst v3  }
0x197: {  	[tilespmem:s0+$0x140] =	vst v3  }
0x198: {  	[tilespmem:s0+$0x150] =	vst v3  }
0x199: {  	[tilespmem:s0+$0x160] =	vst v3  }
0x19a: {  	[tilespmem:s0+$0x170] =	vst v3;
	v3 =	vbroadcast v2, $0xC  }
0x19b: {  	[tilespmem:s0+$0x2E0] =	vst v63  }
0x19c: {  	[tilespmem:s0+$0x200] =	vst v3  }
0x19d: {  	[tilespmem:s0+$0x210] =	vst v3  }
0x19e: {  	[tilespmem:s0+$0x220] =	vst v3  }
0x19f: {  	[tilespmem:s0+$0x230] =	vst v3  }
0x1a0: {  	[tilespmem:s0+$0x240] =	vst v3  }
0x1a1: {  	[tilespmem:s0+$0x250] =	vst v3  }
0x1a2: {  	[tilespmem:s0+$0x260] =	vst v3  }
0x1a3: {  	[tilespmem:s0+$0x270] =	vst v3;
	v3 =	vbroadcast v2, $0xE  }
0x1a4: {  	[tilespmem:s0+$0x2F0] =	vst v63  }
0x1a5: {  	[tilespmem:s0+$0x300] =	vst v3  }
0x1a6: {  	[tilespmem:s0+$0x310] =	vst v3  }
0x1a7: {  	[tilespmem:s0+$0x320] =	vst v3  }
0x1a8: {  	[tilespmem:s0+$0x330] =	vst v3  }
0x1a9: {  	[tilespmem:s0+$0x340] =	vst v3  }
0x1aa: {  	[tilespmem:s0+$0x350] =	vst v3  }
0x1ab: {  	v2 =	vbroadcast v2, $0xF;
	[tilespmem:s0+$0x360] =	vst v3  }
0x1ac: {  	[tilespmem:s0+$0x370] =	vst v3  }
0x1ad: {  	[tilespmem:s0+$0x380] =	vst v2  }
0x1ae: {  	[tilespmem:s0+$0x390] =	vst v2  }
0x1af: {  	[tilespmem:s0+$0x3A0] =	vst v2  }
0x1b0: {  	[tilespmem:s0+$0x3B0] =	vst v2  }
0x1b1: {  	[tilespmem:s0+$0x3C0] =	vst v2  }
0x1b2: {  	[tilespmem:s0+$0x3D0] =	vst v2  }
0x1b3: {  	[tilespmem:s0+$0x3E0] =	vst v2  }
0x1b4: {  	s24 =	simm.s32 $0x10;
	s1 =	simm.s32 $0x80;
	[tilespmem:s0+$0x3F0] =	vst v2  }
.LBB2_38:
0x1b5: {  	p0 =	sne.s32 s1, $0x9C0;
	v2 =	vld [tilespmem:s24+$0x5000];
	_ =	sdelay $0x4  }
0x1b6: {  	v11 =	vbroadcast v2, $0x0;
	v12 =	vbroadcast v2, $0x1  }
0x1b7: {  	s0 =	sadd.s32 $0x800, s0;
	v13 =	vbroadcast v2, $0x2;
	v14 =	vbroadcast v2, $0x3  }
0x1b8: {  	v15 =	vbroadcast v2, $0x4;
	v16 =	vbroadcast v2, $0x5;
	[tilespmem:s0+$0xFFFFFC00] =	vst v11  }
0x1b9: {  	v17 =	vbroadcast v2, $0x6;
	v10 =	vbroadcast v2, $0x7;
	[tilespmem:s0+$0xFFFFFC10] =	vst v11  }
0x1ba: {  	v9 =	vbroadcast v2, $0x8;
	v8 =	vbroadcast v2, $0x9;
	[tilespmem:s0+$0xFFFFFC20] =	vst v11  }
0x1bb: {  	v7 =	vbroadcast v2, $0xA;
	v6 =	vbroadcast v2, $0xB;
	[tilespmem:s0+$0xFFFFFC30] =	vst v11  }
0x1bc: {  	v5 =	vbroadcast v2, $0xC;
	v4 =	vbroadcast v2, $0xD;
	[tilespmem:s0+$0xFFFFFC40] =	vst v11  }
0x1bd: {  	v3 =	vbroadcast v2, $0xE;
	v2 =	vbroadcast v2, $0xF;
	[tilespmem:s0+$0xFFFFFC50] =	vst v11  }
0x1be: {  	[tilespmem:s0+$0xFFFFFC60] =	vst v11  }
0x1bf: {  	[tilespmem:s0+$0xFFFFFC70] =	vst v11  }
0x1c0: {  	[tilespmem:s0+$0xFFFFFC80] =	vst v12  }
0x1c1: {  	[tilespmem:s0+$0xFFFFFC90] =	vst v12  }
0x1c2: {  	[tilespmem:s0+$0xFFFFFCA0] =	vst v12  }
0x1c3: {  	[tilespmem:s0+$0xFFFFFCB0] =	vst v12  }
0x1c4: {  	[tilespmem:s0+$0xFFFFFCC0] =	vst v12  }
0x1c5: {  	[tilespmem:s0+$0xFFFFFCD0] =	vst v12  }
0x1c6: {  	[tilespmem:s0+$0xFFFFFCE0] =	vst v12  }
0x1c7: {  	[tilespmem:s0+$0xFFFFFCF0] =	vst v12  }
0x1c8: {  	[tilespmem:s0+$0xFFFFFD00] =	vst v13  }
0x1c9: {  	[tilespmem:s0+$0xFFFFFD10] =	vst v13  }
0x1ca: {  	[tilespmem:s0+$0xFFFFFD20] =	vst v13  }
0x1cb: {  	[tilespmem:s0+$0xFFFFFD30] =	vst v13  }
0x1cc: {  	[tilespmem:s0+$0xFFFFFD40] =	vst v13  }
0x1cd: {  	[tilespmem:s0+$0xFFFFFD50] =	vst v13  }
0x1ce: {  	[tilespmem:s0+$0xFFFFFD60] =	vst v13  }
0x1cf: {  	[tilespmem:s0+$0xFFFFFD70] =	vst v13  }
0x1d0: {  	[tilespmem:s0+$0xFFFFFD80] =	vst v14  }
0x1d1: {  	[tilespmem:s0+$0xFFFFFD90] =	vst v14  }
0x1d2: {  	[tilespmem:s0+$0xFFFFFDA0] =	vst v14  }
0x1d3: {  	[tilespmem:s0+$0xFFFFFDB0] =	vst v14  }
0x1d4: {  	[tilespmem:s0+$0xFFFFFDC0] =	vst v14  }
0x1d5: {  	[tilespmem:s0+$0xFFFFFDD0] =	vst v14  }
0x1d6: {  	[tilespmem:s0+$0xFFFFFDE0] =	vst v14  }
0x1d7: {  	[tilespmem:s0+$0xFFFFFDF0] =	vst v14  }
0x1d8: {  	[tilespmem:s0+$0xFFFFFE00] =	vst v15  }
0x1d9: {  	[tilespmem:s0+$0xFFFFFE10] =	vst v15  }
0x1da: {  	[tilespmem:s0+$0xFFFFFE20] =	vst v15  }
0x1db: {  	[tilespmem:s0+$0xFFFFFE30] =	vst v15  }
0x1dc: {  	[tilespmem:s0+$0xFFFFFE40] =	vst v15  }
0x1dd: {  	[tilespmem:s0+$0xFFFFFE50] =	vst v15  }
0x1de: {  	[tilespmem:s0+$0xFFFFFE60] =	vst v15  }
0x1df: {  	[tilespmem:s0+$0xFFFFFE70] =	vst v15  }
0x1e0: {  	[tilespmem:s0+$0xFFFFFE80] =	vst v16  }
0x1e1: {  	[tilespmem:s0+$0xFFFFFE90] =	vst v16  }
0x1e2: {  	[tilespmem:s0+$0xFFFFFEA0] =	vst v16  }
0x1e3: {  	[tilespmem:s0+$0xFFFFFEB0] =	vst v16  }
0x1e4: {  	[tilespmem:s0+$0xFFFFFEC0] =	vst v16  }
0x1e5: {  	[tilespmem:s0+$0xFFFFFED0] =	vst v16  }
0x1e6: {  	[tilespmem:s0+$0xFFFFFEE0] =	vst v16  }
0x1e7: {  	[tilespmem:s0+$0xFFFFFEF0] =	vst v16  }
0x1e8: {  	[tilespmem:s0+$0xFFFFFF00] =	vst v17  }
0x1e9: {  	[tilespmem:s0+$0xFFFFFF10] =	vst v17  }
0x1ea: {  	[tilespmem:s0+$0xFFFFFF20] =	vst v17  }
0x1eb: {  	[tilespmem:s0+$0xFFFFFF30] =	vst v17  }
0x1ec: {  	[tilespmem:s0+$0xFFFFFF40] =	vst v17  }
0x1ed: {  	[tilespmem:s0+$0xFFFFFF50] =	vst v17  }
0x1ee: {  	[tilespmem:s0+$0xFFFFFF60] =	vst v17  }
0x1ef: {  	[tilespmem:s0+$0xFFFFFF70] =	vst v17  }
0x1f0: {  	[tilespmem:s0+$0xFFFFFF80] =	vst v10  }
0x1f1: {  	[tilespmem:s0+$0xFFFFFF90] =	vst v10  }
0x1f2: {  	[tilespmem:s0+$0xFFFFFFA0] =	vst v10  }
0x1f3: {  	[tilespmem:s0+$0xFFFFFFB0] =	vst v10  }
0x1f4: {  	[tilespmem:s0+$0xFFFFFFC0] =	vst v10  }
0x1f5: {  	[tilespmem:s0+$0xFFFFFFD0] =	vst v10  }
0x1f6: {  	[tilespmem:s0+$0xFFFFFFE0] =	vst v10  }
0x1f7: {  	[tilespmem:s0+$0xFFFFFFF0] =	vst v10  }
0x1f8: {  	[tilespmem:s0+$0x0] =	vst v9  }
0x1f9: {  	[tilespmem:s0+$0x10] =	vst v9  }
0x1fa: {  	[tilespmem:s0+$0x20] =	vst v9  }
0x1fb: {  	[tilespmem:s0+$0x30] =	vst v9  }
0x1fc: {  	[tilespmem:s0+$0x40] =	vst v9  }
0x1fd: {  	[tilespmem:s0+$0x50] =	vst v9  }
0x1fe: {  	[tilespmem:s0+$0x60] =	vst v9  }
0x1ff: {  	[tilespmem:s0+$0x70] =	vst v9  }
0x200: {  	[tilespmem:s0+$0x80] =	vst v8  }
0x201: {  	[tilespmem:s0+$0x90] =	vst v8  }
0x202: {  	[tilespmem:s0+$0xA0] =	vst v8  }
0x203: {  	[tilespmem:s0+$0xB0] =	vst v8  }
0x204: {  	[tilespmem:s0+$0xC0] =	vst v8  }
0x205: {  	[tilespmem:s0+$0xD0] =	vst v8  }
0x206: {  	[tilespmem:s0+$0xE0] =	vst v8  }
0x207: {  	[tilespmem:s0+$0xF0] =	vst v8  }
0x208: {  	[tilespmem:s0+$0x100] =	vst v7  }
0x209: {  	[tilespmem:s0+$0x110] =	vst v7  }
0x20a: {  	[tilespmem:s0+$0x120] =	vst v7  }
0x20b: {  	[tilespmem:s0+$0x130] =	vst v7  }
0x20c: {  	[tilespmem:s0+$0x140] =	vst v7  }
0x20d: {  	[tilespmem:s0+$0x150] =	vst v7  }
0x20e: {  	[tilespmem:s0+$0x160] =	vst v7  }
0x20f: {  	[tilespmem:s0+$0x170] =	vst v7  }
0x210: {  	[tilespmem:s0+$0x180] =	vst v6  }
0x211: {  	[tilespmem:s0+$0x190] =	vst v6  }
0x212: {  	[tilespmem:s0+$0x1A0] =	vst v6  }
0x213: {  	[tilespmem:s0+$0x1B0] =	vst v6  }
0x214: {  	[tilespmem:s0+$0x1C0] =	vst v6  }
0x215: {  	[tilespmem:s0+$0x1D0] =	vst v6  }
0x216: {  	[tilespmem:s0+$0x1E0] =	vst v6  }
0x217: {  	[tilespmem:s0+$0x1F0] =	vst v6  }
0x218: {  	[tilespmem:s0+$0x200] =	vst v5  }
0x219: {  	[tilespmem:s0+$0x210] =	vst v5  }
0x21a: {  	[tilespmem:s0+$0x220] =	vst v5  }
0x21b: {  	[tilespmem:s0+$0x230] =	vst v5  }
0x21c: {  	[tilespmem:s0+$0x240] =	vst v5  }
0x21d: {  	[tilespmem:s0+$0x250] =	vst v5  }
0x21e: {  	[tilespmem:s0+$0x260] =	vst v5  }
0x21f: {  	[tilespmem:s0+$0x270] =	vst v5  }
0x220: {  	[tilespmem:s0+$0x280] =	vst v4  }
0x221: {  	[tilespmem:s0+$0x290] =	vst v4  }
0x222: {  	[tilespmem:s0+$0x2A0] =	vst v4  }
0x223: {  	[tilespmem:s0+$0x2B0] =	vst v4  }
0x224: {  	[tilespmem:s0+$0x2C0] =	vst v4  }
0x225: {  	[tilespmem:s0+$0x2D0] =	vst v4  }
0x226: {  	[tilespmem:s0+$0x2E0] =	vst v4  }
0x227: {  	[tilespmem:s0+$0x2F0] =	vst v4  }
0x228: {  	[tilespmem:s0+$0x300] =	vst v3  }
0x229: {  	[tilespmem:s0+$0x310] =	vst v3  }
0x22a: {  	[tilespmem:s0+$0x320] =	vst v3  }
0x22b: {  	[tilespmem:s0+$0x330] =	vst v3  }
0x22c: {  	[tilespmem:s0+$0x340] =	vst v3  }
0x22d: {  	[tilespmem:s0+$0x350] =	vst v3  }
0x22e: {  	[tilespmem:s0+$0x360] =	vst v3  }
0x22f: {  	[tilespmem:s0+$0x370] =	vst v3  }
0x230: {  	[tilespmem:s0+$0x380] =	vst v2  }
0x231: {  	[tilespmem:s0+$0x390] =	vst v2  }
0x232: {  	[tilespmem:s0+$0x3A0] =	vst v2  }
.Ltmp18:
0x233: {  	[tilespmem:s0+$0x3B0] =	vst v2;
	(pc) =	sbr.rel @p0 .LBB2_38-.Ltmp18, $4  }
0x234: {  	[tilespmem:s0+$0x3C0] =	vst v2  }
0x235: {  	[tilespmem:s0+$0x3D0] =	vst v2  }
0x236: {  	[tilespmem:s0+$0x3E0] =	vst v2  }
0x237: {  	s24 =	sshra.s32 s1, $0x2;
	s1 =	sadd.s32 $0x40, s1;
	[tilespmem:s0+$0x3F0] =	vst v2  }
0x238: {  	v2 =	vld [tilespmem:s24+$0x5000];
	_ =	sdelay $0x4  }
0x239: {  	v3 =	vbroadcast v2, $0x0  }
0x23a: {  	s0 =	sadd.s32 $0x800, s0  }
0x23b: {  	[tilespmem:s0+$0xFFFFFC00] =	vst v3  }
0x23c: {  	[tilespmem:s0+$0xFFFFFC10] =	vst v3  }
0x23d: {  	[tilespmem:s0+$0xFFFFFC20] =	vst v3  }
0x23e: {  	[tilespmem:s0+$0xFFFFFC30] =	vst v3  }
0x23f: {  	[tilespmem:s0+$0xFFFFFC40] =	vst v3  }
0x240: {  	[tilespmem:s0+$0xFFFFFC50] =	vst v3  }
0x241: {  	v4 =	vbroadcast v2, $0x1;
	[tilespmem:s0+$0xFFFFFC60] =	vst v3  }
0x242: {  	[tilespmem:s0+$0xFFFFFC70] =	vst v3  }
0x243: {  	[tilespmem:s0+$0xFFFFFC80] =	vst v4  }
0x244: {  	[tilespmem:s0+$0xFFFFFC90] =	vst v4  }
0x245: {  	[tilespmem:s0+$0xFFFFFCA0] =	vst v4  }
0x246: {  	[tilespmem:s0+$0xFFFFFCB0] =	vst v4  }
0x247: {  	[tilespmem:s0+$0xFFFFFCC0] =	vst v4  }
0x248: {  	[tilespmem:s0+$0xFFFFFCD0] =	vst v4  }
0x249: {  	v58 =	vbroadcast v2, $0x3;
	[tilespmem:s0+$0xFFFFFCE0] =	vst v4  }
0x24a: {  	[tilespmem:s0+$0xFFFFFCF0] =	vst v4  }
0x24b: {  	[tilespmem:s0+$0xFFFFFD80] =	vst v58  }
0x24c: {  	[tilespmem:s0+$0xFFFFFD90] =	vst v58  }
0x24d: {  	[tilespmem:s0+$0xFFFFFDA0] =	vst v58  }
0x24e: {  	[tilespmem:s0+$0xFFFFFDB0] =	vst v58  }
0x24f: {  	[tilespmem:s0+$0xFFFFFDC0] =	vst v58  }
0x250: {  	[tilespmem:s0+$0xFFFFFDD0] =	vst v58  }
0x251: {  	v59 =	vbroadcast v2, $0x5;
	[tilespmem:s0+$0xFFFFFDE0] =	vst v58  }
0x252: {  	[tilespmem:s0+$0xFFFFFDF0] =	vst v58  }
0x253: {  	[tilespmem:s0+$0xFFFFFE80] =	vst v59  }
0x254: {  	[tilespmem:s0+$0xFFFFFE90] =	vst v59  }
0x255: {  	[tilespmem:s0+$0xFFFFFEA0] =	vst v59  }
0x256: {  	[tilespmem:s0+$0xFFFFFEB0] =	vst v59  }
0x257: {  	[tilespmem:s0+$0xFFFFFEC0] =	vst v59  }
0x258: {  	[tilespmem:s0+$0xFFFFFED0] =	vst v59  }
0x259: {  	v60 =	vbroadcast v2, $0x7;
	[tilespmem:s0+$0xFFFFFEE0] =	vst v59  }
0x25a: {  	[tilespmem:s0+$0xFFFFFEF0] =	vst v59  }
0x25b: {  	[tilespmem:s0+$0xFFFFFF80] =	vst v60  }
0x25c: {  	[tilespmem:s0+$0xFFFFFF90] =	vst v60  }
0x25d: {  	[tilespmem:s0+$0xFFFFFFA0] =	vst v60  }
0x25e: {  	[tilespmem:s0+$0xFFFFFFB0] =	vst v60  }
0x25f: {  	[tilespmem:s0+$0xFFFFFFC0] =	vst v60  }
0x260: {  	[tilespmem:s0+$0xFFFFFFD0] =	vst v60  }
0x261: {  	v61 =	vbroadcast v2, $0x9;
	[tilespmem:s0+$0xFFFFFFE0] =	vst v60  }
0x262: {  	[tilespmem:s0+$0xFFFFFFF0] =	vst v60  }
0x263: {  	[tilespmem:s0+$0x80] =	vst v61  }
0x264: {  	[tilespmem:s0+$0x90] =	vst v61  }
0x265: {  	[tilespmem:s0+$0xA0] =	vst v61  }
0x266: {  	[tilespmem:s0+$0xB0] =	vst v61  }
0x267: {  	[tilespmem:s0+$0xC0] =	vst v61  }
0x268: {  	[tilespmem:s0+$0xD0] =	vst v61  }
0x269: {  	v62 =	vbroadcast v2, $0xB;
	[tilespmem:s0+$0xE0] =	vst v61  }
0x26a: {  	[tilespmem:s0+$0xF0] =	vst v61  }
0x26b: {  	[tilespmem:s0+$0x180] =	vst v62  }
0x26c: {  	[tilespmem:s0+$0x190] =	vst v62  }
0x26d: {  	[tilespmem:s0+$0x1A0] =	vst v62  }
0x26e: {  	[tilespmem:s0+$0x1B0] =	vst v62  }
0x26f: {  	[tilespmem:s0+$0x1C0] =	vst v62  }
0x270: {  	[tilespmem:s0+$0x1D0] =	vst v62  }
0x271: {  	v63 =	vbroadcast v2, $0xD;
	[tilespmem:s0+$0x1E0] =	vst v62  }
0x272: {  	[tilespmem:s0+$0x1F0] =	vst v62  }
0x273: {  	v3 =	vbroadcast v2, $0x2;
	[tilespmem:s0+$0x280] =	vst v63  }
0x274: {  	[tilespmem:s0+$0x290] =	vst v63  }
0x275: {  	[tilespmem:s0+$0xFFFFFD00] =	vst v3  }
0x276: {  	[tilespmem:s0+$0xFFFFFD10] =	vst v3  }
0x277: {  	[tilespmem:s0+$0xFFFFFD20] =	vst v3  }
0x278: {  	[tilespmem:s0+$0xFFFFFD30] =	vst v3  }
0x279: {  	[tilespmem:s0+$0xFFFFFD40] =	vst v3  }
0x27a: {  	[tilespmem:s0+$0xFFFFFD50] =	vst v3  }
0x27b: {  	[tilespmem:s0+$0xFFFFFD60] =	vst v3  }
0x27c: {  	[tilespmem:s0+$0xFFFFFD70] =	vst v3;
	v3 =	vbroadcast v2, $0x4  }
0x27d: {  	[tilespmem:s0+$0x2A0] =	vst v63  }
0x27e: {  	[tilespmem:s0+$0xFFFFFE00] =	vst v3  }
0x27f: {  	[tilespmem:s0+$0xFFFFFE10] =	vst v3  }
0x280: {  	[tilespmem:s0+$0xFFFFFE20] =	vst v3  }
0x281: {  	[tilespmem:s0+$0xFFFFFE30] =	vst v3  }
0x282: {  	[tilespmem:s0+$0xFFFFFE40] =	vst v3  }
0x283: {  	[tilespmem:s0+$0xFFFFFE50] =	vst v3  }
0x284: {  	[tilespmem:s0+$0xFFFFFE60] =	vst v3  }
0x285: {  	[tilespmem:s0+$0xFFFFFE70] =	vst v3;
	v3 =	vbroadcast v2, $0x6  }
0x286: {  	[tilespmem:s0+$0x2B0] =	vst v63  }
0x287: {  	[tilespmem:s0+$0xFFFFFF00] =	vst v3  }
0x288: {  	[tilespmem:s0+$0xFFFFFF10] =	vst v3  }
0x289: {  	[tilespmem:s0+$0xFFFFFF20] =	vst v3  }
0x28a: {  	[tilespmem:s0+$0xFFFFFF30] =	vst v3  }
0x28b: {  	[tilespmem:s0+$0xFFFFFF40] =	vst v3  }
0x28c: {  	[tilespmem:s0+$0xFFFFFF50] =	vst v3  }
0x28d: {  	[tilespmem:s0+$0xFFFFFF60] =	vst v3  }
0x28e: {  	[tilespmem:s0+$0xFFFFFF70] =	vst v3;
	v3 =	vbroadcast v2, $0x8  }
0x28f: {  	[tilespmem:s0+$0x2C0] =	vst v63  }
0x290: {  	[tilespmem:s0+$0x0] =	vst v3  }
0x291: {  	[tilespmem:s0+$0x10] =	vst v3  }
0x292: {  	[tilespmem:s0+$0x20] =	vst v3  }
0x293: {  	[tilespmem:s0+$0x30] =	vst v3  }
0x294: {  	[tilespmem:s0+$0x40] =	vst v3  }
0x295: {  	[tilespmem:s0+$0x50] =	vst v3  }
0x296: {  	[tilespmem:s0+$0x60] =	vst v3  }
0x297: {  	[tilespmem:s0+$0x70] =	vst v3;
	v3 =	vbroadcast v2, $0xA  }
0x298: {  	[tilespmem:s0+$0x2D0] =	vst v63  }
0x299: {  	[tilespmem:s0+$0x100] =	vst v3  }
0x29a: {  	[tilespmem:s0+$0x110] =	vst v3  }
0x29b: {  	[tilespmem:s0+$0x120] =	vst v3  }
0x29c: {  	[tilespmem:s0+$0x130] =	vst v3  }
0x29d: {  	[tilespmem:s0+$0x140] =	vst v3  }
0x29e: {  	[tilespmem:s0+$0x150] =	vst v3  }
0x29f: {  	[tilespmem:s0+$0x160] =	vst v3  }
0x2a0: {  	[tilespmem:s0+$0x170] =	vst v3;
	v3 =	vbroadcast v2, $0xC  }
0x2a1: {  	[tilespmem:s0+$0x2E0] =	vst v63  }
0x2a2: {  	[tilespmem:s0+$0x200] =	vst v3  }
0x2a3: {  	[tilespmem:s0+$0x210] =	vst v3  }
0x2a4: {  	[tilespmem:s0+$0x220] =	vst v3  }
0x2a5: {  	[tilespmem:s0+$0x230] =	vst v3  }
0x2a6: {  	[tilespmem:s0+$0x240] =	vst v3  }
0x2a7: {  	[tilespmem:s0+$0x250] =	vst v3  }
0x2a8: {  	[tilespmem:s0+$0x260] =	vst v3  }
0x2a9: {  	[tilespmem:s0+$0x270] =	vst v3;
	v3 =	vbroadcast v2, $0xE  }
0x2aa: {  	[tilespmem:s0+$0x2F0] =	vst v63  }
0x2ab: {  	[tilespmem:s0+$0x300] =	vst v3  }
0x2ac: {  	[tilespmem:s0+$0x310] =	vst v3  }
0x2ad: {  	[tilespmem:s0+$0x320] =	vst v3  }
0x2ae: {  	[tilespmem:s0+$0x330] =	vst v3  }
0x2af: {  	[tilespmem:s0+$0x340] =	vst v3  }
0x2b0: {  	[tilespmem:s0+$0x350] =	vst v3  }
0x2b1: {  	v2 =	vbroadcast v2, $0xF;
	[tilespmem:s0+$0x360] =	vst v3  }
0x2b2: {  	[tilespmem:s0+$0x370] =	vst v3  }
0x2b3: {  	[tilespmem:s0+$0x380] =	vst v2  }
0x2b4: {  	[tilespmem:s0+$0x390] =	vst v2  }
0x2b5: {  	[tilespmem:s0+$0x3A0] =	vst v2  }
0x2b6: {  	[tilespmem:s0+$0x3B0] =	vst v2  }
0x2b7: {  	[tilespmem:s0+$0x3C0] =	vst v2  }
0x2b8: {  	s31 =	sadd.s32 $0x1, s31;
	[tilespmem:s0+$0x3D0] =	vst v2  }
0x2b9: {  	p0 =	sne.s32 s31, s22;
	[tilespmem:s0+$0x3E0] =	vst v2  }
.Ltmp19:
0x2ba: {  	s30 =	simm.s32 $0x5500;
	[tilespmem:s0+$0x3F0] =	vst v2;
	(pc) =	sbr.rel @p0 .LBB2_1-.Ltmp19, $4  }
0x2bb: {  	[hbm4b:s21+s2] =	stream.linear.scatter [tilespmem:s30], [sflag:$0x1], $0x14000, $0x38;
	[tilespmem:$0x1BD00] =	vst v63  }
0x2bc: {  	_ =	swait.ge [sflag:s25], $0x14000  }
0x2bd: {  	[sflag:s25] =	ssyncset.done $0x0  }
0x2be: {  	[sflag:s25] =	ssyncadd.s32 $0xFFFEC000  }
0x2bf: {  	_ =	sfence.sel $0x180000  }
0x2c0: {  	[bflag:$0x0] =	sbarrier.arrive $0xFFFF  }
0x2c1: {  	_ =	strace $0x90000047  }
0x2c2: {  	s0 =	stileid.u32;
	[bflag:$0x2] =	sbarrier.arrive $0xFFFF  }
0x2c3: {  	p0 =	sne.s32 s0, $0x0;
	s0 =	rddreg [dreg:$0x2]  }
0x2c4: {  	s0 =	sadd.s32 @!p0 $0x100000, s0  }
0x2c5: {  	[sflag:s0] =	ssyncadd.tile.s32 @!p0 $0x1;
	_ =	shalt  }
.Lfunc_end2:
_tile_overlayer_lowered:
.L_overlay_start_2:
0x2c6: {  	(tag) =	ssettag $0x2  }
0x2c7: {  	s0 =	rddreg [dreg:$0x0];
	s2 =	stileid.u32  }
0x2c8: {  	s1 =	rddreg [dreg:$0x1];
	p0 =	sne.s32 s2, $0x0  }
0x2c9: {  	s3 =	rddreg [dreg:$0x2];
	[bflag:$0x3] =	sbarrier.arrive $0xFFFF;
	s2 =	simm.s32 @!p0 $0x1C01  }
0x2ca: {  	[timem:s3], [sflag:s2] =	dma.local @!p0 [hbm:s0], s1  }
0x2cb: {  	s0 =	simm.s32 @!p0 $0x1  }
0x2cc: {  	_ =	swait.ge @!p0 [sflag:s0], s1  }
0x2cd: {  	s1 =	ssub.s32 @!p0 $0x0, s1;
	[sflag:s0] =	ssyncset.done @!p0 $0x0  }
0x2ce: {  	[sflag:s0] =	ssyncadd.s32 @!p0 s1  }
0x2cf: {  	[bflag:$0x3] =	sbarrier.arrive $0xFFFF  }
0x2d0: {  	_ =	shalt  }

</sc_bundles>
